<compile_context>
chip_gen: v7x
topology: tpu7x:2x2x1
jax: 0.10.2.dev20260603
libtpu: 0.0.44.dev20260713+nightly
codegen_flags: <defaults>
</compile_context>

<pallas_src>
import functools

import jax
import jax.numpy as jnp
from jax import lax
from jax.experimental import pallas as pl
from jax.experimental.pallas import tpu as pltpu
from jax.experimental.pallas import tpu_sc as plsc

N = 10000
E = 320000
NG = 64
BLK = 512
NPAD = 10240
NBLK = NPAD // BLK

NC, NS = 2, 16
NW = NC * NS
EW = E // NW
C = 80
NCHUNK = EW // C
RPT = NPAD // NS


def _prep1_body(x_ref, wt1_ref, wad_ref, wal_ref, t1_ref, ad1_ref, al_ref):
    xb = x_ref[...]
    t1_ref[...] = jnp.dot(xb, wt1_ref[...], preferred_element_type=jnp.float32)
    ad1_ref[...] = jnp.dot(xb, wad_ref[...], preferred_element_type=jnp.float32)
    al_ref[...] = jnp.dot(xb, wal_ref[...], preferred_element_type=jnp.float32)


def _prep1(xp, Wt1, Wad, Wal):
    return pl.pallas_call(
        _prep1_body,
        grid=(NBLK,),
        in_specs=[
            pl.BlockSpec((BLK, 128), lambda i: (i, 0)),
            pl.BlockSpec((128, 72), lambda i: (0, 0)),
            pl.BlockSpec((128, 16), lambda i: (0, 0)),
            pl.BlockSpec((128, 64), lambda i: (0, 0)),
        ],
        out_specs=[
            pl.BlockSpec((BLK, 72), lambda i: (i, 0)),
            pl.BlockSpec((BLK, 16), lambda i: (i, 0)),
            pl.BlockSpec((BLK, 64), lambda i: (i, 0)),
        ],
        out_shape=[
            jax.ShapeDtypeStruct((NPAD, 72), jnp.float32),
            jax.ShapeDtypeStruct((NPAD, 16), jnp.float32),
            jax.ShapeDtypeStruct((NPAD, 64), jnp.float32),
        ],
    )(xp, Wt1, Wad, Wal)


def _vshuf(v, idx):
    return v.at[idx].get(mode="promise_in_bounds")


def _leaky_exp(t):
    return jnp.exp(jnp.where(t >= 0, t, 0.2 * t))


@functools.lru_cache(maxsize=None)
def _make_edge_kernel(layer):
    TW = 72 if layer == 1 else 24
    mesh = plsc.VectorSubcoreMesh(core_axis_name="c", subcore_axis_name="s",
                                  num_cores=NC, num_subcores=NS)

    @functools.partial(
        pl.kernel,
        out_type=jax.ShapeDtypeStruct((NC, NPAD, TW), jnp.float32),
        mesh=mesh,
        compiler_params=pltpu.CompilerParams(use_tc_tiling_on_sc=False,
                                             needs_layout_passes=False),
        scratch_types=[
            pltpu.VMEM((EW,), jnp.int32),
            pltpu.VMEM((EW,), jnp.int32),
            pltpu.VMEM((C,), jnp.int32),
            pltpu.VMEM((C,), jnp.int32),
            pltpu.VMEM((C, TW), jnp.float32),
            pltpu.VMEM((C, TW), jnp.float32),
            pltpu.VMEM((C, 16), jnp.float32),
            pltpu.VMEM((C, 16), jnp.float32),
            pltpu.VMEM((C, TW), jnp.float32),
            pltpu.VMEM((C, TW), jnp.float32),
            pltpu.VMEM((NPAD,), jnp.float32),
            pltpu.VMEM_SHARED((NPAD, TW), jnp.float32),
            pltpu.SemaphoreType.DMA,
            pltpu.SemaphoreType.DMA,
            pltpu.SemaphoreType.DMA,
            pltpu.SemaphoreType.DMA,
            pltpu.SemaphoreType.DMA,
            pltpu.SemaphoreType.DMA,
        ],
    )
    def ek(ei_hbm, table_hbm, adst_hbm, out_hbm,
           sidx_flat, didx_flat, didx_c0, didx_c1,
           G0, G1, A0, A1, S0, S1, adfl, accum,
           semG0, semG1, semA0, semA1, semS0, semS1):
        cid = lax.axis_index("c")
        sid = lax.axis_index("s")
        wid = cid * NS + sid
        lane = lax.iota(jnp.int32, 16)
        ebase = pl.multiple_of(wid * EW, 8)

        pltpu.sync_copy(ei_hbm.at[pl.ds(ebase, EW)], sidx_flat)
        pltpu.sync_copy(ei_hbm.at[pl.ds(E + ebase, EW)], didx_flat)
        if layer == 2:
            pltpu.sync_copy(adst_hbm, adfl)

        def zs(i, c):
            z16 = jnp.zeros((16,), jnp.float32)
            for v in range(TW // 16):
                S0[i, 16 * v:16 * v + 16] = z16
            if TW % 16:
                S0[i, TW - 16:TW] = z16
            if layer == 2:
                S1[i, 8:24] = z16
            return c
        lax.fori_loop(0, C, zs, 0, unroll=4)

        for r in range(RPT // C):
            pltpu.sync_copy(S0, accum.at[pl.ds(sid * RPT + r * C, C)])
        plsc.subcore_barrier()

        def issue(ci, G, A, semG, semA):
            sl = sidx_flat.at[pl.ds(ci * C, C)]
            pltpu.async_copy(table_hbm.at[sl], G, semG)
            if layer == 1:
                dl = didx_flat.at[pl.ds(ci * C, C)]
                pltpu.async_copy(adst_hbm.at[dl], A, semA)

        def wait(ci, G, A, semG, semA):
            sl = sidx_flat.at[pl.ds(ci * C, C)]
            pltpu.make_async_copy(table_hbm.at[sl], G, semG).wait()
            if layer == 1:
                dl = didx_flat.at[pl.ds(ci * C, C)]
                pltpu.make_async_copy(adst_hbm.at[dl], A, semA).wait()

        if layer == 1:
            def compute(ci, G, A, S):
                colv = 64 + (lane & 7)
                acol = lane & 7
                ch = lane & 7

                def quad(k, c):
                    i = 4 * k
                    rowA = i + (lane >> 3)
                    rowB = rowA + 2
                    aA = plsc.load_gather(G, [rowA, colv])
                    dA = plsc.load_gather(A, [rowA, acol])
                    aB = plsc.load_gather(G, [rowB, colv])
                    dB = plsc.load_gather(A, [rowB, acol])
                    exA = _leaky_exp(aA + dA)
                    exB = _leaky_exp(aB + dB)
                    plsc.store_scatter(S, [rowA, colv], exA)
                    plsc.store_scatter(S, [rowB, colv], exB)
                    es = (_vshuf(exA, ch), _vshuf(exA, ch + 8),
                          _vshuf(exB, ch), _vshuf(exB, ch + 8))
                    gs = [[G[i + e, 16 * v:16 * v + 16] for v in range(4)]
                          for e in range(4)]
                    ms = [[gs[e][v] * es[e] for v in range(4)] for e in range(4)]
                    for e in range(4):
                        for v in range(4):
                            S[i + e, 16 * v:16 * v + 16] = ms[e][v]
                    return c
                lax.fori_loop(0, C // 4, quad, 0, unroll=1)
        else:
            def compute(ci, G, A, S):
                def grp(k, c):
                    rowv = k * 16 + lane
                    zl = lane * 0
                    a16 = plsc.load_gather(G, [rowv, zl + 16])
                    dd = didx_flat[pl.ds(ci * C + k * 16, 16)]
                    ad = plsc.load_gather(adfl, [dd])
                    ex16 = _leaky_exp(a16 + ad)
                    plsc.store_scatter(S, [rowv, zl + 16], ex16)
                    es = [_vshuf(ex16, zl + j) for j in range(16)]
                    gs = [G[k * 16 + j, 0:16] for j in range(16)]
                    ms = [gs[j] * es[j] for j in range(16)]
                    for j in range(16):
                        S[k * 16 + j, 0:16] = ms[j]
                    return c
                lax.fori_loop(0, C // 16, grp, 0, unroll=1)

        def stage(ci, G, A, S, didx_cb, semG, semA, semS):
            wait(ci, G, A, semG, semA)

            @pl.when(ci >= 2)
            def _():
                pltpu.make_async_copy(S, accum.at[didx_cb], semS).wait()
            compute(ci, G, A, S)
            for j in range(C // 16):
                didx_cb[pl.ds(16 * j, 16)] = didx_flat[pl.ds(ci * C + 16 * j, 16)]
            pltpu.async_copy(S, accum.at[didx_cb], semS, add=True)

        issue(0, G0, A0, semG0, semA0)

        def pipe(g, c):
            c1 = 2 * g + 1
            issue(c1, G1, A1, semG1, semA1)
            stage(2 * g, G0, A0, S0, didx_c0, semG0, semA0, semS0)
            issue(c1 + 1, G0, A0, semG0, semA0)
            stage(c1, G1, A1, S1, didx_c1, semG1, semA1, semS1)
            return c

        lax.fori_loop(0, (NCHUNK - 1) // 2, pipe, 0)
        stage(NCHUNK - 1, G0, A0, S0, didx_c0, semG0, semA0, semS0)

        pltpu.make_async_copy(S1, accum.at[didx_c1], semS1).wait()
        pltpu.make_async_copy(S0, accum.at[didx_c0], semS0).wait()

        plsc.subcore_barrier()
        pltpu.sync_copy(accum.at[pl.ds(sid * RPT, RPT)],
                        out_hbm.at[cid, pl.ds(sid * RPT, RPT)])

    return ek


def _fin1_body(p_ref, t1_ref, al_ref, tile_ref, b1_ref, w2m_ref, w2ad_ref,
               t2_ref, ad2_ref):
    p0 = p_ref[0]
    p1 = p_ref[1]
    al = al_ref[...]
    exl = jnp.exp(jnp.where(al >= 0, al, 0.2 * al))
    den = jnp.dot(p0[:, 64:72] + p1[:, 64:72], tile_ref[...],
                  preferred_element_type=jnp.float32) + exl
    num = p0[:, 0:64] + p1[:, 0:64] + t1_ref[:, 0:64] * exl
    o = num / (den + 1e-16) + b1_ref[...]
    g = jnp.where(o > 0, o, jnp.exp(jnp.minimum(o, 0.0)) - 1.0)
    t2_ref[...] = jnp.dot(g, w2m_ref[...], preferred_element_type=jnp.float32)
    ad2_ref[...] = jnp.dot(g, w2ad_ref[...], preferred_element_type=jnp.float32)


def _fin1(P1, t1, al64, tile8, b1r, W2M, W2ad):
    return pl.pallas_call(
        _fin1_body,
        grid=(NBLK,),
        in_specs=[
            pl.BlockSpec((2, BLK, 72), lambda i: (0, i, 0)),
            pl.BlockSpec((BLK, 72), lambda i: (i, 0)),
            pl.BlockSpec((BLK, 64), lambda i: (i, 0)),
            pl.BlockSpec((8, 64), lambda i: (0, 0)),
            pl.BlockSpec((1, 64), lambda i: (0, 0)),
            pl.BlockSpec((64, 24), lambda i: (0, 0)),
            pl.BlockSpec((64, 1), lambda i: (0, 0)),
        ],
        out_specs=[
            pl.BlockSpec((BLK, 24), lambda i: (i, 0)),
            pl.BlockSpec((BLK, 1), lambda i: (i, 0)),
        ],
        out_shape=[
            jax.ShapeDtypeStruct((NPAD, 24), jnp.float32),
            jax.ShapeDtypeStruct((NPAD, 1), jnp.float32),
        ],
    )(P1, t1, al64, tile8, b1r, W2M, W2ad)


def _fin2_body(p_ref, t2_ref, ad2_ref, b2_ref, batch_ref, lw_ref, lb_ref,
               out_ref, accs_ref, accc_ref):
    i = pl.program_id(0)
    p0 = p_ref[0]
    p1 = p_ref[1]
    a2 = t2_ref[:, 16:17]
    h2 = t2_ref[:, 0:16]
    al = a2 + ad2_ref[...]
    exl = jnp.exp(jnp.where(al >= 0, al, 0.2 * al))
    den = p0[:, 16:17] + p1[:, 16:17] + exl
    num = p0[:, 0:16] + p1[:, 0:16] + h2 * exl
    o2 = num / (den + 1e-16) + b2_ref[...]
    b = batch_ref[0, 0, :]
    gids = lax.broadcasted_iota(jnp.int32, (NG, BLK), 0)
    mask = (gids == b[None, :]).astype(jnp.float32)
    sums = jnp.dot(mask, o2, preferred_element_type=jnp.float32)
    cnts = jnp.dot(mask, jnp.ones((BLK, 1), jnp.float32),
                   preferred_element_type=jnp.float32)

    @pl.when(i == 0)
    def _():
        accs_ref[...] = sums
        accc_ref[...] = cnts

    @pl.when(i > 0)
    def _():
        accs_ref[...] = accs_ref[...] + sums
        accc_ref[...] = accc_ref[...] + cnts

    @pl.when(i == NBLK - 1)
    def _():
        pooled = accs_ref[...] / jnp.maximum(accc_ref[...], 1.0)
        logit = jnp.dot(pooled, lw_ref[...],
                        preferred_element_type=jnp.float32) + lb_ref[...]
        out_ref[...] = 1.0 / (1.0 + jnp.exp(-logit))


def _fin2(P2, t2, ad2col, b2r, batch3, lin_w, lbr):
    return pl.pallas_call(
        _fin2_body,
        grid=(NBLK,),
        in_specs=[
            pl.BlockSpec((2, BLK, 24), lambda i: (0, i, 0)),
            pl.BlockSpec((BLK, 24), lambda i: (i, 0)),
            pl.BlockSpec((BLK, 1), lambda i: (i, 0)),
            pl.BlockSpec((1, 16), lambda i: (0, 0)),
            pl.BlockSpec((1, 1, BLK), lambda i: (i, 0, 0)),
            pl.BlockSpec((16, 1), lambda i: (0, 0)),
            pl.BlockSpec((1, 1), lambda i: (0, 0)),
        ],
        out_specs=pl.BlockSpec((NG, 1), lambda i: (0, 0)),
        out_shape=jax.ShapeDtypeStruct((NG, 1), jnp.float32),
        scratch_shapes=[
            pltpu.VMEM((NG, 16), jnp.float32),
            pltpu.VMEM((NG, 1), jnp.float32),
        ],
    )(P2, t2, ad2col, b2r, batch3, lin_w, lbr)


def kernel(x, edge_index, batch, W1, att_src1, att_dst1, bias1,
           W2, att_src2, att_dst2, bias2, lin_w, lin_b):
    f32 = jnp.float32
    xp = jnp.zeros((NPAD, 128), f32).at[:N].set(x)
    eiflat = edge_index.reshape(2 * E)
    rows = jnp.arange(64)
    hm = (rows % 8) * 8 + rows // 8
    W1cm = W1[:, hm]
    W2cm = W2[hm, :]
    Ssrc = jnp.zeros((64, 8), f32).at[rows, rows % 8].set(att_src1.T.reshape(64))
    Sdst = jnp.zeros((64, 8), f32).at[rows, rows % 8].set(att_dst1.T.reshape(64))
    z8 = jnp.zeros((128, 8), f32)
    Wt1 = jnp.concatenate([W1cm, W1cm @ Ssrc], axis=1)
    Wad = jnp.concatenate([W1cm @ Sdst, z8], axis=1)
    tile8 = jnp.zeros((8, 64), f32).at[rows % 8, rows].set(1.0)
    Wal = W1cm @ ((Ssrc + Sdst) @ tile8)
    Mp = jnp.zeros((16, 24), f32).at[:, 16].set(att_src2.reshape(16))
    Mp = Mp.at[jnp.arange(16), jnp.arange(16)].set(1.0)
    W2M = W2cm @ Mp
    W2ad = W2cm @ att_dst2.reshape(16, 1)
    b1r = bias1[hm].reshape(1, 64)
    b2r = bias2.reshape(1, 16)
    lbr = lin_b.reshape(1, 1)
    batch3 = jnp.full((NPAD,), NG, jnp.int32).at[:N].set(batch).reshape(NBLK, 1, BLK)

    t1, ad1, al64 = _prep1(xp, Wt1, Wad, Wal)
    P1 = _make_edge_kernel(1)(eiflat, t1, ad1)
    t2, ad2col = _fin1(P1, t1, al64, tile8, b1r, W2M, W2ad)
    P2 = _make_edge_kernel(2)(eiflat, t2, ad2col.reshape(NPAD))
    return _fin2(P2, t2, ad2col, b2r, batch3, lin_w, lbr)

# --- scband reference (transcript-rebuilt; emitter-appended) ---
"""Pipeline reference for scband-gatgraph-level-binary-43576738185828 (READ-ONLY COPY).

The authoritative reference and input builder live on the scoring server;
editing this copy changes nothing except your own understanding.
"""

import jax, jax.numpy as jnp
import numpy as np

N_NODES = 10000
N_EDGES = 320000
D_IN = 128
N_GRAPHS = 64


def setup_inputs(seed: int = 0) -> dict:
    key = jax.random.key(seed)
    ks = jax.random.split(key, 16)
    x = jax.random.normal(ks[0], (N_NODES, D_IN), dtype=jnp.float32)
    edge_index = jax.random.randint(ks[1], (2, N_EDGES), 0, N_NODES, dtype=jnp.int32)
    batch = jnp.sort(jax.random.randint(ks[2], (N_NODES,), 0, N_GRAPHS, dtype=jnp.int32))
    # GATConv(128 -> 8, heads=8, concat=True)
    W1 = jax.random.normal(ks[3], (D_IN, 64), dtype=jnp.float32) * 0.1
    att_src1 = jax.random.normal(ks[4], (8, 8), dtype=jnp.float32) * 0.1
    att_dst1 = jax.random.normal(ks[5], (8, 8), dtype=jnp.float32) * 0.1
    bias1 = jnp.zeros((64,), dtype=jnp.float32)
    # GATConv(64 -> 16, heads=1, concat=False)
    W2 = jax.random.normal(ks[6], (64, 16), dtype=jnp.float32) * 0.1
    att_src2 = jax.random.normal(ks[7], (1, 16), dtype=jnp.float32) * 0.1
    att_dst2 = jax.random.normal(ks[8], (1, 16), dtype=jnp.float32) * 0.1
    bias2 = jnp.zeros((16,), dtype=jnp.float32)
    # Linear(16 -> 1)
    lin_w = jax.random.normal(ks[9], (16, 1), dtype=jnp.float32) * 0.1
    lin_b = jnp.zeros((1,), dtype=jnp.float32)
    return {"x": x, "edge_index": edge_index, "batch": batch,
            "W1": W1, "att_src1": att_src1, "att_dst1": att_dst1, "bias1": bias1,
            "W2": W2, "att_src2": att_src2, "att_dst2": att_dst2, "bias2": bias2,
            "lin_w": lin_w, "lin_b": lin_b}


def _gat_conv(x, edge_index, W, att_src, att_dst, bias, heads, out_ch, concat):
    N = x.shape[0]
    # PyG GATConv default: add self loops
    loops = jnp.arange(N, dtype=edge_index.dtype)
    ei = jnp.concatenate([edge_index, jnp.stack([loops, loops])], axis=1)
    src, dst = ei[0], ei[1]
    h = (x @ W).reshape(N, heads, out_ch)
    a_src = (h * att_src[None]).sum(-1)  # [N, heads]
    a_dst = (h * att_dst[None]).sum(-1)  # [N, heads]
    alpha = a_src[src] + a_dst[dst]      # [E, heads]
    alpha = jax.nn.leaky_relu(alpha, negative_slope=0.2)
    # segment softmax over destination nodes
    amax = jax.ops.segment_max(alpha, dst, num_segments=N)
    amax = jnp.where(jnp.isfinite(amax), amax, 0.0)
    ex = jnp.exp(alpha - amax[dst])
    denom = jax.ops.segment_sum(ex, dst, num_segments=N)
    coef = ex / (denom[dst] + 1e-16)
    # dropout(p=0.6) on coefficients is identity in eval mode
    msg = h[src] * coef[..., None]
    out = jax.ops.segment_sum(msg, dst, num_segments=N)  # [N, heads, out_ch]
    if concat:
        out = out.reshape(N, heads * out_ch)
    else:
        out = out.mean(axis=1)
    return out + bias


def reference(x, edge_index, batch, W1, att_src1, att_dst1, bias1, W2, att_src2, att_dst2, bias2, lin_w, lin_b):
    # F.dropout(p=0.6) in eval mode -> identity
    h = jax.nn.elu(_gat_conv(x, edge_index, W1, att_src1, att_dst1, bias1, 8, 8, True))
    h = _gat_conv(h, edge_index, W2, att_src2, att_dst2, bias2, 1, 16, False)
    # global_mean_pool over batch assignment
    ones = jnp.ones((h.shape[0],), dtype=h.dtype)
    counts = jax.ops.segment_sum(ones, batch, num_segments=N_GRAPHS)
    summed = jax.ops.segment_sum(h, batch, num_segments=N_GRAPHS)
    pooled = summed / jnp.maximum(counts, 1.0)[:, None]
    out = pooled @ lin_w + lin_b
    return jax.nn.sigmoid(out)

if __name__ == "__main__":
    import jax
    _d = setup_inputs()
    print(jax.jit(kernel)(*tuple(_d.values())))

</pallas_src>

<mosaic_0001>
#map = affine_map<(d0, d1) -> (0)>
#map1 = affine_map<(d0, d1) -> (0, 0)>
#map2 = affine_map<(d0, d1) -> (0, 0, 0)>
module attributes {stable_mosaic.version = 14 : i64} {
  func.func @ek(%arg0: i32, %arg1: i32, %arg2: memref<640000xi32, #tpu.memory_space<hbm>>, %arg3: memref<10240x72xf32, #tpu.memory_space<hbm>>, %arg4: memref<10240x16xf32, #tpu.memory_space<hbm>>, %arg5: memref<2x10240x72xf32, #tpu.memory_space<hbm>>, %arg6: memref<10000xi32, #tpu.memory_space<vmem>>, %arg7: memref<10000xi32, #tpu.memory_space<vmem>>, %arg8: memref<80xi32, #tpu.memory_space<vmem>>, %arg9: memref<80xi32, #tpu.memory_space<vmem>>, %arg10: memref<80x72xf32, #tpu.memory_space<vmem>>, %arg11: memref<80x72xf32, #tpu.memory_space<vmem>>, %arg12: memref<80x16xf32, #tpu.memory_space<vmem>>, %arg13: memref<80x16xf32, #tpu.memory_space<vmem>>, %arg14: memref<80x72xf32, #tpu.memory_space<vmem>>, %arg15: memref<80x72xf32, #tpu.memory_space<vmem>>, %arg16: memref<10240xf32, #tpu.memory_space<vmem>>, %arg17: memref<10240x72xf32, #tpu.memory_space<vmem_shared>>, %arg18: memref<!tpu.dma_semaphore, #tpu.memory_space<semaphore_mem>>, %arg19: memref<!tpu.dma_semaphore, #tpu.memory_space<semaphore_mem>>, %arg20: memref<!tpu.dma_semaphore, #tpu.memory_space<semaphore_mem>>, %arg21: memref<!tpu.dma_semaphore, #tpu.memory_space<semaphore_mem>>, %arg22: memref<!tpu.dma_semaphore, #tpu.memory_space<semaphore_mem>>, %arg23: memref<!tpu.dma_semaphore, #tpu.memory_space<semaphore_mem>>) attributes {dimension_semantics = [#tpu.dimension_semantics<core_parallel>, #tpu.dimension_semantics<subcore_parallel>], iteration_bounds = array<i64: 2, 16>, scalar_prefetch = 0 : i64, scratch_operands = 18 : i64, tpu.core_type = #tpu.core_type<sc_vector_subcore>, window_params = [{transform_indices = #map}, {transform_indices = #map1}, {transform_indices = #map1}, {transform_indices = #map2}]} {
    %mul3A = arith.constant 16 : i32
    %mul3A_0 = arith.muli %arg0, %mul3A : i32
    %add3A = arith.addi %mul3A_0, %arg1 : i32
    %iota3A = tpu.iota {dimensions = array<i32: 0>} : vector<16xi32>
    %mul3A_1 = arith.constant 10000 : i32
    %mul3A_2 = arith.muli %add3A, %mul3A_1 : i32
    %multiple_of3A = tpu.assume_multiple %mul3A_2, 8 : i32
    "tpu.region"() ({
      %run_scoped3A = tpu.sem_alloc : memref<!tpu.dma_semaphore, #tpu.memory_space<semaphore_mem>>
      %dma_start3A_118 = tpu.memref_slice %arg2[%multiple_of3A] : memref<640000xi32, #tpu.memory_space<hbm>> -> memref<10000xi32, #tpu.memory_space<hbm>>
      %dma_start3A_119 = tpu.memref_slice %arg2[%multiple_of3A] : memref<640000xi32, #tpu.memory_space<hbm>> -> memref<10000xi32, #tpu.memory_space<hbm>>
      tpu.enqueue_dma source(%dma_start3A_119 : memref<10000xi32, #tpu.memory_space<hbm>>) target(%arg6 : memref<10000xi32, #tpu.memory_space<vmem>>) target_semaphore(%run_scoped3A : memref<!tpu.dma_semaphore, #tpu.memory_space<semaphore_mem>>)
      %dma_wait3A_120 = tpu.memref_slice %arg2[%multiple_of3A] : memref<640000xi32, #tpu.memory_space<hbm>> -> memref<10000xi32, #tpu.memory_space<hbm>>
      %dma_wait3A_121 = tpu.memref_slice %arg2[%multiple_of3A] : memref<640000xi32, #tpu.memory_space<hbm>> -> memref<10000xi32, #tpu.memory_space<hbm>>
      tpu.wait_dma2 semaphore(%run_scoped3A : memref<!tpu.dma_semaphore, #tpu.memory_space<semaphore_mem>>) src(%dma_wait3A_121 : memref<10000xi32, #tpu.memory_space<hbm>>) dst(%arg6 : memref<10000xi32, #tpu.memory_space<vmem>>)
      tpu.yield
    }) : () -> ()
    %add3A_3 = arith.constant 320000 : i32
    %add3A_4 = arith.addi %add3A_3, %multiple_of3A : i32
    "tpu.region"() ({
      %run_scoped3A = tpu.sem_alloc : memref<!tpu.dma_semaphore, #tpu.memory_space<semaphore_mem>>
      %dma_start3A_118 = tpu.memref_slice %arg2[%add3A_4] : memref<640000xi32, #tpu.memory_space<hbm>> -> memref<10000xi32, #tpu.memory_space<hbm>>
      %dma_start3A_119 = tpu.memref_slice %arg2[%add3A_4] : memref<640000xi32, #tpu.memory_space<hbm>> -> memref<10000xi32, #tpu.memory_space<hbm>>
      tpu.enqueue_dma source(%dma_start3A_119 : memref<10000xi32, #tpu.memory_space<hbm>>) target(%arg7 : memref<10000xi32, #tpu.memory_space<vmem>>) target_semaphore(%run_scoped3A : memref<!tpu.dma_semaphore, #tpu.memory_space<semaphore_mem>>)
      %dma_wait3A_120 = tpu.memref_slice %arg2[%add3A_4] : memref<640000xi32, #tpu.memory_space<hbm>> -> memref<10000xi32, #tpu.memory_space<hbm>>
      %dma_wait3A_121 = tpu.memref_slice %arg2[%add3A_4] : memref<640000xi32, #tpu.memory_space<hbm>> -> memref<10000xi32, #tpu.memory_space<hbm>>
      tpu.wait_dma2 semaphore(%run_scoped3A : memref<!tpu.dma_semaphore, #tpu.memory_space<semaphore_mem>>) src(%dma_wait3A_121 : memref<10000xi32, #tpu.memory_space<hbm>>) dst(%arg7 : memref<10000xi32, #tpu.memory_space<vmem>>)
      tpu.yield
    }) : () -> ()
    %scan3A = arith.constant 0 : i32
    %scan3A_5 = arith.constant 0 : i32
    %scan3A_6 = arith.constant 80 : i32
    %scan3A_7 = arith.addi %scan3A_5, %scan3A_6 : i32
    %scan3A_8 = arith.constant 4 : i32
    scf.for %scan3A_118 = %scan3A_5 to %scan3A_7 step %scan3A_8  : i32 {
      %broadcast_in_dim3A = arith.constant 0.000000e+00 : f32
      %broadcast_in_dim3A_119 = vector.broadcast %broadcast_in_dim3A : f32 to vector<16xf32>
      %swap3A_120 = arith.index_cast %scan3A_118 : i32 to index
      %swap3A_121 = arith.constant 0 : index
      %swap3A_122 = tpu.vector_load %arg14[%swap3A_120, %swap3A_121] {strides = array<i32>} : memref<80x72xf32, #tpu.memory_space<vmem>>, vector<16xf32>,
      tpu.vector_store %arg14[%swap3A_120, %swap3A_121], %broadcast_in_dim3A_119 {strides = array<i32>} : memref<80x72xf32, #tpu.memory_space<vmem>>, vector<16xf32>,
      %swap3A_123 = arith.index_cast %scan3A_118 : i32 to index
      %swap3A_124 = arith.constant 16 : index
      %swap3A_125 = tpu.vector_load %arg14[%swap3A_123, %swap3A_124] {strides = array<i32>} : memref<80x72xf32, #tpu.memory_space<vmem>>, vector<16xf32>,
      tpu.vector_store %arg14[%swap3A_123, %swap3A_124], %broadcast_in_dim3A_119 {strides = array<i32>} : memref<80x72xf32, #tpu.memory_space<vmem>>, vector<16xf32>,
      %swap3A_126 = arith.index_cast %scan3A_118 : i32 to index
      %swap3A_127 = arith.constant 32 : index
      %swap3A_128 = tpu.vector_load %arg14[%swap3A_126, %swap3A_127] {strides = array<i32>} : memref<80x72xf32, #tpu.memory_space<vmem>>, vector<16xf32>,
      tpu.vector_store %arg14[%swap3A_126, %swap3A_127], %broadcast_in_dim3A_119 {strides = array<i32>} : memref<80x72xf32, #tpu.memory_space<vmem>>, vector<16xf32>,
      %swap3A_129 = arith.index_cast %scan3A_118 : i32 to index
      %swap3A_130 = arith.constant 48 : index
      %swap3A_131 = tpu.vector_load %arg14[%swap3A_129, %swap3A_130] {strides = array<i32>} : memref<80x72xf32, #tpu.memory_space<vmem>>, vector<16xf32>,
      tpu.vector_store %arg14[%swap3A_129, %swap3A_130], %broadcast_in_dim3A_119 {strides = array<i32>} : memref<80x72xf32, #tpu.memory_space<vmem>>, vector<16xf32>,
      %swap3A_132 = arith.index_cast %scan3A_118 : i32 to index
      %swap3A_133 = arith.constant 56 : index
      %swap3A_134 = tpu.vector_load %arg14[%swap3A_132, %swap3A_133] {strides = array<i32>} : memref<80x72xf32, #tpu.memory_space<vmem>>, vector<16xf32>,
      tpu.vector_store %arg14[%swap3A_132, %swap3A_133], %broadcast_in_dim3A_119 {strides = array<i32>} : memref<80x72xf32, #tpu.memory_space<vmem>>, vector<16xf32>,
      %scan3A_135 = arith.constant 1 : i32
      %scan3A_136 = arith.addi %scan3A_118, %scan3A_135 : i32
      %broadcast_in_dim3A_137 = arith.constant 0.000000e+00 : f32
      %broadcast_in_dim3A_138 = vector.broadcast %broadcast_in_dim3A_137 : f32 to vector<16xf32>
      %swap3A_139 = arith.index_cast %scan3A_136 : i32 to index
      %swap3A_140 = arith.constant 0 : index
      %swap3A_141 = tpu.vector_load %arg14[%swap3A_139, %swap3A_140] {strides = array<i32>} : memref<80x72xf32, #tpu.memory_space<vmem>>, vector<16xf32>,
      tpu.vector_store %arg14[%swap3A_139, %swap3A_140], %broadcast_in_dim3A_138 {strides = array<i32>} : memref<80x72xf32, #tpu.memory_space<vmem>>, vector<16xf32>,
      %swap3A_142 = arith.index_cast %scan3A_136 : i32 to index
      %swap3A_143 = arith.constant 16 : index
      %swap3A_144 = tpu.vector_load %arg14[%swap3A_142, %swap3A_143] {strides = array<i32>} : memref<80x72xf32, #tpu.memory_space<vmem>>, vector<16xf32>,
      tpu.vector_store %arg14[%swap3A_142, %swap3A_143], %broadcast_in_dim3A_138 {strides = array<i32>} : memref<80x72xf32, #tpu.memory_space<vmem>>, vector<16xf32>,
      %swap3A_145 = arith.index_cast %scan3A_136 : i32 to index
      %swap3A_146 = arith.constant 32 : index
      %swap3A_147 = tpu.vector_load %arg14[%swap3A_145, %swap3A_146] {strides = array<i32>} : memref<80x72xf32, #tpu.memory_space<vmem>>, vector<16xf32>,
      tpu.vector_store %arg14[%swap3A_145, %swap3A_146], %broadcast_in_dim3A_138 {strides = array<i32>} : memref<80x72xf32, #tpu.memory_space<vmem>>, vector<16xf32>,
      %swap3A_148 = arith.index_cast %scan3A_136 : i32 to index
      %swap3A_149 = arith.constant 48 : index
      %swap3A_150 = tpu.vector_load %arg14[%swap3A_148, %swap3A_149] {strides = array<i32>} : memref<80x72xf32, #tpu.memory_space<vmem>>, vector<16xf32>,
      tpu.vector_store %arg14[%swap3A_148, %swap3A_149], %broadcast_in_dim3A_138 {strides = array<i32>} : memref<80x72xf32, #tpu.memory_space<vmem>>, vector<16xf32>,
      %swap3A_151 = arith.index_cast %scan3A_136 : i32 to index
      %swap3A_152 = arith.constant 56 : index
      %swap3A_153 = tpu.vector_load %arg14[%swap3A_151, %swap3A_152] {strides = array<i32>} : memref<80x72xf32, #tpu.memory_space<vmem>>, vector<16xf32>,
      tpu.vector_store %arg14[%swap3A_151, %swap3A_152], %broadcast_in_dim3A_138 {strides = array<i32>} : memref<80x72xf32, #tpu.memory_space<vmem>>, vector<16xf32>,
      %scan3A_154 = arith.constant 2 : i32
      %scan3A_155 = arith.addi %scan3A_118, %scan3A_154 : i32
      %broadcast_in_dim3A_156 = arith.constant 0.000000e+00 : f32
      %broadcast_in_dim3A_157 = vector.broadcast %broadcast_in_dim3A_156 : f32 to vector<16xf32>
      %swap3A_158 = arith.index_cast %scan3A_155 : i32 to index
      %swap3A_159 = arith.constant 0 : index
      %swap3A_160 = tpu.vector_load %arg14[%swap3A_158, %swap3A_159] {strides = array<i32>} : memref<80x72xf32, #tpu.memory_space<vmem>>, vector<16xf32>,
      tpu.vector_store %arg14[%swap3A_158, %swap3A_159], %broadcast_in_dim3A_157 {strides = array<i32>} : memref<80x72xf32, #tpu.memory_space<vmem>>, vector<16xf32>,
      %swap3A_161 = arith.index_cast %scan3A_155 : i32 to index
      %swap3A_162 = arith.constant 16 : index
      %swap3A_163 = tpu.vector_load %arg14[%swap3A_161, %swap3A_162] {strides = array<i32>} : memref<80x72xf32, #tpu.memory_space<vmem>>, vector<16xf32>,
      tpu.vector_store %arg14[%swap3A_161, %swap3A_162], %broadcast_in_dim3A_157 {strides = array<i32>} : memref<80x72xf32, #tpu.memory_space<vmem>>, vector<16xf32>,
      %swap3A_164 = arith.index_cast %scan3A_155 : i32 to index
      %swap3A_165 = arith.constant 32 : index
      %swap3A_166 = tpu.vector_load %arg14[%swap3A_164, %swap3A_165] {strides = array<i32>} : memref<80x72xf32, #tpu.memory_space<vmem>>, vector<16xf32>,
      tpu.vector_store %arg14[%swap3A_164, %swap3A_165], %broadcast_in_dim3A_157 {strides = array<i32>} : memref<80x72xf32, #tpu.memory_space<vmem>>, vector<16xf32>,
      %swap3A_167 = arith.index_cast %scan3A_155 : i32 to index
      %swap3A_168 = arith.constant 48 : index
      %swap3A_169 = tpu.vector_load %arg14[%swap3A_167, %swap3A_168] {strides = array<i32>} : memref<80x72xf32, #tpu.memory_space<vmem>>, vector<16xf32>,
      tpu.vector_store %arg14[%swap3A_167, %swap3A_168], %broadcast_in_dim3A_157 {strides = array<i32>} : memref<80x72xf32, #tpu.memory_space<vmem>>, vector<16xf32>,
      %swap3A_170 = arith.index_cast %scan3A_155 : i32 to index
      %swap3A_171 = arith.constant 56 : index
      %swap3A_172 = tpu.vector_load %arg14[%swap3A_170, %swap3A_171] {strides = array<i32>} : memref<80x72xf32, #tpu.memory_space<vmem>>, vector<16xf32>,
      tpu.vector_store %arg14[%swap3A_170, %swap3A_171], %broadcast_in_dim3A_157 {strides = array<i32>} : memref<80x72xf32, #tpu.memory_space<vmem>>, vector<16xf32>,
      %scan3A_173 = arith.constant 3 : i32
      %scan3A_174 = arith.addi %scan3A_118, %scan3A_173 : i32
      %broadcast_in_dim3A_175 = arith.constant 0.000000e+00 : f32
      %broadcast_in_dim3A_176 = vector.broadcast %broadcast_in_dim3A_175 : f32 to vector<16xf32>
      %swap3A_177 = arith.index_cast %scan3A_174 : i32 to index
      %swap3A_178 = arith.constant 0 : index
      %swap3A_179 = tpu.vector_load %arg14[%swap3A_177, %swap3A_178] {strides = array<i32>} : memref<80x72xf32, #tpu.memory_space<vmem>>, vector<16xf32>,
      tpu.vector_store %arg14[%swap3A_177, %swap3A_178], %broadcast_in_dim3A_176 {strides = array<i32>} : memref<80x72xf32, #tpu.memory_space<vmem>>, vector<16xf32>,
      %swap3A_180 = arith.index_cast %scan3A_174 : i32 to index
      %swap3A_181 = arith.constant 16 : index
      %swap3A_182 = tpu.vector_load %arg14[%swap3A_180, %swap3A_181] {strides = array<i32>} : memref<80x72xf32, #tpu.memory_space<vmem>>, vector<16xf32>,
      tpu.vector_store %arg14[%swap3A_180, %swap3A_181], %broadcast_in_dim3A_176 {strides = array<i32>} : memref<80x72xf32, #tpu.memory_space<vmem>>, vector<16xf32>,
      %swap3A_183 = arith.index_cast %scan3A_174 : i32 to index
      %swap3A_184 = arith.constant 32 : index
      %swap3A_185 = tpu.vector_load %arg14[%swap3A_183, %swap3A_184] {strides = array<i32>} : memref<80x72xf32, #tpu.memory_space<vmem>>, vector<16xf32>,
      tpu.vector_store %arg14[%swap3A_183, %swap3A_184], %broadcast_in_dim3A_176 {strides = array<i32>} : memref<80x72xf32, #tpu.memory_space<vmem>>, vector<16xf32>,
      %swap3A_186 = arith.index_cast %scan3A_174 : i32 to index
      %swap3A_187 = arith.constant 48 : index
      %swap3A_188 = tpu.vector_load %arg14[%swap3A_186, %swap3A_187] {strides = array<i32>} : memref<80x72xf32, #tpu.memory_space<vmem>>, vector<16xf32>,
      tpu.vector_store %arg14[%swap3A_186, %swap3A_187], %broadcast_in_dim3A_176 {strides = array<i32>} : memref<80x72xf32, #tpu.memory_space<vmem>>, vector<16xf32>,
      %swap3A_189 = arith.index_cast %scan3A_174 : i32 to index
      %swap3A_190 = arith.constant 56 : index
      %swap3A_191 = tpu.vector_load %arg14[%swap3A_189, %swap3A_190] {strides = array<i32>} : memref<80x72xf32, #tpu.memory_space<vmem>>, vector<16xf32>,
      tpu.vector_store %arg14[%swap3A_189, %swap3A_190], %broadcast_in_dim3A_176 {strides = array<i32>} : memref<80x72xf32, #tpu.memory_space<vmem>>, vector<16xf32>,
    }
    %scan3A_9 = arith.constant 80 : i32
    %mul3A_10 = arith.constant 640 : i32
    %mul3A_11 = arith.muli %arg1, %mul3A_10 : i32
    %add3A_12 = arith.constant 0 : i32
    %add3A_13 = arith.addi %mul3A_11, %add3A_12 : i32
    "tpu.region"() ({
      %run_scoped3A = tpu.sem_alloc : memref<!tpu.dma_semaphore, #tpu.memory_space<semaphore_mem>>
      %dma_start3A_118 = arith.constant 0 : i32
      %dma_start3A_119 = tpu.memref_slice %arg17[%add3A_13, %dma_start3A_118] : memref<10240x72xf32, #tpu.memory_space<vmem_shared>> -> memref<80x72xf32, #tpu.memory_space<vmem_shared>>
      %dma_start3A_120 = arith.constant 0 : i32
      %dma_start3A_121 = tpu.memref_slice %arg17[%add3A_13, %dma_start3A_120] : memref<10240x72xf32, #tpu.memory_space<vmem_shared>> -> memref<80x72xf32, #tpu.memory_space<vmem_shared>>
      tpu.enqueue_dma source(%arg14 : memref<80x72xf32, #tpu.memory_space<vmem>>) target(%dma_start3A_121 : memref<80x72xf32, #tpu.memory_space<vmem_shared>>) target_semaphore(%run_scoped3A : memref<!tpu.dma_semaphore, #tpu.memory_space<semaphore_mem>>)
      %dma_wait3A_122 = arith.constant 0 : i32
      %dma_wait3A_123 = tpu.memref_slice %arg17[%add3A_13, %dma_wait3A_122] : memref<10240x72xf32, #tpu.memory_space<vmem_shared>> -> memref<80x72xf32, #tpu.memory_space<vmem_shared>>
      %dma_wait3A_124 = arith.constant 0 : i32
      %dma_wait3A_125 = tpu.memref_slice %arg17[%add3A_13, %dma_wait3A_124] : memref<10240x72xf32, #tpu.memory_space<vmem_shared>> -> memref<80x72xf32, #tpu.memory_space<vmem_shared>>
      tpu.wait_dma2 semaphore(%run_scoped3A : memref<!tpu.dma_semaphore, #tpu.memory_space<semaphore_mem>>) src(%arg14 : memref<80x72xf32, #tpu.memory_space<vmem>>) dst(%dma_wait3A_125 : memref<80x72xf32, #tpu.memory_space<vmem_shared>>)
      tpu.yield
    }) : () -> ()
    %mul3A_14 = arith.constant 640 : i32
    %mul3A_15 = arith.muli %arg1, %mul3A_14 : i32
    %add3A_16 = arith.constant 80 : i32
    %add3A_17 = arith.addi %mul3A_15, %add3A_16 : i32
    "tpu.region"() ({
      %run_scoped3A = tpu.sem_alloc : memref<!tpu.dma_semaphore, #tpu.memory_space<semaphore_mem>>
      %dma_start3A_118 = arith.constant 0 : i32
      %dma_start3A_119 = tpu.memref_slice %arg17[%add3A_17, %dma_start3A_118] : memref<10240x72xf32, #tpu.memory_space<vmem_shared>> -> memref<80x72xf32, #tpu.memory_space<vmem_shared>>
      %dma_start3A_120 = arith.constant 0 : i32
      %dma_start3A_121 = tpu.memref_slice %arg17[%add3A_17, %dma_start3A_120] : memref<10240x72xf32, #tpu.memory_space<vmem_shared>> -> memref<80x72xf32, #tpu.memory_space<vmem_shared>>
      tpu.enqueue_dma source(%arg14 : memref<80x72xf32, #tpu.memory_space<vmem>>) target(%dma_start3A_121 : memref<80x72xf32, #tpu.memory_space<vmem_shared>>) target_semaphore(%run_scoped3A : memref<!tpu.dma_semaphore, #tpu.memory_space<semaphore_mem>>)
      %dma_wait3A_122 = arith.constant 0 : i32
      %dma_wait3A_123 = tpu.memref_slice %arg17[%add3A_17, %dma_wait3A_122] : memref<10240x72xf32, #tpu.memory_space<vmem_shared>> -> memref<80x72xf32, #tpu.memory_space<vmem_shared>>
      %dma_wait3A_124 = arith.constant 0 : i32
      %dma_wait3A_125 = tpu.memref_slice %arg17[%add3A_17, %dma_wait3A_124] : memref<10240x72xf32, #tpu.memory_space<vmem_shared>> -> memref<80x72xf32, #tpu.memory_space<vmem_shared>>
      tpu.wait_dma2 semaphore(%run_scoped3A : memref<!tpu.dma_semaphore, #tpu.memory_space<semaphore_mem>>) src(%arg14 : memref<80x72xf32, #tpu.memory_space<vmem>>) dst(%dma_wait3A_125 : memref<80x72xf32, #tpu.memory_space<vmem_shared>>)
      tpu.yield
    }) : () -> ()
    %mul3A_18 = arith.constant 640 : i32
    %mul3A_19 = arith.muli %arg1, %mul3A_18 : i32
    %add3A_20 = arith.constant 160 : i32
    %add3A_21 = arith.addi %mul3A_19, %add3A_20 : i32
    "tpu.region"() ({
      %run_scoped3A = tpu.sem_alloc : memref<!tpu.dma_semaphore, #tpu.memory_space<semaphore_mem>>
      %dma_start3A_118 = arith.constant 0 : i32
      %dma_start3A_119 = tpu.memref_slice %arg17[%add3A_21, %dma_start3A_118] : memref<10240x72xf32, #tpu.memory_space<vmem_shared>> -> memref<80x72xf32, #tpu.memory_space<vmem_shared>>
      %dma_start3A_120 = arith.constant 0 : i32
      %dma_start3A_121 = tpu.memref_slice %arg17[%add3A_21, %dma_start3A_120] : memref<10240x72xf32, #tpu.memory_space<vmem_shared>> -> memref<80x72xf32, #tpu.memory_space<vmem_shared>>
      tpu.enqueue_dma source(%arg14 : memref<80x72xf32, #tpu.memory_space<vmem>>) target(%dma_start3A_121 : memref<80x72xf32, #tpu.memory_space<vmem_shared>>) target_semaphore(%run_scoped3A : memref<!tpu.dma_semaphore, #tpu.memory_space<semaphore_mem>>)
      %dma_wait3A_122 = arith.constant 0 : i32
      %dma_wait3A_123 = tpu.memref_slice %arg17[%add3A_21, %dma_wait3A_122] : memref<10240x72xf32, #tpu.memory_space<vmem_shared>> -> memref<80x72xf32, #tpu.memory_space<vmem_shared>>
      %dma_wait3A_124 = arith.constant 0 : i32
      %dma_wait3A_125 = tpu.memref_slice %arg17[%add3A_21, %dma_wait3A_124] : memref<10240x72xf32, #tpu.memory_space<vmem_shared>> -> memref<80x72xf32, #tpu.memory_space<vmem_shared>>
      tpu.wait_dma2 semaphore(%run_scoped3A : memref<!tpu.dma_semaphore, #tpu.memory_space<semaphore_mem>>) src(%arg14 : memref<80x72xf32, #tpu.memory_space<vmem>>) dst(%dma_wait3A_125 : memref<80x72xf32, #tpu.memory_space<vmem_shared>>)
      tpu.yield
    }) : () -> ()
    %mul3A_22 = arith.constant 640 : i32
    %mul3A_23 = arith.muli %arg1, %mul3A_22 : i32
    %add3A_24 = arith.constant 240 : i32
    %add3A_25 = arith.addi %mul3A_23, %add3A_24 : i32
    "tpu.region"() ({
      %run_scoped3A = tpu.sem_alloc : memref<!tpu.dma_semaphore, #tpu.memory_space<semaphore_mem>>
      %dma_start3A_118 = arith.constant 0 : i32
      %dma_start3A_119 = tpu.memref_slice %arg17[%add3A_25, %dma_start3A_118] : memref<10240x72xf32, #tpu.memory_space<vmem_shared>> -> memref<80x72xf32, #tpu.memory_space<vmem_shared>>
      %dma_start3A_120 = arith.constant 0 : i32
      %dma_start3A_121 = tpu.memref_slice %arg17[%add3A_25, %dma_start3A_120] : memref<10240x72xf32, #tpu.memory_space<vmem_shared>> -> memref<80x72xf32, #tpu.memory_space<vmem_shared>>
      tpu.enqueue_dma source(%arg14 : memref<80x72xf32, #tpu.memory_space<vmem>>) target(%dma_start3A_121 : memref<80x72xf32, #tpu.memory_space<vmem_shared>>) target_semaphore(%run_scoped3A : memref<!tpu.dma_semaphore, #tpu.memory_space<semaphore_mem>>)
      %dma_wait3A_122 = arith.constant 0 : i32
      %dma_wait3A_123 = tpu.memref_slice %arg17[%add3A_25, %dma_wait3A_122] : memref<10240x72xf32, #tpu.memory_space<vmem_shared>> -> memref<80x72xf32, #tpu.memory_space<vmem_shared>>
      %dma_wait3A_124 = arith.constant 0 : i32
      %dma_wait3A_125 = tpu.memref_slice %arg17[%add3A_25, %dma_wait3A_124] : memref<10240x72xf32, #tpu.memory_space<vmem_shared>> -> memref<80x72xf32, #tpu.memory_space<vmem_shared>>
      tpu.wait_dma2 semaphore(%run_scoped3A : memref<!tpu.dma_semaphore, #tpu.memory_space<semaphore_mem>>) src(%arg14 : memref<80x72xf32, #tpu.memory_space<vmem>>) dst(%dma_wait3A_125 : memref<80x72xf32, #tpu.memory_space<vmem_shared>>)
      tpu.yield
    }) : () -> ()
    %mul3A_26 = arith.constant 640 : i32
    %mul3A_27 = arith.muli %arg1, %mul3A_26 : i32
    %add3A_28 = arith.constant 320 : i32
    %add3A_29 = arith.addi %mul3A_27, %add3A_28 : i32
    "tpu.region"() ({
      %run_scoped3A = tpu.sem_alloc : memref<!tpu.dma_semaphore, #tpu.memory_space<semaphore_mem>>
      %dma_start3A_118 = arith.constant 0 : i32
      %dma_start3A_119 = tpu.memref_slice %arg17[%add3A_29, %dma_start3A_118] : memref<10240x72xf32, #tpu.memory_space<vmem_shared>> -> memref<80x72xf32, #tpu.memory_space<vmem_shared>>
      %dma_start3A_120 = arith.constant 0 : i32
      %dma_start3A_121 = tpu.memref_slice %arg17[%add3A_29, %dma_start3A_120] : memref<10240x72xf32, #tpu.memory_space<vmem_shared>> -> memref<80x72xf32, #tpu.memory_space<vmem_shared>>
      tpu.enqueue_dma source(%arg14 : memref<80x72xf32, #tpu.memory_space<vmem>>) target(%dma_start3A_121 : memref<80x72xf32, #tpu.memory_space<vmem_shared>>) target_semaphore(%run_scoped3A : memref<!tpu.dma_semaphore, #tpu.memory_space<semaphore_mem>>)
      %dma_wait3A_122 = arith.constant 0 : i32
      %dma_wait3A_123 = tpu.memref_slice %arg17[%add3A_29, %dma_wait3A_122] : memref<10240x72xf32, #tpu.memory_space<vmem_shared>> -> memref<80x72xf32, #tpu.memory_space<vmem_shared>>
      %dma_wait3A_124 = arith.constant 0 : i32
      %dma_wait3A_125 = tpu.memref_slice %arg17[%add3A_29, %dma_wait3A_124] : memref<10240x72xf32, #tpu.memory_space<vmem_shared>> -> memref<80x72xf32, #tpu.memory_space<vmem_shared>>
      tpu.wait_dma2 semaphore(%run_scoped3A : memref<!tpu.dma_semaphore, #tpu.memory_space<semaphore_mem>>) src(%arg14 : memref<80x72xf32, #tpu.memory_space<vmem>>) dst(%dma_wait3A_125 : memref<80x72xf32, #tpu.memory_space<vmem_shared>>)
      tpu.yield
    }) : () -> ()
    %mul3A_30 = arith.constant 640 : i32
    %mul3A_31 = arith.muli %arg1, %mul3A_30 : i32
    %add3A_32 = arith.constant 400 : i32
    %add3A_33 = arith.addi %mul3A_31, %add3A_32 : i32
    "tpu.region"() ({
      %run_scoped3A = tpu.sem_alloc : memref<!tpu.dma_semaphore, #tpu.memory_space<semaphore_mem>>
      %dma_start3A_118 = arith.constant 0 : i32
      %dma_start3A_119 = tpu.memref_slice %arg17[%add3A_33, %dma_start3A_118] : memref<10240x72xf32, #tpu.memory_space<vmem_shared>> -> memref<80x72xf32, #tpu.memory_space<vmem_shared>>
      %dma_start3A_120 = arith.constant 0 : i32
      %dma_start3A_121 = tpu.memref_slice %arg17[%add3A_33, %dma_start3A_120] : memref<10240x72xf32, #tpu.memory_space<vmem_shared>> -> memref<80x72xf32, #tpu.memory_space<vmem_shared>>
      tpu.enqueue_dma source(%arg14 : memref<80x72xf32, #tpu.memory_space<vmem>>) target(%dma_start3A_121 : memref<80x72xf32, #tpu.memory_space<vmem_shared>>) target_semaphore(%run_scoped3A : memref<!tpu.dma_semaphore, #tpu.memory_space<semaphore_mem>>)
      %dma_wait3A_122 = arith.constant 0 : i32
      %dma_wait3A_123 = tpu.memref_slice %arg17[%add3A_33, %dma_wait3A_122] : memref<10240x72xf32, #tpu.memory_space<vmem_shared>> -> memref<80x72xf32, #tpu.memory_space<vmem_shared>>
      %dma_wait3A_124 = arith.constant 0 : i32
      %dma_wait3A_125 = tpu.memref_slice %arg17[%add3A_33, %dma_wait3A_124] : memref<10240x72xf32, #tpu.memory_space<vmem_shared>> -> memref<80x72xf32, #tpu.memory_space<vmem_shared>>
      tpu.wait_dma2 semaphore(%run_scoped3A : memref<!tpu.dma_semaphore, #tpu.memory_space<semaphore_mem>>) src(%arg14 : memref<80x72xf32, #tpu.memory_space<vmem>>) dst(%dma_wait3A_125 : memref<80x72xf32, #tpu.memory_space<vmem_shared>>)
      tpu.yield
    }) : () -> ()
    %mul3A_34 = arith.constant 640 : i32
    %mul3A_35 = arith.muli %arg1, %mul3A_34 : i32
    %add3A_36 = arith.constant 480 : i32
    %add3A_37 = arith.addi %mul3A_35, %add3A_36 : i32
    "tpu.region"() ({
      %run_scoped3A = tpu.sem_alloc : memref<!tpu.dma_semaphore, #tpu.memory_space<semaphore_mem>>
      %dma_start3A_118 = arith.constant 0 : i32
      %dma_start3A_119 = tpu.memref_slice %arg17[%add3A_37, %dma_start3A_118] : memref<10240x72xf32, #tpu.memory_space<vmem_shared>> -> memref<80x72xf32, #tpu.memory_space<vmem_shared>>
      %dma_start3A_120 = arith.constant 0 : i32
      %dma_start3A_121 = tpu.memref_slice %arg17[%add3A_37, %dma_start3A_120] : memref<10240x72xf32, #tpu.memory_space<vmem_shared>> -> memref<80x72xf32, #tpu.memory_space<vmem_shared>>
      tpu.enqueue_dma source(%arg14 : memref<80x72xf32, #tpu.memory_space<vmem>>) target(%dma_start3A_121 : memref<80x72xf32, #tpu.memory_space<vmem_shared>>) target_semaphore(%run_scoped3A : memref<!tpu.dma_semaphore, #tpu.memory_space<semaphore_mem>>)
      %dma_wait3A_122 = arith.constant 0 : i32
      %dma_wait3A_123 = tpu.memref_slice %arg17[%add3A_37, %dma_wait3A_122] : memref<10240x72xf32, #tpu.memory_space<vmem_shared>> -> memref<80x72xf32, #tpu.memory_space<vmem_shared>>
      %dma_wait3A_124 = arith.constant 0 : i32
      %dma_wait3A_125 = tpu.memref_slice %arg17[%add3A_37, %dma_wait3A_124] : memref<10240x72xf32, #tpu.memory_space<vmem_shared>> -> memref<80x72xf32, #tpu.memory_space<vmem_shared>>
      tpu.wait_dma2 semaphore(%run_scoped3A : memref<!tpu.dma_semaphore, #tpu.memory_space<semaphore_mem>>) src(%arg14 : memref<80x72xf32, #tpu.memory_space<vmem>>) dst(%dma_wait3A_125 : memref<80x72xf32, #tpu.memory_space<vmem_shared>>)
      tpu.yield
    }) : () -> ()
    %mul3A_38 = arith.constant 640 : i32
    %mul3A_39 = arith.muli %arg1, %mul3A_38 : i32
    %add3A_40 = arith.constant 560 : i32
    %add3A_41 = arith.addi %mul3A_39, %add3A_40 : i32
    "tpu.region"() ({
      %run_scoped3A = tpu.sem_alloc : memref<!tpu.dma_semaphore, #tpu.memory_space<semaphore_mem>>
      %dma_start3A_118 = arith.constant 0 : i32
      %dma_start3A_119 = tpu.memref_slice %arg17[%add3A_41, %dma_start3A_118] : memref<10240x72xf32, #tpu.memory_space<vmem_shared>> -> memref<80x72xf32, #tpu.memory_space<vmem_shared>>
      %dma_start3A_120 = arith.constant 0 : i32
      %dma_start3A_121 = tpu.memref_slice %arg17[%add3A_41, %dma_start3A_120] : memref<10240x72xf32, #tpu.memory_space<vmem_shared>> -> memref<80x72xf32, #tpu.memory_space<vmem_shared>>
      tpu.enqueue_dma source(%arg14 : memref<80x72xf32, #tpu.memory_space<vmem>>) target(%dma_start3A_121 : memref<80x72xf32, #tpu.memory_space<vmem_shared>>) target_semaphore(%run_scoped3A : memref<!tpu.dma_semaphore, #tpu.memory_space<semaphore_mem>>)
      %dma_wait3A_122 = arith.constant 0 : i32
      %dma_wait3A_123 = tpu.memref_slice %arg17[%add3A_41, %dma_wait3A_122] : memref<10240x72xf32, #tpu.memory_space<vmem_shared>> -> memref<80x72xf32, #tpu.memory_space<vmem_shared>>
      %dma_wait3A_124 = arith.constant 0 : i32
      %dma_wait3A_125 = tpu.memref_slice %arg17[%add3A_41, %dma_wait3A_124] : memref<10240x72xf32, #tpu.memory_space<vmem_shared>> -> memref<80x72xf32, #tpu.memory_space<vmem_shared>>
      tpu.wait_dma2 semaphore(%run_scoped3A : memref<!tpu.dma_semaphore, #tpu.memory_space<semaphore_mem>>) src(%arg14 : memref<80x72xf32, #tpu.memory_space<vmem>>) dst(%dma_wait3A_125 : memref<80x72xf32, #tpu.memory_space<vmem_shared>>)
      tpu.yield
    }) : () -> ()
    %barrier3A = arith.constant 0 : index
    tpu.barrier barrier_id(%barrier3A)
    %dma_start3A = arith.constant 0 : i32
    %dma_start3A_42 = tpu.memref_slice %arg6[%dma_start3A] : memref<10000xi32, #tpu.memory_space<vmem>> -> memref<80xi32, #tpu.memory_space<vmem>>
    %dma_start3A_43 = arith.constant 0 : i32
    %dma_start3A_44 = arith.constant 0 : i32
    %dma_start3A_45 = tpu.memref_slice %arg3[%dma_start3A_43, %dma_start3A_44] : memref<10240x72xf32, #tpu.memory_space<hbm>> -> memref<10240x72xf32, #tpu.memory_space<hbm>>
    tpu.enqueue_indirect_dma source(%dma_start3A_45 : memref<10240x72xf32, #tpu.memory_space<hbm>>) target(%arg10 : memref<80x72xf32, #tpu.memory_space<vmem>>) offsets(%dma_start3A_42 : memref<80xi32, #tpu.memory_space<vmem>>) semaphore(%arg18 : memref<!tpu.dma_semaphore, #tpu.memory_space<semaphore_mem>>)
    %dma_start3A_46 = arith.constant 0 : i32
    %dma_start3A_47 = tpu.memref_slice %arg7[%dma_start3A_46] : memref<10000xi32, #tpu.memory_space<vmem>> -> memref<80xi32, #tpu.memory_space<vmem>>
    %dma_start3A_48 = arith.constant 0 : i32
    %dma_start3A_49 = arith.constant 0 : i32
    %dma_start3A_50 = tpu.memref_slice %arg4[%dma_start3A_48, %dma_start3A_49] : memref<10240x16xf32, #tpu.memory_space<hbm>> -> memref<10240x16xf32, #tpu.memory_space<hbm>>
    tpu.enqueue_indirect_dma source(%dma_start3A_50 : memref<10240x16xf32, #tpu.memory_space<hbm>>) target(%arg12 : memref<80x16xf32, #tpu.memory_space<vmem>>) offsets(%dma_start3A_47 : memref<80xi32, #tpu.memory_space<vmem>>) semaphore(%arg20 : memref<!tpu.dma_semaphore, #tpu.memory_space<semaphore_mem>>)
    %scan3A_51 = arith.constant 0 : i32
    %scan3A_52 = arith.constant 0 : i32
    %scan3A_53 = arith.constant 62 : i32
    %scan3A_54 = arith.addi %scan3A_52, %scan3A_53 : i32
    %scan3A_55 = arith.constant 1 : i32
    scf.for %scan3A_118 = %scan3A_52 to %scan3A_54 step %scan3A_55  : i32 {
      %mul3A_119 = arith.constant 2 : i32
      %mul3A_120 = arith.muli %mul3A_119, %scan3A_118 : i32
      %add3A_121 = arith.constant 1 : i32
      %add3A_122 = arith.addi %mul3A_120, %add3A_121 : i32
      %mul3A_123 = arith.constant 80 : i32
      %mul3A_124 = arith.muli %add3A_122, %mul3A_123 : i32
      %dma_start3A_125 = tpu.memref_slice %arg6[%mul3A_124] : memref<10000xi32, #tpu.memory_space<vmem>> -> memref<80xi32, #tpu.memory_space<vmem>>
      %dma_start3A_126 = arith.constant 0 : i32
      %dma_start3A_127 = arith.constant 0 : i32
      %dma_start3A_128 = tpu.memref_slice %arg3[%dma_start3A_126, %dma_start3A_127] : memref<10240x72xf32, #tpu.memory_space<hbm>> -> memref<10240x72xf32, #tpu.memory_space<hbm>>
      tpu.enqueue_indirect_dma source(%dma_start3A_128 : memref<10240x72xf32, #tpu.memory_space<hbm>>) target(%arg11 : memref<80x72xf32, #tpu.memory_space<vmem>>) offsets(%dma_start3A_125 : memref<80xi32, #tpu.memory_space<vmem>>) semaphore(%arg19 : memref<!tpu.dma_semaphore, #tpu.memory_space<semaphore_mem>>)
      %mul3A_129 = arith.constant 80 : i32
      %mul3A_130 = arith.muli %add3A_122, %mul3A_129 : i32
      %dma_start3A_131 = tpu.memref_slice %arg7[%mul3A_130] : memref<10000xi32, #tpu.memory_space<vmem>> -> memref<80xi32, #tpu.memory_space<vmem>>
      %dma_start3A_132 = arith.constant 0 : i32
      %dma_start3A_133 = arith.constant 0 : i32
      %dma_start3A_134 = tpu.memref_slice %arg4[%dma_start3A_132, %dma_start3A_133] : memref<10240x16xf32, #tpu.memory_space<hbm>> -> memref<10240x16xf32, #tpu.memory_space<hbm>>
      tpu.enqueue_indirect_dma source(%dma_start3A_134 : memref<10240x16xf32, #tpu.memory_space<hbm>>) target(%arg13 : memref<80x16xf32, #tpu.memory_space<vmem>>) offsets(%dma_start3A_131 : memref<80xi32, #tpu.memory_space<vmem>>) semaphore(%arg21 : memref<!tpu.dma_semaphore, #tpu.memory_space<semaphore_mem>>)
      %mul3A_135 = arith.constant 2 : i32
      %mul3A_136 = arith.muli %mul3A_135, %scan3A_118 : i32
      %mul3A_137 = arith.constant 80 : i32
      %mul3A_138 = arith.muli %mul3A_136, %mul3A_137 : i32
      %dma_wait3A_139 = tpu.memref_slice %arg6[%mul3A_138] : memref<10000xi32, #tpu.memory_space<vmem>> -> memref<80xi32, #tpu.memory_space<vmem>>
      %dma_wait3A_140 = arith.constant 0 : i32
      %dma_wait3A_141 = arith.constant 0 : i32
      %dma_wait3A_142 = tpu.memref_slice %arg3[%dma_wait3A_140, %dma_wait3A_141] : memref<10240x72xf32, #tpu.memory_space<hbm>> -> memref<10240x72xf32, #tpu.memory_space<hbm>>
      tpu.wait_indirect_dma semaphore(%arg18 : memref<!tpu.dma_semaphore, #tpu.memory_space<semaphore_mem>>) src(%dma_wait3A_142 : memref<10240x72xf32, #tpu.memory_space<hbm>>) dst(%arg10 : memref<80x72xf32, #tpu.memory_space<vmem>>)
      %mul3A_143 = arith.constant 80 : i32
      %mul3A_144 = arith.muli %mul3A_136, %mul3A_143 : i32
      %dma_wait3A_145 = tpu.memref_slice %arg7[%mul3A_144] : memref<10000xi32, #tpu.memory_space<vmem>> -> memref<80xi32, #tpu.memory_space<vmem>>
      %dma_wait3A_146 = arith.constant 0 : i32
      %dma_wait3A_147 = arith.constant 0 : i32
      %dma_wait3A_148 = tpu.memref_slice %arg4[%dma_wait3A_146, %dma_wait3A_147] : memref<10240x16xf32, #tpu.memory_space<hbm>> -> memref<10240x16xf32, #tpu.memory_space<hbm>>
      tpu.wait_indirect_dma semaphore(%arg20 : memref<!tpu.dma_semaphore, #tpu.memory_space<semaphore_mem>>) src(%dma_wait3A_148 : memref<10240x16xf32, #tpu.memory_space<hbm>>) dst(%arg12 : memref<80x16xf32, #tpu.memory_space<vmem>>)
      %ge3A = arith.constant 2 : i32
      %ge3A_149 = arith.cmpi sge, %mul3A_136, %ge3A : i32
      %convert_element_type3A = arith.extui %ge3A_149 : i1 to i32
      %cond3A = arith.constant 0 : i32
      %cond3A_150 = arith.cmpi ne, %convert_element_type3A, %cond3A : i32
      scf.if %cond3A_150 {
        %dma_wait3A_304 = arith.constant 0 : i32
        %dma_wait3A_305 = arith.constant 0 : i32
        %dma_wait3A_306 = tpu.memref_slice %arg17[%dma_wait3A_304, %dma_wait3A_305] : memref<10240x72xf32, #tpu.memory_space<vmem_shared>> -> memref<10240x72xf32, #tpu.memory_space<vmem_shared>>
        tpu.wait_indirect_dma semaphore(%arg22 : memref<!tpu.dma_semaphore, #tpu.memory_space<semaphore_mem>>) src(%arg14 : memref<80x72xf32, #tpu.memory_space<vmem>>) dst(%dma_wait3A_306 : memref<10240x72xf32, #tpu.memory_space<vmem_shared>>)
      } else {
      }
      %and3A_151 = arith.constant 7 : i32
      %and3A_152 = vector.broadcast %and3A_151 : i32 to vector<16xi32>
      %and3A_153 = arith.andi %iota3A, %and3A_152 : vector<16xi32>
      %add3A_154 = arith.constant 64 : i32
      %add3A_155 = vector.broadcast %add3A_154 : i32 to vector<16xi32>
      %add3A_156 = arith.addi %add3A_155, %and3A_153 : vector<16xi32>
      %and3A_157 = arith.constant 7 : i32
      %and3A_158 = vector.broadcast %and3A_157 : i32 to vector<16xi32>
      %and3A_159 = arith.andi %iota3A, %and3A_158 : vector<16xi32>
      %and3A_160 = arith.constant 7 : i32
      %and3A_161 = vector.broadcast %and3A_160 : i32 to vector<16xi32>
      %and3A_162 = arith.andi %iota3A, %and3A_161 : vector<16xi32>
      %scan3A_163 = arith.constant 0 : i32
      %scan3A_164 = arith.constant 0 : i32
      %scan3A_165 = arith.constant 20 : i32
      %scan3A_166 = arith.addi %scan3A_164, %scan3A_165 : i32
      %scan3A_167 = arith.constant 1 : i32
      scf.for %scan3A_304 = %scan3A_164 to %scan3A_166 step %scan3A_167  : i32 {
        %mul3A_305 = arith.constant 4 : i32
        %mul3A_306 = arith.muli %mul3A_305, %scan3A_304 : i32
        %shift_right_arithmetic3A = arith.constant 3 : i32
        %shift_right_arithmetic3A_307 = vector.broadcast %shift_right_arithmetic3A : i32 to vector<16xi32>
        %shift_right_arithmetic3A_308 = arith.shrsi %iota3A, %shift_right_arithmetic3A_307 : vector<16xi32>
        %add3A_309 = vector.broadcast %mul3A_306 : i32 to vector<16xi32>
        %add3A_310 = arith.addi %add3A_309, %shift_right_arithmetic3A_308 : vector<16xi32>
        %add3A_311 = arith.constant 2 : i32
        %add3A_312 = vector.broadcast %add3A_311 : i32 to vector<16xi32>
        %add3A_313 = arith.addi %add3A_310, %add3A_312 : vector<16xi32>
        %gather3A = tpu.vector_load_idx %arg10[%add3A_310, %add3A_156] : memref<80x72xf32, #tpu.memory_space<vmem>>[vector<16xi32>, vector<16xi32>], vector<16xf32>,
        %gather3A_314 = tpu.vector_load_idx %arg12[%add3A_310, %and3A_159] : memref<80x16xf32, #tpu.memory_space<vmem>>[vector<16xi32>, vector<16xi32>], vector<16xf32>,
        %gather3A_315 = tpu.vector_load_idx %arg10[%add3A_313, %add3A_156] : memref<80x72xf32, #tpu.memory_space<vmem>>[vector<16xi32>, vector<16xi32>], vector<16xf32>,
        %gather3A_316 = tpu.vector_load_idx %arg12[%add3A_313, %and3A_159] : memref<80x16xf32, #tpu.memory_space<vmem>>[vector<16xi32>, vector<16xi32>], vector<16xf32>,
        %add3A_317 = arith.addf %gather3A, %gather3A_314 : vector<16xf32>
        %ge3A_318 = arith.constant 0.000000e+00 : f32
        %ge3A_319 = vector.broadcast %ge3A_318 : f32 to vector<16xf32>
        %ge3A_320 = arith.cmpf oge, %add3A_317, %ge3A_319 : vector<16xf32>
        %mul3A_321 = arith.constant 2.000000e-01 : f32
        %mul3A_322 = vector.broadcast %mul3A_321 : f32 to vector<16xf32>
        %mul3A_323 = arith.mulf %mul3A_322, %add3A_317 : vector<16xf32>
        %select_n3A = arith.select %ge3A_320, %add3A_317, %mul3A_323 : vector<16xi1>, vector<16xf32>
        %exp3A = math.exp %select_n3A : vector<16xf32>
        %add3A_324 = arith.addf %gather3A_315, %gather3A_316 : vector<16xf32>
        %ge3A_325 = arith.constant 0.000000e+00 : f32
        %ge3A_326 = vector.broadcast %ge3A_325 : f32 to vector<16xf32>
        %ge3A_327 = arith.cmpf oge, %add3A_324, %ge3A_326 : vector<16xf32>
        %mul3A_328 = arith.constant 2.000000e-01 : f32
        %mul3A_329 = vector.broadcast %mul3A_328 : f32 to vector<16xf32>
        %mul3A_330 = arith.mulf %mul3A_329, %add3A_324 : vector<16xf32>
        %select_n3A_331 = arith.select %ge3A_327, %add3A_324, %mul3A_330 : vector<16xi1>, vector<16xf32>
        %exp3A_332 = math.exp %select_n3A_331 : vector<16xf32>
        tpu.vector_store_idx %arg14[%add3A_310, %add3A_156], %exp3A : memref<80x72xf32, #tpu.memory_space<vmem>>[vector<16xi32>, vector<16xi32>], vector<16xf32>,
        tpu.vector_store_idx %arg14[%add3A_313, %add3A_156], %exp3A_332 : memref<80x72xf32, #tpu.memory_space<vmem>>[vector<16xi32>, vector<16xi32>], vector<16xf32>,
        %lt3A = arith.constant 0 : i32
        %lt3A_333 = vector.broadcast %lt3A : i32 to vector<16xi32>
        %lt3A_334 = arith.cmpi slt, %and3A_162, %lt3A_333 : vector<16xi32>
        %add3A_335 = arith.constant 16 : i32
        %add3A_336 = vector.broadcast %add3A_335 : i32 to vector<16xi32>
        %add3A_337 = arith.addi %and3A_162, %add3A_336 : vector<16xi32>
        %select_n3A_338 = arith.select %lt3A_334, %add3A_337, %and3A_162 : vector<16xi1>, vector<16xi32>
        %broadcast_in_dim3A = vector.shape_cast %select_n3A_338 : vector<16xi32> to vector<16x1xi32>
        %gather3A_339 = vector.shape_cast %broadcast_in_dim3A : vector<16x1xi32> to vector<16xi32>
        %gather3A_340 = tpu.dynamic_gather %exp3A[%gather3A_339] in [0] : vector<16xf32>, vector<16xi32> -> vector<16xf32>
        %add3A_341 = arith.constant 8 : i32
        %add3A_342 = vector.broadcast %add3A_341 : i32 to vector<16xi32>
        %add3A_343 = arith.addi %and3A_162, %add3A_342 : vector<16xi32>
        %lt3A_344 = arith.constant 0 : i32
        %lt3A_345 = vector.broadcast %lt3A_344 : i32 to vector<16xi32>
        %lt3A_346 = arith.cmpi slt, %add3A_343, %lt3A_345 : vector<16xi32>
        %add3A_347 = arith.constant 16 : i32
        %add3A_348 = vector.broadcast %add3A_347 : i32 to vector<16xi32>
        %add3A_349 = arith.addi %add3A_343, %add3A_348 : vector<16xi32>
        %select_n3A_350 = arith.select %lt3A_346, %add3A_349, %add3A_343 : vector<16xi1>, vector<16xi32>
        %broadcast_in_dim3A_351 = vector.shape_cast %select_n3A_350 : vector<16xi32> to vector<16x1xi32>
        %gather3A_352 = vector.shape_cast %broadcast_in_dim3A_351 : vector<16x1xi32> to vector<16xi32>
        %gather3A_353 = tpu.dynamic_gather %exp3A[%gather3A_352] in [0] : vector<16xf32>, vector<16xi32> -> vector<16xf32>
        %lt3A_354 = arith.constant 0 : i32
        %lt3A_355 = vector.broadcast %lt3A_354 : i32 to vector<16xi32>
        %lt3A_356 = arith.cmpi slt, %and3A_162, %lt3A_355 : vector<16xi32>
        %add3A_357 = arith.constant 16 : i32
        %add3A_358 = vector.broadcast %add3A_357 : i32 to vector<16xi32>
        %add3A_359 = arith.addi %and3A_162, %add3A_358 : vector<16xi32>
        %select_n3A_360 = arith.select %lt3A_356, %add3A_359, %and3A_162 : vector<16xi1>, vector<16xi32>
        %broadcast_in_dim3A_361 = vector.shape_cast %select_n3A_360 : vector<16xi32> to vector<16x1xi32>
        %gather3A_362 = vector.shape_cast %broadcast_in_dim3A_361 : vector<16x1xi32> to vector<16xi32>
        %gather3A_363 = tpu.dynamic_gather %exp3A_332[%gather3A_362] in [0] : vector<16xf32>, vector<16xi32> -> vector<16xf32>
        %add3A_364 = arith.constant 8 : i32
        %add3A_365 = vector.broadcast %add3A_364 : i32 to vector<16xi32>
        %add3A_366 = arith.addi %and3A_162, %add3A_365 : vector<16xi32>
        %lt3A_367 = arith.constant 0 : i32
        %lt3A_368 = vector.broadcast %lt3A_367 : i32 to vector<16xi32>
        %lt3A_369 = arith.cmpi slt, %add3A_366, %lt3A_368 : vector<16xi32>
        %add3A_370 = arith.constant 16 : i32
        %add3A_371 = vector.broadcast %add3A_370 : i32 to vector<16xi32>
        %add3A_372 = arith.addi %add3A_366, %add3A_371 : vector<16xi32>
        %select_n3A_373 = arith.select %lt3A_369, %add3A_372, %add3A_366 : vector<16xi1>, vector<16xi32>
        %broadcast_in_dim3A_374 = vector.shape_cast %select_n3A_373 : vector<16xi32> to vector<16x1xi32>
        %gather3A_375 = vector.shape_cast %broadcast_in_dim3A_374 : vector<16x1xi32> to vector<16xi32>
        %gather3A_376 = tpu.dynamic_gather %exp3A_332[%gather3A_375] in [0] : vector<16xf32>, vector<16xi32> -> vector<16xf32>
        %add3A_377 = arith.constant 0 : i32
        %add3A_378 = arith.addi %mul3A_306, %add3A_377 : i32
        %get3A_379 = arith.index_cast %add3A_378 : i32 to index
        %get3A_380 = arith.constant 0 : index
        %get3A_381 = tpu.vector_load %arg10[%get3A_379, %get3A_380] {strides = array<i32>} : memref<80x72xf32, #tpu.memory_space<vmem>>, vector<16xf32>,
        %add3A_382 = arith.constant 0 : i32
        %add3A_383 = arith.addi %mul3A_306, %add3A_382 : i32
        %get3A_384 = arith.index_cast %add3A_383 : i32 to index
        %get3A_385 = arith.constant 16 : index
        %get3A_386 = tpu.vector_load %arg10[%get3A_384, %get3A_385] {strides = array<i32>} : memref<80x72xf32, #tpu.memory_space<vmem>>, vector<16xf32>,
        %add3A_387 = arith.constant 0 : i32
        %add3A_388 = arith.addi %mul3A_306, %add3A_387 : i32
        %get3A_389 = arith.index_cast %add3A_388 : i32 to index
        %get3A_390 = arith.constant 32 : index
        %get3A_391 = tpu.vector_load %arg10[%get3A_389, %get3A_390] {strides = array<i32>} : memref<80x72xf32, #tpu.memory_space<vmem>>, vector<16xf32>,
        %add3A_392 = arith.constant 0 : i32
        %add3A_393 = arith.addi %mul3A_306, %add3A_392 : i32
        %get3A_394 = arith.index_cast %add3A_393 : i32 to index
        %get3A_395 = arith.constant 48 : index
        %get3A_396 = tpu.vector_load %arg10[%get3A_394, %get3A_395] {strides = array<i32>} : memref<80x72xf32, #tpu.memory_space<vmem>>, vector<16xf32>,
        %add3A_397 = arith.constant 1 : i32
        %add3A_398 = arith.addi %mul3A_306, %add3A_397 : i32
        %get3A_399 = arith.index_cast %add3A_398 : i32 to index
        %get3A_400 = arith.constant 0 : index
        %get3A_401 = tpu.vector_load %arg10[%get3A_399, %get3A_400] {strides = array<i32>} : memref<80x72xf32, #tpu.memory_space<vmem>>, vector<16xf32>,
        %add3A_402 = arith.constant 1 : i32
        %add3A_403 = arith.addi %mul3A_306, %add3A_402 : i32
        %get3A_404 = arith.index_cast %add3A_403 : i32 to index
        %get3A_405 = arith.constant 16 : index
        %get3A_406 = tpu.vector_load %arg10[%get3A_404, %get3A_405] {strides = array<i32>} : memref<80x72xf32, #tpu.memory_space<vmem>>, vector<16xf32>,
        %add3A_407 = arith.constant 1 : i32
        %add3A_408 = arith.addi %mul3A_306, %add3A_407 : i32
        %get3A_409 = arith.index_cast %add3A_408 : i32 to index
        %get3A_410 = arith.constant 32 : index
        %get3A_411 = tpu.vector_load %arg10[%get3A_409, %get3A_410] {strides = array<i32>} : memref<80x72xf32, #tpu.memory_space<vmem>>, vector<16xf32>,
        %add3A_412 = arith.constant 1 : i32
        %add3A_413 = arith.addi %mul3A_306, %add3A_412 : i32
        %get3A_414 = arith.index_cast %add3A_413 : i32 to index
        %get3A_415 = arith.constant 48 : index
        %get3A_416 = tpu.vector_load %arg10[%get3A_414, %get3A_415] {strides = array<i32>} : memref<80x72xf32, #tpu.memory_space<vmem>>, vector<16xf32>,
        %add3A_417 = arith.constant 2 : i32
        %add3A_418 = arith.addi %mul3A_306, %add3A_417 : i32
        %get3A_419 = arith.index_cast %add3A_418 : i32 to index
        %get3A_420 = arith.constant 0 : index
        %get3A_421 = tpu.vector_load %arg10[%get3A_419, %get3A_420] {strides = array<i32>} : memref<80x72xf32, #tpu.memory_space<vmem>>, vector<16xf32>,
        %add3A_422 = arith.constant 2 : i32
        %add3A_423 = arith.addi %mul3A_306, %add3A_422 : i32
        %get3A_424 = arith.index_cast %add3A_423 : i32 to index
        %get3A_425 = arith.constant 16 : index
        %get3A_426 = tpu.vector_load %arg10[%get3A_424, %get3A_425] {strides = array<i32>} : memref<80x72xf32, #tpu.memory_space<vmem>>, vector<16xf32>,
        %add3A_427 = arith.constant 2 : i32
        %add3A_428 = arith.addi %mul3A_306, %add3A_427 : i32
        %get3A_429 = arith.index_cast %add3A_428 : i32 to index
        %get3A_430 = arith.constant 32 : index
        %get3A_431 = tpu.vector_load %arg10[%get3A_429, %get3A_430] {strides = array<i32>} : memref<80x72xf32, #tpu.memory_space<vmem>>, vector<16xf32>,
        %add3A_432 = arith.constant 2 : i32
        %add3A_433 = arith.addi %mul3A_306, %add3A_432 : i32
        %get3A_434 = arith.index_cast %add3A_433 : i32 to index
        %get3A_435 = arith.constant 48 : index
        %get3A_436 = tpu.vector_load %arg10[%get3A_434, %get3A_435] {strides = array<i32>} : memref<80x72xf32, #tpu.memory_space<vmem>>, vector<16xf32>,
        %add3A_437 = arith.constant 3 : i32
        %add3A_438 = arith.addi %mul3A_306, %add3A_437 : i32
        %get3A_439 = arith.index_cast %add3A_438 : i32 to index
        %get3A_440 = arith.constant 0 : index
        %get3A_441 = tpu.vector_load %arg10[%get3A_439, %get3A_440] {strides = array<i32>} : memref<80x72xf32, #tpu.memory_space<vmem>>, vector<16xf32>,
        %add3A_442 = arith.constant 3 : i32
        %add3A_443 = arith.addi %mul3A_306, %add3A_442 : i32
        %get3A_444 = arith.index_cast %add3A_443 : i32 to index
        %get3A_445 = arith.constant 16 : index
        %get3A_446 = tpu.vector_load %arg10[%get3A_444, %get3A_445] {strides = array<i32>} : memref<80x72xf32, #tpu.memory_space<vmem>>, vector<16xf32>,
        %add3A_447 = arith.constant 3 : i32
        %add3A_448 = arith.addi %mul3A_306, %add3A_447 : i32
        %get3A_449 = arith.index_cast %add3A_448 : i32 to index
        %get3A_450 = arith.constant 32 : index
        %get3A_451 = tpu.vector_load %arg10[%get3A_449, %get3A_450] {strides = array<i32>} : memref<80x72xf32, #tpu.memory_space<vmem>>, vector<16xf32>,
        %add3A_452 = arith.constant 3 : i32
        %add3A_453 = arith.addi %mul3A_306, %add3A_452 : i32
        %get3A_454 = arith.index_cast %add3A_453 : i32 to index
        %get3A_455 = arith.constant 48 : index
        %get3A_456 = tpu.vector_load %arg10[%get3A_454, %get3A_455] {strides = array<i32>} : memref<80x72xf32, #tpu.memory_space<vmem>>, vector<16xf32>,
        %mul3A_457 = arith.mulf %get3A_381, %gather3A_340 : vector<16xf32>
        %mul3A_458 = arith.mulf %get3A_386, %gather3A_340 : vector<16xf32>
        %mul3A_459 = arith.mulf %get3A_391, %gather3A_340 : vector<16xf32>
        %mul3A_460 = arith.mulf %get3A_396, %gather3A_340 : vector<16xf32>
        %mul3A_461 = arith.mulf %get3A_401, %gather3A_353 : vector<16xf32>
        %mul3A_462 = arith.mulf %get3A_406, %gather3A_353 : vector<16xf32>
        %mul3A_463 = arith.mulf %get3A_411, %gather3A_353 : vector<16xf32>
        %mul3A_464 = arith.mulf %get3A_416, %gather3A_353 : vector<16xf32>
        %mul3A_465 = arith.mulf %get3A_421, %gather3A_363 : vector<16xf32>
        %mul3A_466 = arith.mulf %get3A_426, %gather3A_363 : vector<16xf32>
        %mul3A_467 = arith.mulf %get3A_431, %gather3A_363 : vector<16xf32>
        %mul3A_468 = arith.mulf %get3A_436, %gather3A_363 : vector<16xf32>
        %mul3A_469 = arith.mulf %get3A_441, %gather3A_376 : vector<16xf32>
        %mul3A_470 = arith.mulf %get3A_446, %gather3A_376 : vector<16xf32>
        %mul3A_471 = arith.mulf %get3A_451, %gather3A_376 : vector<16xf32>
        %mul3A_472 = arith.mulf %get3A_456, %gather3A_376 : vector<16xf32>
        %add3A_473 = arith.constant 0 : i32
        %add3A_474 = arith.addi %mul3A_306, %add3A_473 : i32
        %swap3A_475 = arith.index_cast %add3A_474 : i32 to index
        %swap3A_476 = arith.constant 0 : index
        %swap3A_477 = tpu.vector_load %arg14[%swap3A_475, %swap3A_476] {strides = array<i32>} : memref<80x72xf32, #tpu.memory_space<vmem>>, vector<16xf32>,
        tpu.vector_store %arg14[%swap3A_475, %swap3A_476], %mul3A_457 {strides = array<i32>} : memref<80x72xf32, #tpu.memory_space<vmem>>, vector<16xf32>,
        %add3A_478 = arith.constant 0 : i32
        %add3A_479 = arith.addi %mul3A_306, %add3A_478 : i32
        %swap3A_480 = arith.index_cast %add3A_479 : i32 to index
        %swap3A_481 = arith.constant 16 : index
        %swap3A_482 = tpu.vector_load %arg14[%swap3A_480, %swap3A_481] {strides = array<i32>} : memref<80x72xf32, #tpu.memory_space<vmem>>, vector<16xf32>,
        tpu.vector_store %arg14[%swap3A_480, %swap3A_481], %mul3A_458 {strides = array<i32>} : memref<80x72xf32, #tpu.memory_space<vmem>>, vector<16xf32>,
        %add3A_483 = arith.constant 0 : i32
        %add3A_484 = arith.addi %mul3A_306, %add3A_483 : i32
        %swap3A_485 = arith.index_cast %add3A_484 : i32 to index
        %swap3A_486 = arith.constant 32 : index
        %swap3A_487 = tpu.vector_load %arg14[%swap3A_485, %swap3A_486] {strides = array<i32>} : memref<80x72xf32, #tpu.memory_space<vmem>>, vector<16xf32>,
        tpu.vector_store %arg14[%swap3A_485, %swap3A_486], %mul3A_459 {strides = array<i32>} : memref<80x72xf32, #tpu.memory_space<vmem>>, vector<16xf32>,
        %add3A_488 = arith.constant 0 : i32
        %add3A_489 = arith.addi %mul3A_306, %add3A_488 : i32
        %swap3A_490 = arith.index_cast %add3A_489 : i32 to index
        %swap3A_491 = arith.constant 48 : index
        %swap3A_492 = tpu.vector_load %arg14[%swap3A_490, %swap3A_491] {strides = array<i32>} : memref<80x72xf32, #tpu.memory_space<vmem>>, vector<16xf32>,
        tpu.vector_store %arg14[%swap3A_490, %swap3A_491], %mul3A_460 {strides = array<i32>} : memref<80x72xf32, #tpu.memory_space<vmem>>, vector<16xf32>,
        %add3A_493 = arith.constant 1 : i32
        %add3A_494 = arith.addi %mul3A_306, %add3A_493 : i32
        %swap3A_495 = arith.index_cast %add3A_494 : i32 to index
        %swap3A_496 = arith.constant 0 : index
        %swap3A_497 = tpu.vector_load %arg14[%swap3A_495, %swap3A_496] {strides = array<i32>} : memref<80x72xf32, #tpu.memory_space<vmem>>, vector<16xf32>,
        tpu.vector_store %arg14[%swap3A_495, %swap3A_496], %mul3A_461 {strides = array<i32>} : memref<80x72xf32, #tpu.memory_space<vmem>>, vector<16xf32>,
        %add3A_498 = arith.constant 1 : i32
        %add3A_499 = arith.addi %mul3A_306, %add3A_498 : i32
        %swap3A_500 = arith.index_cast %add3A_499 : i32 to index
        %swap3A_501 = arith.constant 16 : index
        %swap3A_502 = tpu.vector_load %arg14[%swap3A_500, %swap3A_501] {strides = array<i32>} : memref<80x72xf32, #tpu.memory_space<vmem>>, vector<16xf32>,
        tpu.vector_store %arg14[%swap3A_500, %swap3A_501], %mul3A_462 {strides = array<i32>} : memref<80x72xf32, #tpu.memory_space<vmem>>, vector<16xf32>,
        %add3A_503 = arith.constant 1 : i32
        %add3A_504 = arith.addi %mul3A_306, %add3A_503 : i32
        %swap3A_505 = arith.index_cast %add3A_504 : i32 to index
        %swap3A_506 = arith.constant 32 : index
        %swap3A_507 = tpu.vector_load %arg14[%swap3A_505, %swap3A_506] {strides = array<i32>} : memref<80x72xf32, #tpu.memory_space<vmem>>, vector<16xf32>,
        tpu.vector_store %arg14[%swap3A_505, %swap3A_506], %mul3A_463 {strides = array<i32>} : memref<80x72xf32, #tpu.memory_space<vmem>>, vector<16xf32>,
        %add3A_508 = arith.constant 1 : i32
        %add3A_509 = arith.addi %mul3A_306, %add3A_508 : i32
        %swap3A_510 = arith.index_cast %add3A_509 : i32 to index
        %swap3A_511 = arith.constant 48 : index
        %swap3A_512 = tpu.vector_load %arg14[%swap3A_510, %swap3A_511] {strides = array<i32>} : memref<80x72xf32, #tpu.memory_space<vmem>>, vector<16xf32>,
        tpu.vector_store %arg14[%swap3A_510, %swap3A_511], %mul3A_464 {strides = array<i32>} : memref<80x72xf32, #tpu.memory_space<vmem>>, vector<16xf32>,
        %add3A_513 = arith.constant 2 : i32
        %add3A_514 = arith.addi %mul3A_306, %add3A_513 : i32
        %swap3A_515 = arith.index_cast %add3A_514 : i32 to index
        %swap3A_516 = arith.constant 0 : index
        %swap3A_517 = tpu.vector_load %arg14[%swap3A_515, %swap3A_516] {strides = array<i32>} : memref<80x72xf32, #tpu.memory_space<vmem>>, vector<16xf32>,
        tpu.vector_store %arg14[%swap3A_515, %swap3A_516], %mul3A_465 {strides = array<i32>} : memref<80x72xf32, #tpu.memory_space<vmem>>, vector<16xf32>,
        %add3A_518 = arith.constant 2 : i32
        %add3A_519 = arith.addi %mul3A_306, %add3A_518 : i32
        %swap3A_520 = arith.index_cast %add3A_519 : i32 to index
        %swap3A_521 = arith.constant 16 : index
        %swap3A_522 = tpu.vector_load %arg14[%swap3A_520, %swap3A_521] {strides = array<i32>} : memref<80x72xf32, #tpu.memory_space<vmem>>, vector<16xf32>,
        tpu.vector_store %arg14[%swap3A_520, %swap3A_521], %mul3A_466 {strides = array<i32>} : memref<80x72xf32, #tpu.memory_space<vmem>>, vector<16xf32>,
        %add3A_523 = arith.constant 2 : i32
        %add3A_524 = arith.addi %mul3A_306, %add3A_523 : i32
        %swap3A_525 = arith.index_cast %add3A_524 : i32 to index
        %swap3A_526 = arith.constant 32 : index
        %swap3A_527 = tpu.vector_load %arg14[%swap3A_525, %swap3A_526] {strides = array<i32>} : memref<80x72xf32, #tpu.memory_space<vmem>>, vector<16xf32>,
        tpu.vector_store %arg14[%swap3A_525, %swap3A_526], %mul3A_467 {strides = array<i32>} : memref<80x72xf32, #tpu.memory_space<vmem>>, vector<16xf32>,
        %add3A_528 = arith.constant 2 : i32
        %add3A_529 = arith.addi %mul3A_306, %add3A_528 : i32
        %swap3A_530 = arith.index_cast %add3A_529 : i32 to index
        %swap3A_531 = arith.constant 48 : index
        %swap3A_532 = tpu.vector_load %arg14[%swap3A_530, %swap3A_531] {strides = array<i32>} : memref<80x72xf32, #tpu.memory_space<vmem>>, vector<16xf32>,
        tpu.vector_store %arg14[%swap3A_530, %swap3A_531], %mul3A_468 {strides = array<i32>} : memref<80x72xf32, #tpu.memory_space<vmem>>, vector<16xf32>,
        %add3A_533 = arith.constant 3 : i32
        %add3A_534 = arith.addi %mul3A_306, %add3A_533 : i32
        %swap3A_535 = arith.index_cast %add3A_534 : i32 to index
        %swap3A_536 = arith.constant 0 : index
        %swap3A_537 = tpu.vector_load %arg14[%swap3A_535, %swap3A_536] {strides = array<i32>} : memref<80x72xf32, #tpu.memory_space<vmem>>, vector<16xf32>,
        tpu.vector_store %arg14[%swap3A_535, %swap3A_536], %mul3A_469 {strides = array<i32>} : memref<80x72xf32, #tpu.memory_space<vmem>>, vector<16xf32>,
        %add3A_538 = arith.constant 3 : i32
        %add3A_539 = arith.addi %mul3A_306, %add3A_538 : i32
        %swap3A_540 = arith.index_cast %add3A_539 : i32 to index
        %swap3A_541 = arith.constant 16 : index
        %swap3A_542 = tpu.vector_load %arg14[%swap3A_540, %swap3A_541] {strides = array<i32>} : memref<80x72xf32, #tpu.memory_space<vmem>>, vector<16xf32>,
        tpu.vector_store %arg14[%swap3A_540, %swap3A_541], %mul3A_470 {strides = array<i32>} : memref<80x72xf32, #tpu.memory_space<vmem>>, vector<16xf32>,
        %add3A_543 = arith.constant 3 : i32
        %add3A_544 = arith.addi %mul3A_306, %add3A_543 : i32
        %swap3A_545 = arith.index_cast %add3A_544 : i32 to index
        %swap3A_546 = arith.constant 32 : index
        %swap3A_547 = tpu.vector_load %arg14[%swap3A_545, %swap3A_546] {strides = array<i32>} : memref<80x72xf32, #tpu.memory_space<vmem>>, vector<16xf32>,
        tpu.vector_store %arg14[%swap3A_545, %swap3A_546], %mul3A_471 {strides = array<i32>} : memref<80x72xf32, #tpu.memory_space<vmem>>, vector<16xf32>,
        %add3A_548 = arith.constant 3 : i32
        %add3A_549 = arith.addi %mul3A_306, %add3A_548 : i32
        %swap3A_550 = arith.index_cast %add3A_549 : i32 to index
        %swap3A_551 = arith.constant 48 : index
        %swap3A_552 = tpu.vector_load %arg14[%swap3A_550, %swap3A_551] {strides = array<i32>} : memref<80x72xf32, #tpu.memory_space<vmem>>, vector<16xf32>,
        tpu.vector_store %arg14[%swap3A_550, %swap3A_551], %mul3A_472 {strides = array<i32>} : memref<80x72xf32, #tpu.memory_space<vmem>>, vector<16xf32>,
      }
      %scan3A_168 = arith.constant 20 : i32
      %mul3A_169 = arith.constant 80 : i32
      %mul3A_170 = arith.muli %mul3A_136, %mul3A_169 : i32
      %add3A_171 = arith.constant 0 : i32
      %add3A_172 = arith.addi %mul3A_170, %add3A_171 : i32
      %get3A_173 = arith.index_cast %add3A_172 : i32 to index
      %get3A_174 = tpu.vector_load %arg7[%get3A_173] {strides = array<i32>} : memref<10000xi32, #tpu.memory_space<vmem>>, vector<16xi32>,
      %swap3A_175 = arith.constant 0 : index
      %swap3A_176 = tpu.vector_load %arg8[%swap3A_175] {strides = array<i32>} : memref<80xi32, #tpu.memory_space<vmem>>, vector<16xi32>,
      tpu.vector_store %arg8[%swap3A_175], %get3A_174 {strides = array<i32>} : memref<80xi32, #tpu.memory_space<vmem>>, vector<16xi32>,
      %mul3A_177 = arith.constant 80 : i32
      %mul3A_178 = arith.muli %mul3A_136, %mul3A_177 : i32
      %add3A_179 = arith.constant 16 : i32
      %add3A_180 = arith.addi %mul3A_178, %add3A_179 : i32
      %get3A_181 = arith.index_cast %add3A_180 : i32 to index
      %get3A_182 = tpu.vector_load %arg7[%get3A_181] {strides = array<i32>} : memref<10000xi32, #tpu.memory_space<vmem>>, vector<16xi32>,
      %swap3A_183 = arith.constant 16 : index
      %swap3A_184 = tpu.vector_load %arg8[%swap3A_183] {strides = array<i32>} : memref<80xi32, #tpu.memory_space<vmem>>, vector<16xi32>,
      tpu.vector_store %arg8[%swap3A_183], %get3A_182 {strides = array<i32>} : memref<80xi32, #tpu.memory_space<vmem>>, vector<16xi32>,
      %mul3A_185 = arith.constant 80 : i32
      %mul3A_186 = arith.muli %mul3A_136, %mul3A_185 : i32
      %add3A_187 = arith.constant 32 : i32
      %add3A_188 = arith.addi %mul3A_186, %add3A_187 : i32
      %get3A_189 = arith.index_cast %add3A_188 : i32 to index
      %get3A_190 = tpu.vector_load %arg7[%get3A_189] {strides = array<i32>} : memref<10000xi32, #tpu.memory_space<vmem>>, vector<16xi32>,
      %swap3A_191 = arith.constant 32 : index
      %swap3A_192 = tpu.vector_load %arg8[%swap3A_191] {strides = array<i32>} : memref<80xi32, #tpu.memory_space<vmem>>, vector<16xi32>,
      tpu.vector_store %arg8[%swap3A_191], %get3A_190 {strides = array<i32>} : memref<80xi32, #tpu.memory_space<vmem>>, vector<16xi32>,
      %mul3A_193 = arith.constant 80 : i32
      %mul3A_194 = arith.muli %mul3A_136, %mul3A_193 : i32
      %add3A_195 = arith.constant 48 : i32
      %add3A_196 = arith.addi %mul3A_194, %add3A_195 : i32
      %get3A_197 = arith.index_cast %add3A_196 : i32 to index
      %get3A_198 = tpu.vector_load %arg7[%get3A_197] {strides = array<i32>} : memref<10000xi32, #tpu.memory_space<vmem>>, vector<16xi32>,
      %swap3A_199 = arith.constant 48 : index
      %swap3A_200 = tpu.vector_load %arg8[%swap3A_199] {strides = array<i32>} : memref<80xi32, #tpu.memory_space<vmem>>, vector<16xi32>,
      tpu.vector_store %arg8[%swap3A_199], %get3A_198 {strides = array<i32>} : memref<80xi32, #tpu.memory_space<vmem>>, vector<16xi32>,
      %mul3A_201 = arith.constant 80 : i32
      %mul3A_202 = arith.muli %mul3A_136, %mul3A_201 : i32
      %add3A_203 = arith.constant 64 : i32
      %add3A_204 = arith.addi %mul3A_202, %add3A_203 : i32
      %get3A_205 = arith.index_cast %add3A_204 : i32 to index
      %get3A_206 = tpu.vector_load %arg7[%get3A_205] {strides = array<i32>} : memref<10000xi32, #tpu.memory_space<vmem>>, vector<16xi32>,
      %swap3A_207 = arith.constant 64 : index
      %swap3A_208 = tpu.vector_load %arg8[%swap3A_207] {strides = array<i32>} : memref<80xi32, #tpu.memory_space<vmem>>, vector<16xi32>,
      tpu.vector_store %arg8[%swap3A_207], %get3A_206 {strides = array<i32>} : memref<80xi32, #tpu.memory_space<vmem>>, vector<16xi32>,
      %dma_start3A_209 = arith.constant 0 : i32
      %dma_start3A_210 = arith.constant 0 : i32
      %dma_start3A_211 = tpu.memref_slice %arg17[%dma_start3A_209, %dma_start3A_210] : memref<10240x72xf32, #tpu.memory_space<vmem_shared>> -> memref<10240x72xf32, #tpu.memory_space<vmem_shared>>
      tpu.enqueue_indirect_dma source(%arg14 : memref<80x72xf32, #tpu.memory_space<vmem>>) target(%dma_start3A_211 : memref<10240x72xf32, #tpu.memory_space<vmem_shared>>) offsets(%arg8 : memref<80xi32, #tpu.memory_space<vmem>>) semaphore(%arg22 : memref<!tpu.dma_semaphore, #tpu.memory_space<semaphore_mem>>) {add = true}
      %add3A_212 = arith.constant 1 : i32
      %add3A_213 = arith.addi %add3A_122, %add3A_212 : i32
      %mul3A_214 = arith.constant 80 : i32
      %mul3A_215 = arith.muli %add3A_213, %mul3A_214 : i32
      %dma_start3A_216 = tpu.memref_slice %arg6[%mul3A_215] : memref<10000xi32, #tpu.memory_space<vmem>> -> memref<80xi32, #tpu.memory_space<vmem>>
      %dma_start3A_217 = arith.constant 0 : i32
      %dma_start3A_218 = arith.constant 0 : i32
      %dma_start3A_219 = tpu.memref_slice %arg3[%dma_start3A_217, %dma_start3A_218] : memref<10240x72xf32, #tpu.memory_space<hbm>> -> memref<10240x72xf32, #tpu.memory_space<hbm>>
      tpu.enqueue_indirect_dma source(%dma_start3A_219 : memref<10240x72xf32, #tpu.memory_space<hbm>>) target(%arg10 : memref<80x72xf32, #tpu.memory_space<vmem>>) offsets(%dma_start3A_216 : memref<80xi32, #tpu.memory_space<vmem>>) semaphore(%arg18 : memref<!tpu.dma_semaphore, #tpu.memory_space<semaphore_mem>>)
      %mul3A_220 = arith.constant 80 : i32
      %mul3A_221 = arith.muli %add3A_213, %mul3A_220 : i32
      %dma_start3A_222 = tpu.memref_slice %arg7[%mul3A_221] : memref<10000xi32, #tpu.memory_space<vmem>> -> memref<80xi32, #tpu.memory_space<vmem>>
      %dma_start3A_223 = arith.constant 0 : i32
      %dma_start3A_224 = arith.constant 0 : i32
      %dma_start3A_225 = tpu.memref_slice %arg4[%dma_start3A_223, %dma_start3A_224] : memref<10240x16xf32, #tpu.memory_space<hbm>> -> memref<10240x16xf32, #tpu.memory_space<hbm>>
      tpu.enqueue_indirect_dma source(%dma_start3A_225 : memref<10240x16xf32, #tpu.memory_space<hbm>>) target(%arg12 : memref<80x16xf32, #tpu.memory_space<vmem>>) offsets(%dma_start3A_222 : memref<80xi32, #tpu.memory_space<vmem>>) semaphore(%arg20 : memref<!tpu.dma_semaphore, #tpu.memory_space<semaphore_mem>>)
      %mul3A_226 = arith.constant 80 : i32
      %mul3A_227 = arith.muli %add3A_122, %mul3A_226 : i32
      %dma_wait3A_228 = tpu.memref_slice %arg6[%mul3A_227] : memref<10000xi32, #tpu.memory_space<vmem>> -> memref<80xi32, #tpu.memory_space<vmem>>
      %dma_wait3A_229 = arith.constant 0 : i32
      %dma_wait3A_230 = arith.constant 0 : i32
      %dma_wait3A_231 = tpu.memref_slice %arg3[%dma_wait3A_229, %dma_wait3A_230] : memref<10240x72xf32, #tpu.memory_space<hbm>> -> memref<10240x72xf32, #tpu.memory_space<hbm>>
      tpu.wait_indirect_dma semaphore(%arg19 : memref<!tpu.dma_semaphore, #tpu.memory_space<semaphore_mem>>) src(%dma_wait3A_231 : memref<10240x72xf32, #tpu.memory_space<hbm>>) dst(%arg11 : memref<80x72xf32, #tpu.memory_space<vmem>>)
      %mul3A_232 = arith.constant 80 : i32
      %mul3A_233 = arith.muli %add3A_122, %mul3A_232 : i32
      %dma_wait3A_234 = tpu.memref_slice %arg7[%mul3A_233] : memref<10000xi32, #tpu.memory_space<vmem>> -> memref<80xi32, #tpu.memory_space<vmem>>
      %dma_wait3A_235 = arith.constant 0 : i32
      %dma_wait3A_236 = arith.constant 0 : i32
      %dma_wait3A_237 = tpu.memref_slice %arg4[%dma_wait3A_235, %dma_wait3A_236] : memref<10240x16xf32, #tpu.memory_space<hbm>> -> memref<10240x16xf32, #tpu.memory_space<hbm>>
      tpu.wait_indirect_dma semaphore(%arg21 : memref<!tpu.dma_semaphore, #tpu.memory_space<semaphore_mem>>) src(%dma_wait3A_237 : memref<10240x16xf32, #tpu.memory_space<hbm>>) dst(%arg13 : memref<80x16xf32, #tpu.memory_space<vmem>>)
      %ge3A_238 = arith.constant 2 : i32
      %ge3A_239 = arith.cmpi sge, %add3A_122, %ge3A_238 : i32
      %convert_element_type3A_240 = arith.extui %ge3A_239 : i1 to i32
      %cond3A_241 = arith.constant 0 : i32
      %cond3A_242 = arith.cmpi ne, %convert_element_type3A_240, %cond3A_241 : i32
      scf.if %cond3A_242 {
        %dma_wait3A_304 = arith.constant 0 : i32
        %dma_wait3A_305 = arith.constant 0 : i32
        %dma_wait3A_306 = tpu.memref_slice %arg17[%dma_wait3A_304, %dma_wait3A_305] : memref<10240x72xf32, #tpu.memory_space<vmem_shared>> -> memref<10240x72xf32, #tpu.memory_space<vmem_shared>>
        tpu.wait_indirect_dma semaphore(%arg23 : memref<!tpu.dma_semaphore, #tpu.memory_space<semaphore_mem>>) src(%arg15 : memref<80x72xf32, #tpu.memory_space<vmem>>) dst(%dma_wait3A_306 : memref<10240x72xf32, #tpu.memory_space<vmem_shared>>)
      } else {
      }
      %and3A_243 = arith.constant 7 : i32
      %and3A_244 = vector.broadcast %and3A_243 : i32 to vector<16xi32>
      %and3A_245 = arith.andi %iota3A, %and3A_244 : vector<16xi32>
      %add3A_246 = arith.constant 64 : i32
      %add3A_247 = vector.broadcast %add3A_246 : i32 to vector<16xi32>
      %add3A_248 = arith.addi %add3A_247, %and3A_245 : vector<16xi32>
      %and3A_249 = arith.constant 7 : i32
      %and3A_250 = vector.broadcast %and3A_249 : i32 to vector<16xi32>
      %and3A_251 = arith.andi %iota3A, %and3A_250 : vector<16xi32>
      %and3A_252 = arith.constant 7 : i32
      %and3A_253 = vector.broadcast %and3A_252 : i32 to vector<16xi32>
      %and3A_254 = arith.andi %iota3A, %and3A_253 : vector<16xi32>
      %scan3A_255 = arith.constant 0 : i32
      %scan3A_256 = arith.constant 0 : i32
      %scan3A_257 = arith.constant 20 : i32
      %scan3A_258 = arith.addi %scan3A_256, %scan3A_257 : i32
      %scan3A_259 = arith.constant 1 : i32
      scf.for %scan3A_304 = %scan3A_256 to %scan3A_258 step %scan3A_259  : i32 {
        %mul3A_305 = arith.constant 4 : i32
        %mul3A_306 = arith.muli %mul3A_305, %scan3A_304 : i32
        %shift_right_arithmetic3A = arith.constant 3 : i32
        %shift_right_arithmetic3A_307 = vector.broadcast %shift_right_arithmetic3A : i32 to vector<16xi32>
        %shift_right_arithmetic3A_308 = arith.shrsi %iota3A, %shift_right_arithmetic3A_307 : vector<16xi32>
        %add3A_309 = vector.broadcast %mul3A_306 : i32 to vector<16xi32>
        %add3A_310 = arith.addi %add3A_309, %shift_right_arithmetic3A_308 : vector<16xi32>
        %add3A_311 = arith.constant 2 : i32
        %add3A_312 = vector.broadcast %add3A_311 : i32 to vector<16xi32>
        %add3A_313 = arith.addi %add3A_310, %add3A_312 : vector<16xi32>
        %gather3A = tpu.vector_load_idx %arg11[%add3A_310, %add3A_248] : memref<80x72xf32, #tpu.memory_space<vmem>>[vector<16xi32>, vector<16xi32>], vector<16xf32>,
        %gather3A_314 = tpu.vector_load_idx %arg13[%add3A_310, %and3A_251] : memref<80x16xf32, #tpu.memory_space<vmem>>[vector<16xi32>, vector<16xi32>], vector<16xf32>,
        %gather3A_315 = tpu.vector_load_idx %arg11[%add3A_313, %add3A_248] : memref<80x72xf32, #tpu.memory_space<vmem>>[vector<16xi32>, vector<16xi32>], vector<16xf32>,
        %gather3A_316 = tpu.vector_load_idx %arg13[%add3A_313, %and3A_251] : memref<80x16xf32, #tpu.memory_space<vmem>>[vector<16xi32>, vector<16xi32>], vector<16xf32>,
        %add3A_317 = arith.addf %gather3A, %gather3A_314 : vector<16xf32>
        %ge3A_318 = arith.constant 0.000000e+00 : f32
        %ge3A_319 = vector.broadcast %ge3A_318 : f32 to vector<16xf32>
        %ge3A_320 = arith.cmpf oge, %add3A_317, %ge3A_319 : vector<16xf32>
        %mul3A_321 = arith.constant 2.000000e-01 : f32
        %mul3A_322 = vector.broadcast %mul3A_321 : f32 to vector<16xf32>
        %mul3A_323 = arith.mulf %mul3A_322, %add3A_317 : vector<16xf32>
        %select_n3A = arith.select %ge3A_320, %add3A_317, %mul3A_323 : vector<16xi1>, vector<16xf32>
        %exp3A = math.exp %select_n3A : vector<16xf32>
        %add3A_324 = arith.addf %gather3A_315, %gather3A_316 : vector<16xf32>
        %ge3A_325 = arith.constant 0.000000e+00 : f32
        %ge3A_326 = vector.broadcast %ge3A_325 : f32 to vector<16xf32>
        %ge3A_327 = arith.cmpf oge, %add3A_324, %ge3A_326 : vector<16xf32>
        %mul3A_328 = arith.constant 2.000000e-01 : f32
        %mul3A_329 = vector.broadcast %mul3A_328 : f32 to vector<16xf32>
        %mul3A_330 = arith.mulf %mul3A_329, %add3A_324 : vector<16xf32>
        %select_n3A_331 = arith.select %ge3A_327, %add3A_324, %mul3A_330 : vector<16xi1>, vector<16xf32>
        %exp3A_332 = math.exp %select_n3A_331 : vector<16xf32>
        tpu.vector_store_idx %arg15[%add3A_310, %add3A_248], %exp3A : memref<80x72xf32, #tpu.memory_space<vmem>>[vector<16xi32>, vector<16xi32>], vector<16xf32>,
        tpu.vector_store_idx %arg15[%add3A_313, %add3A_248], %exp3A_332 : memref<80x72xf32, #tpu.memory_space<vmem>>[vector<16xi32>, vector<16xi32>], vector<16xf32>,
        %lt3A = arith.constant 0 : i32
        %lt3A_333 = vector.broadcast %lt3A : i32 to vector<16xi32>
        %lt3A_334 = arith.cmpi slt, %and3A_254, %lt3A_333 : vector<16xi32>
        %add3A_335 = arith.constant 16 : i32
        %add3A_336 = vector.broadcast %add3A_335 : i32 to vector<16xi32>
        %add3A_337 = arith.addi %and3A_254, %add3A_336 : vector<16xi32>
        %select_n3A_338 = arith.select %lt3A_334, %add3A_337, %and3A_254 : vector<16xi1>, vector<16xi32>
        %broadcast_in_dim3A = vector.shape_cast %select_n3A_338 : vector<16xi32> to vector<16x1xi32>
        %gather3A_339 = vector.shape_cast %broadcast_in_dim3A : vector<16x1xi32> to vector<16xi32>
        %gather3A_340 = tpu.dynamic_gather %exp3A[%gather3A_339] in [0] : vector<16xf32>, vector<16xi32> -> vector<16xf32>
        %add3A_341 = arith.constant 8 : i32
        %add3A_342 = vector.broadcast %add3A_341 : i32 to vector<16xi32>
        %add3A_343 = arith.addi %and3A_254, %add3A_342 : vector<16xi32>
        %lt3A_344 = arith.constant 0 : i32
        %lt3A_345 = vector.broadcast %lt3A_344 : i32 to vector<16xi32>
        %lt3A_346 = arith.cmpi slt, %add3A_343, %lt3A_345 : vector<16xi32>
        %add3A_347 = arith.constant 16 : i32
        %add3A_348 = vector.broadcast %add3A_347 : i32 to vector<16xi32>
        %add3A_349 = arith.addi %add3A_343, %add3A_348 : vector<16xi32>
        %select_n3A_350 = arith.select %lt3A_346, %add3A_349, %add3A_343 : vector<16xi1>, vector<16xi32>
        %broadcast_in_dim3A_351 = vector.shape_cast %select_n3A_350 : vector<16xi32> to vector<16x1xi32>
        %gather3A_352 = vector.shape_cast %broadcast_in_dim3A_351 : vector<16x1xi32> to vector<16xi32>
        %gather3A_353 = tpu.dynamic_gather %exp3A[%gather3A_352] in [0] : vector<16xf32>, vector<16xi32> -> vector<16xf32>
        %lt3A_354 = arith.constant 0 : i32
        %lt3A_355 = vector.broadcast %lt3A_354 : i32 to vector<16xi32>
        %lt3A_356 = arith.cmpi slt, %and3A_254, %lt3A_355 : vector<16xi32>
        %add3A_357 = arith.constant 16 : i32
        %add3A_358 = vector.broadcast %add3A_357 : i32 to vector<16xi32>
        %add3A_359 = arith.addi %and3A_254, %add3A_358 : vector<16xi32>
        %select_n3A_360 = arith.select %lt3A_356, %add3A_359, %and3A_254 : vector<16xi1>, vector<16xi32>
        %broadcast_in_dim3A_361 = vector.shape_cast %select_n3A_360 : vector<16xi32> to vector<16x1xi32>
        %gather3A_362 = vector.shape_cast %broadcast_in_dim3A_361 : vector<16x1xi32> to vector<16xi32>
        %gather3A_363 = tpu.dynamic_gather %exp3A_332[%gather3A_362] in [0] : vector<16xf32>, vector<16xi32> -> vector<16xf32>
        %add3A_364 = arith.constant 8 : i32
        %add3A_365 = vector.broadcast %add3A_364 : i32 to vector<16xi32>
        %add3A_366 = arith.addi %and3A_254, %add3A_365 : vector<16xi32>
        %lt3A_367 = arith.constant 0 : i32
        %lt3A_368 = vector.broadcast %lt3A_367 : i32 to vector<16xi32>
        %lt3A_369 = arith.cmpi slt, %add3A_366, %lt3A_368 : vector<16xi32>
        %add3A_370 = arith.constant 16 : i32
        %add3A_371 = vector.broadcast %add3A_370 : i32 to vector<16xi32>
        %add3A_372 = arith.addi %add3A_366, %add3A_371 : vector<16xi32>
        %select_n3A_373 = arith.select %lt3A_369, %add3A_372, %add3A_366 : vector<16xi1>, vector<16xi32>
        %broadcast_in_dim3A_374 = vector.shape_cast %select_n3A_373 : vector<16xi32> to vector<16x1xi32>
        %gather3A_375 = vector.shape_cast %broadcast_in_dim3A_374 : vector<16x1xi32> to vector<16xi32>
        %gather3A_376 = tpu.dynamic_gather %exp3A_332[%gather3A_375] in [0] : vector<16xf32>, vector<16xi32> -> vector<16xf32>
        %add3A_377 = arith.constant 0 : i32
        %add3A_378 = arith.addi %mul3A_306, %add3A_377 : i32
        %get3A_379 = arith.index_cast %add3A_378 : i32 to index
        %get3A_380 = arith.constant 0 : index
        %get3A_381 = tpu.vector_load %arg11[%get3A_379, %get3A_380] {strides = array<i32>} : memref<80x72xf32, #tpu.memory_space<vmem>>, vector<16xf32>,
        %add3A_382 = arith.constant 0 : i32
        %add3A_383 = arith.addi %mul3A_306, %add3A_382 : i32
        %get3A_384 = arith.index_cast %add3A_383 : i32 to index
        %get3A_385 = arith.constant 16 : index
        %get3A_386 = tpu.vector_load %arg11[%get3A_384, %get3A_385] {strides = array<i32>} : memref<80x72xf32, #tpu.memory_space<vmem>>, vector<16xf32>,
        %add3A_387 = arith.constant 0 : i32
        %add3A_388 = arith.addi %mul3A_306, %add3A_387 : i32
        %get3A_389 = arith.index_cast %add3A_388 : i32 to index
        %get3A_390 = arith.constant 32 : index
        %get3A_391 = tpu.vector_load %arg11[%get3A_389, %get3A_390] {strides = array<i32>} : memref<80x72xf32, #tpu.memory_space<vmem>>, vector<16xf32>,
        %add3A_392 = arith.constant 0 : i32
        %add3A_393 = arith.addi %mul3A_306, %add3A_392 : i32
        %get3A_394 = arith.index_cast %add3A_393 : i32 to index
        %get3A_395 = arith.constant 48 : index
        %get3A_396 = tpu.vector_load %arg11[%get3A_394, %get3A_395] {strides = array<i32>} : memref<80x72xf32, #tpu.memory_space<vmem>>, vector<16xf32>,
        %add3A_397 = arith.constant 1 : i32
        %add3A_398 = arith.addi %mul3A_306, %add3A_397 : i32
        %get3A_399 = arith.index_cast %add3A_398 : i32 to index
        %get3A_400 = arith.constant 0 : index
        %get3A_401 = tpu.vector_load %arg11[%get3A_399, %get3A_400] {strides = array<i32>} : memref<80x72xf32, #tpu.memory_space<vmem>>, vector<16xf32>,
        %add3A_402 = arith.constant 1 : i32
        %add3A_403 = arith.addi %mul3A_306, %add3A_402 : i32
        %get3A_404 = arith.index_cast %add3A_403 : i32 to index
        %get3A_405 = arith.constant 16 : index
        %get3A_406 = tpu.vector_load %arg11[%get3A_404, %get3A_405] {strides = array<i32>} : memref<80x72xf32, #tpu.memory_space<vmem>>, vector<16xf32>,
        %add3A_407 = arith.constant 1 : i32
        %add3A_408 = arith.addi %mul3A_306, %add3A_407 : i32
        %get3A_409 = arith.index_cast %add3A_408 : i32 to index
        %get3A_410 = arith.constant 32 : index
        %get3A_411 = tpu.vector_load %arg11[%get3A_409, %get3A_410] {strides = array<i32>} : memref<80x72xf32, #tpu.memory_space<vmem>>, vector<16xf32>,
        %add3A_412 = arith.constant 1 : i32
        %add3A_413 = arith.addi %mul3A_306, %add3A_412 : i32
        %get3A_414 = arith.index_cast %add3A_413 : i32 to index
        %get3A_415 = arith.constant 48 : index
        %get3A_416 = tpu.vector_load %arg11[%get3A_414, %get3A_415] {strides = array<i32>} : memref<80x72xf32, #tpu.memory_space<vmem>>, vector<16xf32>,
        %add3A_417 = arith.constant 2 : i32
        %add3A_418 = arith.addi %mul3A_306, %add3A_417 : i32
        %get3A_419 = arith.index_cast %add3A_418 : i32 to index
        %get3A_420 = arith.constant 0 : index
        %get3A_421 = tpu.vector_load %arg11[%get3A_419, %get3A_420] {strides = array<i32>} : memref<80x72xf32, #tpu.memory_space<vmem>>, vector<16xf32>,
        %add3A_422 = arith.constant 2 : i32
        %add3A_423 = arith.addi %mul3A_306, %add3A_422 : i32
        %get3A_424 = arith.index_cast %add3A_423 : i32 to index
        %get3A_425 = arith.constant 16 : index
        %get3A_426 = tpu.vector_load %arg11[%get3A_424, %get3A_425] {strides = array<i32>} : memref<80x72xf32, #tpu.memory_space<vmem>>, vector<16xf32>,
        %add3A_427 = arith.constant 2 : i32
        %add3A_428 = arith.addi %mul3A_306, %add3A_427 : i32
        %get3A_429 = arith.index_cast %add3A_428 : i32 to index
        %get3A_430 = arith.constant 32 : index
        %get3A_431 = tpu.vector_load %arg11[%get3A_429, %get3A_430] {strides = array<i32>} : memref<80x72xf32, #tpu.memory_space<vmem>>, vector<16xf32>,
        %add3A_432 = arith.constant 2 : i32
        %add3A_433 = arith.addi %mul3A_306, %add3A_432 : i32
        %get3A_434 = arith.index_cast %add3A_433 : i32 to index
        %get3A_435 = arith.constant 48 : index
        %get3A_436 = tpu.vector_load %arg11[%get3A_434, %get3A_435] {strides = array<i32>} : memref<80x72xf32, #tpu.memory_space<vmem>>, vector<16xf32>,
        %add3A_437 = arith.constant 3 : i32
        %add3A_438 = arith.addi %mul3A_306, %add3A_437 : i32
        %get3A_439 = arith.index_cast %add3A_438 : i32 to index
        %get3A_440 = arith.constant 0 : index
        %get3A_441 = tpu.vector_load %arg11[%get3A_439, %get3A_440] {strides = array<i32>} : memref<80x72xf32, #tpu.memory_space<vmem>>, vector<16xf32>,
        %add3A_442 = arith.constant 3 : i32
        %add3A_443 = arith.addi %mul3A_306, %add3A_442 : i32
        %get3A_444 = arith.index_cast %add3A_443 : i32 to index
        %get3A_445 = arith.constant 16 : index
        %get3A_446 = tpu.vector_load %arg11[%get3A_444, %get3A_445] {strides = array<i32>} : memref<80x72xf32, #tpu.memory_space<vmem>>, vector<16xf32>,
        %add3A_447 = arith.constant 3 : i32
        %add3A_448 = arith.addi %mul3A_306, %add3A_447 : i32
        %get3A_449 = arith.index_cast %add3A_448 : i32 to index
        %get3A_450 = arith.constant 32 : index
        %get3A_451 = tpu.vector_load %arg11[%get3A_449, %get3A_450] {strides = array<i32>} : memref<80x72xf32, #tpu.memory_space<vmem>>, vector<16xf32>,
        %add3A_452 = arith.constant 3 : i32
        %add3A_453 = arith.addi %mul3A_306, %add3A_452 : i32
        %get3A_454 = arith.index_cast %add3A_453 : i32 to index
        %get3A_455 = arith.constant 48 : index
        %get3A_456 = tpu.vector_load %arg11[%get3A_454, %get3A_455] {strides = array<i32>} : memref<80x72xf32, #tpu.memory_space<vmem>>, vector<16xf32>,
        %mul3A_457 = arith.mulf %get3A_381, %gather3A_340 : vector<16xf32>
        %mul3A_458 = arith.mulf %get3A_386, %gather3A_340 : vector<16xf32>
        %mul3A_459 = arith.mulf %get3A_391, %gather3A_340 : vector<16xf32>
        %mul3A_460 = arith.mulf %get3A_396, %gather3A_340 : vector<16xf32>
        %mul3A_461 = arith.mulf %get3A_401, %gather3A_353 : vector<16xf32>
        %mul3A_462 = arith.mulf %get3A_406, %gather3A_353 : vector<16xf32>
        %mul3A_463 = arith.mulf %get3A_411, %gather3A_353 : vector<16xf32>
        %mul3A_464 = arith.mulf %get3A_416, %gather3A_353 : vector<16xf32>
        %mul3A_465 = arith.mulf %get3A_421, %gather3A_363 : vector<16xf32>
        %mul3A_466 = arith.mulf %get3A_426, %gather3A_363 : vector<16xf32>
        %mul3A_467 = arith.mulf %get3A_431, %gather3A_363 : vector<16xf32>
        %mul3A_468 = arith.mulf %get3A_436, %gather3A_363 : vector<16xf32>
        %mul3A_469 = arith.mulf %get3A_441, %gather3A_376 : vector<16xf32>
        %mul3A_470 = arith.mulf %get3A_446, %gather3A_376 : vector<16xf32>
        %mul3A_471 = arith.mulf %get3A_451, %gather3A_376 : vector<16xf32>
        %mul3A_472 = arith.mulf %get3A_456, %gather3A_376 : vector<16xf32>
        %add3A_473 = arith.constant 0 : i32
        %add3A_474 = arith.addi %mul3A_306, %add3A_473 : i32
        %swap3A_475 = arith.index_cast %add3A_474 : i32 to index
        %swap3A_476 = arith.constant 0 : index
        %swap3A_477 = tpu.vector_load %arg15[%swap3A_475, %swap3A_476] {strides = array<i32>} : memref<80x72xf32, #tpu.memory_space<vmem>>, vector<16xf32>,
        tpu.vector_store %arg15[%swap3A_475, %swap3A_476], %mul3A_457 {strides = array<i32>} : memref<80x72xf32, #tpu.memory_space<vmem>>, vector<16xf32>,
        %add3A_478 = arith.constant 0 : i32
        %add3A_479 = arith.addi %mul3A_306, %add3A_478 : i32
        %swap3A_480 = arith.index_cast %add3A_479 : i32 to index
        %swap3A_481 = arith.constant 16 : index
        %swap3A_482 = tpu.vector_load %arg15[%swap3A_480, %swap3A_481] {strides = array<i32>} : memref<80x72xf32, #tpu.memory_space<vmem>>, vector<16xf32>,
        tpu.vector_store %arg15[%swap3A_480, %swap3A_481], %mul3A_458 {strides = array<i32>} : memref<80x72xf32, #tpu.memory_space<vmem>>, vector<16xf32>,
        %add3A_483 = arith.constant 0 : i32
        %add3A_484 = arith.addi %mul3A_306, %add3A_483 : i32
        %swap3A_485 = arith.index_cast %add3A_484 : i32 to index
        %swap3A_486 = arith.constant 32 : index
        %swap3A_487 = tpu.vector_load %arg15[%swap3A_485, %swap3A_486] {strides = array<i32>} : memref<80x72xf32, #tpu.memory_space<vmem>>, vector<16xf32>,
        tpu.vector_store %arg15[%swap3A_485, %swap3A_486], %mul3A_459 {strides = array<i32>} : memref<80x72xf32, #tpu.memory_space<vmem>>, vector<16xf32>,
        %add3A_488 = arith.constant 0 : i32
        %add3A_489 = arith.addi %mul3A_306, %add3A_488 : i32
        %swap3A_490 = arith.index_cast %add3A_489 : i32 to index
        %swap3A_491 = arith.constant 48 : index
        %swap3A_492 = tpu.vector_load %arg15[%swap3A_490, %swap3A_491] {strides = array<i32>} : memref<80x72xf32, #tpu.memory_space<vmem>>, vector<16xf32>,
        tpu.vector_store %arg15[%swap3A_490, %swap3A_491], %mul3A_460 {strides = array<i32>} : memref<80x72xf32, #tpu.memory_space<vmem>>, vector<16xf32>,
        %add3A_493 = arith.constant 1 : i32
        %add3A_494 = arith.addi %mul3A_306, %add3A_493 : i32
        %swap3A_495 = arith.index_cast %add3A_494 : i32 to index
        %swap3A_496 = arith.constant 0 : index
        %swap3A_497 = tpu.vector_load %arg15[%swap3A_495, %swap3A_496] {strides = array<i32>} : memref<80x72xf32, #tpu.memory_space<vmem>>, vector<16xf32>,
        tpu.vector_store %arg15[%swap3A_495, %swap3A_496], %mul3A_461 {strides = array<i32>} : memref<80x72xf32, #tpu.memory_space<vmem>>, vector<16xf32>,
        %add3A_498 = arith.constant 1 : i32
        %add3A_499 = arith.addi %mul3A_306, %add3A_498 : i32
        %swap3A_500 = arith.index_cast %add3A_499 : i32 to index
        %swap3A_501 = arith.constant 16 : index
        %swap3A_502 = tpu.vector_load %arg15[%swap3A_500, %swap3A_501] {strides = array<i32>} : memref<80x72xf32, #tpu.memory_space<vmem>>, vector<16xf32>,
        tpu.vector_store %arg15[%swap3A_500, %swap3A_501], %mul3A_462 {strides = array<i32>} : memref<80x72xf32, #tpu.memory_space<vmem>>, vector<16xf32>,
        %add3A_503 = arith.constant 1 : i32
        %add3A_504 = arith.addi %mul3A_306, %add3A_503 : i32
        %swap3A_505 = arith.index_cast %add3A_504 : i32 to index
        %swap3A_506 = arith.constant 32 : index
        %swap3A_507 = tpu.vector_load %arg15[%swap3A_505, %swap3A_506] {strides = array<i32>} : memref<80x72xf32, #tpu.memory_space<vmem>>, vector<16xf32>,
        tpu.vector_store %arg15[%swap3A_505, %swap3A_506], %mul3A_463 {strides = array<i32>} : memref<80x72xf32, #tpu.memory_space<vmem>>, vector<16xf32>,
        %add3A_508 = arith.constant 1 : i32
        %add3A_509 = arith.addi %mul3A_306, %add3A_508 : i32
        %swap3A_510 = arith.index_cast %add3A_509 : i32 to index
        %swap3A_511 = arith.constant 48 : index
        %swap3A_512 = tpu.vector_load %arg15[%swap3A_510, %swap3A_511] {strides = array<i32>} : memref<80x72xf32, #tpu.memory_space<vmem>>, vector<16xf32>,
        tpu.vector_store %arg15[%swap3A_510, %swap3A_511], %mul3A_464 {strides = array<i32>} : memref<80x72xf32, #tpu.memory_space<vmem>>, vector<16xf32>,
        %add3A_513 = arith.constant 2 : i32
        %add3A_514 = arith.addi %mul3A_306, %add3A_513 : i32
        %swap3A_515 = arith.index_cast %add3A_514 : i32 to index
        %swap3A_516 = arith.constant 0 : index
        %swap3A_517 = tpu.vector_load %arg15[%swap3A_515, %swap3A_516] {strides = array<i32>} : memref<80x72xf32, #tpu.memory_space<vmem>>, vector<16xf32>,
        tpu.vector_store %arg15[%swap3A_515, %swap3A_516], %mul3A_465 {strides = array<i32>} : memref<80x72xf32, #tpu.memory_space<vmem>>, vector<16xf32>,
        %add3A_518 = arith.constant 2 : i32
        %add3A_519 = arith.addi %mul3A_306, %add3A_518 : i32
        %swap3A_520 = arith.index_cast %add3A_519 : i32 to index
        %swap3A_521 = arith.constant 16 : index
        %swap3A_522 = tpu.vector_load %arg15[%swap3A_520, %swap3A_521] {strides = array<i32>} : memref<80x72xf32, #tpu.memory_space<vmem>>, vector<16xf32>,
        tpu.vector_store %arg15[%swap3A_520, %swap3A_521], %mul3A_466 {strides = array<i32>} : memref<80x72xf32, #tpu.memory_space<vmem>>, vector<16xf32>,
        %add3A_523 = arith.constant 2 : i32
        %add3A_524 = arith.addi %mul3A_306, %add3A_523 : i32
        %swap3A_525 = arith.index_cast %add3A_524 : i32 to index
        %swap3A_526 = arith.constant 32 : index
        %swap3A_527 = tpu.vector_load %arg15[%swap3A_525, %swap3A_526] {strides = array<i32>} : memref<80x72xf32, #tpu.memory_space<vmem>>, vector<16xf32>,
        tpu.vector_store %arg15[%swap3A_525, %swap3A_526], %mul3A_467 {strides = array<i32>} : memref<80x72xf32, #tpu.memory_space<vmem>>, vector<16xf32>,
        %add3A_528 = arith.constant 2 : i32
        %add3A_529 = arith.addi %mul3A_306, %add3A_528 : i32
        %swap3A_530 = arith.index_cast %add3A_529 : i32 to index
        %swap3A_531 = arith.constant 48 : index
        %swap3A_532 = tpu.vector_load %arg15[%swap3A_530, %swap3A_531] {strides = array<i32>} : memref<80x72xf32, #tpu.memory_space<vmem>>, vector<16xf32>,
        tpu.vector_store %arg15[%swap3A_530, %swap3A_531], %mul3A_468 {strides = array<i32>} : memref<80x72xf32, #tpu.memory_space<vmem>>, vector<16xf32>,
        %add3A_533 = arith.constant 3 : i32
        %add3A_534 = arith.addi %mul3A_306, %add3A_533 : i32
        %swap3A_535 = arith.index_cast %add3A_534 : i32 to index
        %swap3A_536 = arith.constant 0 : index
        %swap3A_537 = tpu.vector_load %arg15[%swap3A_535, %swap3A_536] {strides = array<i32>} : memref<80x72xf32, #tpu.memory_space<vmem>>, vector<16xf32>,
        tpu.vector_store %arg15[%swap3A_535, %swap3A_536], %mul3A_469 {strides = array<i32>} : memref<80x72xf32, #tpu.memory_space<vmem>>, vector<16xf32>,
        %add3A_538 = arith.constant 3 : i32
        %add3A_539 = arith.addi %mul3A_306, %add3A_538 : i32
        %swap3A_540 = arith.index_cast %add3A_539 : i32 to index
        %swap3A_541 = arith.constant 16 : index
        %swap3A_542 = tpu.vector_load %arg15[%swap3A_540, %swap3A_541] {strides = array<i32>} : memref<80x72xf32, #tpu.memory_space<vmem>>, vector<16xf32>,
        tpu.vector_store %arg15[%swap3A_540, %swap3A_541], %mul3A_470 {strides = array<i32>} : memref<80x72xf32, #tpu.memory_space<vmem>>, vector<16xf32>,
        %add3A_543 = arith.constant 3 : i32
        %add3A_544 = arith.addi %mul3A_306, %add3A_543 : i32
        %swap3A_545 = arith.index_cast %add3A_544 : i32 to index
        %swap3A_546 = arith.constant 32 : index
        %swap3A_547 = tpu.vector_load %arg15[%swap3A_545, %swap3A_546] {strides = array<i32>} : memref<80x72xf32, #tpu.memory_space<vmem>>, vector<16xf32>,
        tpu.vector_store %arg15[%swap3A_545, %swap3A_546], %mul3A_471 {strides = array<i32>} : memref<80x72xf32, #tpu.memory_space<vmem>>, vector<16xf32>,
        %add3A_548 = arith.constant 3 : i32
        %add3A_549 = arith.addi %mul3A_306, %add3A_548 : i32
        %swap3A_550 = arith.index_cast %add3A_549 : i32 to index
        %swap3A_551 = arith.constant 48 : index
        %swap3A_552 = tpu.vector_load %arg15[%swap3A_550, %swap3A_551] {strides = array<i32>} : memref<80x72xf32, #tpu.memory_space<vmem>>, vector<16xf32>,
        tpu.vector_store %arg15[%swap3A_550, %swap3A_551], %mul3A_472 {strides = array<i32>} : memref<80x72xf32, #tpu.memory_space<vmem>>, vector<16xf32>,
      }
      %scan3A_260 = arith.constant 20 : i32
      %mul3A_261 = arith.constant 80 : i32
      %mul3A_262 = arith.muli %add3A_122, %mul3A_261 : i32
      %add3A_263 = arith.constant 0 : i32
      %add3A_264 = arith.addi %mul3A_262, %add3A_263 : i32
      %get3A_265 = arith.index_cast %add3A_264 : i32 to index
      %get3A_266 = tpu.vector_load %arg7[%get3A_265] {strides = array<i32>} : memref<10000xi32, #tpu.memory_space<vmem>>, vector<16xi32>,
      %swap3A_267 = arith.constant 0 : index
      %swap3A_268 = tpu.vector_load %arg9[%swap3A_267] {strides = array<i32>} : memref<80xi32, #tpu.memory_space<vmem>>, vector<16xi32>,
      tpu.vector_store %arg9[%swap3A_267], %get3A_266 {strides = array<i32>} : memref<80xi32, #tpu.memory_space<vmem>>, vector<16xi32>,
      %mul3A_269 = arith.constant 80 : i32
      %mul3A_270 = arith.muli %add3A_122, %mul3A_269 : i32
      %add3A_271 = arith.constant 16 : i32
      %add3A_272 = arith.addi %mul3A_270, %add3A_271 : i32
      %get3A_273 = arith.index_cast %add3A_272 : i32 to index
      %get3A_274 = tpu.vector_load %arg7[%get3A_273] {strides = array<i32>} : memref<10000xi32, #tpu.memory_space<vmem>>, vector<16xi32>,
      %swap3A_275 = arith.constant 16 : index
      %swap3A_276 = tpu.vector_load %arg9[%swap3A_275] {strides = array<i32>} : memref<80xi32, #tpu.memory_space<vmem>>, vector<16xi32>,
      tpu.vector_store %arg9[%swap3A_275], %get3A_274 {strides = array<i32>} : memref<80xi32, #tpu.memory_space<vmem>>, vector<16xi32>,
      %mul3A_277 = arith.constant 80 : i32
      %mul3A_278 = arith.muli %add3A_122, %mul3A_277 : i32
      %add3A_279 = arith.constant 32 : i32
      %add3A_280 = arith.addi %mul3A_278, %add3A_279 : i32
      %get3A_281 = arith.index_cast %add3A_280 : i32 to index
      %get3A_282 = tpu.vector_load %arg7[%get3A_281] {strides = array<i32>} : memref<10000xi32, #tpu.memory_space<vmem>>, vector<16xi32>,
      %swap3A_283 = arith.constant 32 : index
      %swap3A_284 = tpu.vector_load %arg9[%swap3A_283] {strides = array<i32>} : memref<80xi32, #tpu.memory_space<vmem>>, vector<16xi32>,
      tpu.vector_store %arg9[%swap3A_283], %get3A_282 {strides = array<i32>} : memref<80xi32, #tpu.memory_space<vmem>>, vector<16xi32>,
      %mul3A_285 = arith.constant 80 : i32
      %mul3A_286 = arith.muli %add3A_122, %mul3A_285 : i32
      %add3A_287 = arith.constant 48 : i32
      %add3A_288 = arith.addi %mul3A_286, %add3A_287 : i32
      %get3A_289 = arith.index_cast %add3A_288 : i32 to index
      %get3A_290 = tpu.vector_load %arg7[%get3A_289] {strides = array<i32>} : memref<10000xi32, #tpu.memory_space<vmem>>, vector<16xi32>,
      %swap3A_291 = arith.constant 48 : index
      %swap3A_292 = tpu.vector_load %arg9[%swap3A_291] {strides = array<i32>} : memref<80xi32, #tpu.memory_space<vmem>>, vector<16xi32>,
      tpu.vector_store %arg9[%swap3A_291], %get3A_290 {strides = array<i32>} : memref<80xi32, #tpu.memory_space<vmem>>, vector<16xi32>,
      %mul3A_293 = arith.constant 80 : i32
      %mul3A_294 = arith.muli %add3A_122, %mul3A_293 : i32
      %add3A_295 = arith.constant 64 : i32
      %add3A_296 = arith.addi %mul3A_294, %add3A_295 : i32
      %get3A_297 = arith.index_cast %add3A_296 : i32 to index
      %get3A_298 = tpu.vector_load %arg7[%get3A_297] {strides = array<i32>} : memref<10000xi32, #tpu.memory_space<vmem>>, vector<16xi32>,
      %swap3A_299 = arith.constant 64 : index
      %swap3A_300 = tpu.vector_load %arg9[%swap3A_299] {strides = array<i32>} : memref<80xi32, #tpu.memory_space<vmem>>, vector<16xi32>,
      tpu.vector_store %arg9[%swap3A_299], %get3A_298 {strides = array<i32>} : memref<80xi32, #tpu.memory_space<vmem>>, vector<16xi32>,
      %dma_start3A_301 = arith.constant 0 : i32
      %dma_start3A_302 = arith.constant 0 : i32
      %dma_start3A_303 = tpu.memref_slice %arg17[%dma_start3A_301, %dma_start3A_302] : memref<10240x72xf32, #tpu.memory_space<vmem_shared>> -> memref<10240x72xf32, #tpu.memory_space<vmem_shared>>
      tpu.enqueue_indirect_dma source(%arg15 : memref<80x72xf32, #tpu.memory_space<vmem>>) target(%dma_start3A_303 : memref<10240x72xf32, #tpu.memory_space<vmem_shared>>) offsets(%arg9 : memref<80xi32, #tpu.memory_space<vmem>>) semaphore(%arg23 : memref<!tpu.dma_semaphore, #tpu.memory_space<semaphore_mem>>) {add = true}
    }
    %scan3A_56 = arith.constant 62 : i32
    %dma_wait3A = arith.constant 9920 : i32
    %dma_wait3A_57 = tpu.memref_slice %arg6[%dma_wait3A] : memref<10000xi32, #tpu.memory_space<vmem>> -> memref<80xi32, #tpu.memory_space<vmem>>
    %dma_wait3A_58 = arith.constant 0 : i32
    %dma_wait3A_59 = arith.constant 0 : i32
    %dma_wait3A_60 = tpu.memref_slice %arg3[%dma_wait3A_58, %dma_wait3A_59] : memref<10240x72xf32, #tpu.memory_space<hbm>> -> memref<10240x72xf32, #tpu.memory_space<hbm>>
    tpu.wait_indirect_dma semaphore(%arg18 : memref<!tpu.dma_semaphore, #tpu.memory_space<semaphore_mem>>) src(%dma_wait3A_60 : memref<10240x72xf32, #tpu.memory_space<hbm>>) dst(%arg10 : memref<80x72xf32, #tpu.memory_space<vmem>>)
    %dma_wait3A_61 = arith.constant 9920 : i32
    %dma_wait3A_62 = tpu.memref_slice %arg7[%dma_wait3A_61] : memref<10000xi32, #tpu.memory_space<vmem>> -> memref<80xi32, #tpu.memory_space<vmem>>
    %dma_wait3A_63 = arith.constant 0 : i32
    %dma_wait3A_64 = arith.constant 0 : i32
    %dma_wait3A_65 = tpu.memref_slice %arg4[%dma_wait3A_63, %dma_wait3A_64] : memref<10240x16xf32, #tpu.memory_space<hbm>> -> memref<10240x16xf32, #tpu.memory_space<hbm>>
    tpu.wait_indirect_dma semaphore(%arg20 : memref<!tpu.dma_semaphore, #tpu.memory_space<semaphore_mem>>) src(%dma_wait3A_65 : memref<10240x16xf32, #tpu.memory_space<hbm>>) dst(%arg12 : memref<80x16xf32, #tpu.memory_space<vmem>>)
    %dma_wait3A_66 = arith.constant 0 : i32
    %dma_wait3A_67 = arith.constant 0 : i32
    %dma_wait3A_68 = tpu.memref_slice %arg17[%dma_wait3A_66, %dma_wait3A_67] : memref<10240x72xf32, #tpu.memory_space<vmem_shared>> -> memref<10240x72xf32, #tpu.memory_space<vmem_shared>>
    tpu.wait_indirect_dma semaphore(%arg22 : memref<!tpu.dma_semaphore, #tpu.memory_space<semaphore_mem>>) src(%arg14 : memref<80x72xf32, #tpu.memory_space<vmem>>) dst(%dma_wait3A_68 : memref<10240x72xf32, #tpu.memory_space<vmem_shared>>)
    %and3A = arith.constant 7 : i32
    %and3A_69 = vector.broadcast %and3A : i32 to vector<16xi32>
    %and3A_70 = arith.andi %iota3A, %and3A_69 : vector<16xi32>
    %add3A_71 = arith.constant 64 : i32
    %add3A_72 = vector.broadcast %add3A_71 : i32 to vector<16xi32>
    %add3A_73 = arith.addi %add3A_72, %and3A_70 : vector<16xi32>
    %and3A_74 = arith.constant 7 : i32
    %and3A_75 = vector.broadcast %and3A_74 : i32 to vector<16xi32>
    %and3A_76 = arith.andi %iota3A, %and3A_75 : vector<16xi32>
    %and3A_77 = arith.constant 7 : i32
    %and3A_78 = vector.broadcast %and3A_77 : i32 to vector<16xi32>
    %and3A_79 = arith.andi %iota3A, %and3A_78 : vector<16xi32>
    %scan3A_80 = arith.constant 0 : i32
    %scan3A_81 = arith.constant 0 : i32
    %scan3A_82 = arith.constant 20 : i32
    %scan3A_83 = arith.addi %scan3A_81, %scan3A_82 : i32
    %scan3A_84 = arith.constant 1 : i32
    scf.for %scan3A_118 = %scan3A_81 to %scan3A_83 step %scan3A_84  : i32 {
      %mul3A_119 = arith.constant 4 : i32
      %mul3A_120 = arith.muli %mul3A_119, %scan3A_118 : i32
      %shift_right_arithmetic3A = arith.constant 3 : i32
      %shift_right_arithmetic3A_121 = vector.broadcast %shift_right_arithmetic3A : i32 to vector<16xi32>
      %shift_right_arithmetic3A_122 = arith.shrsi %iota3A, %shift_right_arithmetic3A_121 : vector<16xi32>
      %add3A_123 = vector.broadcast %mul3A_120 : i32 to vector<16xi32>
      %add3A_124 = arith.addi %add3A_123, %shift_right_arithmetic3A_122 : vector<16xi32>
      %add3A_125 = arith.constant 2 : i32
      %add3A_126 = vector.broadcast %add3A_125 : i32 to vector<16xi32>
      %add3A_127 = arith.addi %add3A_124, %add3A_126 : vector<16xi32>
      %gather3A = tpu.vector_load_idx %arg10[%add3A_124, %add3A_73] : memref<80x72xf32, #tpu.memory_space<vmem>>[vector<16xi32>, vector<16xi32>], vector<16xf32>,
      %gather3A_128 = tpu.vector_load_idx %arg12[%add3A_124, %and3A_76] : memref<80x16xf32, #tpu.memory_space<vmem>>[vector<16xi32>, vector<16xi32>], vector<16xf32>,
      %gather3A_129 = tpu.vector_load_idx %arg10[%add3A_127, %add3A_73] : memref<80x72xf32, #tpu.memory_space<vmem>>[vector<16xi32>, vector<16xi32>], vector<16xf32>,
      %gather3A_130 = tpu.vector_load_idx %arg12[%add3A_127, %and3A_76] : memref<80x16xf32, #tpu.memory_space<vmem>>[vector<16xi32>, vector<16xi32>], vector<16xf32>,
      %add3A_131 = arith.addf %gather3A, %gather3A_128 : vector<16xf32>
      %ge3A = arith.constant 0.000000e+00 : f32
      %ge3A_132 = vector.broadcast %ge3A : f32 to vector<16xf32>
      %ge3A_133 = arith.cmpf oge, %add3A_131, %ge3A_132 : vector<16xf32>
      %mul3A_134 = arith.constant 2.000000e-01 : f32
      %mul3A_135 = vector.broadcast %mul3A_134 : f32 to vector<16xf32>
      %mul3A_136 = arith.mulf %mul3A_135, %add3A_131 : vector<16xf32>
      %select_n3A = arith.select %ge3A_133, %add3A_131, %mul3A_136 : vector<16xi1>, vector<16xf32>
      %exp3A = math.exp %select_n3A : vector<16xf32>
      %add3A_137 = arith.addf %gather3A_129, %gather3A_130 : vector<16xf32>
      %ge3A_138 = arith.constant 0.000000e+00 : f32
      %ge3A_139 = vector.broadcast %ge3A_138 : f32 to vector<16xf32>
      %ge3A_140 = arith.cmpf oge, %add3A_137, %ge3A_139 : vector<16xf32>
      %mul3A_141 = arith.constant 2.000000e-01 : f32
      %mul3A_142 = vector.broadcast %mul3A_141 : f32 to vector<16xf32>
      %mul3A_143 = arith.mulf %mul3A_142, %add3A_137 : vector<16xf32>
      %select_n3A_144 = arith.select %ge3A_140, %add3A_137, %mul3A_143 : vector<16xi1>, vector<16xf32>
      %exp3A_145 = math.exp %select_n3A_144 : vector<16xf32>
      tpu.vector_store_idx %arg14[%add3A_124, %add3A_73], %exp3A : memref<80x72xf32, #tpu.memory_space<vmem>>[vector<16xi32>, vector<16xi32>], vector<16xf32>,
      tpu.vector_store_idx %arg14[%add3A_127, %add3A_73], %exp3A_145 : memref<80x72xf32, #tpu.memory_space<vmem>>[vector<16xi32>, vector<16xi32>], vector<16xf32>,
      %lt3A = arith.constant 0 : i32
      %lt3A_146 = vector.broadcast %lt3A : i32 to vector<16xi32>
      %lt3A_147 = arith.cmpi slt, %and3A_79, %lt3A_146 : vector<16xi32>
      %add3A_148 = arith.constant 16 : i32
      %add3A_149 = vector.broadcast %add3A_148 : i32 to vector<16xi32>
      %add3A_150 = arith.addi %and3A_79, %add3A_149 : vector<16xi32>
      %select_n3A_151 = arith.select %lt3A_147, %add3A_150, %and3A_79 : vector<16xi1>, vector<16xi32>
      %broadcast_in_dim3A = vector.shape_cast %select_n3A_151 : vector<16xi32> to vector<16x1xi32>
      %gather3A_152 = vector.shape_cast %broadcast_in_dim3A : vector<16x1xi32> to vector<16xi32>
      %gather3A_153 = tpu.dynamic_gather %exp3A[%gather3A_152] in [0] : vector<16xf32>, vector<16xi32> -> vector<16xf32>
      %add3A_154 = arith.constant 8 : i32
      %add3A_155 = vector.broadcast %add3A_154 : i32 to vector<16xi32>
      %add3A_156 = arith.addi %and3A_79, %add3A_155 : vector<16xi32>
      %lt3A_157 = arith.constant 0 : i32
      %lt3A_158 = vector.broadcast %lt3A_157 : i32 to vector<16xi32>
      %lt3A_159 = arith.cmpi slt, %add3A_156, %lt3A_158 : vector<16xi32>
      %add3A_160 = arith.constant 16 : i32
      %add3A_161 = vector.broadcast %add3A_160 : i32 to vector<16xi32>
      %add3A_162 = arith.addi %add3A_156, %add3A_161 : vector<16xi32>
      %select_n3A_163 = arith.select %lt3A_159, %add3A_162, %add3A_156 : vector<16xi1>, vector<16xi32>
      %broadcast_in_dim3A_164 = vector.shape_cast %select_n3A_163 : vector<16xi32> to vector<16x1xi32>
      %gather3A_165 = vector.shape_cast %broadcast_in_dim3A_164 : vector<16x1xi32> to vector<16xi32>
      %gather3A_166 = tpu.dynamic_gather %exp3A[%gather3A_165] in [0] : vector<16xf32>, vector<16xi32> -> vector<16xf32>
      %lt3A_167 = arith.constant 0 : i32
      %lt3A_168 = vector.broadcast %lt3A_167 : i32 to vector<16xi32>
      %lt3A_169 = arith.cmpi slt, %and3A_79, %lt3A_168 : vector<16xi32>
      %add3A_170 = arith.constant 16 : i32
      %add3A_171 = vector.broadcast %add3A_170 : i32 to vector<16xi32>
      %add3A_172 = arith.addi %and3A_79, %add3A_171 : vector<16xi32>
      %select_n3A_173 = arith.select %lt3A_169, %add3A_172, %and3A_79 : vector<16xi1>, vector<16xi32>
      %broadcast_in_dim3A_174 = vector.shape_cast %select_n3A_173 : vector<16xi32> to vector<16x1xi32>
      %gather3A_175 = vector.shape_cast %broadcast_in_dim3A_174 : vector<16x1xi32> to vector<16xi32>
      %gather3A_176 = tpu.dynamic_gather %exp3A_145[%gather3A_175] in [0] : vector<16xf32>, vector<16xi32> -> vector<16xf32>
      %add3A_177 = arith.constant 8 : i32
      %add3A_178 = vector.broadcast %add3A_177 : i32 to vector<16xi32>
      %add3A_179 = arith.addi %and3A_79, %add3A_178 : vector<16xi32>
      %lt3A_180 = arith.constant 0 : i32
      %lt3A_181 = vector.broadcast %lt3A_180 : i32 to vector<16xi32>
      %lt3A_182 = arith.cmpi slt, %add3A_179, %lt3A_181 : vector<16xi32>
      %add3A_183 = arith.constant 16 : i32
      %add3A_184 = vector.broadcast %add3A_183 : i32 to vector<16xi32>
      %add3A_185 = arith.addi %add3A_179, %add3A_184 : vector<16xi32>
      %select_n3A_186 = arith.select %lt3A_182, %add3A_185, %add3A_179 : vector<16xi1>, vector<16xi32>
      %broadcast_in_dim3A_187 = vector.shape_cast %select_n3A_186 : vector<16xi32> to vector<16x1xi32>
      %gather3A_188 = vector.shape_cast %broadcast_in_dim3A_187 : vector<16x1xi32> to vector<16xi32>
      %gather3A_189 = tpu.dynamic_gather %exp3A_145[%gather3A_188] in [0] : vector<16xf32>, vector<16xi32> -> vector<16xf32>
      %add3A_190 = arith.constant 0 : i32
      %add3A_191 = arith.addi %mul3A_120, %add3A_190 : i32
      %get3A_192 = arith.index_cast %add3A_191 : i32 to index
      %get3A_193 = arith.constant 0 : index
      %get3A_194 = tpu.vector_load %arg10[%get3A_192, %get3A_193] {strides = array<i32>} : memref<80x72xf32, #tpu.memory_space<vmem>>, vector<16xf32>,
      %add3A_195 = arith.constant 0 : i32
      %add3A_196 = arith.addi %mul3A_120, %add3A_195 : i32
      %get3A_197 = arith.index_cast %add3A_196 : i32 to index
      %get3A_198 = arith.constant 16 : index
      %get3A_199 = tpu.vector_load %arg10[%get3A_197, %get3A_198] {strides = array<i32>} : memref<80x72xf32, #tpu.memory_space<vmem>>, vector<16xf32>,
      %add3A_200 = arith.constant 0 : i32
      %add3A_201 = arith.addi %mul3A_120, %add3A_200 : i32
      %get3A_202 = arith.index_cast %add3A_201 : i32 to index
      %get3A_203 = arith.constant 32 : index
      %get3A_204 = tpu.vector_load %arg10[%get3A_202, %get3A_203] {strides = array<i32>} : memref<80x72xf32, #tpu.memory_space<vmem>>, vector<16xf32>,
      %add3A_205 = arith.constant 0 : i32
      %add3A_206 = arith.addi %mul3A_120, %add3A_205 : i32
      %get3A_207 = arith.index_cast %add3A_206 : i32 to index
      %get3A_208 = arith.constant 48 : index
      %get3A_209 = tpu.vector_load %arg10[%get3A_207, %get3A_208] {strides = array<i32>} : memref<80x72xf32, #tpu.memory_space<vmem>>, vector<16xf32>,
      %add3A_210 = arith.constant 1 : i32
      %add3A_211 = arith.addi %mul3A_120, %add3A_210 : i32
      %get3A_212 = arith.index_cast %add3A_211 : i32 to index
      %get3A_213 = arith.constant 0 : index
      %get3A_214 = tpu.vector_load %arg10[%get3A_212, %get3A_213] {strides = array<i32>} : memref<80x72xf32, #tpu.memory_space<vmem>>, vector<16xf32>,
      %add3A_215 = arith.constant 1 : i32
      %add3A_216 = arith.addi %mul3A_120, %add3A_215 : i32
      %get3A_217 = arith.index_cast %add3A_216 : i32 to index
      %get3A_218 = arith.constant 16 : index
      %get3A_219 = tpu.vector_load %arg10[%get3A_217, %get3A_218] {strides = array<i32>} : memref<80x72xf32, #tpu.memory_space<vmem>>, vector<16xf32>,
      %add3A_220 = arith.constant 1 : i32
      %add3A_221 = arith.addi %mul3A_120, %add3A_220 : i32
      %get3A_222 = arith.index_cast %add3A_221 : i32 to index
      %get3A_223 = arith.constant 32 : index
      %get3A_224 = tpu.vector_load %arg10[%get3A_222, %get3A_223] {strides = array<i32>} : memref<80x72xf32, #tpu.memory_space<vmem>>, vector<16xf32>,
      %add3A_225 = arith.constant 1 : i32
      %add3A_226 = arith.addi %mul3A_120, %add3A_225 : i32
      %get3A_227 = arith.index_cast %add3A_226 : i32 to index
      %get3A_228 = arith.constant 48 : index
      %get3A_229 = tpu.vector_load %arg10[%get3A_227, %get3A_228] {strides = array<i32>} : memref<80x72xf32, #tpu.memory_space<vmem>>, vector<16xf32>,
      %add3A_230 = arith.constant 2 : i32
      %add3A_231 = arith.addi %mul3A_120, %add3A_230 : i32
      %get3A_232 = arith.index_cast %add3A_231 : i32 to index
      %get3A_233 = arith.constant 0 : index
      %get3A_234 = tpu.vector_load %arg10[%get3A_232, %get3A_233] {strides = array<i32>} : memref<80x72xf32, #tpu.memory_space<vmem>>, vector<16xf32>,
      %add3A_235 = arith.constant 2 : i32
      %add3A_236 = arith.addi %mul3A_120, %add3A_235 : i32
      %get3A_237 = arith.index_cast %add3A_236 : i32 to index
      %get3A_238 = arith.constant 16 : index
      %get3A_239 = tpu.vector_load %arg10[%get3A_237, %get3A_238] {strides = array<i32>} : memref<80x72xf32, #tpu.memory_space<vmem>>, vector<16xf32>,
      %add3A_240 = arith.constant 2 : i32
      %add3A_241 = arith.addi %mul3A_120, %add3A_240 : i32
      %get3A_242 = arith.index_cast %add3A_241 : i32 to index
      %get3A_243 = arith.constant 32 : index
      %get3A_244 = tpu.vector_load %arg10[%get3A_242, %get3A_243] {strides = array<i32>} : memref<80x72xf32, #tpu.memory_space<vmem>>, vector<16xf32>,
      %add3A_245 = arith.constant 2 : i32
      %add3A_246 = arith.addi %mul3A_120, %add3A_245 : i32
      %get3A_247 = arith.index_cast %add3A_246 : i32 to index
      %get3A_248 = arith.constant 48 : index
      %get3A_249 = tpu.vector_load %arg10[%get3A_247, %get3A_248] {strides = array<i32>} : memref<80x72xf32, #tpu.memory_space<vmem>>, vector<16xf32>,
      %add3A_250 = arith.constant 3 : i32
      %add3A_251 = arith.addi %mul3A_120, %add3A_250 : i32
      %get3A_252 = arith.index_cast %add3A_251 : i32 to index
      %get3A_253 = arith.constant 0 : index
      %get3A_254 = tpu.vector_load %arg10[%get3A_252, %get3A_253] {strides = array<i32>} : memref<80x72xf32, #tpu.memory_space<vmem>>, vector<16xf32>,
      %add3A_255 = arith.constant 3 : i32
      %add3A_256 = arith.addi %mul3A_120, %add3A_255 : i32
      %get3A_257 = arith.index_cast %add3A_256 : i32 to index
      %get3A_258 = arith.constant 16 : index
      %get3A_259 = tpu.vector_load %arg10[%get3A_257, %get3A_258] {strides = array<i32>} : memref<80x72xf32, #tpu.memory_space<vmem>>, vector<16xf32>,
      %add3A_260 = arith.constant 3 : i32
      %add3A_261 = arith.addi %mul3A_120, %add3A_260 : i32
      %get3A_262 = arith.index_cast %add3A_261 : i32 to index
      %get3A_263 = arith.constant 32 : index
      %get3A_264 = tpu.vector_load %arg10[%get3A_262, %get3A_263] {strides = array<i32>} : memref<80x72xf32, #tpu.memory_space<vmem>>, vector<16xf32>,
      %add3A_265 = arith.constant 3 : i32
      %add3A_266 = arith.addi %mul3A_120, %add3A_265 : i32
      %get3A_267 = arith.index_cast %add3A_266 : i32 to index
      %get3A_268 = arith.constant 48 : index
      %get3A_269 = tpu.vector_load %arg10[%get3A_267, %get3A_268] {strides = array<i32>} : memref<80x72xf32, #tpu.memory_space<vmem>>, vector<16xf32>,
      %mul3A_270 = arith.mulf %get3A_194, %gather3A_153 : vector<16xf32>
      %mul3A_271 = arith.mulf %get3A_199, %gather3A_153 : vector<16xf32>
      %mul3A_272 = arith.mulf %get3A_204, %gather3A_153 : vector<16xf32>
      %mul3A_273 = arith.mulf %get3A_209, %gather3A_153 : vector<16xf32>
      %mul3A_274 = arith.mulf %get3A_214, %gather3A_166 : vector<16xf32>
      %mul3A_275 = arith.mulf %get3A_219, %gather3A_166 : vector<16xf32>
      %mul3A_276 = arith.mulf %get3A_224, %gather3A_166 : vector<16xf32>
      %mul3A_277 = arith.mulf %get3A_229, %gather3A_166 : vector<16xf32>
      %mul3A_278 = arith.mulf %get3A_234, %gather3A_176 : vector<16xf32>
      %mul3A_279 = arith.mulf %get3A_239, %gather3A_176 : vector<16xf32>
      %mul3A_280 = arith.mulf %get3A_244, %gather3A_176 : vector<16xf32>
      %mul3A_281 = arith.mulf %get3A_249, %gather3A_176 : vector<16xf32>
      %mul3A_282 = arith.mulf %get3A_254, %gather3A_189 : vector<16xf32>
      %mul3A_283 = arith.mulf %get3A_259, %gather3A_189 : vector<16xf32>
      %mul3A_284 = arith.mulf %get3A_264, %gather3A_189 : vector<16xf32>
      %mul3A_285 = arith.mulf %get3A_269, %gather3A_189 : vector<16xf32>
      %add3A_286 = arith.constant 0 : i32
      %add3A_287 = arith.addi %mul3A_120, %add3A_286 : i32
      %swap3A_288 = arith.index_cast %add3A_287 : i32 to index
      %swap3A_289 = arith.constant 0 : index
      %swap3A_290 = tpu.vector_load %arg14[%swap3A_288, %swap3A_289] {strides = array<i32>} : memref<80x72xf32, #tpu.memory_space<vmem>>, vector<16xf32>,
      tpu.vector_store %arg14[%swap3A_288, %swap3A_289], %mul3A_270 {strides = array<i32>} : memref<80x72xf32, #tpu.memory_space<vmem>>, vector<16xf32>,
      %add3A_291 = arith.constant 0 : i32
      %add3A_292 = arith.addi %mul3A_120, %add3A_291 : i32
      %swap3A_293 = arith.index_cast %add3A_292 : i32 to index
      %swap3A_294 = arith.constant 16 : index
      %swap3A_295 = tpu.vector_load %arg14[%swap3A_293, %swap3A_294] {strides = array<i32>} : memref<80x72xf32, #tpu.memory_space<vmem>>, vector<16xf32>,
      tpu.vector_store %arg14[%swap3A_293, %swap3A_294], %mul3A_271 {strides = array<i32>} : memref<80x72xf32, #tpu.memory_space<vmem>>, vector<16xf32>,
      %add3A_296 = arith.constant 0 : i32
      %add3A_297 = arith.addi %mul3A_120, %add3A_296 : i32
      %swap3A_298 = arith.index_cast %add3A_297 : i32 to index
      %swap3A_299 = arith.constant 32 : index
      %swap3A_300 = tpu.vector_load %arg14[%swap3A_298, %swap3A_299] {strides = array<i32>} : memref<80x72xf32, #tpu.memory_space<vmem>>, vector<16xf32>,
      tpu.vector_store %arg14[%swap3A_298, %swap3A_299], %mul3A_272 {strides = array<i32>} : memref<80x72xf32, #tpu.memory_space<vmem>>, vector<16xf32>,
      %add3A_301 = arith.constant 0 : i32
      %add3A_302 = arith.addi %mul3A_120, %add3A_301 : i32
      %swap3A_303 = arith.index_cast %add3A_302 : i32 to index
      %swap3A_304 = arith.constant 48 : index
      %swap3A_305 = tpu.vector_load %arg14[%swap3A_303, %swap3A_304] {strides = array<i32>} : memref<80x72xf32, #tpu.memory_space<vmem>>, vector<16xf32>,
      tpu.vector_store %arg14[%swap3A_303, %swap3A_304], %mul3A_273 {strides = array<i32>} : memref<80x72xf32, #tpu.memory_space<vmem>>, vector<16xf32>,
      %add3A_306 = arith.constant 1 : i32
      %add3A_307 = arith.addi %mul3A_120, %add3A_306 : i32
      %swap3A_308 = arith.index_cast %add3A_307 : i32 to index
      %swap3A_309 = arith.constant 0 : index
      %swap3A_310 = tpu.vector_load %arg14[%swap3A_308, %swap3A_309] {strides = array<i32>} : memref<80x72xf32, #tpu.memory_space<vmem>>, vector<16xf32>,
      tpu.vector_store %arg14[%swap3A_308, %swap3A_309], %mul3A_274 {strides = array<i32>} : memref<80x72xf32, #tpu.memory_space<vmem>>, vector<16xf32>,
      %add3A_311 = arith.constant 1 : i32
      %add3A_312 = arith.addi %mul3A_120, %add3A_311 : i32
      %swap3A_313 = arith.index_cast %add3A_312 : i32 to index
      %swap3A_314 = arith.constant 16 : index
      %swap3A_315 = tpu.vector_load %arg14[%swap3A_313, %swap3A_314] {strides = array<i32>} : memref<80x72xf32, #tpu.memory_space<vmem>>, vector<16xf32>,
      tpu.vector_store %arg14[%swap3A_313, %swap3A_314], %mul3A_275 {strides = array<i32>} : memref<80x72xf32, #tpu.memory_space<vmem>>, vector<16xf32>,
      %add3A_316 = arith.constant 1 : i32
      %add3A_317 = arith.addi %mul3A_120, %add3A_316 : i32
      %swap3A_318 = arith.index_cast %add3A_317 : i32 to index
      %swap3A_319 = arith.constant 32 : index
      %swap3A_320 = tpu.vector_load %arg14[%swap3A_318, %swap3A_319] {strides = array<i32>} : memref<80x72xf32, #tpu.memory_space<vmem>>, vector<16xf32>,
      tpu.vector_store %arg14[%swap3A_318, %swap3A_319], %mul3A_276 {strides = array<i32>} : memref<80x72xf32, #tpu.memory_space<vmem>>, vector<16xf32>,
      %add3A_321 = arith.constant 1 : i32
      %add3A_322 = arith.addi %mul3A_120, %add3A_321 : i32
      %swap3A_323 = arith.index_cast %add3A_322 : i32 to index
      %swap3A_324 = arith.constant 48 : index
      %swap3A_325 = tpu.vector_load %arg14[%swap3A_323, %swap3A_324] {strides = array<i32>} : memref<80x72xf32, #tpu.memory_space<vmem>>, vector<16xf32>,
      tpu.vector_store %arg14[%swap3A_323, %swap3A_324], %mul3A_277 {strides = array<i32>} : memref<80x72xf32, #tpu.memory_space<vmem>>, vector<16xf32>,
      %add3A_326 = arith.constant 2 : i32
      %add3A_327 = arith.addi %mul3A_120, %add3A_326 : i32
      %swap3A_328 = arith.index_cast %add3A_327 : i32 to index
      %swap3A_329 = arith.constant 0 : index
      %swap3A_330 = tpu.vector_load %arg14[%swap3A_328, %swap3A_329] {strides = array<i32>} : memref<80x72xf32, #tpu.memory_space<vmem>>, vector<16xf32>,
      tpu.vector_store %arg14[%swap3A_328, %swap3A_329], %mul3A_278 {strides = array<i32>} : memref<80x72xf32, #tpu.memory_space<vmem>>, vector<16xf32>,
      %add3A_331 = arith.constant 2 : i32
      %add3A_332 = arith.addi %mul3A_120, %add3A_331 : i32
      %swap3A_333 = arith.index_cast %add3A_332 : i32 to index
      %swap3A_334 = arith.constant 16 : index
      %swap3A_335 = tpu.vector_load %arg14[%swap3A_333, %swap3A_334] {strides = array<i32>} : memref<80x72xf32, #tpu.memory_space<vmem>>, vector<16xf32>,
      tpu.vector_store %arg14[%swap3A_333, %swap3A_334], %mul3A_279 {strides = array<i32>} : memref<80x72xf32, #tpu.memory_space<vmem>>, vector<16xf32>,
      %add3A_336 = arith.constant 2 : i32
      %add3A_337 = arith.addi %mul3A_120, %add3A_336 : i32
      %swap3A_338 = arith.index_cast %add3A_337 : i32 to index
      %swap3A_339 = arith.constant 32 : index
      %swap3A_340 = tpu.vector_load %arg14[%swap3A_338, %swap3A_339] {strides = array<i32>} : memref<80x72xf32, #tpu.memory_space<vmem>>, vector<16xf32>,
      tpu.vector_store %arg14[%swap3A_338, %swap3A_339], %mul3A_280 {strides = array<i32>} : memref<80x72xf32, #tpu.memory_space<vmem>>, vector<16xf32>,
      %add3A_341 = arith.constant 2 : i32
      %add3A_342 = arith.addi %mul3A_120, %add3A_341 : i32
      %swap3A_343 = arith.index_cast %add3A_342 : i32 to index
      %swap3A_344 = arith.constant 48 : index
      %swap3A_345 = tpu.vector_load %arg14[%swap3A_343, %swap3A_344] {strides = array<i32>} : memref<80x72xf32, #tpu.memory_space<vmem>>, vector<16xf32>,
      tpu.vector_store %arg14[%swap3A_343, %swap3A_344], %mul3A_281 {strides = array<i32>} : memref<80x72xf32, #tpu.memory_space<vmem>>, vector<16xf32>,
      %add3A_346 = arith.constant 3 : i32
      %add3A_347 = arith.addi %mul3A_120, %add3A_346 : i32
      %swap3A_348 = arith.index_cast %add3A_347 : i32 to index
      %swap3A_349 = arith.constant 0 : index
      %swap3A_350 = tpu.vector_load %arg14[%swap3A_348, %swap3A_349] {strides = array<i32>} : memref<80x72xf32, #tpu.memory_space<vmem>>, vector<16xf32>,
      tpu.vector_store %arg14[%swap3A_348, %swap3A_349], %mul3A_282 {strides = array<i32>} : memref<80x72xf32, #tpu.memory_space<vmem>>, vector<16xf32>,
      %add3A_351 = arith.constant 3 : i32
      %add3A_352 = arith.addi %mul3A_120, %add3A_351 : i32
      %swap3A_353 = arith.index_cast %add3A_352 : i32 to index
      %swap3A_354 = arith.constant 16 : index
      %swap3A_355 = tpu.vector_load %arg14[%swap3A_353, %swap3A_354] {strides = array<i32>} : memref<80x72xf32, #tpu.memory_space<vmem>>, vector<16xf32>,
      tpu.vector_store %arg14[%swap3A_353, %swap3A_354], %mul3A_283 {strides = array<i32>} : memref<80x72xf32, #tpu.memory_space<vmem>>, vector<16xf32>,
      %add3A_356 = arith.constant 3 : i32
      %add3A_357 = arith.addi %mul3A_120, %add3A_356 : i32
      %swap3A_358 = arith.index_cast %add3A_357 : i32 to index
      %swap3A_359 = arith.constant 32 : index
      %swap3A_360 = tpu.vector_load %arg14[%swap3A_358, %swap3A_359] {strides = array<i32>} : memref<80x72xf32, #tpu.memory_space<vmem>>, vector<16xf32>,
      tpu.vector_store %arg14[%swap3A_358, %swap3A_359], %mul3A_284 {strides = array<i32>} : memref<80x72xf32, #tpu.memory_space<vmem>>, vector<16xf32>,
      %add3A_361 = arith.constant 3 : i32
      %add3A_362 = arith.addi %mul3A_120, %add3A_361 : i32
      %swap3A_363 = arith.index_cast %add3A_362 : i32 to index
      %swap3A_364 = arith.constant 48 : index
      %swap3A_365 = tpu.vector_load %arg14[%swap3A_363, %swap3A_364] {strides = array<i32>} : memref<80x72xf32, #tpu.memory_space<vmem>>, vector<16xf32>,
      tpu.vector_store %arg14[%swap3A_363, %swap3A_364], %mul3A_285 {strides = array<i32>} : memref<80x72xf32, #tpu.memory_space<vmem>>, vector<16xf32>,
    }
    %scan3A_85 = arith.constant 20 : i32
    %get3A = arith.constant 9920 : index
    %get3A_86 = tpu.vector_load %arg7[%get3A] {strides = array<i32>} : memref<10000xi32, #tpu.memory_space<vmem>>, vector<16xi32>,
    %swap3A = arith.constant 0 : index
    %swap3A_87 = tpu.vector_load %arg8[%swap3A] {strides = array<i32>} : memref<80xi32, #tpu.memory_space<vmem>>, vector<16xi32>,
    tpu.vector_store %arg8[%swap3A], %get3A_86 {strides = array<i32>} : memref<80xi32, #tpu.memory_space<vmem>>, vector<16xi32>,
    %get3A_88 = arith.constant 9936 : index
    %get3A_89 = tpu.vector_load %arg7[%get3A_88] {strides = array<i32>} : memref<10000xi32, #tpu.memory_space<vmem>>, vector<16xi32>,
    %swap3A_90 = arith.constant 16 : index
    %swap3A_91 = tpu.vector_load %arg8[%swap3A_90] {strides = array<i32>} : memref<80xi32, #tpu.memory_space<vmem>>, vector<16xi32>,
    tpu.vector_store %arg8[%swap3A_90], %get3A_89 {strides = array<i32>} : memref<80xi32, #tpu.memory_space<vmem>>, vector<16xi32>,
    %get3A_92 = arith.constant 9952 : index
    %get3A_93 = tpu.vector_load %arg7[%get3A_92] {strides = array<i32>} : memref<10000xi32, #tpu.memory_space<vmem>>, vector<16xi32>,
    %swap3A_94 = arith.constant 32 : index
    %swap3A_95 = tpu.vector_load %arg8[%swap3A_94] {strides = array<i32>} : memref<80xi32, #tpu.memory_space<vmem>>, vector<16xi32>,
    tpu.vector_store %arg8[%swap3A_94], %get3A_93 {strides = array<i32>} : memref<80xi32, #tpu.memory_space<vmem>>, vector<16xi32>,
    %get3A_96 = arith.constant 9968 : index
    %get3A_97 = tpu.vector_load %arg7[%get3A_96] {strides = array<i32>} : memref<10000xi32, #tpu.memory_space<vmem>>, vector<16xi32>,
    %swap3A_98 = arith.constant 48 : index
    %swap3A_99 = tpu.vector_load %arg8[%swap3A_98] {strides = array<i32>} : memref<80xi32, #tpu.memory_space<vmem>>, vector<16xi32>,
    tpu.vector_store %arg8[%swap3A_98], %get3A_97 {strides = array<i32>} : memref<80xi32, #tpu.memory_space<vmem>>, vector<16xi32>,
    %get3A_100 = arith.constant 9984 : index
    %get3A_101 = tpu.vector_load %arg7[%get3A_100] {strides = array<i32>} : memref<10000xi32, #tpu.memory_space<vmem>>, vector<16xi32>,
    %swap3A_102 = arith.constant 64 : index
    %swap3A_103 = tpu.vector_load %arg8[%swap3A_102] {strides = array<i32>} : memref<80xi32, #tpu.memory_space<vmem>>, vector<16xi32>,
    tpu.vector_store %arg8[%swap3A_102], %get3A_101 {strides = array<i32>} : memref<80xi32, #tpu.memory_space<vmem>>, vector<16xi32>,
    %dma_start3A_104 = arith.constant 0 : i32
    %dma_start3A_105 = arith.constant 0 : i32
    %dma_start3A_106 = tpu.memref_slice %arg17[%dma_start3A_104, %dma_start3A_105] : memref<10240x72xf32, #tpu.memory_space<vmem_shared>> -> memref<10240x72xf32, #tpu.memory_space<vmem_shared>>
    tpu.enqueue_indirect_dma source(%arg14 : memref<80x72xf32, #tpu.memory_space<vmem>>) target(%dma_start3A_106 : memref<10240x72xf32, #tpu.memory_space<vmem_shared>>) offsets(%arg8 : memref<80xi32, #tpu.memory_space<vmem>>) semaphore(%arg22 : memref<!tpu.dma_semaphore, #tpu.memory_space<semaphore_mem>>) {add = true}
    %dma_wait3A_107 = arith.constant 0 : i32
    %dma_wait3A_108 = arith.constant 0 : i32
    %dma_wait3A_109 = tpu.memref_slice %arg17[%dma_wait3A_107, %dma_wait3A_108] : memref<10240x72xf32, #tpu.memory_space<vmem_shared>> -> memref<10240x72xf32, #tpu.memory_space<vmem_shared>>
    tpu.wait_indirect_dma semaphore(%arg23 : memref<!tpu.dma_semaphore, #tpu.memory_space<semaphore_mem>>) src(%arg15 : memref<80x72xf32, #tpu.memory_space<vmem>>) dst(%dma_wait3A_109 : memref<10240x72xf32, #tpu.memory_space<vmem_shared>>)
    %dma_wait3A_110 = arith.constant 0 : i32
    %dma_wait3A_111 = arith.constant 0 : i32
    %dma_wait3A_112 = tpu.memref_slice %arg17[%dma_wait3A_110, %dma_wait3A_111] : memref<10240x72xf32, #tpu.memory_space<vmem_shared>> -> memref<10240x72xf32, #tpu.memory_space<vmem_shared>>
    tpu.wait_indirect_dma semaphore(%arg22 : memref<!tpu.dma_semaphore, #tpu.memory_space<semaphore_mem>>) src(%arg14 : memref<80x72xf32, #tpu.memory_space<vmem>>) dst(%dma_wait3A_112 : memref<10240x72xf32, #tpu.memory_space<vmem_shared>>)
    %barrier3A_113 = arith.constant 0 : index
    tpu.barrier barrier_id(%barrier3A_113)
    %mul3A_114 = arith.constant 640 : i32
    %mul3A_115 = arith.muli %arg1, %mul3A_114 : i32
    %mul3A_116 = arith.constant 640 : i32
    %mul3A_117 = arith.muli %arg1, %mul3A_116 : i32
    "tpu.region"() ({
      %run_scoped3A = tpu.sem_alloc : memref<!tpu.dma_semaphore, #tpu.memory_space<semaphore_mem>>
      %dma_start3A_118 = arith.constant 0 : i32
      %dma_start3A_119 = tpu.memref_slice %arg5[%arg0, %mul3A_117, %dma_start3A_118] : memref<2x10240x72xf32, #tpu.memory_space<hbm>> -> memref<1x640x72xf32, #tpu.memory_space<hbm>>
      %dma_start3A_120 = tpu.memref_squeeze %dma_start3A_119 : memref<1x640x72xf32, #tpu.memory_space<hbm>> -> memref<640x72xf32, #tpu.memory_space<hbm>>
      %dma_start3A_121 = arith.constant 0 : i32
      %dma_start3A_122 = tpu.memref_slice %arg17[%mul3A_115, %dma_start3A_121] : memref<10240x72xf32, #tpu.memory_space<vmem_shared>> -> memref<640x72xf32, #tpu.memory_space<vmem_shared>>
      tpu.enqueue_dma source(%dma_start3A_122 : memref<640x72xf32, #tpu.memory_space<vmem_shared>>) target(%dma_start3A_120 : memref<640x72xf32, #tpu.memory_space<hbm>>) target_semaphore(%run_scoped3A : memref<!tpu.dma_semaphore, #tpu.memory_space<semaphore_mem>>)
      %dma_wait3A_123 = arith.constant 0 : i32
      %dma_wait3A_124 = tpu.memref_slice %arg5[%arg0, %mul3A_117, %dma_wait3A_123] : memref<2x10240x72xf32, #tpu.memory_space<hbm>> -> memref<1x640x72xf32, #tpu.memory_space<hbm>>
      %dma_wait3A_125 = tpu.memref_squeeze %dma_wait3A_124 : memref<1x640x72xf32, #tpu.memory_space<hbm>> -> memref<640x72xf32, #tpu.memory_space<hbm>>
      %dma_wait3A_126 = arith.constant 0 : i32
      %dma_wait3A_127 = tpu.memref_slice %arg17[%mul3A_115, %dma_wait3A_126] : memref<10240x72xf32, #tpu.memory_space<vmem_shared>> -> memref<640x72xf32, #tpu.memory_space<vmem_shared>>
      tpu.wait_dma2 semaphore(%run_scoped3A : memref<!tpu.dma_semaphore, #tpu.memory_space<semaphore_mem>>) src(%dma_wait3A_127 : memref<640x72xf32, #tpu.memory_space<vmem_shared>>) dst(%dma_wait3A_125 : memref<640x72xf32, #tpu.memory_space<hbm>>)
      tpu.yield
    }) : () -> ()
    return
  }
}

#map = affine_map<(d0, d1) -> (0)>
#map1 = affine_map<(d0, d1) -> (0, 0)>
#map2 = affine_map<(d0, d1) -> (0, 0, 0)>
module attributes {stable_mosaic.version = 14 : i64} {
  func.func @ek(%arg0: i32, %arg1: i32, %arg2: memref<640000xi32, #tpu.memory_space<hbm>>, %arg3: memref<10240x24xf32, #tpu.memory_space<hbm>>, %arg4: memref<10240xf32, #tpu.memory_space<hbm>>, %arg5: memref<2x10240x24xf32, #tpu.memory_space<hbm>>, %arg6: memref<10000xi32, #tpu.memory_space<vmem>>, %arg7: memref<10000xi32, #tpu.memory_space<vmem>>, %arg8: memref<80xi32, #tpu.memory_space<vmem>>, %arg9: memref<80xi32, #tpu.memory_space<vmem>>, %arg10: memref<80x24xf32, #tpu.memory_space<vmem>>, %arg11: memref<80x24xf32, #tpu.memory_space<vmem>>, %arg12: memref<80x16xf32, #tpu.memory_space<vmem>>, %arg13: memref<80x16xf32, #tpu.memory_space<vmem>>, %arg14: memref<80x24xf32, #tpu.memory_space<vmem>>, %arg15: memref<80x24xf32, #tpu.memory_space<vmem>>, %arg16: memref<10240xf32, #tpu.memory_space<vmem>>, %arg17: memref<10240x24xf32, #tpu.memory_space<vmem_shared>>, %arg18: memref<!tpu.dma_semaphore, #tpu.memory_space<semaphore_mem>>, %arg19: memref<!tpu.dma_semaphore, #tpu.memory_space<semaphore_mem>>, %arg20: memref<!tpu.dma_semaphore, #tpu.memory_space<semaphore_mem>>, %arg21: memref<!tpu.dma_semaphore, #tpu.memory_space<semaphore_mem>>, %arg22: memref<!tpu.dma_semaphore, #tpu.memory_space<semaphore_mem>>, %arg23: memref<!tpu.dma_semaphore, #tpu.memory_space<semaphore_mem>>) attributes {dimension_semantics = [#tpu.dimension_semantics<core_parallel>, #tpu.dimension_semantics<subcore_parallel>], iteration_bounds = array<i64: 2, 16>, scalar_prefetch = 0 : i64, scratch_operands = 18 : i64, tpu.core_type = #tpu.core_type<sc_vector_subcore>, window_params = [{transform_indices = #map}, {transform_indices = #map1}, {transform_indices = #map}, {transform_indices = #map2}]} {
    %mul3A = arith.constant 16 : i32
    %mul3A_0 = arith.muli %arg0, %mul3A : i32
    %add3A = arith.addi %mul3A_0, %arg1 : i32
    %iota3A = tpu.iota {dimensions = array<i32: 0>} : vector<16xi32>
    %mul3A_1 = arith.constant 10000 : i32
    %mul3A_2 = arith.muli %add3A, %mul3A_1 : i32
    %multiple_of3A = tpu.assume_multiple %mul3A_2, 8 : i32
    "tpu.region"() ({
      %run_scoped3A = tpu.sem_alloc : memref<!tpu.dma_semaphore, #tpu.memory_space<semaphore_mem>>
      %dma_start3A_97 = tpu.memref_slice %arg2[%multiple_of3A] : memref<640000xi32, #tpu.memory_space<hbm>> -> memref<10000xi32, #tpu.memory_space<hbm>>
      %dma_start3A_98 = tpu.memref_slice %arg2[%multiple_of3A] : memref<640000xi32, #tpu.memory_space<hbm>> -> memref<10000xi32, #tpu.memory_space<hbm>>
      tpu.enqueue_dma source(%dma_start3A_98 : memref<10000xi32, #tpu.memory_space<hbm>>) target(%arg6 : memref<10000xi32, #tpu.memory_space<vmem>>) target_semaphore(%run_scoped3A : memref<!tpu.dma_semaphore, #tpu.memory_space<semaphore_mem>>)
      %dma_wait3A_99 = tpu.memref_slice %arg2[%multiple_of3A] : memref<640000xi32, #tpu.memory_space<hbm>> -> memref<10000xi32, #tpu.memory_space<hbm>>
      %dma_wait3A_100 = tpu.memref_slice %arg2[%multiple_of3A] : memref<640000xi32, #tpu.memory_space<hbm>> -> memref<10000xi32, #tpu.memory_space<hbm>>
      tpu.wait_dma2 semaphore(%run_scoped3A : memref<!tpu.dma_semaphore, #tpu.memory_space<semaphore_mem>>) src(%dma_wait3A_100 : memref<10000xi32, #tpu.memory_space<hbm>>) dst(%arg6 : memref<10000xi32, #tpu.memory_space<vmem>>)
      tpu.yield
    }) : () -> ()
    %add3A_3 = arith.constant 320000 : i32
    %add3A_4 = arith.addi %add3A_3, %multiple_of3A : i32
    "tpu.region"() ({
      %run_scoped3A = tpu.sem_alloc : memref<!tpu.dma_semaphore, #tpu.memory_space<semaphore_mem>>
      %dma_start3A_97 = tpu.memref_slice %arg2[%add3A_4] : memref<640000xi32, #tpu.memory_space<hbm>> -> memref<10000xi32, #tpu.memory_space<hbm>>
      %dma_start3A_98 = tpu.memref_slice %arg2[%add3A_4] : memref<640000xi32, #tpu.memory_space<hbm>> -> memref<10000xi32, #tpu.memory_space<hbm>>
      tpu.enqueue_dma source(%dma_start3A_98 : memref<10000xi32, #tpu.memory_space<hbm>>) target(%arg7 : memref<10000xi32, #tpu.memory_space<vmem>>) target_semaphore(%run_scoped3A : memref<!tpu.dma_semaphore, #tpu.memory_space<semaphore_mem>>)
      %dma_wait3A_99 = tpu.memref_slice %arg2[%add3A_4] : memref<640000xi32, #tpu.memory_space<hbm>> -> memref<10000xi32, #tpu.memory_space<hbm>>
      %dma_wait3A_100 = tpu.memref_slice %arg2[%add3A_4] : memref<640000xi32, #tpu.memory_space<hbm>> -> memref<10000xi32, #tpu.memory_space<hbm>>
      tpu.wait_dma2 semaphore(%run_scoped3A : memref<!tpu.dma_semaphore, #tpu.memory_space<semaphore_mem>>) src(%dma_wait3A_100 : memref<10000xi32, #tpu.memory_space<hbm>>) dst(%arg7 : memref<10000xi32, #tpu.memory_space<vmem>>)
      tpu.yield
    }) : () -> ()
    "tpu.region"() ({
      %run_scoped3A = tpu.sem_alloc : memref<!tpu.dma_semaphore, #tpu.memory_space<semaphore_mem>>
      tpu.enqueue_dma source(%arg4 : memref<10240xf32, #tpu.memory_space<hbm>>) target(%arg16 : memref<10240xf32, #tpu.memory_space<vmem>>) target_semaphore(%run_scoped3A : memref<!tpu.dma_semaphore, #tpu.memory_space<semaphore_mem>>)
      tpu.wait_dma2 semaphore(%run_scoped3A : memref<!tpu.dma_semaphore, #tpu.memory_space<semaphore_mem>>) src(%arg4 : memref<10240xf32, #tpu.memory_space<hbm>>) dst(%arg16 : memref<10240xf32, #tpu.memory_space<vmem>>)
      tpu.yield
    }) : () -> ()
    %scan3A = arith.constant 0 : i32
    %scan3A_5 = arith.constant 0 : i32
    %scan3A_6 = arith.constant 80 : i32
    %scan3A_7 = arith.addi %scan3A_5, %scan3A_6 : i32
    %scan3A_8 = arith.constant 4 : i32
    scf.for %scan3A_97 = %scan3A_5 to %scan3A_7 step %scan3A_8  : i32 {
      %broadcast_in_dim3A = arith.constant 0.000000e+00 : f32
      %broadcast_in_dim3A_98 = vector.broadcast %broadcast_in_dim3A : f32 to vector<16xf32>
      %swap3A_99 = arith.index_cast %scan3A_97 : i32 to index
      %swap3A_100 = arith.constant 0 : index
      %swap3A_101 = tpu.vector_load %arg14[%swap3A_99, %swap3A_100] {strides = array<i32>} : memref<80x24xf32, #tpu.memory_space<vmem>>, vector<16xf32>,
      tpu.vector_store %arg14[%swap3A_99, %swap3A_100], %broadcast_in_dim3A_98 {strides = array<i32>} : memref<80x24xf32, #tpu.memory_space<vmem>>, vector<16xf32>,
      %swap3A_102 = arith.index_cast %scan3A_97 : i32 to index
      %swap3A_103 = arith.constant 8 : index
      %swap3A_104 = tpu.vector_load %arg14[%swap3A_102, %swap3A_103] {strides = array<i32>} : memref<80x24xf32, #tpu.memory_space<vmem>>, vector<16xf32>,
      tpu.vector_store %arg14[%swap3A_102, %swap3A_103], %broadcast_in_dim3A_98 {strides = array<i32>} : memref<80x24xf32, #tpu.memory_space<vmem>>, vector<16xf32>,
      %swap3A_105 = arith.index_cast %scan3A_97 : i32 to index
      %swap3A_106 = arith.constant 8 : index
      %swap3A_107 = tpu.vector_load %arg15[%swap3A_105, %swap3A_106] {strides = array<i32>} : memref<80x24xf32, #tpu.memory_space<vmem>>, vector<16xf32>,
      tpu.vector_store %arg15[%swap3A_105, %swap3A_106], %broadcast_in_dim3A_98 {strides = array<i32>} : memref<80x24xf32, #tpu.memory_space<vmem>>, vector<16xf32>,
      %scan3A_108 = arith.constant 1 : i32
      %scan3A_109 = arith.addi %scan3A_97, %scan3A_108 : i32
      %broadcast_in_dim3A_110 = arith.constant 0.000000e+00 : f32
      %broadcast_in_dim3A_111 = vector.broadcast %broadcast_in_dim3A_110 : f32 to vector<16xf32>
      %swap3A_112 = arith.index_cast %scan3A_109 : i32 to index
      %swap3A_113 = arith.constant 0 : index
      %swap3A_114 = tpu.vector_load %arg14[%swap3A_112, %swap3A_113] {strides = array<i32>} : memref<80x24xf32, #tpu.memory_space<vmem>>, vector<16xf32>,
      tpu.vector_store %arg14[%swap3A_112, %swap3A_113], %broadcast_in_dim3A_111 {strides = array<i32>} : memref<80x24xf32, #tpu.memory_space<vmem>>, vector<16xf32>,
      %swap3A_115 = arith.index_cast %scan3A_109 : i32 to index
      %swap3A_116 = arith.constant 8 : index
      %swap3A_117 = tpu.vector_load %arg14[%swap3A_115, %swap3A_116] {strides = array<i32>} : memref<80x24xf32, #tpu.memory_space<vmem>>, vector<16xf32>,
      tpu.vector_store %arg14[%swap3A_115, %swap3A_116], %broadcast_in_dim3A_111 {strides = array<i32>} : memref<80x24xf32, #tpu.memory_space<vmem>>, vector<16xf32>,
      %swap3A_118 = arith.index_cast %scan3A_109 : i32 to index
      %swap3A_119 = arith.constant 8 : index
      %swap3A_120 = tpu.vector_load %arg15[%swap3A_118, %swap3A_119] {strides = array<i32>} : memref<80x24xf32, #tpu.memory_space<vmem>>, vector<16xf32>,
      tpu.vector_store %arg15[%swap3A_118, %swap3A_119], %broadcast_in_dim3A_111 {strides = array<i32>} : memref<80x24xf32, #tpu.memory_space<vmem>>, vector<16xf32>,
      %scan3A_121 = arith.constant 2 : i32
      %scan3A_122 = arith.addi %scan3A_97, %scan3A_121 : i32
      %broadcast_in_dim3A_123 = arith.constant 0.000000e+00 : f32
      %broadcast_in_dim3A_124 = vector.broadcast %broadcast_in_dim3A_123 : f32 to vector<16xf32>
      %swap3A_125 = arith.index_cast %scan3A_122 : i32 to index
      %swap3A_126 = arith.constant 0 : index
      %swap3A_127 = tpu.vector_load %arg14[%swap3A_125, %swap3A_126] {strides = array<i32>} : memref<80x24xf32, #tpu.memory_space<vmem>>, vector<16xf32>,
      tpu.vector_store %arg14[%swap3A_125, %swap3A_126], %broadcast_in_dim3A_124 {strides = array<i32>} : memref<80x24xf32, #tpu.memory_space<vmem>>, vector<16xf32>,
      %swap3A_128 = arith.index_cast %scan3A_122 : i32 to index
      %swap3A_129 = arith.constant 8 : index
      %swap3A_130 = tpu.vector_load %arg14[%swap3A_128, %swap3A_129] {strides = array<i32>} : memref<80x24xf32, #tpu.memory_space<vmem>>, vector<16xf32>,
      tpu.vector_store %arg14[%swap3A_128, %swap3A_129], %broadcast_in_dim3A_124 {strides = array<i32>} : memref<80x24xf32, #tpu.memory_space<vmem>>, vector<16xf32>,
      %swap3A_131 = arith.index_cast %scan3A_122 : i32 to index
      %swap3A_132 = arith.constant 8 : index
      %swap3A_133 = tpu.vector_load %arg15[%swap3A_131, %swap3A_132] {strides = array<i32>} : memref<80x24xf32, #tpu.memory_space<vmem>>, vector<16xf32>,
      tpu.vector_store %arg15[%swap3A_131, %swap3A_132], %broadcast_in_dim3A_124 {strides = array<i32>} : memref<80x24xf32, #tpu.memory_space<vmem>>, vector<16xf32>,
      %scan3A_134 = arith.constant 3 : i32
      %scan3A_135 = arith.addi %scan3A_97, %scan3A_134 : i32
      %broadcast_in_dim3A_136 = arith.constant 0.000000e+00 : f32
      %broadcast_in_dim3A_137 = vector.broadcast %broadcast_in_dim3A_136 : f32 to vector<16xf32>
      %swap3A_138 = arith.index_cast %scan3A_135 : i32 to index
      %swap3A_139 = arith.constant 0 : index
      %swap3A_140 = tpu.vector_load %arg14[%swap3A_138, %swap3A_139] {strides = array<i32>} : memref<80x24xf32, #tpu.memory_space<vmem>>, vector<16xf32>,
      tpu.vector_store %arg14[%swap3A_138, %swap3A_139], %broadcast_in_dim3A_137 {strides = array<i32>} : memref<80x24xf32, #tpu.memory_space<vmem>>, vector<16xf32>,
      %swap3A_141 = arith.index_cast %scan3A_135 : i32 to index
      %swap3A_142 = arith.constant 8 : index
      %swap3A_143 = tpu.vector_load %arg14[%swap3A_141, %swap3A_142] {strides = array<i32>} : memref<80x24xf32, #tpu.memory_space<vmem>>, vector<16xf32>,
      tpu.vector_store %arg14[%swap3A_141, %swap3A_142], %broadcast_in_dim3A_137 {strides = array<i32>} : memref<80x24xf32, #tpu.memory_space<vmem>>, vector<16xf32>,
      %swap3A_144 = arith.index_cast %scan3A_135 : i32 to index
      %swap3A_145 = arith.constant 8 : index
      %swap3A_146 = tpu.vector_load %arg15[%swap3A_144, %swap3A_145] {strides = array<i32>} : memref<80x24xf32, #tpu.memory_space<vmem>>, vector<16xf32>,
      tpu.vector_store %arg15[%swap3A_144, %swap3A_145], %broadcast_in_dim3A_137 {strides = array<i32>} : memref<80x24xf32, #tpu.memory_space<vmem>>, vector<16xf32>,
    }
    %scan3A_9 = arith.constant 80 : i32
    %mul3A_10 = arith.constant 640 : i32
    %mul3A_11 = arith.muli %arg1, %mul3A_10 : i32
    %add3A_12 = arith.constant 0 : i32
    %add3A_13 = arith.addi %mul3A_11, %add3A_12 : i32
    "tpu.region"() ({
      %run_scoped3A = tpu.sem_alloc : memref<!tpu.dma_semaphore, #tpu.memory_space<semaphore_mem>>
      %dma_start3A_97 = arith.constant 0 : i32
      %dma_start3A_98 = tpu.memref_slice %arg17[%add3A_13, %dma_start3A_97] : memref<10240x24xf32, #tpu.memory_space<vmem_shared>> -> memref<80x24xf32, #tpu.memory_space<vmem_shared>>
      %dma_start3A_99 = arith.constant 0 : i32
      %dma_start3A_100 = tpu.memref_slice %arg17[%add3A_13, %dma_start3A_99] : memref<10240x24xf32, #tpu.memory_space<vmem_shared>> -> memref<80x24xf32, #tpu.memory_space<vmem_shared>>
      tpu.enqueue_dma source(%arg14 : memref<80x24xf32, #tpu.memory_space<vmem>>) target(%dma_start3A_100 : memref<80x24xf32, #tpu.memory_space<vmem_shared>>) target_semaphore(%run_scoped3A : memref<!tpu.dma_semaphore, #tpu.memory_space<semaphore_mem>>)
      %dma_wait3A_101 = arith.constant 0 : i32
      %dma_wait3A_102 = tpu.memref_slice %arg17[%add3A_13, %dma_wait3A_101] : memref<10240x24xf32, #tpu.memory_space<vmem_shared>> -> memref<80x24xf32, #tpu.memory_space<vmem_shared>>
      %dma_wait3A_103 = arith.constant 0 : i32
      %dma_wait3A_104 = tpu.memref_slice %arg17[%add3A_13, %dma_wait3A_103] : memref<10240x24xf32, #tpu.memory_space<vmem_shared>> -> memref<80x24xf32, #tpu.memory_space<vmem_shared>>
      tpu.wait_dma2 semaphore(%run_scoped3A : memref<!tpu.dma_semaphore, #tpu.memory_space<semaphore_mem>>) src(%arg14 : memref<80x24xf32, #tpu.memory_space<vmem>>) dst(%dma_wait3A_104 : memref<80x24xf32, #tpu.memory_space<vmem_shared>>)
      tpu.yield
    }) : () -> ()
    %mul3A_14 = arith.constant 640 : i32
    %mul3A_15 = arith.muli %arg1, %mul3A_14 : i32
    %add3A_16 = arith.constant 80 : i32
    %add3A_17 = arith.addi %mul3A_15, %add3A_16 : i32
    "tpu.region"() ({
      %run_scoped3A = tpu.sem_alloc : memref<!tpu.dma_semaphore, #tpu.memory_space<semaphore_mem>>
      %dma_start3A_97 = arith.constant 0 : i32
      %dma_start3A_98 = tpu.memref_slice %arg17[%add3A_17, %dma_start3A_97] : memref<10240x24xf32, #tpu.memory_space<vmem_shared>> -> memref<80x24xf32, #tpu.memory_space<vmem_shared>>
      %dma_start3A_99 = arith.constant 0 : i32
      %dma_start3A_100 = tpu.memref_slice %arg17[%add3A_17, %dma_start3A_99] : memref<10240x24xf32, #tpu.memory_space<vmem_shared>> -> memref<80x24xf32, #tpu.memory_space<vmem_shared>>
      tpu.enqueue_dma source(%arg14 : memref<80x24xf32, #tpu.memory_space<vmem>>) target(%dma_start3A_100 : memref<80x24xf32, #tpu.memory_space<vmem_shared>>) target_semaphore(%run_scoped3A : memref<!tpu.dma_semaphore, #tpu.memory_space<semaphore_mem>>)
      %dma_wait3A_101 = arith.constant 0 : i32
      %dma_wait3A_102 = tpu.memref_slice %arg17[%add3A_17, %dma_wait3A_101] : memref<10240x24xf32, #tpu.memory_space<vmem_shared>> -> memref<80x24xf32, #tpu.memory_space<vmem_shared>>
      %dma_wait3A_103 = arith.constant 0 : i32
      %dma_wait3A_104 = tpu.memref_slice %arg17[%add3A_17, %dma_wait3A_103] : memref<10240x24xf32, #tpu.memory_space<vmem_shared>> -> memref<80x24xf32, #tpu.memory_space<vmem_shared>>
      tpu.wait_dma2 semaphore(%run_scoped3A : memref<!tpu.dma_semaphore, #tpu.memory_space<semaphore_mem>>) src(%arg14 : memref<80x24xf32, #tpu.memory_space<vmem>>) dst(%dma_wait3A_104 : memref<80x24xf32, #tpu.memory_space<vmem_shared>>)
      tpu.yield
    }) : () -> ()
    %mul3A_18 = arith.constant 640 : i32
    %mul3A_19 = arith.muli %arg1, %mul3A_18 : i32
    %add3A_20 = arith.constant 160 : i32
    %add3A_21 = arith.addi %mul3A_19, %add3A_20 : i32
    "tpu.region"() ({
      %run_scoped3A = tpu.sem_alloc : memref<!tpu.dma_semaphore, #tpu.memory_space<semaphore_mem>>
      %dma_start3A_97 = arith.constant 0 : i32
      %dma_start3A_98 = tpu.memref_slice %arg17[%add3A_21, %dma_start3A_97] : memref<10240x24xf32, #tpu.memory_space<vmem_shared>> -> memref<80x24xf32, #tpu.memory_space<vmem_shared>>
      %dma_start3A_99 = arith.constant 0 : i32
      %dma_start3A_100 = tpu.memref_slice %arg17[%add3A_21, %dma_start3A_99] : memref<10240x24xf32, #tpu.memory_space<vmem_shared>> -> memref<80x24xf32, #tpu.memory_space<vmem_shared>>
      tpu.enqueue_dma source(%arg14 : memref<80x24xf32, #tpu.memory_space<vmem>>) target(%dma_start3A_100 : memref<80x24xf32, #tpu.memory_space<vmem_shared>>) target_semaphore(%run_scoped3A : memref<!tpu.dma_semaphore, #tpu.memory_space<semaphore_mem>>)
      %dma_wait3A_101 = arith.constant 0 : i32
      %dma_wait3A_102 = tpu.memref_slice %arg17[%add3A_21, %dma_wait3A_101] : memref<10240x24xf32, #tpu.memory_space<vmem_shared>> -> memref<80x24xf32, #tpu.memory_space<vmem_shared>>
      %dma_wait3A_103 = arith.constant 0 : i32
      %dma_wait3A_104 = tpu.memref_slice %arg17[%add3A_21, %dma_wait3A_103] : memref<10240x24xf32, #tpu.memory_space<vmem_shared>> -> memref<80x24xf32, #tpu.memory_space<vmem_shared>>
      tpu.wait_dma2 semaphore(%run_scoped3A : memref<!tpu.dma_semaphore, #tpu.memory_space<semaphore_mem>>) src(%arg14 : memref<80x24xf32, #tpu.memory_space<vmem>>) dst(%dma_wait3A_104 : memref<80x24xf32, #tpu.memory_space<vmem_shared>>)
      tpu.yield
    }) : () -> ()
    %mul3A_22 = arith.constant 640 : i32
    %mul3A_23 = arith.muli %arg1, %mul3A_22 : i32
    %add3A_24 = arith.constant 240 : i32
    %add3A_25 = arith.addi %mul3A_23, %add3A_24 : i32
    "tpu.region"() ({
      %run_scoped3A = tpu.sem_alloc : memref<!tpu.dma_semaphore, #tpu.memory_space<semaphore_mem>>
      %dma_start3A_97 = arith.constant 0 : i32
      %dma_start3A_98 = tpu.memref_slice %arg17[%add3A_25, %dma_start3A_97] : memref<10240x24xf32, #tpu.memory_space<vmem_shared>> -> memref<80x24xf32, #tpu.memory_space<vmem_shared>>
      %dma_start3A_99 = arith.constant 0 : i32
      %dma_start3A_100 = tpu.memref_slice %arg17[%add3A_25, %dma_start3A_99] : memref<10240x24xf32, #tpu.memory_space<vmem_shared>> -> memref<80x24xf32, #tpu.memory_space<vmem_shared>>
      tpu.enqueue_dma source(%arg14 : memref<80x24xf32, #tpu.memory_space<vmem>>) target(%dma_start3A_100 : memref<80x24xf32, #tpu.memory_space<vmem_shared>>) target_semaphore(%run_scoped3A : memref<!tpu.dma_semaphore, #tpu.memory_space<semaphore_mem>>)
      %dma_wait3A_101 = arith.constant 0 : i32
      %dma_wait3A_102 = tpu.memref_slice %arg17[%add3A_25, %dma_wait3A_101] : memref<10240x24xf32, #tpu.memory_space<vmem_shared>> -> memref<80x24xf32, #tpu.memory_space<vmem_shared>>
      %dma_wait3A_103 = arith.constant 0 : i32
      %dma_wait3A_104 = tpu.memref_slice %arg17[%add3A_25, %dma_wait3A_103] : memref<10240x24xf32, #tpu.memory_space<vmem_shared>> -> memref<80x24xf32, #tpu.memory_space<vmem_shared>>
      tpu.wait_dma2 semaphore(%run_scoped3A : memref<!tpu.dma_semaphore, #tpu.memory_space<semaphore_mem>>) src(%arg14 : memref<80x24xf32, #tpu.memory_space<vmem>>) dst(%dma_wait3A_104 : memref<80x24xf32, #tpu.memory_space<vmem_shared>>)
      tpu.yield
    }) : () -> ()
    %mul3A_26 = arith.constant 640 : i32
    %mul3A_27 = arith.muli %arg1, %mul3A_26 : i32
    %add3A_28 = arith.constant 320 : i32
    %add3A_29 = arith.addi %mul3A_27, %add3A_28 : i32
    "tpu.region"() ({
      %run_scoped3A = tpu.sem_alloc : memref<!tpu.dma_semaphore, #tpu.memory_space<semaphore_mem>>
      %dma_start3A_97 = arith.constant 0 : i32
      %dma_start3A_98 = tpu.memref_slice %arg17[%add3A_29, %dma_start3A_97] : memref<10240x24xf32, #tpu.memory_space<vmem_shared>> -> memref<80x24xf32, #tpu.memory_space<vmem_shared>>
      %dma_start3A_99 = arith.constant 0 : i32
      %dma_start3A_100 = tpu.memref_slice %arg17[%add3A_29, %dma_start3A_99] : memref<10240x24xf32, #tpu.memory_space<vmem_shared>> -> memref<80x24xf32, #tpu.memory_space<vmem_shared>>
      tpu.enqueue_dma source(%arg14 : memref<80x24xf32, #tpu.memory_space<vmem>>) target(%dma_start3A_100 : memref<80x24xf32, #tpu.memory_space<vmem_shared>>) target_semaphore(%run_scoped3A : memref<!tpu.dma_semaphore, #tpu.memory_space<semaphore_mem>>)
      %dma_wait3A_101 = arith.constant 0 : i32
      %dma_wait3A_102 = tpu.memref_slice %arg17[%add3A_29, %dma_wait3A_101] : memref<10240x24xf32, #tpu.memory_space<vmem_shared>> -> memref<80x24xf32, #tpu.memory_space<vmem_shared>>
      %dma_wait3A_103 = arith.constant 0 : i32
      %dma_wait3A_104 = tpu.memref_slice %arg17[%add3A_29, %dma_wait3A_103] : memref<10240x24xf32, #tpu.memory_space<vmem_shared>> -> memref<80x24xf32, #tpu.memory_space<vmem_shared>>
      tpu.wait_dma2 semaphore(%run_scoped3A : memref<!tpu.dma_semaphore, #tpu.memory_space<semaphore_mem>>) src(%arg14 : memref<80x24xf32, #tpu.memory_space<vmem>>) dst(%dma_wait3A_104 : memref<80x24xf32, #tpu.memory_space<vmem_shared>>)
      tpu.yield
    }) : () -> ()
    %mul3A_30 = arith.constant 640 : i32
    %mul3A_31 = arith.muli %arg1, %mul3A_30 : i32
    %add3A_32 = arith.constant 400 : i32
    %add3A_33 = arith.addi %mul3A_31, %add3A_32 : i32
    "tpu.region"() ({
      %run_scoped3A = tpu.sem_alloc : memref<!tpu.dma_semaphore, #tpu.memory_space<semaphore_mem>>
      %dma_start3A_97 = arith.constant 0 : i32
      %dma_start3A_98 = tpu.memref_slice %arg17[%add3A_33, %dma_start3A_97] : memref<10240x24xf32, #tpu.memory_space<vmem_shared>> -> memref<80x24xf32, #tpu.memory_space<vmem_shared>>
      %dma_start3A_99 = arith.constant 0 : i32
      %dma_start3A_100 = tpu.memref_slice %arg17[%add3A_33, %dma_start3A_99] : memref<10240x24xf32, #tpu.memory_space<vmem_shared>> -> memref<80x24xf32, #tpu.memory_space<vmem_shared>>
      tpu.enqueue_dma source(%arg14 : memref<80x24xf32, #tpu.memory_space<vmem>>) target(%dma_start3A_100 : memref<80x24xf32, #tpu.memory_space<vmem_shared>>) target_semaphore(%run_scoped3A : memref<!tpu.dma_semaphore, #tpu.memory_space<semaphore_mem>>)
      %dma_wait3A_101 = arith.constant 0 : i32
      %dma_wait3A_102 = tpu.memref_slice %arg17[%add3A_33, %dma_wait3A_101] : memref<10240x24xf32, #tpu.memory_space<vmem_shared>> -> memref<80x24xf32, #tpu.memory_space<vmem_shared>>
      %dma_wait3A_103 = arith.constant 0 : i32
      %dma_wait3A_104 = tpu.memref_slice %arg17[%add3A_33, %dma_wait3A_103] : memref<10240x24xf32, #tpu.memory_space<vmem_shared>> -> memref<80x24xf32, #tpu.memory_space<vmem_shared>>
      tpu.wait_dma2 semaphore(%run_scoped3A : memref<!tpu.dma_semaphore, #tpu.memory_space<semaphore_mem>>) src(%arg14 : memref<80x24xf32, #tpu.memory_space<vmem>>) dst(%dma_wait3A_104 : memref<80x24xf32, #tpu.memory_space<vmem_shared>>)
      tpu.yield
    }) : () -> ()
    %mul3A_34 = arith.constant 640 : i32
    %mul3A_35 = arith.muli %arg1, %mul3A_34 : i32
    %add3A_36 = arith.constant 480 : i32
    %add3A_37 = arith.addi %mul3A_35, %add3A_36 : i32
    "tpu.region"() ({
      %run_scoped3A = tpu.sem_alloc : memref<!tpu.dma_semaphore, #tpu.memory_space<semaphore_mem>>
      %dma_start3A_97 = arith.constant 0 : i32
      %dma_start3A_98 = tpu.memref_slice %arg17[%add3A_37, %dma_start3A_97] : memref<10240x24xf32, #tpu.memory_space<vmem_shared>> -> memref<80x24xf32, #tpu.memory_space<vmem_shared>>
      %dma_start3A_99 = arith.constant 0 : i32
      %dma_start3A_100 = tpu.memref_slice %arg17[%add3A_37, %dma_start3A_99] : memref<10240x24xf32, #tpu.memory_space<vmem_shared>> -> memref<80x24xf32, #tpu.memory_space<vmem_shared>>
      tpu.enqueue_dma source(%arg14 : memref<80x24xf32, #tpu.memory_space<vmem>>) target(%dma_start3A_100 : memref<80x24xf32, #tpu.memory_space<vmem_shared>>) target_semaphore(%run_scoped3A : memref<!tpu.dma_semaphore, #tpu.memory_space<semaphore_mem>>)
      %dma_wait3A_101 = arith.constant 0 : i32
      %dma_wait3A_102 = tpu.memref_slice %arg17[%add3A_37, %dma_wait3A_101] : memref<10240x24xf32, #tpu.memory_space<vmem_shared>> -> memref<80x24xf32, #tpu.memory_space<vmem_shared>>
      %dma_wait3A_103 = arith.constant 0 : i32
      %dma_wait3A_104 = tpu.memref_slice %arg17[%add3A_37, %dma_wait3A_103] : memref<10240x24xf32, #tpu.memory_space<vmem_shared>> -> memref<80x24xf32, #tpu.memory_space<vmem_shared>>
      tpu.wait_dma2 semaphore(%run_scoped3A : memref<!tpu.dma_semaphore, #tpu.memory_space<semaphore_mem>>) src(%arg14 : memref<80x24xf32, #tpu.memory_space<vmem>>) dst(%dma_wait3A_104 : memref<80x24xf32, #tpu.memory_space<vmem_shared>>)
      tpu.yield
    }) : () -> ()
    %mul3A_38 = arith.constant 640 : i32
    %mul3A_39 = arith.muli %arg1, %mul3A_38 : i32
    %add3A_40 = arith.constant 560 : i32
    %add3A_41 = arith.addi %mul3A_39, %add3A_40 : i32
    "tpu.region"() ({
      %run_scoped3A = tpu.sem_alloc : memref<!tpu.dma_semaphore, #tpu.memory_space<semaphore_mem>>
      %dma_start3A_97 = arith.constant 0 : i32
      %dma_start3A_98 = tpu.memref_slice %arg17[%add3A_41, %dma_start3A_97] : memref<10240x24xf32, #tpu.memory_space<vmem_shared>> -> memref<80x24xf32, #tpu.memory_space<vmem_shared>>
      %dma_start3A_99 = arith.constant 0 : i32
      %dma_start3A_100 = tpu.memref_slice %arg17[%add3A_41, %dma_start3A_99] : memref<10240x24xf32, #tpu.memory_space<vmem_shared>> -> memref<80x24xf32, #tpu.memory_space<vmem_shared>>
      tpu.enqueue_dma source(%arg14 : memref<80x24xf32, #tpu.memory_space<vmem>>) target(%dma_start3A_100 : memref<80x24xf32, #tpu.memory_space<vmem_shared>>) target_semaphore(%run_scoped3A : memref<!tpu.dma_semaphore, #tpu.memory_space<semaphore_mem>>)
      %dma_wait3A_101 = arith.constant 0 : i32
      %dma_wait3A_102 = tpu.memref_slice %arg17[%add3A_41, %dma_wait3A_101] : memref<10240x24xf32, #tpu.memory_space<vmem_shared>> -> memref<80x24xf32, #tpu.memory_space<vmem_shared>>
      %dma_wait3A_103 = arith.constant 0 : i32
      %dma_wait3A_104 = tpu.memref_slice %arg17[%add3A_41, %dma_wait3A_103] : memref<10240x24xf32, #tpu.memory_space<vmem_shared>> -> memref<80x24xf32, #tpu.memory_space<vmem_shared>>
      tpu.wait_dma2 semaphore(%run_scoped3A : memref<!tpu.dma_semaphore, #tpu.memory_space<semaphore_mem>>) src(%arg14 : memref<80x24xf32, #tpu.memory_space<vmem>>) dst(%dma_wait3A_104 : memref<80x24xf32, #tpu.memory_space<vmem_shared>>)
      tpu.yield
    }) : () -> ()
    %barrier3A = arith.constant 0 : index
    tpu.barrier barrier_id(%barrier3A)
    %dma_start3A = arith.constant 0 : i32
    %dma_start3A_42 = tpu.memref_slice %arg6[%dma_start3A] : memref<10000xi32, #tpu.memory_space<vmem>> -> memref<80xi32, #tpu.memory_space<vmem>>
    %dma_start3A_43 = arith.constant 0 : i32
    %dma_start3A_44 = arith.constant 0 : i32
    %dma_start3A_45 = tpu.memref_slice %arg3[%dma_start3A_43, %dma_start3A_44] : memref<10240x24xf32, #tpu.memory_space<hbm>> -> memref<10240x24xf32, #tpu.memory_space<hbm>>
    tpu.enqueue_indirect_dma source(%dma_start3A_45 : memref<10240x24xf32, #tpu.memory_space<hbm>>) target(%arg10 : memref<80x24xf32, #tpu.memory_space<vmem>>) offsets(%dma_start3A_42 : memref<80xi32, #tpu.memory_space<vmem>>) semaphore(%arg18 : memref<!tpu.dma_semaphore, #tpu.memory_space<semaphore_mem>>)
    %scan3A_46 = arith.constant 0 : i32
    %scan3A_47 = arith.constant 0 : i32
    %scan3A_48 = arith.constant 62 : i32
    %scan3A_49 = arith.addi %scan3A_47, %scan3A_48 : i32
    %scan3A_50 = arith.constant 1 : i32
    scf.for %scan3A_97 = %scan3A_47 to %scan3A_49 step %scan3A_50  : i32 {
      %mul3A_98 = arith.constant 2 : i32
      %mul3A_99 = arith.muli %mul3A_98, %scan3A_97 : i32
      %add3A_100 = arith.constant 1 : i32
      %add3A_101 = arith.addi %mul3A_99, %add3A_100 : i32
      %mul3A_102 = arith.constant 80 : i32
      %mul3A_103 = arith.muli %add3A_101, %mul3A_102 : i32
      %dma_start3A_104 = tpu.memref_slice %arg6[%mul3A_103] : memref<10000xi32, #tpu.memory_space<vmem>> -> memref<80xi32, #tpu.memory_space<vmem>>
      %dma_start3A_105 = arith.constant 0 : i32
      %dma_start3A_106 = arith.constant 0 : i32
      %dma_start3A_107 = tpu.memref_slice %arg3[%dma_start3A_105, %dma_start3A_106] : memref<10240x24xf32, #tpu.memory_space<hbm>> -> memref<10240x24xf32, #tpu.memory_space<hbm>>
      tpu.enqueue_indirect_dma source(%dma_start3A_107 : memref<10240x24xf32, #tpu.memory_space<hbm>>) target(%arg11 : memref<80x24xf32, #tpu.memory_space<vmem>>) offsets(%dma_start3A_104 : memref<80xi32, #tpu.memory_space<vmem>>) semaphore(%arg19 : memref<!tpu.dma_semaphore, #tpu.memory_space<semaphore_mem>>)
      %mul3A_108 = arith.constant 2 : i32
      %mul3A_109 = arith.muli %mul3A_108, %scan3A_97 : i32
      %mul3A_110 = arith.constant 80 : i32
      %mul3A_111 = arith.muli %mul3A_109, %mul3A_110 : i32
      %dma_wait3A_112 = tpu.memref_slice %arg6[%mul3A_111] : memref<10000xi32, #tpu.memory_space<vmem>> -> memref<80xi32, #tpu.memory_space<vmem>>
      %dma_wait3A_113 = arith.constant 0 : i32
      %dma_wait3A_114 = arith.constant 0 : i32
      %dma_wait3A_115 = tpu.memref_slice %arg3[%dma_wait3A_113, %dma_wait3A_114] : memref<10240x24xf32, #tpu.memory_space<hbm>> -> memref<10240x24xf32, #tpu.memory_space<hbm>>
      tpu.wait_indirect_dma semaphore(%arg18 : memref<!tpu.dma_semaphore, #tpu.memory_space<semaphore_mem>>) src(%dma_wait3A_115 : memref<10240x24xf32, #tpu.memory_space<hbm>>) dst(%arg10 : memref<80x24xf32, #tpu.memory_space<vmem>>)
      %ge3A = arith.constant 2 : i32
      %ge3A_116 = arith.cmpi sge, %mul3A_109, %ge3A : i32
      %convert_element_type3A = arith.extui %ge3A_116 : i1 to i32
      %cond3A = arith.constant 0 : i32
      %cond3A_117 = arith.cmpi ne, %convert_element_type3A, %cond3A : i32
      scf.if %cond3A_117 {
        %dma_wait3A_235 = arith.constant 0 : i32
        %dma_wait3A_236 = arith.constant 0 : i32
        %dma_wait3A_237 = tpu.memref_slice %arg17[%dma_wait3A_235, %dma_wait3A_236] : memref<10240x24xf32, #tpu.memory_space<vmem_shared>> -> memref<10240x24xf32, #tpu.memory_space<vmem_shared>>
        tpu.wait_indirect_dma semaphore(%arg22 : memref<!tpu.dma_semaphore, #tpu.memory_space<semaphore_mem>>) src(%arg14 : memref<80x24xf32, #tpu.memory_space<vmem>>) dst(%dma_wait3A_237 : memref<10240x24xf32, #tpu.memory_space<vmem_shared>>)
      } else {
      }
      %scan3A_118 = arith.constant 0 : i32
      %scan3A_119 = arith.constant 0 : i32
      %scan3A_120 = arith.constant 5 : i32
      %scan3A_121 = arith.addi %scan3A_119, %scan3A_120 : i32
      %scan3A_122 = arith.constant 1 : i32
      scf.for %scan3A_235 = %scan3A_119 to %scan3A_121 step %scan3A_122  : i32 {
        %mul3A_236 = arith.constant 16 : i32
        %mul3A_237 = arith.muli %scan3A_235, %mul3A_236 : i32
        %add3A_238 = vector.broadcast %mul3A_237 : i32 to vector<16xi32>
        %add3A_239 = arith.addi %add3A_238, %iota3A : vector<16xi32>
        %mul3A_240 = arith.constant 0 : i32
        %mul3A_241 = vector.broadcast %mul3A_240 : i32 to vector<16xi32>
        %mul3A_242 = arith.muli %iota3A, %mul3A_241 : vector<16xi32>
        %add3A_243 = arith.constant 16 : i32
        %add3A_244 = vector.broadcast %add3A_243 : i32 to vector<16xi32>
        %add3A_245 = arith.addi %mul3A_242, %add3A_244 : vector<16xi32>
        %gather3A = tpu.vector_load_idx %arg10[%add3A_239, %add3A_245] : memref<80x24xf32, #tpu.memory_space<vmem>>[vector<16xi32>, vector<16xi32>], vector<16xf32>,
        %mul3A_246 = arith.constant 80 : i32
        %mul3A_247 = arith.muli %mul3A_109, %mul3A_246 : i32
        %mul3A_248 = arith.constant 16 : i32
        %mul3A_249 = arith.muli %scan3A_235, %mul3A_248 : i32
        %add3A_250 = arith.addi %mul3A_247, %mul3A_249 : i32
        %get3A_251 = arith.index_cast %add3A_250 : i32 to index
        %get3A_252 = tpu.vector_load %arg7[%get3A_251] {strides = array<i32>} : memref<10000xi32, #tpu.memory_space<vmem>>, vector<16xi32>,
        %gather3A_253 = tpu.vector_load_idx %arg16[%get3A_252] : memref<10240xf32, #tpu.memory_space<vmem>>[vector<16xi32>], vector<16xf32>,
        %add3A_254 = arith.addf %gather3A, %gather3A_253 : vector<16xf32>
        %ge3A_255 = arith.constant 0.000000e+00 : f32
        %ge3A_256 = vector.broadcast %ge3A_255 : f32 to vector<16xf32>
        %ge3A_257 = arith.cmpf oge, %add3A_254, %ge3A_256 : vector<16xf32>
        %mul3A_258 = arith.constant 2.000000e-01 : f32
        %mul3A_259 = vector.broadcast %mul3A_258 : f32 to vector<16xf32>
        %mul3A_260 = arith.mulf %mul3A_259, %add3A_254 : vector<16xf32>
        %select_n3A = arith.select %ge3A_257, %add3A_254, %mul3A_260 : vector<16xi1>, vector<16xf32>
        %exp3A = math.exp %select_n3A : vector<16xf32>
        %add3A_261 = arith.constant 16 : i32
        %add3A_262 = vector.broadcast %add3A_261 : i32 to vector<16xi32>
        %add3A_263 = arith.addi %mul3A_242, %add3A_262 : vector<16xi32>
        tpu.vector_store_idx %arg14[%add3A_239, %add3A_263], %exp3A : memref<80x24xf32, #tpu.memory_space<vmem>>[vector<16xi32>, vector<16xi32>], vector<16xf32>,
        %add3A_264 = arith.constant 0 : i32
        %add3A_265 = vector.broadcast %add3A_264 : i32 to vector<16xi32>
        %add3A_266 = arith.addi %mul3A_242, %add3A_265 : vector<16xi32>
        %lt3A = arith.constant 0 : i32
        %lt3A_267 = vector.broadcast %lt3A : i32 to vector<16xi32>
        %lt3A_268 = arith.cmpi slt, %add3A_266, %lt3A_267 : vector<16xi32>
        %add3A_269 = arith.constant 16 : i32
        %add3A_270 = vector.broadcast %add3A_269 : i32 to vector<16xi32>
        %add3A_271 = arith.addi %add3A_266, %add3A_270 : vector<16xi32>
        %select_n3A_272 = arith.select %lt3A_268, %add3A_271, %add3A_266 : vector<16xi1>, vector<16xi32>
        %broadcast_in_dim3A = vector.shape_cast %select_n3A_272 : vector<16xi32> to vector<16x1xi32>
        %gather3A_273 = vector.shape_cast %broadcast_in_dim3A : vector<16x1xi32> to vector<16xi32>
        %gather3A_274 = tpu.dynamic_gather %exp3A[%gather3A_273] in [0] : vector<16xf32>, vector<16xi32> -> vector<16xf32>
        %add3A_275 = arith.constant 1 : i32
        %add3A_276 = vector.broadcast %add3A_275 : i32 to vector<16xi32>
        %add3A_277 = arith.addi %mul3A_242, %add3A_276 : vector<16xi32>
        %lt3A_278 = arith.constant 0 : i32
        %lt3A_279 = vector.broadcast %lt3A_278 : i32 to vector<16xi32>
        %lt3A_280 = arith.cmpi slt, %add3A_277, %lt3A_279 : vector<16xi32>
        %add3A_281 = arith.constant 16 : i32
        %add3A_282 = vector.broadcast %add3A_281 : i32 to vector<16xi32>
        %add3A_283 = arith.addi %add3A_277, %add3A_282 : vector<16xi32>
        %select_n3A_284 = arith.select %lt3A_280, %add3A_283, %add3A_277 : vector<16xi1>, vector<16xi32>
        %broadcast_in_dim3A_285 = vector.shape_cast %select_n3A_284 : vector<16xi32> to vector<16x1xi32>
        %gather3A_286 = vector.shape_cast %broadcast_in_dim3A_285 : vector<16x1xi32> to vector<16xi32>
        %gather3A_287 = tpu.dynamic_gather %exp3A[%gather3A_286] in [0] : vector<16xf32>, vector<16xi32> -> vector<16xf32>
        %add3A_288 = arith.constant 2 : i32
        %add3A_289 = vector.broadcast %add3A_288 : i32 to vector<16xi32>
        %add3A_290 = arith.addi %mul3A_242, %add3A_289 : vector<16xi32>
        %lt3A_291 = arith.constant 0 : i32
        %lt3A_292 = vector.broadcast %lt3A_291 : i32 to vector<16xi32>
        %lt3A_293 = arith.cmpi slt, %add3A_290, %lt3A_292 : vector<16xi32>
        %add3A_294 = arith.constant 16 : i32
        %add3A_295 = vector.broadcast %add3A_294 : i32 to vector<16xi32>
        %add3A_296 = arith.addi %add3A_290, %add3A_295 : vector<16xi32>
        %select_n3A_297 = arith.select %lt3A_293, %add3A_296, %add3A_290 : vector<16xi1>, vector<16xi32>
        %broadcast_in_dim3A_298 = vector.shape_cast %select_n3A_297 : vector<16xi32> to vector<16x1xi32>
        %gather3A_299 = vector.shape_cast %broadcast_in_dim3A_298 : vector<16x1xi32> to vector<16xi32>
        %gather3A_300 = tpu.dynamic_gather %exp3A[%gather3A_299] in [0] : vector<16xf32>, vector<16xi32> -> vector<16xf32>
        %add3A_301 = arith.constant 3 : i32
        %add3A_302 = vector.broadcast %add3A_301 : i32 to vector<16xi32>
        %add3A_303 = arith.addi %mul3A_242, %add3A_302 : vector<16xi32>
        %lt3A_304 = arith.constant 0 : i32
        %lt3A_305 = vector.broadcast %lt3A_304 : i32 to vector<16xi32>
        %lt3A_306 = arith.cmpi slt, %add3A_303, %lt3A_305 : vector<16xi32>
        %add3A_307 = arith.constant 16 : i32
        %add3A_308 = vector.broadcast %add3A_307 : i32 to vector<16xi32>
        %add3A_309 = arith.addi %add3A_303, %add3A_308 : vector<16xi32>
        %select_n3A_310 = arith.select %lt3A_306, %add3A_309, %add3A_303 : vector<16xi1>, vector<16xi32>
        %broadcast_in_dim3A_311 = vector.shape_cast %select_n3A_310 : vector<16xi32> to vector<16x1xi32>
        %gather3A_312 = vector.shape_cast %broadcast_in_dim3A_311 : vector<16x1xi32> to vector<16xi32>
        %gather3A_313 = tpu.dynamic_gather %exp3A[%gather3A_312] in [0] : vector<16xf32>, vector<16xi32> -> vector<16xf32>
        %add3A_314 = arith.constant 4 : i32
        %add3A_315 = vector.broadcast %add3A_314 : i32 to vector<16xi32>
        %add3A_316 = arith.addi %mul3A_242, %add3A_315 : vector<16xi32>
        %lt3A_317 = arith.constant 0 : i32
        %lt3A_318 = vector.broadcast %lt3A_317 : i32 to vector<16xi32>
        %lt3A_319 = arith.cmpi slt, %add3A_316, %lt3A_318 : vector<16xi32>
        %add3A_320 = arith.constant 16 : i32
        %add3A_321 = vector.broadcast %add3A_320 : i32 to vector<16xi32>
        %add3A_322 = arith.addi %add3A_316, %add3A_321 : vector<16xi32>
        %select_n3A_323 = arith.select %lt3A_319, %add3A_322, %add3A_316 : vector<16xi1>, vector<16xi32>
        %broadcast_in_dim3A_324 = vector.shape_cast %select_n3A_323 : vector<16xi32> to vector<16x1xi32>
        %gather3A_325 = vector.shape_cast %broadcast_in_dim3A_324 : vector<16x1xi32> to vector<16xi32>
        %gather3A_326 = tpu.dynamic_gather %exp3A[%gather3A_325] in [0] : vector<16xf32>, vector<16xi32> -> vector<16xf32>
        %add3A_327 = arith.constant 5 : i32
        %add3A_328 = vector.broadcast %add3A_327 : i32 to vector<16xi32>
        %add3A_329 = arith.addi %mul3A_242, %add3A_328 : vector<16xi32>
        %lt3A_330 = arith.constant 0 : i32
        %lt3A_331 = vector.broadcast %lt3A_330 : i32 to vector<16xi32>
        %lt3A_332 = arith.cmpi slt, %add3A_329, %lt3A_331 : vector<16xi32>
        %add3A_333 = arith.constant 16 : i32
        %add3A_334 = vector.broadcast %add3A_333 : i32 to vector<16xi32>
        %add3A_335 = arith.addi %add3A_329, %add3A_334 : vector<16xi32>
        %select_n3A_336 = arith.select %lt3A_332, %add3A_335, %add3A_329 : vector<16xi1>, vector<16xi32>
        %broadcast_in_dim3A_337 = vector.shape_cast %select_n3A_336 : vector<16xi32> to vector<16x1xi32>
        %gather3A_338 = vector.shape_cast %broadcast_in_dim3A_337 : vector<16x1xi32> to vector<16xi32>
        %gather3A_339 = tpu.dynamic_gather %exp3A[%gather3A_338] in [0] : vector<16xf32>, vector<16xi32> -> vector<16xf32>
        %add3A_340 = arith.constant 6 : i32
        %add3A_341 = vector.broadcast %add3A_340 : i32 to vector<16xi32>
        %add3A_342 = arith.addi %mul3A_242, %add3A_341 : vector<16xi32>
        %lt3A_343 = arith.constant 0 : i32
        %lt3A_344 = vector.broadcast %lt3A_343 : i32 to vector<16xi32>
        %lt3A_345 = arith.cmpi slt, %add3A_342, %lt3A_344 : vector<16xi32>
        %add3A_346 = arith.constant 16 : i32
        %add3A_347 = vector.broadcast %add3A_346 : i32 to vector<16xi32>
        %add3A_348 = arith.addi %add3A_342, %add3A_347 : vector<16xi32>
        %select_n3A_349 = arith.select %lt3A_345, %add3A_348, %add3A_342 : vector<16xi1>, vector<16xi32>
        %broadcast_in_dim3A_350 = vector.shape_cast %select_n3A_349 : vector<16xi32> to vector<16x1xi32>
        %gather3A_351 = vector.shape_cast %broadcast_in_dim3A_350 : vector<16x1xi32> to vector<16xi32>
        %gather3A_352 = tpu.dynamic_gather %exp3A[%gather3A_351] in [0] : vector<16xf32>, vector<16xi32> -> vector<16xf32>
        %add3A_353 = arith.constant 7 : i32
        %add3A_354 = vector.broadcast %add3A_353 : i32 to vector<16xi32>
        %add3A_355 = arith.addi %mul3A_242, %add3A_354 : vector<16xi32>
        %lt3A_356 = arith.constant 0 : i32
        %lt3A_357 = vector.broadcast %lt3A_356 : i32 to vector<16xi32>
        %lt3A_358 = arith.cmpi slt, %add3A_355, %lt3A_357 : vector<16xi32>
        %add3A_359 = arith.constant 16 : i32
        %add3A_360 = vector.broadcast %add3A_359 : i32 to vector<16xi32>
        %add3A_361 = arith.addi %add3A_355, %add3A_360 : vector<16xi32>
        %select_n3A_362 = arith.select %lt3A_358, %add3A_361, %add3A_355 : vector<16xi1>, vector<16xi32>
        %broadcast_in_dim3A_363 = vector.shape_cast %select_n3A_362 : vector<16xi32> to vector<16x1xi32>
        %gather3A_364 = vector.shape_cast %broadcast_in_dim3A_363 : vector<16x1xi32> to vector<16xi32>
        %gather3A_365 = tpu.dynamic_gather %exp3A[%gather3A_364] in [0] : vector<16xf32>, vector<16xi32> -> vector<16xf32>
        %add3A_366 = arith.constant 8 : i32
        %add3A_367 = vector.broadcast %add3A_366 : i32 to vector<16xi32>
        %add3A_368 = arith.addi %mul3A_242, %add3A_367 : vector<16xi32>
        %lt3A_369 = arith.constant 0 : i32
        %lt3A_370 = vector.broadcast %lt3A_369 : i32 to vector<16xi32>
        %lt3A_371 = arith.cmpi slt, %add3A_368, %lt3A_370 : vector<16xi32>
        %add3A_372 = arith.constant 16 : i32
        %add3A_373 = vector.broadcast %add3A_372 : i32 to vector<16xi32>
        %add3A_374 = arith.addi %add3A_368, %add3A_373 : vector<16xi32>
        %select_n3A_375 = arith.select %lt3A_371, %add3A_374, %add3A_368 : vector<16xi1>, vector<16xi32>
        %broadcast_in_dim3A_376 = vector.shape_cast %select_n3A_375 : vector<16xi32> to vector<16x1xi32>
        %gather3A_377 = vector.shape_cast %broadcast_in_dim3A_376 : vector<16x1xi32> to vector<16xi32>
        %gather3A_378 = tpu.dynamic_gather %exp3A[%gather3A_377] in [0] : vector<16xf32>, vector<16xi32> -> vector<16xf32>
        %add3A_379 = arith.constant 9 : i32
        %add3A_380 = vector.broadcast %add3A_379 : i32 to vector<16xi32>
        %add3A_381 = arith.addi %mul3A_242, %add3A_380 : vector<16xi32>
        %lt3A_382 = arith.constant 0 : i32
        %lt3A_383 = vector.broadcast %lt3A_382 : i32 to vector<16xi32>
        %lt3A_384 = arith.cmpi slt, %add3A_381, %lt3A_383 : vector<16xi32>
        %add3A_385 = arith.constant 16 : i32
        %add3A_386 = vector.broadcast %add3A_385 : i32 to vector<16xi32>
        %add3A_387 = arith.addi %add3A_381, %add3A_386 : vector<16xi32>
        %select_n3A_388 = arith.select %lt3A_384, %add3A_387, %add3A_381 : vector<16xi1>, vector<16xi32>
        %broadcast_in_dim3A_389 = vector.shape_cast %select_n3A_388 : vector<16xi32> to vector<16x1xi32>
        %gather3A_390 = vector.shape_cast %broadcast_in_dim3A_389 : vector<16x1xi32> to vector<16xi32>
        %gather3A_391 = tpu.dynamic_gather %exp3A[%gather3A_390] in [0] : vector<16xf32>, vector<16xi32> -> vector<16xf32>
        %add3A_392 = arith.constant 10 : i32
        %add3A_393 = vector.broadcast %add3A_392 : i32 to vector<16xi32>
        %add3A_394 = arith.addi %mul3A_242, %add3A_393 : vector<16xi32>
        %lt3A_395 = arith.constant 0 : i32
        %lt3A_396 = vector.broadcast %lt3A_395 : i32 to vector<16xi32>
        %lt3A_397 = arith.cmpi slt, %add3A_394, %lt3A_396 : vector<16xi32>
        %add3A_398 = arith.constant 16 : i32
        %add3A_399 = vector.broadcast %add3A_398 : i32 to vector<16xi32>
        %add3A_400 = arith.addi %add3A_394, %add3A_399 : vector<16xi32>
        %select_n3A_401 = arith.select %lt3A_397, %add3A_400, %add3A_394 : vector<16xi1>, vector<16xi32>
        %broadcast_in_dim3A_402 = vector.shape_cast %select_n3A_401 : vector<16xi32> to vector<16x1xi32>
        %gather3A_403 = vector.shape_cast %broadcast_in_dim3A_402 : vector<16x1xi32> to vector<16xi32>
        %gather3A_404 = tpu.dynamic_gather %exp3A[%gather3A_403] in [0] : vector<16xf32>, vector<16xi32> -> vector<16xf32>
        %add3A_405 = arith.constant 11 : i32
        %add3A_406 = vector.broadcast %add3A_405 : i32 to vector<16xi32>
        %add3A_407 = arith.addi %mul3A_242, %add3A_406 : vector<16xi32>
        %lt3A_408 = arith.constant 0 : i32
        %lt3A_409 = vector.broadcast %lt3A_408 : i32 to vector<16xi32>
        %lt3A_410 = arith.cmpi slt, %add3A_407, %lt3A_409 : vector<16xi32>
        %add3A_411 = arith.constant 16 : i32
        %add3A_412 = vector.broadcast %add3A_411 : i32 to vector<16xi32>
        %add3A_413 = arith.addi %add3A_407, %add3A_412 : vector<16xi32>
        %select_n3A_414 = arith.select %lt3A_410, %add3A_413, %add3A_407 : vector<16xi1>, vector<16xi32>
        %broadcast_in_dim3A_415 = vector.shape_cast %select_n3A_414 : vector<16xi32> to vector<16x1xi32>
        %gather3A_416 = vector.shape_cast %broadcast_in_dim3A_415 : vector<16x1xi32> to vector<16xi32>
        %gather3A_417 = tpu.dynamic_gather %exp3A[%gather3A_416] in [0] : vector<16xf32>, vector<16xi32> -> vector<16xf32>
        %add3A_418 = arith.constant 12 : i32
        %add3A_419 = vector.broadcast %add3A_418 : i32 to vector<16xi32>
        %add3A_420 = arith.addi %mul3A_242, %add3A_419 : vector<16xi32>
        %lt3A_421 = arith.constant 0 : i32
        %lt3A_422 = vector.broadcast %lt3A_421 : i32 to vector<16xi32>
        %lt3A_423 = arith.cmpi slt, %add3A_420, %lt3A_422 : vector<16xi32>
        %add3A_424 = arith.constant 16 : i32
        %add3A_425 = vector.broadcast %add3A_424 : i32 to vector<16xi32>
        %add3A_426 = arith.addi %add3A_420, %add3A_425 : vector<16xi32>
        %select_n3A_427 = arith.select %lt3A_423, %add3A_426, %add3A_420 : vector<16xi1>, vector<16xi32>
        %broadcast_in_dim3A_428 = vector.shape_cast %select_n3A_427 : vector<16xi32> to vector<16x1xi32>
        %gather3A_429 = vector.shape_cast %broadcast_in_dim3A_428 : vector<16x1xi32> to vector<16xi32>
        %gather3A_430 = tpu.dynamic_gather %exp3A[%gather3A_429] in [0] : vector<16xf32>, vector<16xi32> -> vector<16xf32>
        %add3A_431 = arith.constant 13 : i32
        %add3A_432 = vector.broadcast %add3A_431 : i32 to vector<16xi32>
        %add3A_433 = arith.addi %mul3A_242, %add3A_432 : vector<16xi32>
        %lt3A_434 = arith.constant 0 : i32
        %lt3A_435 = vector.broadcast %lt3A_434 : i32 to vector<16xi32>
        %lt3A_436 = arith.cmpi slt, %add3A_433, %lt3A_435 : vector<16xi32>
        %add3A_437 = arith.constant 16 : i32
        %add3A_438 = vector.broadcast %add3A_437 : i32 to vector<16xi32>
        %add3A_439 = arith.addi %add3A_433, %add3A_438 : vector<16xi32>
        %select_n3A_440 = arith.select %lt3A_436, %add3A_439, %add3A_433 : vector<16xi1>, vector<16xi32>
        %broadcast_in_dim3A_441 = vector.shape_cast %select_n3A_440 : vector<16xi32> to vector<16x1xi32>
        %gather3A_442 = vector.shape_cast %broadcast_in_dim3A_441 : vector<16x1xi32> to vector<16xi32>
        %gather3A_443 = tpu.dynamic_gather %exp3A[%gather3A_442] in [0] : vector<16xf32>, vector<16xi32> -> vector<16xf32>
        %add3A_444 = arith.constant 14 : i32
        %add3A_445 = vector.broadcast %add3A_444 : i32 to vector<16xi32>
        %add3A_446 = arith.addi %mul3A_242, %add3A_445 : vector<16xi32>
        %lt3A_447 = arith.constant 0 : i32
        %lt3A_448 = vector.broadcast %lt3A_447 : i32 to vector<16xi32>
        %lt3A_449 = arith.cmpi slt, %add3A_446, %lt3A_448 : vector<16xi32>
        %add3A_450 = arith.constant 16 : i32
        %add3A_451 = vector.broadcast %add3A_450 : i32 to vector<16xi32>
        %add3A_452 = arith.addi %add3A_446, %add3A_451 : vector<16xi32>
        %select_n3A_453 = arith.select %lt3A_449, %add3A_452, %add3A_446 : vector<16xi1>, vector<16xi32>
        %broadcast_in_dim3A_454 = vector.shape_cast %select_n3A_453 : vector<16xi32> to vector<16x1xi32>
        %gather3A_455 = vector.shape_cast %broadcast_in_dim3A_454 : vector<16x1xi32> to vector<16xi32>
        %gather3A_456 = tpu.dynamic_gather %exp3A[%gather3A_455] in [0] : vector<16xf32>, vector<16xi32> -> vector<16xf32>
        %add3A_457 = arith.constant 15 : i32
        %add3A_458 = vector.broadcast %add3A_457 : i32 to vector<16xi32>
        %add3A_459 = arith.addi %mul3A_242, %add3A_458 : vector<16xi32>
        %lt3A_460 = arith.constant 0 : i32
        %lt3A_461 = vector.broadcast %lt3A_460 : i32 to vector<16xi32>
        %lt3A_462 = arith.cmpi slt, %add3A_459, %lt3A_461 : vector<16xi32>
        %add3A_463 = arith.constant 16 : i32
        %add3A_464 = vector.broadcast %add3A_463 : i32 to vector<16xi32>
        %add3A_465 = arith.addi %add3A_459, %add3A_464 : vector<16xi32>
        %select_n3A_466 = arith.select %lt3A_462, %add3A_465, %add3A_459 : vector<16xi1>, vector<16xi32>
        %broadcast_in_dim3A_467 = vector.shape_cast %select_n3A_466 : vector<16xi32> to vector<16x1xi32>
        %gather3A_468 = vector.shape_cast %broadcast_in_dim3A_467 : vector<16x1xi32> to vector<16xi32>
        %gather3A_469 = tpu.dynamic_gather %exp3A[%gather3A_468] in [0] : vector<16xf32>, vector<16xi32> -> vector<16xf32>
        %mul3A_470 = arith.constant 16 : i32
        %mul3A_471 = arith.muli %scan3A_235, %mul3A_470 : i32
        %add3A_472 = arith.constant 0 : i32
        %add3A_473 = arith.addi %mul3A_471, %add3A_472 : i32
        %get3A_474 = arith.index_cast %add3A_473 : i32 to index
        %get3A_475 = arith.constant 0 : index
        %get3A_476 = tpu.vector_load %arg10[%get3A_474, %get3A_475] {strides = array<i32>} : memref<80x24xf32, #tpu.memory_space<vmem>>, vector<16xf32>,
        %mul3A_477 = arith.constant 16 : i32
        %mul3A_478 = arith.muli %scan3A_235, %mul3A_477 : i32
        %add3A_479 = arith.constant 1 : i32
        %add3A_480 = arith.addi %mul3A_478, %add3A_479 : i32
        %get3A_481 = arith.index_cast %add3A_480 : i32 to index
        %get3A_482 = arith.constant 0 : index
        %get3A_483 = tpu.vector_load %arg10[%get3A_481, %get3A_482] {strides = array<i32>} : memref<80x24xf32, #tpu.memory_space<vmem>>, vector<16xf32>,
        %mul3A_484 = arith.constant 16 : i32
        %mul3A_485 = arith.muli %scan3A_235, %mul3A_484 : i32
        %add3A_486 = arith.constant 2 : i32
        %add3A_487 = arith.addi %mul3A_485, %add3A_486 : i32
        %get3A_488 = arith.index_cast %add3A_487 : i32 to index
        %get3A_489 = arith.constant 0 : index
        %get3A_490 = tpu.vector_load %arg10[%get3A_488, %get3A_489] {strides = array<i32>} : memref<80x24xf32, #tpu.memory_space<vmem>>, vector<16xf32>,
        %mul3A_491 = arith.constant 16 : i32
        %mul3A_492 = arith.muli %scan3A_235, %mul3A_491 : i32
        %add3A_493 = arith.constant 3 : i32
        %add3A_494 = arith.addi %mul3A_492, %add3A_493 : i32
        %get3A_495 = arith.index_cast %add3A_494 : i32 to index
        %get3A_496 = arith.constant 0 : index
        %get3A_497 = tpu.vector_load %arg10[%get3A_495, %get3A_496] {strides = array<i32>} : memref<80x24xf32, #tpu.memory_space<vmem>>, vector<16xf32>,
        %mul3A_498 = arith.constant 16 : i32
        %mul3A_499 = arith.muli %scan3A_235, %mul3A_498 : i32
        %add3A_500 = arith.constant 4 : i32
        %add3A_501 = arith.addi %mul3A_499, %add3A_500 : i32
        %get3A_502 = arith.index_cast %add3A_501 : i32 to index
        %get3A_503 = arith.constant 0 : index
        %get3A_504 = tpu.vector_load %arg10[%get3A_502, %get3A_503] {strides = array<i32>} : memref<80x24xf32, #tpu.memory_space<vmem>>, vector<16xf32>,
        %mul3A_505 = arith.constant 16 : i32
        %mul3A_506 = arith.muli %scan3A_235, %mul3A_505 : i32
        %add3A_507 = arith.constant 5 : i32
        %add3A_508 = arith.addi %mul3A_506, %add3A_507 : i32
        %get3A_509 = arith.index_cast %add3A_508 : i32 to index
        %get3A_510 = arith.constant 0 : index
        %get3A_511 = tpu.vector_load %arg10[%get3A_509, %get3A_510] {strides = array<i32>} : memref<80x24xf32, #tpu.memory_space<vmem>>, vector<16xf32>,
        %mul3A_512 = arith.constant 16 : i32
        %mul3A_513 = arith.muli %scan3A_235, %mul3A_512 : i32
        %add3A_514 = arith.constant 6 : i32
        %add3A_515 = arith.addi %mul3A_513, %add3A_514 : i32
        %get3A_516 = arith.index_cast %add3A_515 : i32 to index
        %get3A_517 = arith.constant 0 : index
        %get3A_518 = tpu.vector_load %arg10[%get3A_516, %get3A_517] {strides = array<i32>} : memref<80x24xf32, #tpu.memory_space<vmem>>, vector<16xf32>,
        %mul3A_519 = arith.constant 16 : i32
        %mul3A_520 = arith.muli %scan3A_235, %mul3A_519 : i32
        %add3A_521 = arith.constant 7 : i32
        %add3A_522 = arith.addi %mul3A_520, %add3A_521 : i32
        %get3A_523 = arith.index_cast %add3A_522 : i32 to index
        %get3A_524 = arith.constant 0 : index
        %get3A_525 = tpu.vector_load %arg10[%get3A_523, %get3A_524] {strides = array<i32>} : memref<80x24xf32, #tpu.memory_space<vmem>>, vector<16xf32>,
        %mul3A_526 = arith.constant 16 : i32
        %mul3A_527 = arith.muli %scan3A_235, %mul3A_526 : i32
        %add3A_528 = arith.constant 8 : i32
        %add3A_529 = arith.addi %mul3A_527, %add3A_528 : i32
        %get3A_530 = arith.index_cast %add3A_529 : i32 to index
        %get3A_531 = arith.constant 0 : index
        %get3A_532 = tpu.vector_load %arg10[%get3A_530, %get3A_531] {strides = array<i32>} : memref<80x24xf32, #tpu.memory_space<vmem>>, vector<16xf32>,
        %mul3A_533 = arith.constant 16 : i32
        %mul3A_534 = arith.muli %scan3A_235, %mul3A_533 : i32
        %add3A_535 = arith.constant 9 : i32
        %add3A_536 = arith.addi %mul3A_534, %add3A_535 : i32
        %get3A_537 = arith.index_cast %add3A_536 : i32 to index
        %get3A_538 = arith.constant 0 : index
        %get3A_539 = tpu.vector_load %arg10[%get3A_537, %get3A_538] {strides = array<i32>} : memref<80x24xf32, #tpu.memory_space<vmem>>, vector<16xf32>,
        %mul3A_540 = arith.constant 16 : i32
        %mul3A_541 = arith.muli %scan3A_235, %mul3A_540 : i32
        %add3A_542 = arith.constant 10 : i32
        %add3A_543 = arith.addi %mul3A_541, %add3A_542 : i32
        %get3A_544 = arith.index_cast %add3A_543 : i32 to index
        %get3A_545 = arith.constant 0 : index
        %get3A_546 = tpu.vector_load %arg10[%get3A_544, %get3A_545] {strides = array<i32>} : memref<80x24xf32, #tpu.memory_space<vmem>>, vector<16xf32>,
        %mul3A_547 = arith.constant 16 : i32
        %mul3A_548 = arith.muli %scan3A_235, %mul3A_547 : i32
        %add3A_549 = arith.constant 11 : i32
        %add3A_550 = arith.addi %mul3A_548, %add3A_549 : i32
        %get3A_551 = arith.index_cast %add3A_550 : i32 to index
        %get3A_552 = arith.constant 0 : index
        %get3A_553 = tpu.vector_load %arg10[%get3A_551, %get3A_552] {strides = array<i32>} : memref<80x24xf32, #tpu.memory_space<vmem>>, vector<16xf32>,
        %mul3A_554 = arith.constant 16 : i32
        %mul3A_555 = arith.muli %scan3A_235, %mul3A_554 : i32
        %add3A_556 = arith.constant 12 : i32
        %add3A_557 = arith.addi %mul3A_555, %add3A_556 : i32
        %get3A_558 = arith.index_cast %add3A_557 : i32 to index
        %get3A_559 = arith.constant 0 : index
        %get3A_560 = tpu.vector_load %arg10[%get3A_558, %get3A_559] {strides = array<i32>} : memref<80x24xf32, #tpu.memory_space<vmem>>, vector<16xf32>,
        %mul3A_561 = arith.constant 16 : i32
        %mul3A_562 = arith.muli %scan3A_235, %mul3A_561 : i32
        %add3A_563 = arith.constant 13 : i32
        %add3A_564 = arith.addi %mul3A_562, %add3A_563 : i32
        %get3A_565 = arith.index_cast %add3A_564 : i32 to index
        %get3A_566 = arith.constant 0 : index
        %get3A_567 = tpu.vector_load %arg10[%get3A_565, %get3A_566] {strides = array<i32>} : memref<80x24xf32, #tpu.memory_space<vmem>>, vector<16xf32>,
        %mul3A_568 = arith.constant 16 : i32
        %mul3A_569 = arith.muli %scan3A_235, %mul3A_568 : i32
        %add3A_570 = arith.constant 14 : i32
        %add3A_571 = arith.addi %mul3A_569, %add3A_570 : i32
        %get3A_572 = arith.index_cast %add3A_571 : i32 to index
        %get3A_573 = arith.constant 0 : index
        %get3A_574 = tpu.vector_load %arg10[%get3A_572, %get3A_573] {strides = array<i32>} : memref<80x24xf32, #tpu.memory_space<vmem>>, vector<16xf32>,
        %mul3A_575 = arith.constant 16 : i32
        %mul3A_576 = arith.muli %scan3A_235, %mul3A_575 : i32
        %add3A_577 = arith.constant 15 : i32
        %add3A_578 = arith.addi %mul3A_576, %add3A_577 : i32
        %get3A_579 = arith.index_cast %add3A_578 : i32 to index
        %get3A_580 = arith.constant 0 : index
        %get3A_581 = tpu.vector_load %arg10[%get3A_579, %get3A_580] {strides = array<i32>} : memref<80x24xf32, #tpu.memory_space<vmem>>, vector<16xf32>,
        %mul3A_582 = arith.mulf %get3A_476, %gather3A_274 : vector<16xf32>
        %mul3A_583 = arith.mulf %get3A_483, %gather3A_287 : vector<16xf32>
        %mul3A_584 = arith.mulf %get3A_490, %gather3A_300 : vector<16xf32>
        %mul3A_585 = arith.mulf %get3A_497, %gather3A_313 : vector<16xf32>
        %mul3A_586 = arith.mulf %get3A_504, %gather3A_326 : vector<16xf32>
        %mul3A_587 = arith.mulf %get3A_511, %gather3A_339 : vector<16xf32>
        %mul3A_588 = arith.mulf %get3A_518, %gather3A_352 : vector<16xf32>
        %mul3A_589 = arith.mulf %get3A_525, %gather3A_365 : vector<16xf32>
        %mul3A_590 = arith.mulf %get3A_532, %gather3A_378 : vector<16xf32>
        %mul3A_591 = arith.mulf %get3A_539, %gather3A_391 : vector<16xf32>
        %mul3A_592 = arith.mulf %get3A_546, %gather3A_404 : vector<16xf32>
        %mul3A_593 = arith.mulf %get3A_553, %gather3A_417 : vector<16xf32>
        %mul3A_594 = arith.mulf %get3A_560, %gather3A_430 : vector<16xf32>
        %mul3A_595 = arith.mulf %get3A_567, %gather3A_443 : vector<16xf32>
        %mul3A_596 = arith.mulf %get3A_574, %gather3A_456 : vector<16xf32>
        %mul3A_597 = arith.mulf %get3A_581, %gather3A_469 : vector<16xf32>
        %mul3A_598 = arith.constant 16 : i32
        %mul3A_599 = arith.muli %scan3A_235, %mul3A_598 : i32
        %add3A_600 = arith.constant 0 : i32
        %add3A_601 = arith.addi %mul3A_599, %add3A_600 : i32
        %swap3A_602 = arith.index_cast %add3A_601 : i32 to index
        %swap3A_603 = arith.constant 0 : index
        %swap3A_604 = tpu.vector_load %arg14[%swap3A_602, %swap3A_603] {strides = array<i32>} : memref<80x24xf32, #tpu.memory_space<vmem>>, vector<16xf32>,
        tpu.vector_store %arg14[%swap3A_602, %swap3A_603], %mul3A_582 {strides = array<i32>} : memref<80x24xf32, #tpu.memory_space<vmem>>, vector<16xf32>,
        %mul3A_605 = arith.constant 16 : i32
        %mul3A_606 = arith.muli %scan3A_235, %mul3A_605 : i32
        %add3A_607 = arith.constant 1 : i32
        %add3A_608 = arith.addi %mul3A_606, %add3A_607 : i32
        %swap3A_609 = arith.index_cast %add3A_608 : i32 to index
        %swap3A_610 = arith.constant 0 : index
        %swap3A_611 = tpu.vector_load %arg14[%swap3A_609, %swap3A_610] {strides = array<i32>} : memref<80x24xf32, #tpu.memory_space<vmem>>, vector<16xf32>,
        tpu.vector_store %arg14[%swap3A_609, %swap3A_610], %mul3A_583 {strides = array<i32>} : memref<80x24xf32, #tpu.memory_space<vmem>>, vector<16xf32>,
        %mul3A_612 = arith.constant 16 : i32
        %mul3A_613 = arith.muli %scan3A_235, %mul3A_612 : i32
        %add3A_614 = arith.constant 2 : i32
        %add3A_615 = arith.addi %mul3A_613, %add3A_614 : i32
        %swap3A_616 = arith.index_cast %add3A_615 : i32 to index
        %swap3A_617 = arith.constant 0 : index
        %swap3A_618 = tpu.vector_load %arg14[%swap3A_616, %swap3A_617] {strides = array<i32>} : memref<80x24xf32, #tpu.memory_space<vmem>>, vector<16xf32>,
        tpu.vector_store %arg14[%swap3A_616, %swap3A_617], %mul3A_584 {strides = array<i32>} : memref<80x24xf32, #tpu.memory_space<vmem>>, vector<16xf32>,
        %mul3A_619 = arith.constant 16 : i32
        %mul3A_620 = arith.muli %scan3A_235, %mul3A_619 : i32
        %add3A_621 = arith.constant 3 : i32
        %add3A_622 = arith.addi %mul3A_620, %add3A_621 : i32
        %swap3A_623 = arith.index_cast %add3A_622 : i32 to index
        %swap3A_624 = arith.constant 0 : index
        %swap3A_625 = tpu.vector_load %arg14[%swap3A_623, %swap3A_624] {strides = array<i32>} : memref<80x24xf32, #tpu.memory_space<vmem>>, vector<16xf32>,
        tpu.vector_store %arg14[%swap3A_623, %swap3A_624], %mul3A_585 {strides = array<i32>} : memref<80x24xf32, #tpu.memory_space<vmem>>, vector<16xf32>,
        %mul3A_626 = arith.constant 16 : i32
        %mul3A_627 = arith.muli %scan3A_235, %mul3A_626 : i32
        %add3A_628 = arith.constant 4 : i32
        %add3A_629 = arith.addi %mul3A_627, %add3A_628 : i32
        %swap3A_630 = arith.index_cast %add3A_629 : i32 to index
        %swap3A_631 = arith.constant 0 : index
        %swap3A_632 = tpu.vector_load %arg14[%swap3A_630, %swap3A_631] {strides = array<i32>} : memref<80x24xf32, #tpu.memory_space<vmem>>, vector<16xf32>,
        tpu.vector_store %arg14[%swap3A_630, %swap3A_631], %mul3A_586 {strides = array<i32>} : memref<80x24xf32, #tpu.memory_space<vmem>>, vector<16xf32>,
        %mul3A_633 = arith.constant 16 : i32
        %mul3A_634 = arith.muli %scan3A_235, %mul3A_633 : i32
        %add3A_635 = arith.constant 5 : i32
        %add3A_636 = arith.addi %mul3A_634, %add3A_635 : i32
        %swap3A_637 = arith.index_cast %add3A_636 : i32 to index
        %swap3A_638 = arith.constant 0 : index
        %swap3A_639 = tpu.vector_load %arg14[%swap3A_637, %swap3A_638] {strides = array<i32>} : memref<80x24xf32, #tpu.memory_space<vmem>>, vector<16xf32>,
        tpu.vector_store %arg14[%swap3A_637, %swap3A_638], %mul3A_587 {strides = array<i32>} : memref<80x24xf32, #tpu.memory_space<vmem>>, vector<16xf32>,
        %mul3A_640 = arith.constant 16 : i32
        %mul3A_641 = arith.muli %scan3A_235, %mul3A_640 : i32
        %add3A_642 = arith.constant 6 : i32
        %add3A_643 = arith.addi %mul3A_641, %add3A_642 : i32
        %swap3A_644 = arith.index_cast %add3A_643 : i32 to index
        %swap3A_645 = arith.constant 0 : index
        %swap3A_646 = tpu.vector_load %arg14[%swap3A_644, %swap3A_645] {strides = array<i32>} : memref<80x24xf32, #tpu.memory_space<vmem>>, vector<16xf32>,
        tpu.vector_store %arg14[%swap3A_644, %swap3A_645], %mul3A_588 {strides = array<i32>} : memref<80x24xf32, #tpu.memory_space<vmem>>, vector<16xf32>,
        %mul3A_647 = arith.constant 16 : i32
        %mul3A_648 = arith.muli %scan3A_235, %mul3A_647 : i32
        %add3A_649 = arith.constant 7 : i32
        %add3A_650 = arith.addi %mul3A_648, %add3A_649 : i32
        %swap3A_651 = arith.index_cast %add3A_650 : i32 to index
        %swap3A_652 = arith.constant 0 : index
        %swap3A_653 = tpu.vector_load %arg14[%swap3A_651, %swap3A_652] {strides = array<i32>} : memref<80x24xf32, #tpu.memory_space<vmem>>, vector<16xf32>,
        tpu.vector_store %arg14[%swap3A_651, %swap3A_652], %mul3A_589 {strides = array<i32>} : memref<80x24xf32, #tpu.memory_space<vmem>>, vector<16xf32>,
        %mul3A_654 = arith.constant 16 : i32
        %mul3A_655 = arith.muli %scan3A_235, %mul3A_654 : i32
        %add3A_656 = arith.constant 8 : i32
        %add3A_657 = arith.addi %mul3A_655, %add3A_656 : i32
        %swap3A_658 = arith.index_cast %add3A_657 : i32 to index
        %swap3A_659 = arith.constant 0 : index
        %swap3A_660 = tpu.vector_load %arg14[%swap3A_658, %swap3A_659] {strides = array<i32>} : memref<80x24xf32, #tpu.memory_space<vmem>>, vector<16xf32>,
        tpu.vector_store %arg14[%swap3A_658, %swap3A_659], %mul3A_590 {strides = array<i32>} : memref<80x24xf32, #tpu.memory_space<vmem>>, vector<16xf32>,
        %mul3A_661 = arith.constant 16 : i32
        %mul3A_662 = arith.muli %scan3A_235, %mul3A_661 : i32
        %add3A_663 = arith.constant 9 : i32
        %add3A_664 = arith.addi %mul3A_662, %add3A_663 : i32
        %swap3A_665 = arith.index_cast %add3A_664 : i32 to index
        %swap3A_666 = arith.constant 0 : index
        %swap3A_667 = tpu.vector_load %arg14[%swap3A_665, %swap3A_666] {strides = array<i32>} : memref<80x24xf32, #tpu.memory_space<vmem>>, vector<16xf32>,
        tpu.vector_store %arg14[%swap3A_665, %swap3A_666], %mul3A_591 {strides = array<i32>} : memref<80x24xf32, #tpu.memory_space<vmem>>, vector<16xf32>,
        %mul3A_668 = arith.constant 16 : i32
        %mul3A_669 = arith.muli %scan3A_235, %mul3A_668 : i32
        %add3A_670 = arith.constant 10 : i32
        %add3A_671 = arith.addi %mul3A_669, %add3A_670 : i32
        %swap3A_672 = arith.index_cast %add3A_671 : i32 to index
        %swap3A_673 = arith.constant 0 : index
        %swap3A_674 = tpu.vector_load %arg14[%swap3A_672, %swap3A_673] {strides = array<i32>} : memref<80x24xf32, #tpu.memory_space<vmem>>, vector<16xf32>,
        tpu.vector_store %arg14[%swap3A_672, %swap3A_673], %mul3A_592 {strides = array<i32>} : memref<80x24xf32, #tpu.memory_space<vmem>>, vector<16xf32>,
        %mul3A_675 = arith.constant 16 : i32
        %mul3A_676 = arith.muli %scan3A_235, %mul3A_675 : i32
        %add3A_677 = arith.constant 11 : i32
        %add3A_678 = arith.addi %mul3A_676, %add3A_677 : i32
        %swap3A_679 = arith.index_cast %add3A_678 : i32 to index
        %swap3A_680 = arith.constant 0 : index
        %swap3A_681 = tpu.vector_load %arg14[%swap3A_679, %swap3A_680] {strides = array<i32>} : memref<80x24xf32, #tpu.memory_space<vmem>>, vector<16xf32>,
        tpu.vector_store %arg14[%swap3A_679, %swap3A_680], %mul3A_593 {strides = array<i32>} : memref<80x24xf32, #tpu.memory_space<vmem>>, vector<16xf32>,
        %mul3A_682 = arith.constant 16 : i32
        %mul3A_683 = arith.muli %scan3A_235, %mul3A_682 : i32
        %add3A_684 = arith.constant 12 : i32
        %add3A_685 = arith.addi %mul3A_683, %add3A_684 : i32
        %swap3A_686 = arith.index_cast %add3A_685 : i32 to index
        %swap3A_687 = arith.constant 0 : index
        %swap3A_688 = tpu.vector_load %arg14[%swap3A_686, %swap3A_687] {strides = array<i32>} : memref<80x24xf32, #tpu.memory_space<vmem>>, vector<16xf32>,
        tpu.vector_store %arg14[%swap3A_686, %swap3A_687], %mul3A_594 {strides = array<i32>} : memref<80x24xf32, #tpu.memory_space<vmem>>, vector<16xf32>,
        %mul3A_689 = arith.constant 16 : i32
        %mul3A_690 = arith.muli %scan3A_235, %mul3A_689 : i32
        %add3A_691 = arith.constant 13 : i32
        %add3A_692 = arith.addi %mul3A_690, %add3A_691 : i32
        %swap3A_693 = arith.index_cast %add3A_692 : i32 to index
        %swap3A_694 = arith.constant 0 : index
        %swap3A_695 = tpu.vector_load %arg14[%swap3A_693, %swap3A_694] {strides = array<i32>} : memref<80x24xf32, #tpu.memory_space<vmem>>, vector<16xf32>,
        tpu.vector_store %arg14[%swap3A_693, %swap3A_694], %mul3A_595 {strides = array<i32>} : memref<80x24xf32, #tpu.memory_space<vmem>>, vector<16xf32>,
        %mul3A_696 = arith.constant 16 : i32
        %mul3A_697 = arith.muli %scan3A_235, %mul3A_696 : i32
        %add3A_698 = arith.constant 14 : i32
        %add3A_699 = arith.addi %mul3A_697, %add3A_698 : i32
        %swap3A_700 = arith.index_cast %add3A_699 : i32 to index
        %swap3A_701 = arith.constant 0 : index
        %swap3A_702 = tpu.vector_load %arg14[%swap3A_700, %swap3A_701] {strides = array<i32>} : memref<80x24xf32, #tpu.memory_space<vmem>>, vector<16xf32>,
        tpu.vector_store %arg14[%swap3A_700, %swap3A_701], %mul3A_596 {strides = array<i32>} : memref<80x24xf32, #tpu.memory_space<vmem>>, vector<16xf32>,
        %mul3A_703 = arith.constant 16 : i32
        %mul3A_704 = arith.muli %scan3A_235, %mul3A_703 : i32
        %add3A_705 = arith.constant 15 : i32
        %add3A_706 = arith.addi %mul3A_704, %add3A_705 : i32
        %swap3A_707 = arith.index_cast %add3A_706 : i32 to index
        %swap3A_708 = arith.constant 0 : index
        %swap3A_709 = tpu.vector_load %arg14[%swap3A_707, %swap3A_708] {strides = array<i32>} : memref<80x24xf32, #tpu.memory_space<vmem>>, vector<16xf32>,
        tpu.vector_store %arg14[%swap3A_707, %swap3A_708], %mul3A_597 {strides = array<i32>} : memref<80x24xf32, #tpu.memory_space<vmem>>, vector<16xf32>,
      }
      %scan3A_123 = arith.constant 5 : i32
      %mul3A_124 = arith.constant 80 : i32
      %mul3A_125 = arith.muli %mul3A_109, %mul3A_124 : i32
      %add3A_126 = arith.constant 0 : i32
      %add3A_127 = arith.addi %mul3A_125, %add3A_126 : i32
      %get3A_128 = arith.index_cast %add3A_127 : i32 to index
      %get3A_129 = tpu.vector_load %arg7[%get3A_128] {strides = array<i32>} : memref<10000xi32, #tpu.memory_space<vmem>>, vector<16xi32>,
      %swap3A_130 = arith.constant 0 : index
      %swap3A_131 = tpu.vector_load %arg8[%swap3A_130] {strides = array<i32>} : memref<80xi32, #tpu.memory_space<vmem>>, vector<16xi32>,
      tpu.vector_store %arg8[%swap3A_130], %get3A_129 {strides = array<i32>} : memref<80xi32, #tpu.memory_space<vmem>>, vector<16xi32>,
      %mul3A_132 = arith.constant 80 : i32
      %mul3A_133 = arith.muli %mul3A_109, %mul3A_132 : i32
      %add3A_134 = arith.constant 16 : i32
      %add3A_135 = arith.addi %mul3A_133, %add3A_134 : i32
      %get3A_136 = arith.index_cast %add3A_135 : i32 to index
      %get3A_137 = tpu.vector_load %arg7[%get3A_136] {strides = array<i32>} : memref<10000xi32, #tpu.memory_space<vmem>>, vector<16xi32>,
      %swap3A_138 = arith.constant 16 : index
      %swap3A_139 = tpu.vector_load %arg8[%swap3A_138] {strides = array<i32>} : memref<80xi32, #tpu.memory_space<vmem>>, vector<16xi32>,
      tpu.vector_store %arg8[%swap3A_138], %get3A_137 {strides = array<i32>} : memref<80xi32, #tpu.memory_space<vmem>>, vector<16xi32>,
      %mul3A_140 = arith.constant 80 : i32
      %mul3A_141 = arith.muli %mul3A_109, %mul3A_140 : i32
      %add3A_142 = arith.constant 32 : i32
      %add3A_143 = arith.addi %mul3A_141, %add3A_142 : i32
      %get3A_144 = arith.index_cast %add3A_143 : i32 to index
      %get3A_145 = tpu.vector_load %arg7[%get3A_144] {strides = array<i32>} : memref<10000xi32, #tpu.memory_space<vmem>>, vector<16xi32>,
      %swap3A_146 = arith.constant 32 : index
      %swap3A_147 = tpu.vector_load %arg8[%swap3A_146] {strides = array<i32>} : memref<80xi32, #tpu.memory_space<vmem>>, vector<16xi32>,
      tpu.vector_store %arg8[%swap3A_146], %get3A_145 {strides = array<i32>} : memref<80xi32, #tpu.memory_space<vmem>>, vector<16xi32>,
      %mul3A_148 = arith.constant 80 : i32
      %mul3A_149 = arith.muli %mul3A_109, %mul3A_148 : i32
      %add3A_150 = arith.constant 48 : i32
      %add3A_151 = arith.addi %mul3A_149, %add3A_150 : i32
      %get3A_152 = arith.index_cast %add3A_151 : i32 to index
      %get3A_153 = tpu.vector_load %arg7[%get3A_152] {strides = array<i32>} : memref<10000xi32, #tpu.memory_space<vmem>>, vector<16xi32>,
      %swap3A_154 = arith.constant 48 : index
      %swap3A_155 = tpu.vector_load %arg8[%swap3A_154] {strides = array<i32>} : memref<80xi32, #tpu.memory_space<vmem>>, vector<16xi32>,
      tpu.vector_store %arg8[%swap3A_154], %get3A_153 {strides = array<i32>} : memref<80xi32, #tpu.memory_space<vmem>>, vector<16xi32>,
      %mul3A_156 = arith.constant 80 : i32
      %mul3A_157 = arith.muli %mul3A_109, %mul3A_156 : i32
      %add3A_158 = arith.constant 64 : i32
      %add3A_159 = arith.addi %mul3A_157, %add3A_158 : i32
      %get3A_160 = arith.index_cast %add3A_159 : i32 to index
      %get3A_161 = tpu.vector_load %arg7[%get3A_160] {strides = array<i32>} : memref<10000xi32, #tpu.memory_space<vmem>>, vector<16xi32>,
      %swap3A_162 = arith.constant 64 : index
      %swap3A_163 = tpu.vector_load %arg8[%swap3A_162] {strides = array<i32>} : memref<80xi32, #tpu.memory_space<vmem>>, vector<16xi32>,
      tpu.vector_store %arg8[%swap3A_162], %get3A_161 {strides = array<i32>} : memref<80xi32, #tpu.memory_space<vmem>>, vector<16xi32>,
      %dma_start3A_164 = arith.constant 0 : i32
      %dma_start3A_165 = arith.constant 0 : i32
      %dma_start3A_166 = tpu.memref_slice %arg17[%dma_start3A_164, %dma_start3A_165] : memref<10240x24xf32, #tpu.memory_space<vmem_shared>> -> memref<10240x24xf32, #tpu.memory_space<vmem_shared>>
      tpu.enqueue_indirect_dma source(%arg14 : memref<80x24xf32, #tpu.memory_space<vmem>>) target(%dma_start3A_166 : memref<10240x24xf32, #tpu.memory_space<vmem_shared>>) offsets(%arg8 : memref<80xi32, #tpu.memory_space<vmem>>) semaphore(%arg22 : memref<!tpu.dma_semaphore, #tpu.memory_space<semaphore_mem>>) {add = true}
      %add3A_167 = arith.constant 1 : i32
      %add3A_168 = arith.addi %add3A_101, %add3A_167 : i32
      %mul3A_169 = arith.constant 80 : i32
      %mul3A_170 = arith.muli %add3A_168, %mul3A_169 : i32
      %dma_start3A_171 = tpu.memref_slice %arg6[%mul3A_170] : memref<10000xi32, #tpu.memory_space<vmem>> -> memref<80xi32, #tpu.memory_space<vmem>>
      %dma_start3A_172 = arith.constant 0 : i32
      %dma_start3A_173 = arith.constant 0 : i32
      %dma_start3A_174 = tpu.memref_slice %arg3[%dma_start3A_172, %dma_start3A_173] : memref<10240x24xf32, #tpu.memory_space<hbm>> -> memref<10240x24xf32, #tpu.memory_space<hbm>>
      tpu.enqueue_indirect_dma source(%dma_start3A_174 : memref<10240x24xf32, #tpu.memory_space<hbm>>) target(%arg10 : memref<80x24xf32, #tpu.memory_space<vmem>>) offsets(%dma_start3A_171 : memref<80xi32, #tpu.memory_space<vmem>>) semaphore(%arg18 : memref<!tpu.dma_semaphore, #tpu.memory_space<semaphore_mem>>)
      %mul3A_175 = arith.constant 80 : i32
      %mul3A_176 = arith.muli %add3A_101, %mul3A_175 : i32
      %dma_wait3A_177 = tpu.memref_slice %arg6[%mul3A_176] : memref<10000xi32, #tpu.memory_space<vmem>> -> memref<80xi32, #tpu.memory_space<vmem>>
      %dma_wait3A_178 = arith.constant 0 : i32
      %dma_wait3A_179 = arith.constant 0 : i32
      %dma_wait3A_180 = tpu.memref_slice %arg3[%dma_wait3A_178, %dma_wait3A_179] : memref<10240x24xf32, #tpu.memory_space<hbm>> -> memref<10240x24xf32, #tpu.memory_space<hbm>>
      tpu.wait_indirect_dma semaphore(%arg19 : memref<!tpu.dma_semaphore, #tpu.memory_space<semaphore_mem>>) src(%dma_wait3A_180 : memref<10240x24xf32, #tpu.memory_space<hbm>>) dst(%arg11 : memref<80x24xf32, #tpu.memory_space<vmem>>)
      %ge3A_181 = arith.constant 2 : i32
      %ge3A_182 = arith.cmpi sge, %add3A_101, %ge3A_181 : i32
      %convert_element_type3A_183 = arith.extui %ge3A_182 : i1 to i32
      %cond3A_184 = arith.constant 0 : i32
      %cond3A_185 = arith.cmpi ne, %convert_element_type3A_183, %cond3A_184 : i32
      scf.if %cond3A_185 {
        %dma_wait3A_235 = arith.constant 0 : i32
        %dma_wait3A_236 = arith.constant 0 : i32
        %dma_wait3A_237 = tpu.memref_slice %arg17[%dma_wait3A_235, %dma_wait3A_236] : memref<10240x24xf32, #tpu.memory_space<vmem_shared>> -> memref<10240x24xf32, #tpu.memory_space<vmem_shared>>
        tpu.wait_indirect_dma semaphore(%arg23 : memref<!tpu.dma_semaphore, #tpu.memory_space<semaphore_mem>>) src(%arg15 : memref<80x24xf32, #tpu.memory_space<vmem>>) dst(%dma_wait3A_237 : memref<10240x24xf32, #tpu.memory_space<vmem_shared>>)
      } else {
      }
      %scan3A_186 = arith.constant 0 : i32
      %scan3A_187 = arith.constant 0 : i32
      %scan3A_188 = arith.constant 5 : i32
      %scan3A_189 = arith.addi %scan3A_187, %scan3A_188 : i32
      %scan3A_190 = arith.constant 1 : i32
      scf.for %scan3A_235 = %scan3A_187 to %scan3A_189 step %scan3A_190  : i32 {
        %mul3A_236 = arith.constant 16 : i32
        %mul3A_237 = arith.muli %scan3A_235, %mul3A_236 : i32
        %add3A_238 = vector.broadcast %mul3A_237 : i32 to vector<16xi32>
        %add3A_239 = arith.addi %add3A_238, %iota3A : vector<16xi32>
        %mul3A_240 = arith.constant 0 : i32
        %mul3A_241 = vector.broadcast %mul3A_240 : i32 to vector<16xi32>
        %mul3A_242 = arith.muli %iota3A, %mul3A_241 : vector<16xi32>
        %add3A_243 = arith.constant 16 : i32
        %add3A_244 = vector.broadcast %add3A_243 : i32 to vector<16xi32>
        %add3A_245 = arith.addi %mul3A_242, %add3A_244 : vector<16xi32>
        %gather3A = tpu.vector_load_idx %arg11[%add3A_239, %add3A_245] : memref<80x24xf32, #tpu.memory_space<vmem>>[vector<16xi32>, vector<16xi32>], vector<16xf32>,
        %mul3A_246 = arith.constant 80 : i32
        %mul3A_247 = arith.muli %add3A_101, %mul3A_246 : i32
        %mul3A_248 = arith.constant 16 : i32
        %mul3A_249 = arith.muli %scan3A_235, %mul3A_248 : i32
        %add3A_250 = arith.addi %mul3A_247, %mul3A_249 : i32
        %get3A_251 = arith.index_cast %add3A_250 : i32 to index
        %get3A_252 = tpu.vector_load %arg7[%get3A_251] {strides = array<i32>} : memref<10000xi32, #tpu.memory_space<vmem>>, vector<16xi32>,
        %gather3A_253 = tpu.vector_load_idx %arg16[%get3A_252] : memref<10240xf32, #tpu.memory_space<vmem>>[vector<16xi32>], vector<16xf32>,
        %add3A_254 = arith.addf %gather3A, %gather3A_253 : vector<16xf32>
        %ge3A_255 = arith.constant 0.000000e+00 : f32
        %ge3A_256 = vector.broadcast %ge3A_255 : f32 to vector<16xf32>
        %ge3A_257 = arith.cmpf oge, %add3A_254, %ge3A_256 : vector<16xf32>
        %mul3A_258 = arith.constant 2.000000e-01 : f32
        %mul3A_259 = vector.broadcast %mul3A_258 : f32 to vector<16xf32>
        %mul3A_260 = arith.mulf %mul3A_259, %add3A_254 : vector<16xf32>
        %select_n3A = arith.select %ge3A_257, %add3A_254, %mul3A_260 : vector<16xi1>, vector<16xf32>
        %exp3A = math.exp %select_n3A : vector<16xf32>
        %add3A_261 = arith.constant 16 : i32
        %add3A_262 = vector.broadcast %add3A_261 : i32 to vector<16xi32>
        %add3A_263 = arith.addi %mul3A_242, %add3A_262 : vector<16xi32>
        tpu.vector_store_idx %arg15[%add3A_239, %add3A_263], %exp3A : memref<80x24xf32, #tpu.memory_space<vmem>>[vector<16xi32>, vector<16xi32>], vector<16xf32>,
        %add3A_264 = arith.constant 0 : i32
        %add3A_265 = vector.broadcast %add3A_264 : i32 to vector<16xi32>
        %add3A_266 = arith.addi %mul3A_242, %add3A_265 : vector<16xi32>
        %lt3A = arith.constant 0 : i32
        %lt3A_267 = vector.broadcast %lt3A : i32 to vector<16xi32>
        %lt3A_268 = arith.cmpi slt, %add3A_266, %lt3A_267 : vector<16xi32>
        %add3A_269 = arith.constant 16 : i32
        %add3A_270 = vector.broadcast %add3A_269 : i32 to vector<16xi32>
        %add3A_271 = arith.addi %add3A_266, %add3A_270 : vector<16xi32>
        %select_n3A_272 = arith.select %lt3A_268, %add3A_271, %add3A_266 : vector<16xi1>, vector<16xi32>
        %broadcast_in_dim3A = vector.shape_cast %select_n3A_272 : vector<16xi32> to vector<16x1xi32>
        %gather3A_273 = vector.shape_cast %broadcast_in_dim3A : vector<16x1xi32> to vector<16xi32>
        %gather3A_274 = tpu.dynamic_gather %exp3A[%gather3A_273] in [0] : vector<16xf32>, vector<16xi32> -> vector<16xf32>
        %add3A_275 = arith.constant 1 : i32
        %add3A_276 = vector.broadcast %add3A_275 : i32 to vector<16xi32>
        %add3A_277 = arith.addi %mul3A_242, %add3A_276 : vector<16xi32>
        %lt3A_278 = arith.constant 0 : i32
        %lt3A_279 = vector.broadcast %lt3A_278 : i32 to vector<16xi32>
        %lt3A_280 = arith.cmpi slt, %add3A_277, %lt3A_279 : vector<16xi32>
        %add3A_281 = arith.constant 16 : i32
        %add3A_282 = vector.broadcast %add3A_281 : i32 to vector<16xi32>
        %add3A_283 = arith.addi %add3A_277, %add3A_282 : vector<16xi32>
        %select_n3A_284 = arith.select %lt3A_280, %add3A_283, %add3A_277 : vector<16xi1>, vector<16xi32>
        %broadcast_in_dim3A_285 = vector.shape_cast %select_n3A_284 : vector<16xi32> to vector<16x1xi32>
        %gather3A_286 = vector.shape_cast %broadcast_in_dim3A_285 : vector<16x1xi32> to vector<16xi32>
        %gather3A_287 = tpu.dynamic_gather %exp3A[%gather3A_286] in [0] : vector<16xf32>, vector<16xi32> -> vector<16xf32>
        %add3A_288 = arith.constant 2 : i32
        %add3A_289 = vector.broadcast %add3A_288 : i32 to vector<16xi32>
        %add3A_290 = arith.addi %mul3A_242, %add3A_289 : vector<16xi32>
        %lt3A_291 = arith.constant 0 : i32
        %lt3A_292 = vector.broadcast %lt3A_291 : i32 to vector<16xi32>
        %lt3A_293 = arith.cmpi slt, %add3A_290, %lt3A_292 : vector<16xi32>
        %add3A_294 = arith.constant 16 : i32
        %add3A_295 = vector.broadcast %add3A_294 : i32 to vector<16xi32>
        %add3A_296 = arith.addi %add3A_290, %add3A_295 : vector<16xi32>
        %select_n3A_297 = arith.select %lt3A_293, %add3A_296, %add3A_290 : vector<16xi1>, vector<16xi32>
        %broadcast_in_dim3A_298 = vector.shape_cast %select_n3A_297 : vector<16xi32> to vector<16x1xi32>
        %gather3A_299 = vector.shape_cast %broadcast_in_dim3A_298 : vector<16x1xi32> to vector<16xi32>
        %gather3A_300 = tpu.dynamic_gather %exp3A[%gather3A_299] in [0] : vector<16xf32>, vector<16xi32> -> vector<16xf32>
        %add3A_301 = arith.constant 3 : i32
        %add3A_302 = vector.broadcast %add3A_301 : i32 to vector<16xi32>
        %add3A_303 = arith.addi %mul3A_242, %add3A_302 : vector<16xi32>
        %lt3A_304 = arith.constant 0 : i32
        %lt3A_305 = vector.broadcast %lt3A_304 : i32 to vector<16xi32>
        %lt3A_306 = arith.cmpi slt, %add3A_303, %lt3A_305 : vector<16xi32>
        %add3A_307 = arith.constant 16 : i32
        %add3A_308 = vector.broadcast %add3A_307 : i32 to vector<16xi32>
        %add3A_309 = arith.addi %add3A_303, %add3A_308 : vector<16xi32>
        %select_n3A_310 = arith.select %lt3A_306, %add3A_309, %add3A_303 : vector<16xi1>, vector<16xi32>
        %broadcast_in_dim3A_311 = vector.shape_cast %select_n3A_310 : vector<16xi32> to vector<16x1xi32>
        %gather3A_312 = vector.shape_cast %broadcast_in_dim3A_311 : vector<16x1xi32> to vector<16xi32>
        %gather3A_313 = tpu.dynamic_gather %exp3A[%gather3A_312] in [0] : vector<16xf32>, vector<16xi32> -> vector<16xf32>
        %add3A_314 = arith.constant 4 : i32
        %add3A_315 = vector.broadcast %add3A_314 : i32 to vector<16xi32>
        %add3A_316 = arith.addi %mul3A_242, %add3A_315 : vector<16xi32>
        %lt3A_317 = arith.constant 0 : i32
        %lt3A_318 = vector.broadcast %lt3A_317 : i32 to vector<16xi32>
        %lt3A_319 = arith.cmpi slt, %add3A_316, %lt3A_318 : vector<16xi32>
        %add3A_320 = arith.constant 16 : i32
        %add3A_321 = vector.broadcast %add3A_320 : i32 to vector<16xi32>
        %add3A_322 = arith.addi %add3A_316, %add3A_321 : vector<16xi32>
        %select_n3A_323 = arith.select %lt3A_319, %add3A_322, %add3A_316 : vector<16xi1>, vector<16xi32>
        %broadcast_in_dim3A_324 = vector.shape_cast %select_n3A_323 : vector<16xi32> to vector<16x1xi32>
        %gather3A_325 = vector.shape_cast %broadcast_in_dim3A_324 : vector<16x1xi32> to vector<16xi32>
        %gather3A_326 = tpu.dynamic_gather %exp3A[%gather3A_325] in [0] : vector<16xf32>, vector<16xi32> -> vector<16xf32>
        %add3A_327 = arith.constant 5 : i32
        %add3A_328 = vector.broadcast %add3A_327 : i32 to vector<16xi32>
        %add3A_329 = arith.addi %mul3A_242, %add3A_328 : vector<16xi32>
        %lt3A_330 = arith.constant 0 : i32
        %lt3A_331 = vector.broadcast %lt3A_330 : i32 to vector<16xi32>
        %lt3A_332 = arith.cmpi slt, %add3A_329, %lt3A_331 : vector<16xi32>
        %add3A_333 = arith.constant 16 : i32
        %add3A_334 = vector.broadcast %add3A_333 : i32 to vector<16xi32>
        %add3A_335 = arith.addi %add3A_329, %add3A_334 : vector<16xi32>
        %select_n3A_336 = arith.select %lt3A_332, %add3A_335, %add3A_329 : vector<16xi1>, vector<16xi32>
        %broadcast_in_dim3A_337 = vector.shape_cast %select_n3A_336 : vector<16xi32> to vector<16x1xi32>
        %gather3A_338 = vector.shape_cast %broadcast_in_dim3A_337 : vector<16x1xi32> to vector<16xi32>
        %gather3A_339 = tpu.dynamic_gather %exp3A[%gather3A_338] in [0] : vector<16xf32>, vector<16xi32> -> vector<16xf32>
        %add3A_340 = arith.constant 6 : i32
        %add3A_341 = vector.broadcast %add3A_340 : i32 to vector<16xi32>
        %add3A_342 = arith.addi %mul3A_242, %add3A_341 : vector<16xi32>
        %lt3A_343 = arith.constant 0 : i32
        %lt3A_344 = vector.broadcast %lt3A_343 : i32 to vector<16xi32>
        %lt3A_345 = arith.cmpi slt, %add3A_342, %lt3A_344 : vector<16xi32>
        %add3A_346 = arith.constant 16 : i32
        %add3A_347 = vector.broadcast %add3A_346 : i32 to vector<16xi32>
        %add3A_348 = arith.addi %add3A_342, %add3A_347 : vector<16xi32>
        %select_n3A_349 = arith.select %lt3A_345, %add3A_348, %add3A_342 : vector<16xi1>, vector<16xi32>
        %broadcast_in_dim3A_350 = vector.shape_cast %select_n3A_349 : vector<16xi32> to vector<16x1xi32>
        %gather3A_351 = vector.shape_cast %broadcast_in_dim3A_350 : vector<16x1xi32> to vector<16xi32>
        %gather3A_352 = tpu.dynamic_gather %exp3A[%gather3A_351] in [0] : vector<16xf32>, vector<16xi32> -> vector<16xf32>
        %add3A_353 = arith.constant 7 : i32
        %add3A_354 = vector.broadcast %add3A_353 : i32 to vector<16xi32>
        %add3A_355 = arith.addi %mul3A_242, %add3A_354 : vector<16xi32>
        %lt3A_356 = arith.constant 0 : i32
        %lt3A_357 = vector.broadcast %lt3A_356 : i32 to vector<16xi32>
        %lt3A_358 = arith.cmpi slt, %add3A_355, %lt3A_357 : vector<16xi32>
        %add3A_359 = arith.constant 16 : i32
        %add3A_360 = vector.broadcast %add3A_359 : i32 to vector<16xi32>
        %add3A_361 = arith.addi %add3A_355, %add3A_360 : vector<16xi32>
        %select_n3A_362 = arith.select %lt3A_358, %add3A_361, %add3A_355 : vector<16xi1>, vector<16xi32>
        %broadcast_in_dim3A_363 = vector.shape_cast %select_n3A_362 : vector<16xi32> to vector<16x1xi32>
        %gather3A_364 = vector.shape_cast %broadcast_in_dim3A_363 : vector<16x1xi32> to vector<16xi32>
        %gather3A_365 = tpu.dynamic_gather %exp3A[%gather3A_364] in [0] : vector<16xf32>, vector<16xi32> -> vector<16xf32>
        %add3A_366 = arith.constant 8 : i32
        %add3A_367 = vector.broadcast %add3A_366 : i32 to vector<16xi32>
        %add3A_368 = arith.addi %mul3A_242, %add3A_367 : vector<16xi32>
        %lt3A_369 = arith.constant 0 : i32
        %lt3A_370 = vector.broadcast %lt3A_369 : i32 to vector<16xi32>
        %lt3A_371 = arith.cmpi slt, %add3A_368, %lt3A_370 : vector<16xi32>
        %add3A_372 = arith.constant 16 : i32
        %add3A_373 = vector.broadcast %add3A_372 : i32 to vector<16xi32>
        %add3A_374 = arith.addi %add3A_368, %add3A_373 : vector<16xi32>
        %select_n3A_375 = arith.select %lt3A_371, %add3A_374, %add3A_368 : vector<16xi1>, vector<16xi32>
        %broadcast_in_dim3A_376 = vector.shape_cast %select_n3A_375 : vector<16xi32> to vector<16x1xi32>
        %gather3A_377 = vector.shape_cast %broadcast_in_dim3A_376 : vector<16x1xi32> to vector<16xi32>
        %gather3A_378 = tpu.dynamic_gather %exp3A[%gather3A_377] in [0] : vector<16xf32>, vector<16xi32> -> vector<16xf32>
        %add3A_379 = arith.constant 9 : i32
        %add3A_380 = vector.broadcast %add3A_379 : i32 to vector<16xi32>
        %add3A_381 = arith.addi %mul3A_242, %add3A_380 : vector<16xi32>
        %lt3A_382 = arith.constant 0 : i32
        %lt3A_383 = vector.broadcast %lt3A_382 : i32 to vector<16xi32>
        %lt3A_384 = arith.cmpi slt, %add3A_381, %lt3A_383 : vector<16xi32>
        %add3A_385 = arith.constant 16 : i32
        %add3A_386 = vector.broadcast %add3A_385 : i32 to vector<16xi32>
        %add3A_387 = arith.addi %add3A_381, %add3A_386 : vector<16xi32>
        %select_n3A_388 = arith.select %lt3A_384, %add3A_387, %add3A_381 : vector<16xi1>, vector<16xi32>
        %broadcast_in_dim3A_389 = vector.shape_cast %select_n3A_388 : vector<16xi32> to vector<16x1xi32>
        %gather3A_390 = vector.shape_cast %broadcast_in_dim3A_389 : vector<16x1xi32> to vector<16xi32>
        %gather3A_391 = tpu.dynamic_gather %exp3A[%gather3A_390] in [0] : vector<16xf32>, vector<16xi32> -> vector<16xf32>
        %add3A_392 = arith.constant 10 : i32
        %add3A_393 = vector.broadcast %add3A_392 : i32 to vector<16xi32>
        %add3A_394 = arith.addi %mul3A_242, %add3A_393 : vector<16xi32>
        %lt3A_395 = arith.constant 0 : i32
        %lt3A_396 = vector.broadcast %lt3A_395 : i32 to vector<16xi32>
        %lt3A_397 = arith.cmpi slt, %add3A_394, %lt3A_396 : vector<16xi32>
        %add3A_398 = arith.constant 16 : i32
        %add3A_399 = vector.broadcast %add3A_398 : i32 to vector<16xi32>
        %add3A_400 = arith.addi %add3A_394, %add3A_399 : vector<16xi32>
        %select_n3A_401 = arith.select %lt3A_397, %add3A_400, %add3A_394 : vector<16xi1>, vector<16xi32>
        %broadcast_in_dim3A_402 = vector.shape_cast %select_n3A_401 : vector<16xi32> to vector<16x1xi32>
        %gather3A_403 = vector.shape_cast %broadcast_in_dim3A_402 : vector<16x1xi32> to vector<16xi32>
        %gather3A_404 = tpu.dynamic_gather %exp3A[%gather3A_403] in [0] : vector<16xf32>, vector<16xi32> -> vector<16xf32>
        %add3A_405 = arith.constant 11 : i32
        %add3A_406 = vector.broadcast %add3A_405 : i32 to vector<16xi32>
        %add3A_407 = arith.addi %mul3A_242, %add3A_406 : vector<16xi32>
        %lt3A_408 = arith.constant 0 : i32
        %lt3A_409 = vector.broadcast %lt3A_408 : i32 to vector<16xi32>
        %lt3A_410 = arith.cmpi slt, %add3A_407, %lt3A_409 : vector<16xi32>
        %add3A_411 = arith.constant 16 : i32
        %add3A_412 = vector.broadcast %add3A_411 : i32 to vector<16xi32>
        %add3A_413 = arith.addi %add3A_407, %add3A_412 : vector<16xi32>
        %select_n3A_414 = arith.select %lt3A_410, %add3A_413, %add3A_407 : vector<16xi1>, vector<16xi32>
        %broadcast_in_dim3A_415 = vector.shape_cast %select_n3A_414 : vector<16xi32> to vector<16x1xi32>
        %gather3A_416 = vector.shape_cast %broadcast_in_dim3A_415 : vector<16x1xi32> to vector<16xi32>
        %gather3A_417 = tpu.dynamic_gather %exp3A[%gather3A_416] in [0] : vector<16xf32>, vector<16xi32> -> vector<16xf32>
        %add3A_418 = arith.constant 12 : i32
        %add3A_419 = vector.broadcast %add3A_418 : i32 to vector<16xi32>
        %add3A_420 = arith.addi %mul3A_242, %add3A_419 : vector<16xi32>
        %lt3A_421 = arith.constant 0 : i32
        %lt3A_422 = vector.broadcast %lt3A_421 : i32 to vector<16xi32>
        %lt3A_423 = arith.cmpi slt, %add3A_420, %lt3A_422 : vector<16xi32>
        %add3A_424 = arith.constant 16 : i32
        %add3A_425 = vector.broadcast %add3A_424 : i32 to vector<16xi32>
        %add3A_426 = arith.addi %add3A_420, %add3A_425 : vector<16xi32>
        %select_n3A_427 = arith.select %lt3A_423, %add3A_426, %add3A_420 : vector<16xi1>, vector<16xi32>
        %broadcast_in_dim3A_428 = vector.shape_cast %select_n3A_427 : vector<16xi32> to vector<16x1xi32>
        %gather3A_429 = vector.shape_cast %broadcast_in_dim3A_428 : vector<16x1xi32> to vector<16xi32>
        %gather3A_430 = tpu.dynamic_gather %exp3A[%gather3A_429] in [0] : vector<16xf32>, vector<16xi32> -> vector<16xf32>
        %add3A_431 = arith.constant 13 : i32
        %add3A_432 = vector.broadcast %add3A_431 : i32 to vector<16xi32>
        %add3A_433 = arith.addi %mul3A_242, %add3A_432 : vector<16xi32>
        %lt3A_434 = arith.constant 0 : i32
        %lt3A_435 = vector.broadcast %lt3A_434 : i32 to vector<16xi32>
        %lt3A_436 = arith.cmpi slt, %add3A_433, %lt3A_435 : vector<16xi32>
        %add3A_437 = arith.constant 16 : i32
        %add3A_438 = vector.broadcast %add3A_437 : i32 to vector<16xi32>
        %add3A_439 = arith.addi %add3A_433, %add3A_438 : vector<16xi32>
        %select_n3A_440 = arith.select %lt3A_436, %add3A_439, %add3A_433 : vector<16xi1>, vector<16xi32>
        %broadcast_in_dim3A_441 = vector.shape_cast %select_n3A_440 : vector<16xi32> to vector<16x1xi32>
        %gather3A_442 = vector.shape_cast %broadcast_in_dim3A_441 : vector<16x1xi32> to vector<16xi32>
        %gather3A_443 = tpu.dynamic_gather %exp3A[%gather3A_442] in [0] : vector<16xf32>, vector<16xi32> -> vector<16xf32>
        %add3A_444 = arith.constant 14 : i32
        %add3A_445 = vector.broadcast %add3A_444 : i32 to vector<16xi32>
        %add3A_446 = arith.addi %mul3A_242, %add3A_445 : vector<16xi32>
        %lt3A_447 = arith.constant 0 : i32
        %lt3A_448 = vector.broadcast %lt3A_447 : i32 to vector<16xi32>
        %lt3A_449 = arith.cmpi slt, %add3A_446, %lt3A_448 : vector<16xi32>
        %add3A_450 = arith.constant 16 : i32
        %add3A_451 = vector.broadcast %add3A_450 : i32 to vector<16xi32>
        %add3A_452 = arith.addi %add3A_446, %add3A_451 : vector<16xi32>
        %select_n3A_453 = arith.select %lt3A_449, %add3A_452, %add3A_446 : vector<16xi1>, vector<16xi32>
        %broadcast_in_dim3A_454 = vector.shape_cast %select_n3A_453 : vector<16xi32> to vector<16x1xi32>
        %gather3A_455 = vector.shape_cast %broadcast_in_dim3A_454 : vector<16x1xi32> to vector<16xi32>
        %gather3A_456 = tpu.dynamic_gather %exp3A[%gather3A_455] in [0] : vector<16xf32>, vector<16xi32> -> vector<16xf32>
        %add3A_457 = arith.constant 15 : i32
        %add3A_458 = vector.broadcast %add3A_457 : i32 to vector<16xi32>
        %add3A_459 = arith.addi %mul3A_242, %add3A_458 : vector<16xi32>
        %lt3A_460 = arith.constant 0 : i32
        %lt3A_461 = vector.broadcast %lt3A_460 : i32 to vector<16xi32>
        %lt3A_462 = arith.cmpi slt, %add3A_459, %lt3A_461 : vector<16xi32>
        %add3A_463 = arith.constant 16 : i32
        %add3A_464 = vector.broadcast %add3A_463 : i32 to vector<16xi32>
        %add3A_465 = arith.addi %add3A_459, %add3A_464 : vector<16xi32>
        %select_n3A_466 = arith.select %lt3A_462, %add3A_465, %add3A_459 : vector<16xi1>, vector<16xi32>
        %broadcast_in_dim3A_467 = vector.shape_cast %select_n3A_466 : vector<16xi32> to vector<16x1xi32>
        %gather3A_468 = vector.shape_cast %broadcast_in_dim3A_467 : vector<16x1xi32> to vector<16xi32>
        %gather3A_469 = tpu.dynamic_gather %exp3A[%gather3A_468] in [0] : vector<16xf32>, vector<16xi32> -> vector<16xf32>
        %mul3A_470 = arith.constant 16 : i32
        %mul3A_471 = arith.muli %scan3A_235, %mul3A_470 : i32
        %add3A_472 = arith.constant 0 : i32
        %add3A_473 = arith.addi %mul3A_471, %add3A_472 : i32
        %get3A_474 = arith.index_cast %add3A_473 : i32 to index
        %get3A_475 = arith.constant 0 : index
        %get3A_476 = tpu.vector_load %arg11[%get3A_474, %get3A_475] {strides = array<i32>} : memref<80x24xf32, #tpu.memory_space<vmem>>, vector<16xf32>,
        %mul3A_477 = arith.constant 16 : i32
        %mul3A_478 = arith.muli %scan3A_235, %mul3A_477 : i32
        %add3A_479 = arith.constant 1 : i32
        %add3A_480 = arith.addi %mul3A_478, %add3A_479 : i32
        %get3A_481 = arith.index_cast %add3A_480 : i32 to index
        %get3A_482 = arith.constant 0 : index
        %get3A_483 = tpu.vector_load %arg11[%get3A_481, %get3A_482] {strides = array<i32>} : memref<80x24xf32, #tpu.memory_space<vmem>>, vector<16xf32>,
        %mul3A_484 = arith.constant 16 : i32
        %mul3A_485 = arith.muli %scan3A_235, %mul3A_484 : i32
        %add3A_486 = arith.constant 2 : i32
        %add3A_487 = arith.addi %mul3A_485, %add3A_486 : i32
        %get3A_488 = arith.index_cast %add3A_487 : i32 to index
        %get3A_489 = arith.constant 0 : index
        %get3A_490 = tpu.vector_load %arg11[%get3A_488, %get3A_489] {strides = array<i32>} : memref<80x24xf32, #tpu.memory_space<vmem>>, vector<16xf32>,
        %mul3A_491 = arith.constant 16 : i32
        %mul3A_492 = arith.muli %scan3A_235, %mul3A_491 : i32
        %add3A_493 = arith.constant 3 : i32
        %add3A_494 = arith.addi %mul3A_492, %add3A_493 : i32
        %get3A_495 = arith.index_cast %add3A_494 : i32 to index
        %get3A_496 = arith.constant 0 : index
        %get3A_497 = tpu.vector_load %arg11[%get3A_495, %get3A_496] {strides = array<i32>} : memref<80x24xf32, #tpu.memory_space<vmem>>, vector<16xf32>,
        %mul3A_498 = arith.constant 16 : i32
        %mul3A_499 = arith.muli %scan3A_235, %mul3A_498 : i32
        %add3A_500 = arith.constant 4 : i32
        %add3A_501 = arith.addi %mul3A_499, %add3A_500 : i32
        %get3A_502 = arith.index_cast %add3A_501 : i32 to index
        %get3A_503 = arith.constant 0 : index
        %get3A_504 = tpu.vector_load %arg11[%get3A_502, %get3A_503] {strides = array<i32>} : memref<80x24xf32, #tpu.memory_space<vmem>>, vector<16xf32>,
        %mul3A_505 = arith.constant 16 : i32
        %mul3A_506 = arith.muli %scan3A_235, %mul3A_505 : i32
        %add3A_507 = arith.constant 5 : i32
        %add3A_508 = arith.addi %mul3A_506, %add3A_507 : i32
        %get3A_509 = arith.index_cast %add3A_508 : i32 to index
        %get3A_510 = arith.constant 0 : index
        %get3A_511 = tpu.vector_load %arg11[%get3A_509, %get3A_510] {strides = array<i32>} : memref<80x24xf32, #tpu.memory_space<vmem>>, vector<16xf32>,
        %mul3A_512 = arith.constant 16 : i32
        %mul3A_513 = arith.muli %scan3A_235, %mul3A_512 : i32
        %add3A_514 = arith.constant 6 : i32
        %add3A_515 = arith.addi %mul3A_513, %add3A_514 : i32
        %get3A_516 = arith.index_cast %add3A_515 : i32 to index
        %get3A_517 = arith.constant 0 : index
        %get3A_518 = tpu.vector_load %arg11[%get3A_516, %get3A_517] {strides = array<i32>} : memref<80x24xf32, #tpu.memory_space<vmem>>, vector<16xf32>,
        %mul3A_519 = arith.constant 16 : i32
        %mul3A_520 = arith.muli %scan3A_235, %mul3A_519 : i32
        %add3A_521 = arith.constant 7 : i32
        %add3A_522 = arith.addi %mul3A_520, %add3A_521 : i32
        %get3A_523 = arith.index_cast %add3A_522 : i32 to index
        %get3A_524 = arith.constant 0 : index
        %get3A_525 = tpu.vector_load %arg11[%get3A_523, %get3A_524] {strides = array<i32>} : memref<80x24xf32, #tpu.memory_space<vmem>>, vector<16xf32>,
        %mul3A_526 = arith.constant 16 : i32
        %mul3A_527 = arith.muli %scan3A_235, %mul3A_526 : i32
        %add3A_528 = arith.constant 8 : i32
        %add3A_529 = arith.addi %mul3A_527, %add3A_528 : i32
        %get3A_530 = arith.index_cast %add3A_529 : i32 to index
        %get3A_531 = arith.constant 0 : index
        %get3A_532 = tpu.vector_load %arg11[%get3A_530, %get3A_531] {strides = array<i32>} : memref<80x24xf32, #tpu.memory_space<vmem>>, vector<16xf32>,
        %mul3A_533 = arith.constant 16 : i32
        %mul3A_534 = arith.muli %scan3A_235, %mul3A_533 : i32
        %add3A_535 = arith.constant 9 : i32
        %add3A_536 = arith.addi %mul3A_534, %add3A_535 : i32
        %get3A_537 = arith.index_cast %add3A_536 : i32 to index
        %get3A_538 = arith.constant 0 : index
        %get3A_539 = tpu.vector_load %arg11[%get3A_537, %get3A_538] {strides = array<i32>} : memref<80x24xf32, #tpu.memory_space<vmem>>, vector<16xf32>,
        %mul3A_540 = arith.constant 16 : i32
        %mul3A_541 = arith.muli %scan3A_235, %mul3A_540 : i32
        %add3A_542 = arith.constant 10 : i32
        %add3A_543 = arith.addi %mul3A_541, %add3A_542 : i32
        %get3A_544 = arith.index_cast %add3A_543 : i32 to index
        %get3A_545 = arith.constant 0 : index
        %get3A_546 = tpu.vector_load %arg11[%get3A_544, %get3A_545] {strides = array<i32>} : memref<80x24xf32, #tpu.memory_space<vmem>>, vector<16xf32>,
        %mul3A_547 = arith.constant 16 : i32
        %mul3A_548 = arith.muli %scan3A_235, %mul3A_547 : i32
        %add3A_549 = arith.constant 11 : i32
        %add3A_550 = arith.addi %mul3A_548, %add3A_549 : i32
        %get3A_551 = arith.index_cast %add3A_550 : i32 to index
        %get3A_552 = arith.constant 0 : index
        %get3A_553 = tpu.vector_load %arg11[%get3A_551, %get3A_552] {strides = array<i32>} : memref<80x24xf32, #tpu.memory_space<vmem>>, vector<16xf32>,
        %mul3A_554 = arith.constant 16 : i32
        %mul3A_555 = arith.muli %scan3A_235, %mul3A_554 : i32
        %add3A_556 = arith.constant 12 : i32
        %add3A_557 = arith.addi %mul3A_555, %add3A_556 : i32
        %get3A_558 = arith.index_cast %add3A_557 : i32 to index
        %get3A_559 = arith.constant 0 : index
        %get3A_560 = tpu.vector_load %arg11[%get3A_558, %get3A_559] {strides = array<i32>} : memref<80x24xf32, #tpu.memory_space<vmem>>, vector<16xf32>,
        %mul3A_561 = arith.constant 16 : i32
        %mul3A_562 = arith.muli %scan3A_235, %mul3A_561 : i32
        %add3A_563 = arith.constant 13 : i32
        %add3A_564 = arith.addi %mul3A_562, %add3A_563 : i32
        %get3A_565 = arith.index_cast %add3A_564 : i32 to index
        %get3A_566 = arith.constant 0 : index
        %get3A_567 = tpu.vector_load %arg11[%get3A_565, %get3A_566] {strides = array<i32>} : memref<80x24xf32, #tpu.memory_space<vmem>>, vector<16xf32>,
        %mul3A_568 = arith.constant 16 : i32
        %mul3A_569 = arith.muli %scan3A_235, %mul3A_568 : i32
        %add3A_570 = arith.constant 14 : i32
        %add3A_571 = arith.addi %mul3A_569, %add3A_570 : i32
        %get3A_572 = arith.index_cast %add3A_571 : i32 to index
        %get3A_573 = arith.constant 0 : index
        %get3A_574 = tpu.vector_load %arg11[%get3A_572, %get3A_573] {strides = array<i32>} : memref<80x24xf32, #tpu.memory_space<vmem>>, vector<16xf32>,
        %mul3A_575 = arith.constant 16 : i32
        %mul3A_576 = arith.muli %scan3A_235, %mul3A_575 : i32
        %add3A_577 = arith.constant 15 : i32
        %add3A_578 = arith.addi %mul3A_576, %add3A_577 : i32
        %get3A_579 = arith.index_cast %add3A_578 : i32 to index
        %get3A_580 = arith.constant 0 : index
        %get3A_581 = tpu.vector_load %arg11[%get3A_579, %get3A_580] {strides = array<i32>} : memref<80x24xf32, #tpu.memory_space<vmem>>, vector<16xf32>,
        %mul3A_582 = arith.mulf %get3A_476, %gather3A_274 : vector<16xf32>
        %mul3A_583 = arith.mulf %get3A_483, %gather3A_287 : vector<16xf32>
        %mul3A_584 = arith.mulf %get3A_490, %gather3A_300 : vector<16xf32>
        %mul3A_585 = arith.mulf %get3A_497, %gather3A_313 : vector<16xf32>
        %mul3A_586 = arith.mulf %get3A_504, %gather3A_326 : vector<16xf32>
        %mul3A_587 = arith.mulf %get3A_511, %gather3A_339 : vector<16xf32>
        %mul3A_588 = arith.mulf %get3A_518, %gather3A_352 : vector<16xf32>
        %mul3A_589 = arith.mulf %get3A_525, %gather3A_365 : vector<16xf32>
        %mul3A_590 = arith.mulf %get3A_532, %gather3A_378 : vector<16xf32>
        %mul3A_591 = arith.mulf %get3A_539, %gather3A_391 : vector<16xf32>
        %mul3A_592 = arith.mulf %get3A_546, %gather3A_404 : vector<16xf32>
        %mul3A_593 = arith.mulf %get3A_553, %gather3A_417 : vector<16xf32>
        %mul3A_594 = arith.mulf %get3A_560, %gather3A_430 : vector<16xf32>
        %mul3A_595 = arith.mulf %get3A_567, %gather3A_443 : vector<16xf32>
        %mul3A_596 = arith.mulf %get3A_574, %gather3A_456 : vector<16xf32>
        %mul3A_597 = arith.mulf %get3A_581, %gather3A_469 : vector<16xf32>
        %mul3A_598 = arith.constant 16 : i32
        %mul3A_599 = arith.muli %scan3A_235, %mul3A_598 : i32
        %add3A_600 = arith.constant 0 : i32
        %add3A_601 = arith.addi %mul3A_599, %add3A_600 : i32
        %swap3A_602 = arith.index_cast %add3A_601 : i32 to index
        %swap3A_603 = arith.constant 0 : index
        %swap3A_604 = tpu.vector_load %arg15[%swap3A_602, %swap3A_603] {strides = array<i32>} : memref<80x24xf32, #tpu.memory_space<vmem>>, vector<16xf32>,
        tpu.vector_store %arg15[%swap3A_602, %swap3A_603], %mul3A_582 {strides = array<i32>} : memref<80x24xf32, #tpu.memory_space<vmem>>, vector<16xf32>,
        %mul3A_605 = arith.constant 16 : i32
        %mul3A_606 = arith.muli %scan3A_235, %mul3A_605 : i32
        %add3A_607 = arith.constant 1 : i32
        %add3A_608 = arith.addi %mul3A_606, %add3A_607 : i32
        %swap3A_609 = arith.index_cast %add3A_608 : i32 to index
        %swap3A_610 = arith.constant 0 : index
        %swap3A_611 = tpu.vector_load %arg15[%swap3A_609, %swap3A_610] {strides = array<i32>} : memref<80x24xf32, #tpu.memory_space<vmem>>, vector<16xf32>,
        tpu.vector_store %arg15[%swap3A_609, %swap3A_610], %mul3A_583 {strides = array<i32>} : memref<80x24xf32, #tpu.memory_space<vmem>>, vector<16xf32>,
        %mul3A_612 = arith.constant 16 : i32
        %mul3A_613 = arith.muli %scan3A_235, %mul3A_612 : i32
        %add3A_614 = arith.constant 2 : i32
        %add3A_615 = arith.addi %mul3A_613, %add3A_614 : i32
        %swap3A_616 = arith.index_cast %add3A_615 : i32 to index
        %swap3A_617 = arith.constant 0 : index
        %swap3A_618 = tpu.vector_load %arg15[%swap3A_616, %swap3A_617] {strides = array<i32>} : memref<80x24xf32, #tpu.memory_space<vmem>>, vector<16xf32>,
        tpu.vector_store %arg15[%swap3A_616, %swap3A_617], %mul3A_584 {strides = array<i32>} : memref<80x24xf32, #tpu.memory_space<vmem>>, vector<16xf32>,
        %mul3A_619 = arith.constant 16 : i32
        %mul3A_620 = arith.muli %scan3A_235, %mul3A_619 : i32
        %add3A_621 = arith.constant 3 : i32
        %add3A_622 = arith.addi %mul3A_620, %add3A_621 : i32
        %swap3A_623 = arith.index_cast %add3A_622 : i32 to index
        %swap3A_624 = arith.constant 0 : index
        %swap3A_625 = tpu.vector_load %arg15[%swap3A_623, %swap3A_624] {strides = array<i32>} : memref<80x24xf32, #tpu.memory_space<vmem>>, vector<16xf32>,
        tpu.vector_store %arg15[%swap3A_623, %swap3A_624], %mul3A_585 {strides = array<i32>} : memref<80x24xf32, #tpu.memory_space<vmem>>, vector<16xf32>,
        %mul3A_626 = arith.constant 16 : i32
        %mul3A_627 = arith.muli %scan3A_235, %mul3A_626 : i32
        %add3A_628 = arith.constant 4 : i32
        %add3A_629 = arith.addi %mul3A_627, %add3A_628 : i32
        %swap3A_630 = arith.index_cast %add3A_629 : i32 to index
        %swap3A_631 = arith.constant 0 : index
        %swap3A_632 = tpu.vector_load %arg15[%swap3A_630, %swap3A_631] {strides = array<i32>} : memref<80x24xf32, #tpu.memory_space<vmem>>, vector<16xf32>,
        tpu.vector_store %arg15[%swap3A_630, %swap3A_631], %mul3A_586 {strides = array<i32>} : memref<80x24xf32, #tpu.memory_space<vmem>>, vector<16xf32>,
        %mul3A_633 = arith.constant 16 : i32
        %mul3A_634 = arith.muli %scan3A_235, %mul3A_633 : i32
        %add3A_635 = arith.constant 5 : i32
        %add3A_636 = arith.addi %mul3A_634, %add3A_635 : i32
        %swap3A_637 = arith.index_cast %add3A_636 : i32 to index
        %swap3A_638 = arith.constant 0 : index
        %swap3A_639 = tpu.vector_load %arg15[%swap3A_637, %swap3A_638] {strides = array<i32>} : memref<80x24xf32, #tpu.memory_space<vmem>>, vector<16xf32>,
        tpu.vector_store %arg15[%swap3A_637, %swap3A_638], %mul3A_587 {strides = array<i32>} : memref<80x24xf32, #tpu.memory_space<vmem>>, vector<16xf32>,
        %mul3A_640 = arith.constant 16 : i32
        %mul3A_641 = arith.muli %scan3A_235, %mul3A_640 : i32
        %add3A_642 = arith.constant 6 : i32
        %add3A_643 = arith.addi %mul3A_641, %add3A_642 : i32
        %swap3A_644 = arith.index_cast %add3A_643 : i32 to index
        %swap3A_645 = arith.constant 0 : index
        %swap3A_646 = tpu.vector_load %arg15[%swap3A_644, %swap3A_645] {strides = array<i32>} : memref<80x24xf32, #tpu.memory_space<vmem>>, vector<16xf32>,
        tpu.vector_store %arg15[%swap3A_644, %swap3A_645], %mul3A_588 {strides = array<i32>} : memref<80x24xf32, #tpu.memory_space<vmem>>, vector<16xf32>,
        %mul3A_647 = arith.constant 16 : i32
        %mul3A_648 = arith.muli %scan3A_235, %mul3A_647 : i32
        %add3A_649 = arith.constant 7 : i32
        %add3A_650 = arith.addi %mul3A_648, %add3A_649 : i32
        %swap3A_651 = arith.index_cast %add3A_650 : i32 to index
        %swap3A_652 = arith.constant 0 : index
        %swap3A_653 = tpu.vector_load %arg15[%swap3A_651, %swap3A_652] {strides = array<i32>} : memref<80x24xf32, #tpu.memory_space<vmem>>, vector<16xf32>,
        tpu.vector_store %arg15[%swap3A_651, %swap3A_652], %mul3A_589 {strides = array<i32>} : memref<80x24xf32, #tpu.memory_space<vmem>>, vector<16xf32>,
        %mul3A_654 = arith.constant 16 : i32
        %mul3A_655 = arith.muli %scan3A_235, %mul3A_654 : i32
        %add3A_656 = arith.constant 8 : i32
        %add3A_657 = arith.addi %mul3A_655, %add3A_656 : i32
        %swap3A_658 = arith.index_cast %add3A_657 : i32 to index
        %swap3A_659 = arith.constant 0 : index
        %swap3A_660 = tpu.vector_load %arg15[%swap3A_658, %swap3A_659] {strides = array<i32>} : memref<80x24xf32, #tpu.memory_space<vmem>>, vector<16xf32>,
        tpu.vector_store %arg15[%swap3A_658, %swap3A_659], %mul3A_590 {strides = array<i32>} : memref<80x24xf32, #tpu.memory_space<vmem>>, vector<16xf32>,
        %mul3A_661 = arith.constant 16 : i32
        %mul3A_662 = arith.muli %scan3A_235, %mul3A_661 : i32
        %add3A_663 = arith.constant 9 : i32
        %add3A_664 = arith.addi %mul3A_662, %add3A_663 : i32
        %swap3A_665 = arith.index_cast %add3A_664 : i32 to index
        %swap3A_666 = arith.constant 0 : index
        %swap3A_667 = tpu.vector_load %arg15[%swap3A_665, %swap3A_666] {strides = array<i32>} : memref<80x24xf32, #tpu.memory_space<vmem>>, vector<16xf32>,
        tpu.vector_store %arg15[%swap3A_665, %swap3A_666], %mul3A_591 {strides = array<i32>} : memref<80x24xf32, #tpu.memory_space<vmem>>, vector<16xf32>,
        %mul3A_668 = arith.constant 16 : i32
        %mul3A_669 = arith.muli %scan3A_235, %mul3A_668 : i32
        %add3A_670 = arith.constant 10 : i32
        %add3A_671 = arith.addi %mul3A_669, %add3A_670 : i32
        %swap3A_672 = arith.index_cast %add3A_671 : i32 to index
        %swap3A_673 = arith.constant 0 : index
        %swap3A_674 = tpu.vector_load %arg15[%swap3A_672, %swap3A_673] {strides = array<i32>} : memref<80x24xf32, #tpu.memory_space<vmem>>, vector<16xf32>,
        tpu.vector_store %arg15[%swap3A_672, %swap3A_673], %mul3A_592 {strides = array<i32>} : memref<80x24xf32, #tpu.memory_space<vmem>>, vector<16xf32>,
        %mul3A_675 = arith.constant 16 : i32
        %mul3A_676 = arith.muli %scan3A_235, %mul3A_675 : i32
        %add3A_677 = arith.constant 11 : i32
        %add3A_678 = arith.addi %mul3A_676, %add3A_677 : i32
        %swap3A_679 = arith.index_cast %add3A_678 : i32 to index
        %swap3A_680 = arith.constant 0 : index
        %swap3A_681 = tpu.vector_load %arg15[%swap3A_679, %swap3A_680] {strides = array<i32>} : memref<80x24xf32, #tpu.memory_space<vmem>>, vector<16xf32>,
        tpu.vector_store %arg15[%swap3A_679, %swap3A_680], %mul3A_593 {strides = array<i32>} : memref<80x24xf32, #tpu.memory_space<vmem>>, vector<16xf32>,
        %mul3A_682 = arith.constant 16 : i32
        %mul3A_683 = arith.muli %scan3A_235, %mul3A_682 : i32
        %add3A_684 = arith.constant 12 : i32
        %add3A_685 = arith.addi %mul3A_683, %add3A_684 : i32
        %swap3A_686 = arith.index_cast %add3A_685 : i32 to index
        %swap3A_687 = arith.constant 0 : index
        %swap3A_688 = tpu.vector_load %arg15[%swap3A_686, %swap3A_687] {strides = array<i32>} : memref<80x24xf32, #tpu.memory_space<vmem>>, vector<16xf32>,
        tpu.vector_store %arg15[%swap3A_686, %swap3A_687], %mul3A_594 {strides = array<i32>} : memref<80x24xf32, #tpu.memory_space<vmem>>, vector<16xf32>,
        %mul3A_689 = arith.constant 16 : i32
        %mul3A_690 = arith.muli %scan3A_235, %mul3A_689 : i32
        %add3A_691 = arith.constant 13 : i32
        %add3A_692 = arith.addi %mul3A_690, %add3A_691 : i32
        %swap3A_693 = arith.index_cast %add3A_692 : i32 to index
        %swap3A_694 = arith.constant 0 : index
        %swap3A_695 = tpu.vector_load %arg15[%swap3A_693, %swap3A_694] {strides = array<i32>} : memref<80x24xf32, #tpu.memory_space<vmem>>, vector<16xf32>,
        tpu.vector_store %arg15[%swap3A_693, %swap3A_694], %mul3A_595 {strides = array<i32>} : memref<80x24xf32, #tpu.memory_space<vmem>>, vector<16xf32>,
        %mul3A_696 = arith.constant 16 : i32
        %mul3A_697 = arith.muli %scan3A_235, %mul3A_696 : i32
        %add3A_698 = arith.constant 14 : i32
        %add3A_699 = arith.addi %mul3A_697, %add3A_698 : i32
        %swap3A_700 = arith.index_cast %add3A_699 : i32 to index
        %swap3A_701 = arith.constant 0 : index
        %swap3A_702 = tpu.vector_load %arg15[%swap3A_700, %swap3A_701] {strides = array<i32>} : memref<80x24xf32, #tpu.memory_space<vmem>>, vector<16xf32>,
        tpu.vector_store %arg15[%swap3A_700, %swap3A_701], %mul3A_596 {strides = array<i32>} : memref<80x24xf32, #tpu.memory_space<vmem>>, vector<16xf32>,
        %mul3A_703 = arith.constant 16 : i32
        %mul3A_704 = arith.muli %scan3A_235, %mul3A_703 : i32
        %add3A_705 = arith.constant 15 : i32
        %add3A_706 = arith.addi %mul3A_704, %add3A_705 : i32
        %swap3A_707 = arith.index_cast %add3A_706 : i32 to index
        %swap3A_708 = arith.constant 0 : index
        %swap3A_709 = tpu.vector_load %arg15[%swap3A_707, %swap3A_708] {strides = array<i32>} : memref<80x24xf32, #tpu.memory_space<vmem>>, vector<16xf32>,
        tpu.vector_store %arg15[%swap3A_707, %swap3A_708], %mul3A_597 {strides = array<i32>} : memref<80x24xf32, #tpu.memory_space<vmem>>, vector<16xf32>,
      }
      %scan3A_191 = arith.constant 5 : i32
      %mul3A_192 = arith.constant 80 : i32
      %mul3A_193 = arith.muli %add3A_101, %mul3A_192 : i32
      %add3A_194 = arith.constant 0 : i32
      %add3A_195 = arith.addi %mul3A_193, %add3A_194 : i32
      %get3A_196 = arith.index_cast %add3A_195 : i32 to index
      %get3A_197 = tpu.vector_load %arg7[%get3A_196] {strides = array<i32>} : memref<10000xi32, #tpu.memory_space<vmem>>, vector<16xi32>,
      %swap3A_198 = arith.constant 0 : index
      %swap3A_199 = tpu.vector_load %arg9[%swap3A_198] {strides = array<i32>} : memref<80xi32, #tpu.memory_space<vmem>>, vector<16xi32>,
      tpu.vector_store %arg9[%swap3A_198], %get3A_197 {strides = array<i32>} : memref<80xi32, #tpu.memory_space<vmem>>, vector<16xi32>,
      %mul3A_200 = arith.constant 80 : i32
      %mul3A_201 = arith.muli %add3A_101, %mul3A_200 : i32
      %add3A_202 = arith.constant 16 : i32
      %add3A_203 = arith.addi %mul3A_201, %add3A_202 : i32
      %get3A_204 = arith.index_cast %add3A_203 : i32 to index
      %get3A_205 = tpu.vector_load %arg7[%get3A_204] {strides = array<i32>} : memref<10000xi32, #tpu.memory_space<vmem>>, vector<16xi32>,
      %swap3A_206 = arith.constant 16 : index
      %swap3A_207 = tpu.vector_load %arg9[%swap3A_206] {strides = array<i32>} : memref<80xi32, #tpu.memory_space<vmem>>, vector<16xi32>,
      tpu.vector_store %arg9[%swap3A_206], %get3A_205 {strides = array<i32>} : memref<80xi32, #tpu.memory_space<vmem>>, vector<16xi32>,
      %mul3A_208 = arith.constant 80 : i32
      %mul3A_209 = arith.muli %add3A_101, %mul3A_208 : i32
      %add3A_210 = arith.constant 32 : i32
      %add3A_211 = arith.addi %mul3A_209, %add3A_210 : i32
      %get3A_212 = arith.index_cast %add3A_211 : i32 to index
      %get3A_213 = tpu.vector_load %arg7[%get3A_212] {strides = array<i32>} : memref<10000xi32, #tpu.memory_space<vmem>>, vector<16xi32>,
      %swap3A_214 = arith.constant 32 : index
      %swap3A_215 = tpu.vector_load %arg9[%swap3A_214] {strides = array<i32>} : memref<80xi32, #tpu.memory_space<vmem>>, vector<16xi32>,
      tpu.vector_store %arg9[%swap3A_214], %get3A_213 {strides = array<i32>} : memref<80xi32, #tpu.memory_space<vmem>>, vector<16xi32>,
      %mul3A_216 = arith.constant 80 : i32
      %mul3A_217 = arith.muli %add3A_101, %mul3A_216 : i32
      %add3A_218 = arith.constant 48 : i32
      %add3A_219 = arith.addi %mul3A_217, %add3A_218 : i32
      %get3A_220 = arith.index_cast %add3A_219 : i32 to index
      %get3A_221 = tpu.vector_load %arg7[%get3A_220] {strides = array<i32>} : memref<10000xi32, #tpu.memory_space<vmem>>, vector<16xi32>,
      %swap3A_222 = arith.constant 48 : index
      %swap3A_223 = tpu.vector_load %arg9[%swap3A_222] {strides = array<i32>} : memref<80xi32, #tpu.memory_space<vmem>>, vector<16xi32>,
      tpu.vector_store %arg9[%swap3A_222], %get3A_221 {strides = array<i32>} : memref<80xi32, #tpu.memory_space<vmem>>, vector<16xi32>,
      %mul3A_224 = arith.constant 80 : i32
      %mul3A_225 = arith.muli %add3A_101, %mul3A_224 : i32
      %add3A_226 = arith.constant 64 : i32
      %add3A_227 = arith.addi %mul3A_225, %add3A_226 : i32
      %get3A_228 = arith.index_cast %add3A_227 : i32 to index
      %get3A_229 = tpu.vector_load %arg7[%get3A_228] {strides = array<i32>} : memref<10000xi32, #tpu.memory_space<vmem>>, vector<16xi32>,
      %swap3A_230 = arith.constant 64 : index
      %swap3A_231 = tpu.vector_load %arg9[%swap3A_230] {strides = array<i32>} : memref<80xi32, #tpu.memory_space<vmem>>, vector<16xi32>,
      tpu.vector_store %arg9[%swap3A_230], %get3A_229 {strides = array<i32>} : memref<80xi32, #tpu.memory_space<vmem>>, vector<16xi32>,
      %dma_start3A_232 = arith.constant 0 : i32
      %dma_start3A_233 = arith.constant 0 : i32
      %dma_start3A_234 = tpu.memref_slice %arg17[%dma_start3A_232, %dma_start3A_233] : memref<10240x24xf32, #tpu.memory_space<vmem_shared>> -> memref<10240x24xf32, #tpu.memory_space<vmem_shared>>
      tpu.enqueue_indirect_dma source(%arg15 : memref<80x24xf32, #tpu.memory_space<vmem>>) target(%dma_start3A_234 : memref<10240x24xf32, #tpu.memory_space<vmem_shared>>) offsets(%arg9 : memref<80xi32, #tpu.memory_space<vmem>>) semaphore(%arg23 : memref<!tpu.dma_semaphore, #tpu.memory_space<semaphore_mem>>) {add = true}
    }
    %scan3A_51 = arith.constant 62 : i32
    %dma_wait3A = arith.constant 9920 : i32
    %dma_wait3A_52 = tpu.memref_slice %arg6[%dma_wait3A] : memref<10000xi32, #tpu.memory_space<vmem>> -> memref<80xi32, #tpu.memory_space<vmem>>
    %dma_wait3A_53 = arith.constant 0 : i32
    %dma_wait3A_54 = arith.constant 0 : i32
    %dma_wait3A_55 = tpu.memref_slice %arg3[%dma_wait3A_53, %dma_wait3A_54] : memref<10240x24xf32, #tpu.memory_space<hbm>> -> memref<10240x24xf32, #tpu.memory_space<hbm>>
    tpu.wait_indirect_dma semaphore(%arg18 : memref<!tpu.dma_semaphore, #tpu.memory_space<semaphore_mem>>) src(%dma_wait3A_55 : memref<10240x24xf32, #tpu.memory_space<hbm>>) dst(%arg10 : memref<80x24xf32, #tpu.memory_space<vmem>>)
    %dma_wait3A_56 = arith.constant 0 : i32
    %dma_wait3A_57 = arith.constant 0 : i32
    %dma_wait3A_58 = tpu.memref_slice %arg17[%dma_wait3A_56, %dma_wait3A_57] : memref<10240x24xf32, #tpu.memory_space<vmem_shared>> -> memref<10240x24xf32, #tpu.memory_space<vmem_shared>>
    tpu.wait_indirect_dma semaphore(%arg22 : memref<!tpu.dma_semaphore, #tpu.memory_space<semaphore_mem>>) src(%arg14 : memref<80x24xf32, #tpu.memory_space<vmem>>) dst(%dma_wait3A_58 : memref<10240x24xf32, #tpu.memory_space<vmem_shared>>)
    %scan3A_59 = arith.constant 0 : i32
    %scan3A_60 = arith.constant 0 : i32
    %scan3A_61 = arith.constant 5 : i32
    %scan3A_62 = arith.addi %scan3A_60, %scan3A_61 : i32
    %scan3A_63 = arith.constant 1 : i32
    scf.for %scan3A_97 = %scan3A_60 to %scan3A_62 step %scan3A_63  : i32 {
      %mul3A_98 = arith.constant 16 : i32
      %mul3A_99 = arith.muli %scan3A_97, %mul3A_98 : i32
      %add3A_100 = vector.broadcast %mul3A_99 : i32 to vector<16xi32>
      %add3A_101 = arith.addi %add3A_100, %iota3A : vector<16xi32>
      %mul3A_102 = arith.constant 0 : i32
      %mul3A_103 = vector.broadcast %mul3A_102 : i32 to vector<16xi32>
      %mul3A_104 = arith.muli %iota3A, %mul3A_103 : vector<16xi32>
      %add3A_105 = arith.constant 16 : i32
      %add3A_106 = vector.broadcast %add3A_105 : i32 to vector<16xi32>
      %add3A_107 = arith.addi %mul3A_104, %add3A_106 : vector<16xi32>
      %gather3A = tpu.vector_load_idx %arg10[%add3A_101, %add3A_107] : memref<80x24xf32, #tpu.memory_space<vmem>>[vector<16xi32>, vector<16xi32>], vector<16xf32>,
      %mul3A_108 = arith.constant 16 : i32
      %mul3A_109 = arith.muli %scan3A_97, %mul3A_108 : i32
      %add3A_110 = arith.constant 9920 : i32
      %add3A_111 = arith.addi %add3A_110, %mul3A_109 : i32
      %get3A_112 = arith.index_cast %add3A_111 : i32 to index
      %get3A_113 = tpu.vector_load %arg7[%get3A_112] {strides = array<i32>} : memref<10000xi32, #tpu.memory_space<vmem>>, vector<16xi32>,
      %gather3A_114 = tpu.vector_load_idx %arg16[%get3A_113] : memref<10240xf32, #tpu.memory_space<vmem>>[vector<16xi32>], vector<16xf32>,
      %add3A_115 = arith.addf %gather3A, %gather3A_114 : vector<16xf32>
      %ge3A = arith.constant 0.000000e+00 : f32
      %ge3A_116 = vector.broadcast %ge3A : f32 to vector<16xf32>
      %ge3A_117 = arith.cmpf oge, %add3A_115, %ge3A_116 : vector<16xf32>
      %mul3A_118 = arith.constant 2.000000e-01 : f32
      %mul3A_119 = vector.broadcast %mul3A_118 : f32 to vector<16xf32>
      %mul3A_120 = arith.mulf %mul3A_119, %add3A_115 : vector<16xf32>
      %select_n3A = arith.select %ge3A_117, %add3A_115, %mul3A_120 : vector<16xi1>, vector<16xf32>
      %exp3A = math.exp %select_n3A : vector<16xf32>
      %add3A_121 = arith.constant 16 : i32
      %add3A_122 = vector.broadcast %add3A_121 : i32 to vector<16xi32>
      %add3A_123 = arith.addi %mul3A_104, %add3A_122 : vector<16xi32>
      tpu.vector_store_idx %arg14[%add3A_101, %add3A_123], %exp3A : memref<80x24xf32, #tpu.memory_space<vmem>>[vector<16xi32>, vector<16xi32>], vector<16xf32>,
      %add3A_124 = arith.constant 0 : i32
      %add3A_125 = vector.broadcast %add3A_124 : i32 to vector<16xi32>
      %add3A_126 = arith.addi %mul3A_104, %add3A_125 : vector<16xi32>
      %lt3A = arith.constant 0 : i32
      %lt3A_127 = vector.broadcast %lt3A : i32 to vector<16xi32>
      %lt3A_128 = arith.cmpi slt, %add3A_126, %lt3A_127 : vector<16xi32>
      %add3A_129 = arith.constant 16 : i32
      %add3A_130 = vector.broadcast %add3A_129 : i32 to vector<16xi32>
      %add3A_131 = arith.addi %add3A_126, %add3A_130 : vector<16xi32>
      %select_n3A_132 = arith.select %lt3A_128, %add3A_131, %add3A_126 : vector<16xi1>, vector<16xi32>
      %broadcast_in_dim3A = vector.shape_cast %select_n3A_132 : vector<16xi32> to vector<16x1xi32>
      %gather3A_133 = vector.shape_cast %broadcast_in_dim3A : vector<16x1xi32> to vector<16xi32>
      %gather3A_134 = tpu.dynamic_gather %exp3A[%gather3A_133] in [0] : vector<16xf32>, vector<16xi32> -> vector<16xf32>
      %add3A_135 = arith.constant 1 : i32
      %add3A_136 = vector.broadcast %add3A_135 : i32 to vector<16xi32>
      %add3A_137 = arith.addi %mul3A_104, %add3A_136 : vector<16xi32>
      %lt3A_138 = arith.constant 0 : i32
      %lt3A_139 = vector.broadcast %lt3A_138 : i32 to vector<16xi32>
      %lt3A_140 = arith.cmpi slt, %add3A_137, %lt3A_139 : vector<16xi32>
      %add3A_141 = arith.constant 16 : i32
      %add3A_142 = vector.broadcast %add3A_141 : i32 to vector<16xi32>
      %add3A_143 = arith.addi %add3A_137, %add3A_142 : vector<16xi32>
      %select_n3A_144 = arith.select %lt3A_140, %add3A_143, %add3A_137 : vector<16xi1>, vector<16xi32>
      %broadcast_in_dim3A_145 = vector.shape_cast %select_n3A_144 : vector<16xi32> to vector<16x1xi32>
      %gather3A_146 = vector.shape_cast %broadcast_in_dim3A_145 : vector<16x1xi32> to vector<16xi32>
      %gather3A_147 = tpu.dynamic_gather %exp3A[%gather3A_146] in [0] : vector<16xf32>, vector<16xi32> -> vector<16xf32>
      %add3A_148 = arith.constant 2 : i32
      %add3A_149 = vector.broadcast %add3A_148 : i32 to vector<16xi32>
      %add3A_150 = arith.addi %mul3A_104, %add3A_149 : vector<16xi32>
      %lt3A_151 = arith.constant 0 : i32
      %lt3A_152 = vector.broadcast %lt3A_151 : i32 to vector<16xi32>
      %lt3A_153 = arith.cmpi slt, %add3A_150, %lt3A_152 : vector<16xi32>
      %add3A_154 = arith.constant 16 : i32
      %add3A_155 = vector.broadcast %add3A_154 : i32 to vector<16xi32>
      %add3A_156 = arith.addi %add3A_150, %add3A_155 : vector<16xi32>
      %select_n3A_157 = arith.select %lt3A_153, %add3A_156, %add3A_150 : vector<16xi1>, vector<16xi32>
      %broadcast_in_dim3A_158 = vector.shape_cast %select_n3A_157 : vector<16xi32> to vector<16x1xi32>
      %gather3A_159 = vector.shape_cast %broadcast_in_dim3A_158 : vector<16x1xi32> to vector<16xi32>
      %gather3A_160 = tpu.dynamic_gather %exp3A[%gather3A_159] in [0] : vector<16xf32>, vector<16xi32> -> vector<16xf32>
      %add3A_161 = arith.constant 3 : i32
      %add3A_162 = vector.broadcast %add3A_161 : i32 to vector<16xi32>
      %add3A_163 = arith.addi %mul3A_104, %add3A_162 : vector<16xi32>
      %lt3A_164 = arith.constant 0 : i32
      %lt3A_165 = vector.broadcast %lt3A_164 : i32 to vector<16xi32>
      %lt3A_166 = arith.cmpi slt, %add3A_163, %lt3A_165 : vector<16xi32>
      %add3A_167 = arith.constant 16 : i32
      %add3A_168 = vector.broadcast %add3A_167 : i32 to vector<16xi32>
      %add3A_169 = arith.addi %add3A_163, %add3A_168 : vector<16xi32>
      %select_n3A_170 = arith.select %lt3A_166, %add3A_169, %add3A_163 : vector<16xi1>, vector<16xi32>
      %broadcast_in_dim3A_171 = vector.shape_cast %select_n3A_170 : vector<16xi32> to vector<16x1xi32>
      %gather3A_172 = vector.shape_cast %broadcast_in_dim3A_171 : vector<16x1xi32> to vector<16xi32>
      %gather3A_173 = tpu.dynamic_gather %exp3A[%gather3A_172] in [0] : vector<16xf32>, vector<16xi32> -> vector<16xf32>
      %add3A_174 = arith.constant 4 : i32
      %add3A_175 = vector.broadcast %add3A_174 : i32 to vector<16xi32>
      %add3A_176 = arith.addi %mul3A_104, %add3A_175 : vector<16xi32>
      %lt3A_177 = arith.constant 0 : i32
      %lt3A_178 = vector.broadcast %lt3A_177 : i32 to vector<16xi32>
      %lt3A_179 = arith.cmpi slt, %add3A_176, %lt3A_178 : vector<16xi32>
      %add3A_180 = arith.constant 16 : i32
      %add3A_181 = vector.broadcast %add3A_180 : i32 to vector<16xi32>
      %add3A_182 = arith.addi %add3A_176, %add3A_181 : vector<16xi32>
      %select_n3A_183 = arith.select %lt3A_179, %add3A_182, %add3A_176 : vector<16xi1>, vector<16xi32>
      %broadcast_in_dim3A_184 = vector.shape_cast %select_n3A_183 : vector<16xi32> to vector<16x1xi32>
      %gather3A_185 = vector.shape_cast %broadcast_in_dim3A_184 : vector<16x1xi32> to vector<16xi32>
      %gather3A_186 = tpu.dynamic_gather %exp3A[%gather3A_185] in [0] : vector<16xf32>, vector<16xi32> -> vector<16xf32>
      %add3A_187 = arith.constant 5 : i32
      %add3A_188 = vector.broadcast %add3A_187 : i32 to vector<16xi32>
      %add3A_189 = arith.addi %mul3A_104, %add3A_188 : vector<16xi32>
      %lt3A_190 = arith.constant 0 : i32
      %lt3A_191 = vector.broadcast %lt3A_190 : i32 to vector<16xi32>
      %lt3A_192 = arith.cmpi slt, %add3A_189, %lt3A_191 : vector<16xi32>
      %add3A_193 = arith.constant 16 : i32
      %add3A_194 = vector.broadcast %add3A_193 : i32 to vector<16xi32>
      %add3A_195 = arith.addi %add3A_189, %add3A_194 : vector<16xi32>
      %select_n3A_196 = arith.select %lt3A_192, %add3A_195, %add3A_189 : vector<16xi1>, vector<16xi32>
      %broadcast_in_dim3A_197 = vector.shape_cast %select_n3A_196 : vector<16xi32> to vector<16x1xi32>
      %gather3A_198 = vector.shape_cast %broadcast_in_dim3A_197 : vector<16x1xi32> to vector<16xi32>
      %gather3A_199 = tpu.dynamic_gather %exp3A[%gather3A_198] in [0] : vector<16xf32>, vector<16xi32> -> vector<16xf32>
      %add3A_200 = arith.constant 6 : i32
      %add3A_201 = vector.broadcast %add3A_200 : i32 to vector<16xi32>
      %add3A_202 = arith.addi %mul3A_104, %add3A_201 : vector<16xi32>
      %lt3A_203 = arith.constant 0 : i32
      %lt3A_204 = vector.broadcast %lt3A_203 : i32 to vector<16xi32>
      %lt3A_205 = arith.cmpi slt, %add3A_202, %lt3A_204 : vector<16xi32>
      %add3A_206 = arith.constant 16 : i32
      %add3A_207 = vector.broadcast %add3A_206 : i32 to vector<16xi32>
      %add3A_208 = arith.addi %add3A_202, %add3A_207 : vector<16xi32>
      %select_n3A_209 = arith.select %lt3A_205, %add3A_208, %add3A_202 : vector<16xi1>, vector<16xi32>
      %broadcast_in_dim3A_210 = vector.shape_cast %select_n3A_209 : vector<16xi32> to vector<16x1xi32>
      %gather3A_211 = vector.shape_cast %broadcast_in_dim3A_210 : vector<16x1xi32> to vector<16xi32>
      %gather3A_212 = tpu.dynamic_gather %exp3A[%gather3A_211] in [0] : vector<16xf32>, vector<16xi32> -> vector<16xf32>
      %add3A_213 = arith.constant 7 : i32
      %add3A_214 = vector.broadcast %add3A_213 : i32 to vector<16xi32>
      %add3A_215 = arith.addi %mul3A_104, %add3A_214 : vector<16xi32>
      %lt3A_216 = arith.constant 0 : i32
      %lt3A_217 = vector.broadcast %lt3A_216 : i32 to vector<16xi32>
      %lt3A_218 = arith.cmpi slt, %add3A_215, %lt3A_217 : vector<16xi32>
      %add3A_219 = arith.constant 16 : i32
      %add3A_220 = vector.broadcast %add3A_219 : i32 to vector<16xi32>
      %add3A_221 = arith.addi %add3A_215, %add3A_220 : vector<16xi32>
      %select_n3A_222 = arith.select %lt3A_218, %add3A_221, %add3A_215 : vector<16xi1>, vector<16xi32>
      %broadcast_in_dim3A_223 = vector.shape_cast %select_n3A_222 : vector<16xi32> to vector<16x1xi32>
      %gather3A_224 = vector.shape_cast %broadcast_in_dim3A_223 : vector<16x1xi32> to vector<16xi32>
      %gather3A_225 = tpu.dynamic_gather %exp3A[%gather3A_224] in [0] : vector<16xf32>, vector<16xi32> -> vector<16xf32>
      %add3A_226 = arith.constant 8 : i32
      %add3A_227 = vector.broadcast %add3A_226 : i32 to vector<16xi32>
      %add3A_228 = arith.addi %mul3A_104, %add3A_227 : vector<16xi32>
      %lt3A_229 = arith.constant 0 : i32
      %lt3A_230 = vector.broadcast %lt3A_229 : i32 to vector<16xi32>
      %lt3A_231 = arith.cmpi slt, %add3A_228, %lt3A_230 : vector<16xi32>
      %add3A_232 = arith.constant 16 : i32
      %add3A_233 = vector.broadcast %add3A_232 : i32 to vector<16xi32>
      %add3A_234 = arith.addi %add3A_228, %add3A_233 : vector<16xi32>
      %select_n3A_235 = arith.select %lt3A_231, %add3A_234, %add3A_228 : vector<16xi1>, vector<16xi32>
      %broadcast_in_dim3A_236 = vector.shape_cast %select_n3A_235 : vector<16xi32> to vector<16x1xi32>
      %gather3A_237 = vector.shape_cast %broadcast_in_dim3A_236 : vector<16x1xi32> to vector<16xi32>
      %gather3A_238 = tpu.dynamic_gather %exp3A[%gather3A_237] in [0] : vector<16xf32>, vector<16xi32> -> vector<16xf32>
      %add3A_239 = arith.constant 9 : i32
      %add3A_240 = vector.broadcast %add3A_239 : i32 to vector<16xi32>
      %add3A_241 = arith.addi %mul3A_104, %add3A_240 : vector<16xi32>
      %lt3A_242 = arith.constant 0 : i32
      %lt3A_243 = vector.broadcast %lt3A_242 : i32 to vector<16xi32>
      %lt3A_244 = arith.cmpi slt, %add3A_241, %lt3A_243 : vector<16xi32>
      %add3A_245 = arith.constant 16 : i32
      %add3A_246 = vector.broadcast %add3A_245 : i32 to vector<16xi32>
      %add3A_247 = arith.addi %add3A_241, %add3A_246 : vector<16xi32>
      %select_n3A_248 = arith.select %lt3A_244, %add3A_247, %add3A_241 : vector<16xi1>, vector<16xi32>
      %broadcast_in_dim3A_249 = vector.shape_cast %select_n3A_248 : vector<16xi32> to vector<16x1xi32>
      %gather3A_250 = vector.shape_cast %broadcast_in_dim3A_249 : vector<16x1xi32> to vector<16xi32>
      %gather3A_251 = tpu.dynamic_gather %exp3A[%gather3A_250] in [0] : vector<16xf32>, vector<16xi32> -> vector<16xf32>
      %add3A_252 = arith.constant 10 : i32
      %add3A_253 = vector.broadcast %add3A_252 : i32 to vector<16xi32>
      %add3A_254 = arith.addi %mul3A_104, %add3A_253 : vector<16xi32>
      %lt3A_255 = arith.constant 0 : i32
      %lt3A_256 = vector.broadcast %lt3A_255 : i32 to vector<16xi32>
      %lt3A_257 = arith.cmpi slt, %add3A_254, %lt3A_256 : vector<16xi32>
      %add3A_258 = arith.constant 16 : i32
      %add3A_259 = vector.broadcast %add3A_258 : i32 to vector<16xi32>
      %add3A_260 = arith.addi %add3A_254, %add3A_259 : vector<16xi32>
      %select_n3A_261 = arith.select %lt3A_257, %add3A_260, %add3A_254 : vector<16xi1>, vector<16xi32>
      %broadcast_in_dim3A_262 = vector.shape_cast %select_n3A_261 : vector<16xi32> to vector<16x1xi32>
      %gather3A_263 = vector.shape_cast %broadcast_in_dim3A_262 : vector<16x1xi32> to vector<16xi32>
      %gather3A_264 = tpu.dynamic_gather %exp3A[%gather3A_263] in [0] : vector<16xf32>, vector<16xi32> -> vector<16xf32>
      %add3A_265 = arith.constant 11 : i32
      %add3A_266 = vector.broadcast %add3A_265 : i32 to vector<16xi32>
      %add3A_267 = arith.addi %mul3A_104, %add3A_266 : vector<16xi32>
      %lt3A_268 = arith.constant 0 : i32
      %lt3A_269 = vector.broadcast %lt3A_268 : i32 to vector<16xi32>
      %lt3A_270 = arith.cmpi slt, %add3A_267, %lt3A_269 : vector<16xi32>
      %add3A_271 = arith.constant 16 : i32
      %add3A_272 = vector.broadcast %add3A_271 : i32 to vector<16xi32>
      %add3A_273 = arith.addi %add3A_267, %add3A_272 : vector<16xi32>
      %select_n3A_274 = arith.select %lt3A_270, %add3A_273, %add3A_267 : vector<16xi1>, vector<16xi32>
      %broadcast_in_dim3A_275 = vector.shape_cast %select_n3A_274 : vector<16xi32> to vector<16x1xi32>
      %gather3A_276 = vector.shape_cast %broadcast_in_dim3A_275 : vector<16x1xi32> to vector<16xi32>
      %gather3A_277 = tpu.dynamic_gather %exp3A[%gather3A_276] in [0] : vector<16xf32>, vector<16xi32> -> vector<16xf32>
      %add3A_278 = arith.constant 12 : i32
      %add3A_279 = vector.broadcast %add3A_278 : i32 to vector<16xi32>
      %add3A_280 = arith.addi %mul3A_104, %add3A_279 : vector<16xi32>
      %lt3A_281 = arith.constant 0 : i32
      %lt3A_282 = vector.broadcast %lt3A_281 : i32 to vector<16xi32>
      %lt3A_283 = arith.cmpi slt, %add3A_280, %lt3A_282 : vector<16xi32>
      %add3A_284 = arith.constant 16 : i32
      %add3A_285 = vector.broadcast %add3A_284 : i32 to vector<16xi32>
      %add3A_286 = arith.addi %add3A_280, %add3A_285 : vector<16xi32>
      %select_n3A_287 = arith.select %lt3A_283, %add3A_286, %add3A_280 : vector<16xi1>, vector<16xi32>
      %broadcast_in_dim3A_288 = vector.shape_cast %select_n3A_287 : vector<16xi32> to vector<16x1xi32>
      %gather3A_289 = vector.shape_cast %broadcast_in_dim3A_288 : vector<16x1xi32> to vector<16xi32>
      %gather3A_290 = tpu.dynamic_gather %exp3A[%gather3A_289] in [0] : vector<16xf32>, vector<16xi32> -> vector<16xf32>
      %add3A_291 = arith.constant 13 : i32
      %add3A_292 = vector.broadcast %add3A_291 : i32 to vector<16xi32>
      %add3A_293 = arith.addi %mul3A_104, %add3A_292 : vector<16xi32>
      %lt3A_294 = arith.constant 0 : i32
      %lt3A_295 = vector.broadcast %lt3A_294 : i32 to vector<16xi32>
      %lt3A_296 = arith.cmpi slt, %add3A_293, %lt3A_295 : vector<16xi32>
      %add3A_297 = arith.constant 16 : i32
      %add3A_298 = vector.broadcast %add3A_297 : i32 to vector<16xi32>
      %add3A_299 = arith.addi %add3A_293, %add3A_298 : vector<16xi32>
      %select_n3A_300 = arith.select %lt3A_296, %add3A_299, %add3A_293 : vector<16xi1>, vector<16xi32>
      %broadcast_in_dim3A_301 = vector.shape_cast %select_n3A_300 : vector<16xi32> to vector<16x1xi32>
      %gather3A_302 = vector.shape_cast %broadcast_in_dim3A_301 : vector<16x1xi32> to vector<16xi32>
      %gather3A_303 = tpu.dynamic_gather %exp3A[%gather3A_302] in [0] : vector<16xf32>, vector<16xi32> -> vector<16xf32>
      %add3A_304 = arith.constant 14 : i32
      %add3A_305 = vector.broadcast %add3A_304 : i32 to vector<16xi32>
      %add3A_306 = arith.addi %mul3A_104, %add3A_305 : vector<16xi32>
      %lt3A_307 = arith.constant 0 : i32
      %lt3A_308 = vector.broadcast %lt3A_307 : i32 to vector<16xi32>
      %lt3A_309 = arith.cmpi slt, %add3A_306, %lt3A_308 : vector<16xi32>
      %add3A_310 = arith.constant 16 : i32
      %add3A_311 = vector.broadcast %add3A_310 : i32 to vector<16xi32>
      %add3A_312 = arith.addi %add3A_306, %add3A_311 : vector<16xi32>
      %select_n3A_313 = arith.select %lt3A_309, %add3A_312, %add3A_306 : vector<16xi1>, vector<16xi32>
      %broadcast_in_dim3A_314 = vector.shape_cast %select_n3A_313 : vector<16xi32> to vector<16x1xi32>
      %gather3A_315 = vector.shape_cast %broadcast_in_dim3A_314 : vector<16x1xi32> to vector<16xi32>
      %gather3A_316 = tpu.dynamic_gather %exp3A[%gather3A_315] in [0] : vector<16xf32>, vector<16xi32> -> vector<16xf32>
      %add3A_317 = arith.constant 15 : i32
      %add3A_318 = vector.broadcast %add3A_317 : i32 to vector<16xi32>
      %add3A_319 = arith.addi %mul3A_104, %add3A_318 : vector<16xi32>
      %lt3A_320 = arith.constant 0 : i32
      %lt3A_321 = vector.broadcast %lt3A_320 : i32 to vector<16xi32>
      %lt3A_322 = arith.cmpi slt, %add3A_319, %lt3A_321 : vector<16xi32>
      %add3A_323 = arith.constant 16 : i32
      %add3A_324 = vector.broadcast %add3A_323 : i32 to vector<16xi32>
      %add3A_325 = arith.addi %add3A_319, %add3A_324 : vector<16xi32>
      %select_n3A_326 = arith.select %lt3A_322, %add3A_325, %add3A_319 : vector<16xi1>, vector<16xi32>
      %broadcast_in_dim3A_327 = vector.shape_cast %select_n3A_326 : vector<16xi32> to vector<16x1xi32>
      %gather3A_328 = vector.shape_cast %broadcast_in_dim3A_327 : vector<16x1xi32> to vector<16xi32>
      %gather3A_329 = tpu.dynamic_gather %exp3A[%gather3A_328] in [0] : vector<16xf32>, vector<16xi32> -> vector<16xf32>
      %mul3A_330 = arith.constant 16 : i32
      %mul3A_331 = arith.muli %scan3A_97, %mul3A_330 : i32
      %add3A_332 = arith.constant 0 : i32
      %add3A_333 = arith.addi %mul3A_331, %add3A_332 : i32
      %get3A_334 = arith.index_cast %add3A_333 : i32 to index
      %get3A_335 = arith.constant 0 : index
      %get3A_336 = tpu.vector_load %arg10[%get3A_334, %get3A_335] {strides = array<i32>} : memref<80x24xf32, #tpu.memory_space<vmem>>, vector<16xf32>,
      %mul3A_337 = arith.constant 16 : i32
      %mul3A_338 = arith.muli %scan3A_97, %mul3A_337 : i32
      %add3A_339 = arith.constant 1 : i32
      %add3A_340 = arith.addi %mul3A_338, %add3A_339 : i32
      %get3A_341 = arith.index_cast %add3A_340 : i32 to index
      %get3A_342 = arith.constant 0 : index
      %get3A_343 = tpu.vector_load %arg10[%get3A_341, %get3A_342] {strides = array<i32>} : memref<80x24xf32, #tpu.memory_space<vmem>>, vector<16xf32>,
      %mul3A_344 = arith.constant 16 : i32
      %mul3A_345 = arith.muli %scan3A_97, %mul3A_344 : i32
      %add3A_346 = arith.constant 2 : i32
      %add3A_347 = arith.addi %mul3A_345, %add3A_346 : i32
      %get3A_348 = arith.index_cast %add3A_347 : i32 to index
      %get3A_349 = arith.constant 0 : index
      %get3A_350 = tpu.vector_load %arg10[%get3A_348, %get3A_349] {strides = array<i32>} : memref<80x24xf32, #tpu.memory_space<vmem>>, vector<16xf32>,
      %mul3A_351 = arith.constant 16 : i32
      %mul3A_352 = arith.muli %scan3A_97, %mul3A_351 : i32
      %add3A_353 = arith.constant 3 : i32
      %add3A_354 = arith.addi %mul3A_352, %add3A_353 : i32
      %get3A_355 = arith.index_cast %add3A_354 : i32 to index
      %get3A_356 = arith.constant 0 : index
      %get3A_357 = tpu.vector_load %arg10[%get3A_355, %get3A_356] {strides = array<i32>} : memref<80x24xf32, #tpu.memory_space<vmem>>, vector<16xf32>,
      %mul3A_358 = arith.constant 16 : i32
      %mul3A_359 = arith.muli %scan3A_97, %mul3A_358 : i32
      %add3A_360 = arith.constant 4 : i32
      %add3A_361 = arith.addi %mul3A_359, %add3A_360 : i32
      %get3A_362 = arith.index_cast %add3A_361 : i32 to index
      %get3A_363 = arith.constant 0 : index
      %get3A_364 = tpu.vector_load %arg10[%get3A_362, %get3A_363] {strides = array<i32>} : memref<80x24xf32, #tpu.memory_space<vmem>>, vector<16xf32>,
      %mul3A_365 = arith.constant 16 : i32
      %mul3A_366 = arith.muli %scan3A_97, %mul3A_365 : i32
      %add3A_367 = arith.constant 5 : i32
      %add3A_368 = arith.addi %mul3A_366, %add3A_367 : i32
      %get3A_369 = arith.index_cast %add3A_368 : i32 to index
      %get3A_370 = arith.constant 0 : index
      %get3A_371 = tpu.vector_load %arg10[%get3A_369, %get3A_370] {strides = array<i32>} : memref<80x24xf32, #tpu.memory_space<vmem>>, vector<16xf32>,
      %mul3A_372 = arith.constant 16 : i32
      %mul3A_373 = arith.muli %scan3A_97, %mul3A_372 : i32
      %add3A_374 = arith.constant 6 : i32
      %add3A_375 = arith.addi %mul3A_373, %add3A_374 : i32
      %get3A_376 = arith.index_cast %add3A_375 : i32 to index
      %get3A_377 = arith.constant 0 : index
      %get3A_378 = tpu.vector_load %arg10[%get3A_376, %get3A_377] {strides = array<i32>} : memref<80x24xf32, #tpu.memory_space<vmem>>, vector<16xf32>,
      %mul3A_379 = arith.constant 16 : i32
      %mul3A_380 = arith.muli %scan3A_97, %mul3A_379 : i32
      %add3A_381 = arith.constant 7 : i32
      %add3A_382 = arith.addi %mul3A_380, %add3A_381 : i32
      %get3A_383 = arith.index_cast %add3A_382 : i32 to index
      %get3A_384 = arith.constant 0 : index
      %get3A_385 = tpu.vector_load %arg10[%get3A_383, %get3A_384] {strides = array<i32>} : memref<80x24xf32, #tpu.memory_space<vmem>>, vector<16xf32>,
      %mul3A_386 = arith.constant 16 : i32
      %mul3A_387 = arith.muli %scan3A_97, %mul3A_386 : i32
      %add3A_388 = arith.constant 8 : i32
      %add3A_389 = arith.addi %mul3A_387, %add3A_388 : i32
      %get3A_390 = arith.index_cast %add3A_389 : i32 to index
      %get3A_391 = arith.constant 0 : index
      %get3A_392 = tpu.vector_load %arg10[%get3A_390, %get3A_391] {strides = array<i32>} : memref<80x24xf32, #tpu.memory_space<vmem>>, vector<16xf32>,
      %mul3A_393 = arith.constant 16 : i32
      %mul3A_394 = arith.muli %scan3A_97, %mul3A_393 : i32
      %add3A_395 = arith.constant 9 : i32
      %add3A_396 = arith.addi %mul3A_394, %add3A_395 : i32
      %get3A_397 = arith.index_cast %add3A_396 : i32 to index
      %get3A_398 = arith.constant 0 : index
      %get3A_399 = tpu.vector_load %arg10[%get3A_397, %get3A_398] {strides = array<i32>} : memref<80x24xf32, #tpu.memory_space<vmem>>, vector<16xf32>,
      %mul3A_400 = arith.constant 16 : i32
      %mul3A_401 = arith.muli %scan3A_97, %mul3A_400 : i32
      %add3A_402 = arith.constant 10 : i32
      %add3A_403 = arith.addi %mul3A_401, %add3A_402 : i32
      %get3A_404 = arith.index_cast %add3A_403 : i32 to index
      %get3A_405 = arith.constant 0 : index
      %get3A_406 = tpu.vector_load %arg10[%get3A_404, %get3A_405] {strides = array<i32>} : memref<80x24xf32, #tpu.memory_space<vmem>>, vector<16xf32>,
      %mul3A_407 = arith.constant 16 : i32
      %mul3A_408 = arith.muli %scan3A_97, %mul3A_407 : i32
      %add3A_409 = arith.constant 11 : i32
      %add3A_410 = arith.addi %mul3A_408, %add3A_409 : i32
      %get3A_411 = arith.index_cast %add3A_410 : i32 to index
      %get3A_412 = arith.constant 0 : index
      %get3A_413 = tpu.vector_load %arg10[%get3A_411, %get3A_412] {strides = array<i32>} : memref<80x24xf32, #tpu.memory_space<vmem>>, vector<16xf32>,
      %mul3A_414 = arith.constant 16 : i32
      %mul3A_415 = arith.muli %scan3A_97, %mul3A_414 : i32
      %add3A_416 = arith.constant 12 : i32
      %add3A_417 = arith.addi %mul3A_415, %add3A_416 : i32
      %get3A_418 = arith.index_cast %add3A_417 : i32 to index
      %get3A_419 = arith.constant 0 : index
      %get3A_420 = tpu.vector_load %arg10[%get3A_418, %get3A_419] {strides = array<i32>} : memref<80x24xf32, #tpu.memory_space<vmem>>, vector<16xf32>,
      %mul3A_421 = arith.constant 16 : i32
      %mul3A_422 = arith.muli %scan3A_97, %mul3A_421 : i32
      %add3A_423 = arith.constant 13 : i32
      %add3A_424 = arith.addi %mul3A_422, %add3A_423 : i32
      %get3A_425 = arith.index_cast %add3A_424 : i32 to index
      %get3A_426 = arith.constant 0 : index
      %get3A_427 = tpu.vector_load %arg10[%get3A_425, %get3A_426] {strides = array<i32>} : memref<80x24xf32, #tpu.memory_space<vmem>>, vector<16xf32>,
      %mul3A_428 = arith.constant 16 : i32
      %mul3A_429 = arith.muli %scan3A_97, %mul3A_428 : i32
      %add3A_430 = arith.constant 14 : i32
      %add3A_431 = arith.addi %mul3A_429, %add3A_430 : i32
      %get3A_432 = arith.index_cast %add3A_431 : i32 to index
      %get3A_433 = arith.constant 0 : index
      %get3A_434 = tpu.vector_load %arg10[%get3A_432, %get3A_433] {strides = array<i32>} : memref<80x24xf32, #tpu.memory_space<vmem>>, vector<16xf32>,
      %mul3A_435 = arith.constant 16 : i32
      %mul3A_436 = arith.muli %scan3A_97, %mul3A_435 : i32
      %add3A_437 = arith.constant 15 : i32
      %add3A_438 = arith.addi %mul3A_436, %add3A_437 : i32
      %get3A_439 = arith.index_cast %add3A_438 : i32 to index
      %get3A_440 = arith.constant 0 : index
      %get3A_441 = tpu.vector_load %arg10[%get3A_439, %get3A_440] {strides = array<i32>} : memref<80x24xf32, #tpu.memory_space<vmem>>, vector<16xf32>,
      %mul3A_442 = arith.mulf %get3A_336, %gather3A_134 : vector<16xf32>
      %mul3A_443 = arith.mulf %get3A_343, %gather3A_147 : vector<16xf32>
      %mul3A_444 = arith.mulf %get3A_350, %gather3A_160 : vector<16xf32>
      %mul3A_445 = arith.mulf %get3A_357, %gather3A_173 : vector<16xf32>
      %mul3A_446 = arith.mulf %get3A_364, %gather3A_186 : vector<16xf32>
      %mul3A_447 = arith.mulf %get3A_371, %gather3A_199 : vector<16xf32>
      %mul3A_448 = arith.mulf %get3A_378, %gather3A_212 : vector<16xf32>
      %mul3A_449 = arith.mulf %get3A_385, %gather3A_225 : vector<16xf32>
      %mul3A_450 = arith.mulf %get3A_392, %gather3A_238 : vector<16xf32>
      %mul3A_451 = arith.mulf %get3A_399, %gather3A_251 : vector<16xf32>
      %mul3A_452 = arith.mulf %get3A_406, %gather3A_264 : vector<16xf32>
      %mul3A_453 = arith.mulf %get3A_413, %gather3A_277 : vector<16xf32>
      %mul3A_454 = arith.mulf %get3A_420, %gather3A_290 : vector<16xf32>
      %mul3A_455 = arith.mulf %get3A_427, %gather3A_303 : vector<16xf32>
      %mul3A_456 = arith.mulf %get3A_434, %gather3A_316 : vector<16xf32>
      %mul3A_457 = arith.mulf %get3A_441, %gather3A_329 : vector<16xf32>
      %mul3A_458 = arith.constant 16 : i32
      %mul3A_459 = arith.muli %scan3A_97, %mul3A_458 : i32
      %add3A_460 = arith.constant 0 : i32
      %add3A_461 = arith.addi %mul3A_459, %add3A_460 : i32
      %swap3A_462 = arith.index_cast %add3A_461 : i32 to index
      %swap3A_463 = arith.constant 0 : index
      %swap3A_464 = tpu.vector_load %arg14[%swap3A_462, %swap3A_463] {strides = array<i32>} : memref<80x24xf32, #tpu.memory_space<vmem>>, vector<16xf32>,
      tpu.vector_store %arg14[%swap3A_462, %swap3A_463], %mul3A_442 {strides = array<i32>} : memref<80x24xf32, #tpu.memory_space<vmem>>, vector<16xf32>,
      %mul3A_465 = arith.constant 16 : i32
      %mul3A_466 = arith.muli %scan3A_97, %mul3A_465 : i32
      %add3A_467 = arith.constant 1 : i32
      %add3A_468 = arith.addi %mul3A_466, %add3A_467 : i32
      %swap3A_469 = arith.index_cast %add3A_468 : i32 to index
      %swap3A_470 = arith.constant 0 : index
      %swap3A_471 = tpu.vector_load %arg14[%swap3A_469, %swap3A_470] {strides = array<i32>} : memref<80x24xf32, #tpu.memory_space<vmem>>, vector<16xf32>,
      tpu.vector_store %arg14[%swap3A_469, %swap3A_470], %mul3A_443 {strides = array<i32>} : memref<80x24xf32, #tpu.memory_space<vmem>>, vector<16xf32>,
      %mul3A_472 = arith.constant 16 : i32
      %mul3A_473 = arith.muli %scan3A_97, %mul3A_472 : i32
      %add3A_474 = arith.constant 2 : i32
      %add3A_475 = arith.addi %mul3A_473, %add3A_474 : i32
      %swap3A_476 = arith.index_cast %add3A_475 : i32 to index
      %swap3A_477 = arith.constant 0 : index
      %swap3A_478 = tpu.vector_load %arg14[%swap3A_476, %swap3A_477] {strides = array<i32>} : memref<80x24xf32, #tpu.memory_space<vmem>>, vector<16xf32>,
      tpu.vector_store %arg14[%swap3A_476, %swap3A_477], %mul3A_444 {strides = array<i32>} : memref<80x24xf32, #tpu.memory_space<vmem>>, vector<16xf32>,
      %mul3A_479 = arith.constant 16 : i32
      %mul3A_480 = arith.muli %scan3A_97, %mul3A_479 : i32
      %add3A_481 = arith.constant 3 : i32
      %add3A_482 = arith.addi %mul3A_480, %add3A_481 : i32
      %swap3A_483 = arith.index_cast %add3A_482 : i32 to index
      %swap3A_484 = arith.constant 0 : index
      %swap3A_485 = tpu.vector_load %arg14[%swap3A_483, %swap3A_484] {strides = array<i32>} : memref<80x24xf32, #tpu.memory_space<vmem>>, vector<16xf32>,
      tpu.vector_store %arg14[%swap3A_483, %swap3A_484], %mul3A_445 {strides = array<i32>} : memref<80x24xf32, #tpu.memory_space<vmem>>, vector<16xf32>,
      %mul3A_486 = arith.constant 16 : i32
      %mul3A_487 = arith.muli %scan3A_97, %mul3A_486 : i32
      %add3A_488 = arith.constant 4 : i32
      %add3A_489 = arith.addi %mul3A_487, %add3A_488 : i32
      %swap3A_490 = arith.index_cast %add3A_489 : i32 to index
      %swap3A_491 = arith.constant 0 : index
      %swap3A_492 = tpu.vector_load %arg14[%swap3A_490, %swap3A_491] {strides = array<i32>} : memref<80x24xf32, #tpu.memory_space<vmem>>, vector<16xf32>,
      tpu.vector_store %arg14[%swap3A_490, %swap3A_491], %mul3A_446 {strides = array<i32>} : memref<80x24xf32, #tpu.memory_space<vmem>>, vector<16xf32>,
      %mul3A_493 = arith.constant 16 : i32
      %mul3A_494 = arith.muli %scan3A_97, %mul3A_493 : i32
      %add3A_495 = arith.constant 5 : i32
      %add3A_496 = arith.addi %mul3A_494, %add3A_495 : i32
      %swap3A_497 = arith.index_cast %add3A_496 : i32 to index
      %swap3A_498 = arith.constant 0 : index
      %swap3A_499 = tpu.vector_load %arg14[%swap3A_497, %swap3A_498] {strides = array<i32>} : memref<80x24xf32, #tpu.memory_space<vmem>>, vector<16xf32>,
      tpu.vector_store %arg14[%swap3A_497, %swap3A_498], %mul3A_447 {strides = array<i32>} : memref<80x24xf32, #tpu.memory_space<vmem>>, vector<16xf32>,
      %mul3A_500 = arith.constant 16 : i32
      %mul3A_501 = arith.muli %scan3A_97, %mul3A_500 : i32
      %add3A_502 = arith.constant 6 : i32
      %add3A_503 = arith.addi %mul3A_501, %add3A_502 : i32
      %swap3A_504 = arith.index_cast %add3A_503 : i32 to index
      %swap3A_505 = arith.constant 0 : index
      %swap3A_506 = tpu.vector_load %arg14[%swap3A_504, %swap3A_505] {strides = array<i32>} : memref<80x24xf32, #tpu.memory_space<vmem>>, vector<16xf32>,
      tpu.vector_store %arg14[%swap3A_504, %swap3A_505], %mul3A_448 {strides = array<i32>} : memref<80x24xf32, #tpu.memory_space<vmem>>, vector<16xf32>,
      %mul3A_507 = arith.constant 16 : i32
      %mul3A_508 = arith.muli %scan3A_97, %mul3A_507 : i32
      %add3A_509 = arith.constant 7 : i32
      %add3A_510 = arith.addi %mul3A_508, %add3A_509 : i32
      %swap3A_511 = arith.index_cast %add3A_510 : i32 to index
      %swap3A_512 = arith.constant 0 : index
      %swap3A_513 = tpu.vector_load %arg14[%swap3A_511, %swap3A_512] {strides = array<i32>} : memref<80x24xf32, #tpu.memory_space<vmem>>, vector<16xf32>,
      tpu.vector_store %arg14[%swap3A_511, %swap3A_512], %mul3A_449 {strides = array<i32>} : memref<80x24xf32, #tpu.memory_space<vmem>>, vector<16xf32>,
      %mul3A_514 = arith.constant 16 : i32
      %mul3A_515 = arith.muli %scan3A_97, %mul3A_514 : i32
      %add3A_516 = arith.constant 8 : i32
      %add3A_517 = arith.addi %mul3A_515, %add3A_516 : i32
      %swap3A_518 = arith.index_cast %add3A_517 : i32 to index
      %swap3A_519 = arith.constant 0 : index
      %swap3A_520 = tpu.vector_load %arg14[%swap3A_518, %swap3A_519] {strides = array<i32>} : memref<80x24xf32, #tpu.memory_space<vmem>>, vector<16xf32>,
      tpu.vector_store %arg14[%swap3A_518, %swap3A_519], %mul3A_450 {strides = array<i32>} : memref<80x24xf32, #tpu.memory_space<vmem>>, vector<16xf32>,
      %mul3A_521 = arith.constant 16 : i32
      %mul3A_522 = arith.muli %scan3A_97, %mul3A_521 : i32
      %add3A_523 = arith.constant 9 : i32
      %add3A_524 = arith.addi %mul3A_522, %add3A_523 : i32
      %swap3A_525 = arith.index_cast %add3A_524 : i32 to index
      %swap3A_526 = arith.constant 0 : index
      %swap3A_527 = tpu.vector_load %arg14[%swap3A_525, %swap3A_526] {strides = array<i32>} : memref<80x24xf32, #tpu.memory_space<vmem>>, vector<16xf32>,
      tpu.vector_store %arg14[%swap3A_525, %swap3A_526], %mul3A_451 {strides = array<i32>} : memref<80x24xf32, #tpu.memory_space<vmem>>, vector<16xf32>,
      %mul3A_528 = arith.constant 16 : i32
      %mul3A_529 = arith.muli %scan3A_97, %mul3A_528 : i32
      %add3A_530 = arith.constant 10 : i32
      %add3A_531 = arith.addi %mul3A_529, %add3A_530 : i32
      %swap3A_532 = arith.index_cast %add3A_531 : i32 to index
      %swap3A_533 = arith.constant 0 : index
      %swap3A_534 = tpu.vector_load %arg14[%swap3A_532, %swap3A_533] {strides = array<i32>} : memref<80x24xf32, #tpu.memory_space<vmem>>, vector<16xf32>,
      tpu.vector_store %arg14[%swap3A_532, %swap3A_533], %mul3A_452 {strides = array<i32>} : memref<80x24xf32, #tpu.memory_space<vmem>>, vector<16xf32>,
      %mul3A_535 = arith.constant 16 : i32
      %mul3A_536 = arith.muli %scan3A_97, %mul3A_535 : i32
      %add3A_537 = arith.constant 11 : i32
      %add3A_538 = arith.addi %mul3A_536, %add3A_537 : i32
      %swap3A_539 = arith.index_cast %add3A_538 : i32 to index
      %swap3A_540 = arith.constant 0 : index
      %swap3A_541 = tpu.vector_load %arg14[%swap3A_539, %swap3A_540] {strides = array<i32>} : memref<80x24xf32, #tpu.memory_space<vmem>>, vector<16xf32>,
      tpu.vector_store %arg14[%swap3A_539, %swap3A_540], %mul3A_453 {strides = array<i32>} : memref<80x24xf32, #tpu.memory_space<vmem>>, vector<16xf32>,
      %mul3A_542 = arith.constant 16 : i32
      %mul3A_543 = arith.muli %scan3A_97, %mul3A_542 : i32
      %add3A_544 = arith.constant 12 : i32
      %add3A_545 = arith.addi %mul3A_543, %add3A_544 : i32
      %swap3A_546 = arith.index_cast %add3A_545 : i32 to index
      %swap3A_547 = arith.constant 0 : index
      %swap3A_548 = tpu.vector_load %arg14[%swap3A_546, %swap3A_547] {strides = array<i32>} : memref<80x24xf32, #tpu.memory_space<vmem>>, vector<16xf32>,
      tpu.vector_store %arg14[%swap3A_546, %swap3A_547], %mul3A_454 {strides = array<i32>} : memref<80x24xf32, #tpu.memory_space<vmem>>, vector<16xf32>,
      %mul3A_549 = arith.constant 16 : i32
      %mul3A_550 = arith.muli %scan3A_97, %mul3A_549 : i32
      %add3A_551 = arith.constant 13 : i32
      %add3A_552 = arith.addi %mul3A_550, %add3A_551 : i32
      %swap3A_553 = arith.index_cast %add3A_552 : i32 to index
      %swap3A_554 = arith.constant 0 : index
      %swap3A_555 = tpu.vector_load %arg14[%swap3A_553, %swap3A_554] {strides = array<i32>} : memref<80x24xf32, #tpu.memory_space<vmem>>, vector<16xf32>,
      tpu.vector_store %arg14[%swap3A_553, %swap3A_554], %mul3A_455 {strides = array<i32>} : memref<80x24xf32, #tpu.memory_space<vmem>>, vector<16xf32>,
      %mul3A_556 = arith.constant 16 : i32
      %mul3A_557 = arith.muli %scan3A_97, %mul3A_556 : i32
      %add3A_558 = arith.constant 14 : i32
      %add3A_559 = arith.addi %mul3A_557, %add3A_558 : i32
      %swap3A_560 = arith.index_cast %add3A_559 : i32 to index
      %swap3A_561 = arith.constant 0 : index
      %swap3A_562 = tpu.vector_load %arg14[%swap3A_560, %swap3A_561] {strides = array<i32>} : memref<80x24xf32, #tpu.memory_space<vmem>>, vector<16xf32>,
      tpu.vector_store %arg14[%swap3A_560, %swap3A_561], %mul3A_456 {strides = array<i32>} : memref<80x24xf32, #tpu.memory_space<vmem>>, vector<16xf32>,
      %mul3A_563 = arith.constant 16 : i32
      %mul3A_564 = arith.muli %scan3A_97, %mul3A_563 : i32
      %add3A_565 = arith.constant 15 : i32
      %add3A_566 = arith.addi %mul3A_564, %add3A_565 : i32
      %swap3A_567 = arith.index_cast %add3A_566 : i32 to index
      %swap3A_568 = arith.constant 0 : index
      %swap3A_569 = tpu.vector_load %arg14[%swap3A_567, %swap3A_568] {strides = array<i32>} : memref<80x24xf32, #tpu.memory_space<vmem>>, vector<16xf32>,
      tpu.vector_store %arg14[%swap3A_567, %swap3A_568], %mul3A_457 {strides = array<i32>} : memref<80x24xf32, #tpu.memory_space<vmem>>, vector<16xf32>,
    }
    %scan3A_64 = arith.constant 5 : i32
    %get3A = arith.constant 9920 : index
    %get3A_65 = tpu.vector_load %arg7[%get3A] {strides = array<i32>} : memref<10000xi32, #tpu.memory_space<vmem>>, vector<16xi32>,
    %swap3A = arith.constant 0 : index
    %swap3A_66 = tpu.vector_load %arg8[%swap3A] {strides = array<i32>} : memref<80xi32, #tpu.memory_space<vmem>>, vector<16xi32>,
    tpu.vector_store %arg8[%swap3A], %get3A_65 {strides = array<i32>} : memref<80xi32, #tpu.memory_space<vmem>>, vector<16xi32>,
    %get3A_67 = arith.constant 9936 : index
    %get3A_68 = tpu.vector_load %arg7[%get3A_67] {strides = array<i32>} : memref<10000xi32, #tpu.memory_space<vmem>>, vector<16xi32>,
    %swap3A_69 = arith.constant 16 : index
    %swap3A_70 = tpu.vector_load %arg8[%swap3A_69] {strides = array<i32>} : memref<80xi32, #tpu.memory_space<vmem>>, vector<16xi32>,
    tpu.vector_store %arg8[%swap3A_69], %get3A_68 {strides = array<i32>} : memref<80xi32, #tpu.memory_space<vmem>>, vector<16xi32>,
    %get3A_71 = arith.constant 9952 : index
    %get3A_72 = tpu.vector_load %arg7[%get3A_71] {strides = array<i32>} : memref<10000xi32, #tpu.memory_space<vmem>>, vector<16xi32>,
    %swap3A_73 = arith.constant 32 : index
    %swap3A_74 = tpu.vector_load %arg8[%swap3A_73] {strides = array<i32>} : memref<80xi32, #tpu.memory_space<vmem>>, vector<16xi32>,
    tpu.vector_store %arg8[%swap3A_73], %get3A_72 {strides = array<i32>} : memref<80xi32, #tpu.memory_space<vmem>>, vector<16xi32>,
    %get3A_75 = arith.constant 9968 : index
    %get3A_76 = tpu.vector_load %arg7[%get3A_75] {strides = array<i32>} : memref<10000xi32, #tpu.memory_space<vmem>>, vector<16xi32>,
    %swap3A_77 = arith.constant 48 : index
    %swap3A_78 = tpu.vector_load %arg8[%swap3A_77] {strides = array<i32>} : memref<80xi32, #tpu.memory_space<vmem>>, vector<16xi32>,
    tpu.vector_store %arg8[%swap3A_77], %get3A_76 {strides = array<i32>} : memref<80xi32, #tpu.memory_space<vmem>>, vector<16xi32>,
    %get3A_79 = arith.constant 9984 : index
    %get3A_80 = tpu.vector_load %arg7[%get3A_79] {strides = array<i32>} : memref<10000xi32, #tpu.memory_space<vmem>>, vector<16xi32>,
    %swap3A_81 = arith.constant 64 : index
    %swap3A_82 = tpu.vector_load %arg8[%swap3A_81] {strides = array<i32>} : memref<80xi32, #tpu.memory_space<vmem>>, vector<16xi32>,
    tpu.vector_store %arg8[%swap3A_81], %get3A_80 {strides = array<i32>} : memref<80xi32, #tpu.memory_space<vmem>>, vector<16xi32>,
    %dma_start3A_83 = arith.constant 0 : i32
    %dma_start3A_84 = arith.constant 0 : i32
    %dma_start3A_85 = tpu.memref_slice %arg17[%dma_start3A_83, %dma_start3A_84] : memref<10240x24xf32, #tpu.memory_space<vmem_shared>> -> memref<10240x24xf32, #tpu.memory_space<vmem_shared>>
    tpu.enqueue_indirect_dma source(%arg14 : memref<80x24xf32, #tpu.memory_space<vmem>>) target(%dma_start3A_85 : memref<10240x24xf32, #tpu.memory_space<vmem_shared>>) offsets(%arg8 : memref<80xi32, #tpu.memory_space<vmem>>) semaphore(%arg22 : memref<!tpu.dma_semaphore, #tpu.memory_space<semaphore_mem>>) {add = true}
    %dma_wait3A_86 = arith.constant 0 : i32
    %dma_wait3A_87 = arith.constant 0 : i32
    %dma_wait3A_88 = tpu.memref_slice %arg17[%dma_wait3A_86, %dma_wait3A_87] : memref<10240x24xf32, #tpu.memory_space<vmem_shared>> -> memref<10240x24xf32, #tpu.memory_space<vmem_shared>>
    tpu.wait_indirect_dma semaphore(%arg23 : memref<!tpu.dma_semaphore, #tpu.memory_space<semaphore_mem>>) src(%arg15 : memref<80x24xf32, #tpu.memory_space<vmem>>) dst(%dma_wait3A_88 : memref<10240x24xf32, #tpu.memory_space<vmem_shared>>)
    %dma_wait3A_89 = arith.constant 0 : i32
    %dma_wait3A_90 = arith.constant 0 : i32
    %dma_wait3A_91 = tpu.memref_slice %arg17[%dma_wait3A_89, %dma_wait3A_90] : memref<10240x24xf32, #tpu.memory_space<vmem_shared>> -> memref<10240x24xf32, #tpu.memory_space<vmem_shared>>
    tpu.wait_indirect_dma semaphore(%arg22 : memref<!tpu.dma_semaphore, #tpu.memory_space<semaphore_mem>>) src(%arg14 : memref<80x24xf32, #tpu.memory_space<vmem>>) dst(%dma_wait3A_91 : memref<10240x24xf32, #tpu.memory_space<vmem_shared>>)
    %barrier3A_92 = arith.constant 0 : index
    tpu.barrier barrier_id(%barrier3A_92)
    %mul3A_93 = arith.constant 640 : i32
    %mul3A_94 = arith.muli %arg1, %mul3A_93 : i32
    %mul3A_95 = arith.constant 640 : i32
    %mul3A_96 = arith.muli %arg1, %mul3A_95 : i32
    "tpu.region"() ({
      %run_scoped3A = tpu.sem_alloc : memref<!tpu.dma_semaphore, #tpu.memory_space<semaphore_mem>>
      %dma_start3A_97 = arith.constant 0 : i32
      %dma_start3A_98 = tpu.memref_slice %arg5[%arg0, %mul3A_96, %dma_start3A_97] : memref<2x10240x24xf32, #tpu.memory_space<hbm>> -> memref<1x640x24xf32, #tpu.memory_space<hbm>>
      %dma_start3A_99 = tpu.memref_squeeze %dma_start3A_98 : memref<1x640x24xf32, #tpu.memory_space<hbm>> -> memref<640x24xf32, #tpu.memory_space<hbm>>
      %dma_start3A_100 = arith.constant 0 : i32
      %dma_start3A_101 = tpu.memref_slice %arg17[%mul3A_94, %dma_start3A_100] : memref<10240x24xf32, #tpu.memory_space<vmem_shared>> -> memref<640x24xf32, #tpu.memory_space<vmem_shared>>
      tpu.enqueue_dma source(%dma_start3A_101 : memref<640x24xf32, #tpu.memory_space<vmem_shared>>) target(%dma_start3A_99 : memref<640x24xf32, #tpu.memory_space<hbm>>) target_semaphore(%run_scoped3A : memref<!tpu.dma_semaphore, #tpu.memory_space<semaphore_mem>>)
      %dma_wait3A_102 = arith.constant 0 : i32
      %dma_wait3A_103 = tpu.memref_slice %arg5[%arg0, %mul3A_96, %dma_wait3A_102] : memref<2x10240x24xf32, #tpu.memory_space<hbm>> -> memref<1x640x24xf32, #tpu.memory_space<hbm>>
      %dma_wait3A_104 = tpu.memref_squeeze %dma_wait3A_103 : memref<1x640x24xf32, #tpu.memory_space<hbm>> -> memref<640x24xf32, #tpu.memory_space<hbm>>
      %dma_wait3A_105 = arith.constant 0 : i32
      %dma_wait3A_106 = tpu.memref_slice %arg17[%mul3A_94, %dma_wait3A_105] : memref<10240x24xf32, #tpu.memory_space<vmem_shared>> -> memref<640x24xf32, #tpu.memory_space<vmem_shared>>
      tpu.wait_dma2 semaphore(%run_scoped3A : memref<!tpu.dma_semaphore, #tpu.memory_space<semaphore_mem>>) src(%dma_wait3A_106 : memref<640x24xf32, #tpu.memory_space<vmem_shared>>) dst(%dma_wait3A_104 : memref<640x24xf32, #tpu.memory_space<hbm>>)
      tpu.yield
    }) : () -> ()
    return
  }
}

module attributes {stable_mosaic.version = 14 : i64} {
  func.func @_prep1_body(%arg0: i32, %arg1: memref<512x128xf32, #tpu.memory_space<vmem>>, %arg2: memref<128x72xf32, #tpu.memory_space<vmem>>, %arg3: memref<128x16xf32, #tpu.memory_space<vmem>>, %arg4: memref<128x64xf32, #tpu.memory_space<vmem>>, %arg5: memref<512x72xf32, #tpu.memory_space<vmem>>, %arg6: memref<512x16xf32, #tpu.memory_space<vmem>>, %arg7: memref<512x64xf32, #tpu.memory_space<vmem>>) attributes {dimension_semantics = [#tpu.dimension_semantics<arbitrary>], iteration_bounds = array<i64: 20>, scalar_prefetch = 0 : i64, scratch_operands = 0 : i64, tpu.core_type = #tpu.core_type<tc>, window_params = [{transform_indices = @transform_0, window_bounds = array<i64: 512, 128>}, {pipeline_mode = #tpu.pipeline_mode<synchronous>, transform_indices = @transform_1, window_bounds = array<i64: 128, 72>}, {pipeline_mode = #tpu.pipeline_mode<synchronous>, transform_indices = @transform_2, window_bounds = array<i64: 128, 16>}, {pipeline_mode = #tpu.pipeline_mode<synchronous>, transform_indices = @transform_3, window_bounds = array<i64: 128, 64>}, {transform_indices = @transform_4, window_bounds = array<i64: 512, 72>}, {transform_indices = @transform_5, window_bounds = array<i64: 512, 16>}, {transform_indices = @transform_6, window_bounds = array<i64: 512, 64>}]} {
    %get3A = arith.constant 0 : index
    %get3A_0 = arith.constant 0 : index
    %get3A_1 = vector.load %arg1[%get3A, %get3A_0] : memref<512x128xf32, #tpu.memory_space<vmem>>, vector<512x128xf32>
    %get3A_2 = arith.constant 0 : index
    %get3A_3 = arith.constant 0 : index
    %get3A_4 = vector.load %arg2[%get3A_2, %get3A_3] : memref<128x72xf32, #tpu.memory_space<vmem>>, vector<128x72xf32>
    %dot_general3A = arith.constant dense<0.000000e+00> : vector<512x72xf32>
    %dot_general3A_5 = tpu.matmul %get3A_1, %get3A_4, %dot_general3A {dimension_numbers = #tpu.dot_dimension_numbers<[1], [0], [0], [1], [0, 0, 1, 1], [], []>, transpose_lhs_hint = false} : vector<512x128xf32>, vector<128x72xf32>, vector<512x72xf32> -> vector<512x72xf32>
    %swap3A = arith.constant 0 : index
    %swap3A_6 = arith.constant 0 : index
    %swap3A_7 = vector.load %arg5[%swap3A, %swap3A_6] : memref<512x72xf32, #tpu.memory_space<vmem>>, vector<512x72xf32>
    tpu.vector_store %arg5[%swap3A, %swap3A_6], %dot_general3A_5 {strides = array<i32>} : memref<512x72xf32, #tpu.memory_space<vmem>>, vector<512x72xf32>,
    %get3A_8 = arith.constant 0 : index
    %get3A_9 = arith.constant 0 : index
    %get3A_10 = vector.load %arg3[%get3A_8, %get3A_9] : memref<128x16xf32, #tpu.memory_space<vmem>>, vector<128x16xf32>
    %dot_general3A_11 = arith.constant dense<0.000000e+00> : vector<512x16xf32>
    %dot_general3A_12 = tpu.matmul %get3A_1, %get3A_10, %dot_general3A_11 {dimension_numbers = #tpu.dot_dimension_numbers<[1], [0], [0], [1], [0, 0, 1, 1], [], []>, transpose_lhs_hint = false} : vector<512x128xf32>, vector<128x16xf32>, vector<512x16xf32> -> vector<512x16xf32>
    %swap3A_13 = arith.constant 0 : index
    %swap3A_14 = arith.constant 0 : index
    %swap3A_15 = vector.load %arg6[%swap3A_13, %swap3A_14] : memref<512x16xf32, #tpu.memory_space<vmem>>, vector<512x16xf32>
    tpu.vector_store %arg6[%swap3A_13, %swap3A_14], %dot_general3A_12 {strides = array<i32>} : memref<512x16xf32, #tpu.memory_space<vmem>>, vector<512x16xf32>,
    %get3A_16 = arith.constant 0 : index
    %get3A_17 = arith.constant 0 : index
    %get3A_18 = vector.load %arg4[%get3A_16, %get3A_17] : memref<128x64xf32, #tpu.memory_space<vmem>>, vector<128x64xf32>
    %dot_general3A_19 = arith.constant dense<0.000000e+00> : vector<512x64xf32>
    %dot_general3A_20 = tpu.matmul %get3A_1, %get3A_18, %dot_general3A_19 {dimension_numbers = #tpu.dot_dimension_numbers<[1], [0], [0], [1], [0, 0, 1, 1], [], []>, transpose_lhs_hint = false} : vector<512x128xf32>, vector<128x64xf32>, vector<512x64xf32> -> vector<512x64xf32>
    %swap3A_21 = arith.constant 0 : index
    %swap3A_22 = arith.constant 0 : index
    %swap3A_23 = vector.load %arg7[%swap3A_21, %swap3A_22] : memref<512x64xf32, #tpu.memory_space<vmem>>, vector<512x64xf32>
    tpu.vector_store %arg7[%swap3A_21, %swap3A_22], %dot_general3A_20 {strides = array<i32>} : memref<512x64xf32, #tpu.memory_space<vmem>>, vector<512x64xf32>,
    return
  }
  func.func @transform_0(%arg0: i32) -> (i32, i32) {
    %c0_i32 = arith.constant 0 : i32
    %c0_i32_0 = arith.constant 0 : i32
    return %arg0, %c0_i32 : i32, i32
  }
  func.func @transform_1(%arg0: i32) -> (i32, i32) {
    %c0_i32 = arith.constant 0 : i32
    %c0_i32_0 = arith.constant 0 : i32
    %c0_i32_1 = arith.constant 0 : i32
    return %c0_i32, %c0_i32_0 : i32, i32
  }
  func.func @transform_2(%arg0: i32) -> (i32, i32) {
    %c0_i32 = arith.constant 0 : i32
    %c0_i32_0 = arith.constant 0 : i32
    %c0_i32_1 = arith.constant 0 : i32
    return %c0_i32, %c0_i32_0 : i32, i32
  }
  func.func @transform_3(%arg0: i32) -> (i32, i32) {
    %c0_i32 = arith.constant 0 : i32
    %c0_i32_0 = arith.constant 0 : i32
    %c0_i32_1 = arith.constant 0 : i32
    return %c0_i32, %c0_i32_0 : i32, i32
  }
  func.func @transform_4(%arg0: i32) -> (i32, i32) {
    %c0_i32 = arith.constant 0 : i32
    %c0_i32_0 = arith.constant 0 : i32
    return %arg0, %c0_i32 : i32, i32
  }
  func.func @transform_5(%arg0: i32) -> (i32, i32) {
    %c0_i32 = arith.constant 0 : i32
    %c0_i32_0 = arith.constant 0 : i32
    return %arg0, %c0_i32 : i32, i32
  }
  func.func @transform_6(%arg0: i32) -> (i32, i32) {
    %c0_i32 = arith.constant 0 : i32
    %c0_i32_0 = arith.constant 0 : i32
    return %arg0, %c0_i32 : i32, i32
  }
}

module attributes {stable_mosaic.version = 14 : i64} {
  func.func @_fin1_body(%arg0: i32, %arg1: memref<2x512x72xf32, #tpu.memory_space<vmem>>, %arg2: memref<512x72xf32, #tpu.memory_space<vmem>>, %arg3: memref<512x64xf32, #tpu.memory_space<vmem>>, %arg4: memref<8x64xf32, #tpu.memory_space<vmem>>, %arg5: memref<1x64xf32, #tpu.memory_space<vmem>>, %arg6: memref<64x24xf32, #tpu.memory_space<vmem>>, %arg7: memref<64x1xf32, #tpu.memory_space<vmem>>, %arg8: memref<512x24xf32, #tpu.memory_space<vmem>>, %arg9: memref<512x1xf32, #tpu.memory_space<vmem>>) attributes {dimension_semantics = [#tpu.dimension_semantics<arbitrary>], iteration_bounds = array<i64: 20>, scalar_prefetch = 0 : i64, scratch_operands = 0 : i64, tpu.core_type = #tpu.core_type<tc>, window_params = [{transform_indices = @transform_0, window_bounds = array<i64: 2, 512, 72>}, {transform_indices = @transform_1, window_bounds = array<i64: 512, 72>}, {transform_indices = @transform_2, window_bounds = array<i64: 512, 64>}, {pipeline_mode = #tpu.pipeline_mode<synchronous>, transform_indices = @transform_3, window_bounds = array<i64: 8, 64>}, {pipeline_mode = #tpu.pipeline_mode<synchronous>, transform_indices = @transform_4, window_bounds = array<i64: 1, 64>}, {pipeline_mode = #tpu.pipeline_mode<synchronous>, transform_indices = @transform_5, window_bounds = array<i64: 64, 24>}, {pipeline_mode = #tpu.pipeline_mode<synchronous>, transform_indices = @transform_6, window_bounds = array<i64: 64, 1>}, {transform_indices = @transform_7, window_bounds = array<i64: 512, 24>}, {transform_indices = @transform_8, window_bounds = array<i64: 512, 1>}]} {
    %get3A = arith.constant 0 : index
    %get3A_0 = arith.constant 0 : index
    %get3A_1 = arith.constant 0 : index
    %get3A_2 = vector.load %arg1[%get3A, %get3A_0, %get3A_1] : memref<2x512x72xf32, #tpu.memory_space<vmem>>, vector<1x512x72xf32>
    %get3A_3 = vector.shape_cast %get3A_2 : vector<1x512x72xf32> to vector<512x72xf32>
    %get3A_4 = arith.constant 1 : index
    %get3A_5 = arith.constant 0 : index
    %get3A_6 = arith.constant 0 : index
    %get3A_7 = vector.load %arg1[%get3A_4, %get3A_5, %get3A_6] : memref<2x512x72xf32, #tpu.memory_space<vmem>>, vector<1x512x72xf32>
    %get3A_8 = vector.shape_cast %get3A_7 : vector<1x512x72xf32> to vector<512x72xf32>
    %get3A_9 = arith.constant 0 : index
    %get3A_10 = arith.constant 0 : index
    %get3A_11 = vector.load %arg3[%get3A_9, %get3A_10] : memref<512x64xf32, #tpu.memory_space<vmem>>, vector<512x64xf32>
    %ge3A = arith.constant 0.000000e+00 : f32
    %ge3A_12 = vector.broadcast %ge3A : f32 to vector<512x64xf32>
    %ge3A_13 = arith.cmpf oge, %get3A_11, %ge3A_12 : vector<512x64xf32>
    %mul3A = arith.constant 2.000000e-01 : f32
    %mul3A_14 = vector.broadcast %mul3A : f32 to vector<512x64xf32>
    %mul3A_15 = arith.mulf %mul3A_14, %get3A_11 : vector<512x64xf32>
    %select_n3A = arith.select %ge3A_13, %get3A_11, %mul3A_15 : vector<512x64xi1>, vector<512x64xf32>
    %exp3A = math.exp %select_n3A : vector<512x64xf32>
    %slice3A = vector.extract_strided_slice %get3A_3 {offsets = [0, 64], sizes = [512, 8], strides = [1, 1]} : vector<512x72xf32> to vector<512x8xf32>
    %slice3A_16 = vector.extract_strided_slice %get3A_8 {offsets = [0, 64], sizes = [512, 8], strides = [1, 1]} : vector<512x72xf32> to vector<512x8xf32>
    %add3A = arith.addf %slice3A, %slice3A_16 : vector<512x8xf32>
    %get3A_17 = arith.constant 0 : index
    %get3A_18 = arith.constant 0 : index
    %get3A_19 = vector.load %arg4[%get3A_17, %get3A_18] : memref<8x64xf32, #tpu.memory_space<vmem>>, vector<8x64xf32>
    %dot_general3A = arith.constant dense<0.000000e+00> : vector<512x64xf32>
    %dot_general3A_20 = tpu.matmul %add3A, %get3A_19, %dot_general3A {dimension_numbers = #tpu.dot_dimension_numbers<[1], [0], [0], [1], [0, 0, 1, 1], [], []>, transpose_lhs_hint = false} : vector<512x8xf32>, vector<8x64xf32>, vector<512x64xf32> -> vector<512x64xf32>
    %add3A_21 = arith.addf %dot_general3A_20, %exp3A : vector<512x64xf32>
    %slice3A_22 = vector.extract_strided_slice %get3A_3 {offsets = [0, 0], sizes = [512, 64], strides = [1, 1]} : vector<512x72xf32> to vector<512x64xf32>
    %slice3A_23 = vector.extract_strided_slice %get3A_8 {offsets = [0, 0], sizes = [512, 64], strides = [1, 1]} : vector<512x72xf32> to vector<512x64xf32>
    %add3A_24 = arith.addf %slice3A_22, %slice3A_23 : vector<512x64xf32>
    %get3A_25 = arith.constant 0 : index
    %get3A_26 = arith.constant 0 : index
    %get3A_27 = vector.load %arg2[%get3A_25, %get3A_26] : memref<512x72xf32, #tpu.memory_space<vmem>>, vector<512x64xf32>
    %mul3A_28 = arith.mulf %get3A_27, %exp3A : vector<512x64xf32>
    %add3A_29 = arith.addf %add3A_24, %mul3A_28 : vector<512x64xf32>
    %add3A_30 = arith.constant 1.000000e-16 : f32
    %add3A_31 = vector.broadcast %add3A_30 : f32 to vector<512x64xf32>
    %add3A_32 = arith.addf %add3A_21, %add3A_31 : vector<512x64xf32>
    %div3A = arith.divf %add3A_29, %add3A_32 : vector<512x64xf32>
    %get3A_33 = arith.constant 0 : index
    %get3A_34 = arith.constant 0 : index
    %get3A_35 = vector.load %arg5[%get3A_33, %get3A_34] : memref<1x64xf32, #tpu.memory_space<vmem>>, vector<1x64xf32>
    %add3A_36 = vector.broadcast %get3A_35 : vector<1x64xf32> to vector<512x64xf32>
    %add3A_37 = arith.addf %div3A, %add3A_36 : vector<512x64xf32>
    %gt3A = arith.constant 0.000000e+00 : f32
    %gt3A_38 = vector.broadcast %gt3A : f32 to vector<512x64xf32>
    %gt3A_39 = arith.cmpf ogt, %add3A_37, %gt3A_38 : vector<512x64xf32>
    %min3A = arith.constant 0.000000e+00 : f32
    %min3A_40 = vector.broadcast %min3A : f32 to vector<512x64xf32>
    %min3A_41 = arith.minimumf %add3A_37, %min3A_40 : vector<512x64xf32>
    %exp3A_42 = math.exp %min3A_41 : vector<512x64xf32>
    %sub3A = arith.constant 1.000000e+00 : f32
    %sub3A_43 = vector.broadcast %sub3A : f32 to vector<512x64xf32>
    %sub3A_44 = arith.subf %exp3A_42, %sub3A_43 : vector<512x64xf32>
    %select_n3A_45 = arith.select %gt3A_39, %add3A_37, %sub3A_44 : vector<512x64xi1>, vector<512x64xf32>
    %get3A_46 = arith.constant 0 : index
    %get3A_47 = arith.constant 0 : index
    %get3A_48 = vector.load %arg6[%get3A_46, %get3A_47] : memref<64x24xf32, #tpu.memory_space<vmem>>, vector<64x24xf32>
    %dot_general3A_49 = arith.constant dense<0.000000e+00> : vector<512x24xf32>
    %dot_general3A_50 = tpu.matmul %select_n3A_45, %get3A_48, %dot_general3A_49 {dimension_numbers = #tpu.dot_dimension_numbers<[1], [0], [0], [1], [0, 0, 1, 1], [], []>, transpose_lhs_hint = false} : vector<512x64xf32>, vector<64x24xf32>, vector<512x24xf32> -> vector<512x24xf32>
    %swap3A = arith.constant 0 : index
    %swap3A_51 = arith.constant 0 : index
    %swap3A_52 = vector.load %arg8[%swap3A, %swap3A_51] : memref<512x24xf32, #tpu.memory_space<vmem>>, vector<512x24xf32>
    tpu.vector_store %arg8[%swap3A, %swap3A_51], %dot_general3A_50 {strides = array<i32>} : memref<512x24xf32, #tpu.memory_space<vmem>>, vector<512x24xf32>,
    %get3A_53 = arith.constant 0 : index
    %get3A_54 = arith.constant 0 : index
    %get3A_55 = vector.load %arg7[%get3A_53, %get3A_54] : memref<64x1xf32, #tpu.memory_space<vmem>>, vector<64x1xf32>
    %dot_general3A_56 = arith.constant dense<0.000000e+00> : vector<512x1xf32>
    %dot_general3A_57 = tpu.matmul %select_n3A_45, %get3A_55, %dot_general3A_56 {dimension_numbers = #tpu.dot_dimension_numbers<[1], [0], [0], [1], [0, 0, 1, 1], [], []>, transpose_lhs_hint = false} : vector<512x64xf32>, vector<64x1xf32>, vector<512x1xf32> -> vector<512x1xf32>
    %swap3A_58 = arith.constant 0 : index
    %swap3A_59 = arith.constant 0 : index
    %swap3A_60 = vector.load %arg9[%swap3A_58, %swap3A_59] : memref<512x1xf32, #tpu.memory_space<vmem>>, vector<512x1xf32>
    tpu.vector_store %arg9[%swap3A_58, %swap3A_59], %dot_general3A_57 {strides = array<i32>} : memref<512x1xf32, #tpu.memory_space<vmem>>, vector<512x1xf32>,
    return
  }
  func.func @transform_0(%arg0: i32) -> (i32, i32, i32) {
    %c0_i32 = arith.constant 0 : i32
    %c0_i32_0 = arith.constant 0 : i32
    %c0_i32_1 = arith.constant 0 : i32
    return %c0_i32, %arg0, %c0_i32_0 : i32, i32, i32
  }
  func.func @transform_1(%arg0: i32) -> (i32, i32) {
    %c0_i32 = arith.constant 0 : i32
    %c0_i32_0 = arith.constant 0 : i32
    return %arg0, %c0_i32 : i32, i32
  }
  func.func @transform_2(%arg0: i32) -> (i32, i32) {
    %c0_i32 = arith.constant 0 : i32
    %c0_i32_0 = arith.constant 0 : i32
    return %arg0, %c0_i32 : i32, i32
  }
  func.func @transform_3(%arg0: i32) -> (i32, i32) {
    %c0_i32 = arith.constant 0 : i32
    %c0_i32_0 = arith.constant 0 : i32
    %c0_i32_1 = arith.constant 0 : i32
    return %c0_i32, %c0_i32_0 : i32, i32
  }
  func.func @transform_4(%arg0: i32) -> (i32, i32) {
    %c0_i32 = arith.constant 0 : i32
    %c0_i32_0 = arith.constant 0 : i32
    %c0_i32_1 = arith.constant 0 : i32
    return %c0_i32, %c0_i32_0 : i32, i32
  }
  func.func @transform_5(%arg0: i32) -> (i32, i32) {
    %c0_i32 = arith.constant 0 : i32
    %c0_i32_0 = arith.constant 0 : i32
    %c0_i32_1 = arith.constant 0 : i32
    return %c0_i32, %c0_i32_0 : i32, i32
  }
  func.func @transform_6(%arg0: i32) -> (i32, i32) {
    %c0_i32 = arith.constant 0 : i32
    %c0_i32_0 = arith.constant 0 : i32
    %c0_i32_1 = arith.constant 0 : i32
    return %c0_i32, %c0_i32_0 : i32, i32
  }
  func.func @transform_7(%arg0: i32) -> (i32, i32) {
    %c0_i32 = arith.constant 0 : i32
    %c0_i32_0 = arith.constant 0 : i32
    return %arg0, %c0_i32 : i32, i32
  }
  func.func @transform_8(%arg0: i32) -> (i32, i32) {
    %c0_i32 = arith.constant 0 : i32
    %c0_i32_0 = arith.constant 0 : i32
    return %arg0, %c0_i32 : i32, i32
  }
}

module attributes {stable_mosaic.version = 14 : i64} {
  func.func @_fin2_body(%arg0: i32, %arg1: memref<2x512x24xf32, #tpu.memory_space<vmem>>, %arg2: memref<512x24xf32, #tpu.memory_space<vmem>>, %arg3: memref<512x1xf32, #tpu.memory_space<vmem>>, %arg4: memref<1x16xf32, #tpu.memory_space<vmem>>, %arg5: memref<1x1x512xi32, #tpu.memory_space<vmem>>, %arg6: memref<16x1xf32, #tpu.memory_space<vmem>>, %arg7: memref<1x1xf32, #tpu.memory_space<vmem>>, %arg8: memref<64x1xf32, #tpu.memory_space<vmem>>, %arg9: memref<64x16xf32, #tpu.memory_space<vmem>>, %arg10: memref<64x1xf32, #tpu.memory_space<vmem>>) attributes {dimension_semantics = [#tpu.dimension_semantics<arbitrary>], iteration_bounds = array<i64: 20>, scalar_prefetch = 0 : i64, scratch_operands = 2 : i64, tpu.core_type = #tpu.core_type<tc>, window_params = [{transform_indices = @transform_0, window_bounds = array<i64: 2, 512, 24>}, {transform_indices = @transform_1, window_bounds = array<i64: 512, 24>}, {transform_indices = @transform_2, window_bounds = array<i64: 512, 1>}, {pipeline_mode = #tpu.pipeline_mode<synchronous>, transform_indices = @transform_3, window_bounds = array<i64: 1, 16>}, {transform_indices = @transform_4, window_bounds = array<i64: 1, 1, 512>}, {pipeline_mode = #tpu.pipeline_mode<synchronous>, transform_indices = @transform_5, window_bounds = array<i64: 16, 1>}, {pipeline_mode = #tpu.pipeline_mode<synchronous>, transform_indices = @transform_6, window_bounds = array<i64: 1, 1>}, {pipeline_mode = #tpu.pipeline_mode<synchronous>, transform_indices = @transform_7, window_bounds = array<i64: 64, 1>}]} {
    %get3A = arith.constant 0 : index
    %get3A_0 = arith.constant 0 : index
    %get3A_1 = arith.constant 0 : index
    %get3A_2 = vector.load %arg1[%get3A, %get3A_0, %get3A_1] : memref<2x512x24xf32, #tpu.memory_space<vmem>>, vector<1x512x24xf32>
    %get3A_3 = vector.shape_cast %get3A_2 : vector<1x512x24xf32> to vector<512x24xf32>
    %get3A_4 = arith.constant 1 : index
    %get3A_5 = arith.constant 0 : index
    %get3A_6 = arith.constant 0 : index
    %get3A_7 = vector.load %arg1[%get3A_4, %get3A_5, %get3A_6] : memref<2x512x24xf32, #tpu.memory_space<vmem>>, vector<1x512x24xf32>
    %get3A_8 = vector.shape_cast %get3A_7 : vector<1x512x24xf32> to vector<512x24xf32>
    %get3A_9 = arith.constant 0 : index
    %get3A_10 = arith.constant 16 : index
    %get3A_11 = vector.load %arg2[%get3A_9, %get3A_10] : memref<512x24xf32, #tpu.memory_space<vmem>>, vector<512x1xf32>
    %get3A_12 = arith.constant 0 : index
    %get3A_13 = arith.constant 0 : index
    %get3A_14 = vector.load %arg2[%get3A_12, %get3A_13] : memref<512x24xf32, #tpu.memory_space<vmem>>, vector<512x16xf32>
    %get3A_15 = arith.constant 0 : index
    %get3A_16 = arith.constant 0 : index
    %get3A_17 = vector.load %arg3[%get3A_15, %get3A_16] : memref<512x1xf32, #tpu.memory_space<vmem>>, vector<512x1xf32>
    %add3A = arith.addf %get3A_11, %get3A_17 : vector<512x1xf32>
    %ge3A = arith.constant 0.000000e+00 : f32
    %ge3A_18 = vector.broadcast %ge3A : f32 to vector<512x1xf32>
    %ge3A_19 = arith.cmpf oge, %add3A, %ge3A_18 : vector<512x1xf32>
    %mul3A = arith.constant 2.000000e-01 : f32
    %mul3A_20 = vector.broadcast %mul3A : f32 to vector<512x1xf32>
    %mul3A_21 = arith.mulf %mul3A_20, %add3A : vector<512x1xf32>
    %select_n3A = arith.select %ge3A_19, %add3A, %mul3A_21 : vector<512x1xi1>, vector<512x1xf32>
    %exp3A = math.exp %select_n3A : vector<512x1xf32>
    %slice3A = vector.extract_strided_slice %get3A_3 {offsets = [0, 16], sizes = [512, 1], strides = [1, 1]} : vector<512x24xf32> to vector<512x1xf32>
    %slice3A_22 = vector.extract_strided_slice %get3A_8 {offsets = [0, 16], sizes = [512, 1], strides = [1, 1]} : vector<512x24xf32> to vector<512x1xf32>
    %add3A_23 = arith.addf %slice3A, %slice3A_22 : vector<512x1xf32>
    %add3A_24 = arith.addf %add3A_23, %exp3A : vector<512x1xf32>
    %slice3A_25 = vector.extract_strided_slice %get3A_3 {offsets = [0, 0], sizes = [512, 16], strides = [1, 1]} : vector<512x24xf32> to vector<512x16xf32>
    %slice3A_26 = vector.extract_strided_slice %get3A_8 {offsets = [0, 0], sizes = [512, 16], strides = [1, 1]} : vector<512x24xf32> to vector<512x16xf32>
    %add3A_27 = arith.addf %slice3A_25, %slice3A_26 : vector<512x16xf32>
    %mul3A_28 = vector.broadcast %exp3A : vector<512x1xf32> to vector<512x16xf32>
    %mul3A_29 = arith.mulf %get3A_14, %mul3A_28 : vector<512x16xf32>
    %add3A_30 = arith.addf %add3A_27, %mul3A_29 : vector<512x16xf32>
    %add3A_31 = arith.constant 1.000000e-16 : f32
    %add3A_32 = vector.broadcast %add3A_31 : f32 to vector<512x1xf32>
    %add3A_33 = arith.addf %add3A_24, %add3A_32 : vector<512x1xf32>
    %div3A = vector.broadcast %add3A_33 : vector<512x1xf32> to vector<512x16xf32>
    %div3A_34 = arith.divf %add3A_30, %div3A : vector<512x16xf32>
    %get3A_35 = arith.constant 0 : index
    %get3A_36 = arith.constant 0 : index
    %get3A_37 = vector.load %arg4[%get3A_35, %get3A_36] : memref<1x16xf32, #tpu.memory_space<vmem>>, vector<1x16xf32>
    %add3A_38 = vector.broadcast %get3A_37 : vector<1x16xf32> to vector<512x16xf32>
    %add3A_39 = arith.addf %div3A_34, %add3A_38 : vector<512x16xf32>
    %get3A_40 = arith.constant 0 : index
    %get3A_41 = arith.constant 0 : index
    %get3A_42 = arith.constant 0 : index
    %get3A_43 = vector.load %arg5[%get3A_40, %get3A_41, %get3A_42] : memref<1x1x512xi32, #tpu.memory_space<vmem>>, vector<1x1x512xi32>
    %get3A_44 = vector.shape_cast %get3A_43 : vector<1x1x512xi32> to vector<512xi32>
    %iota3A = tpu.iota {dimensions = array<i32: 0>} : vector<64x512xi32>
    %broadcast_in_dim3A = vector.shape_cast %get3A_44 : vector<512xi32> to vector<1x512xi32>
    %eq3A = vector.broadcast %broadcast_in_dim3A : vector<1x512xi32> to vector<64x512xi32>
    %eq3A_45 = arith.cmpi eq, %iota3A, %eq3A : vector<64x512xi32>
    %convert_element_type3A = arith.extui %eq3A_45 : vector<64x512xi1> to vector<64x512xi32>
    %convert_element_type3A_46 = arith.sitofp %convert_element_type3A : vector<64x512xi32> to vector<64x512xf32>
    %dot_general3A = arith.constant dense<0.000000e+00> : vector<64x16xf32>
    %dot_general3A_47 = tpu.matmul %convert_element_type3A_46, %add3A_39, %dot_general3A {dimension_numbers = #tpu.dot_dimension_numbers<[1], [0], [0], [1], [0, 0, 1, 1], [], []>, transpose_lhs_hint = false} : vector<64x512xf32>, vector<512x16xf32>, vector<64x16xf32> -> vector<64x16xf32>
    %broadcast_in_dim3A_48 = arith.constant 1.000000e+00 : f32
    %broadcast_in_dim3A_49 = vector.broadcast %broadcast_in_dim3A_48 : f32 to vector<512x1xf32>
    %dot_general3A_50 = arith.constant dense<0.000000e+00> : vector<64x1xf32>
    %dot_general3A_51 = tpu.matmul %convert_element_type3A_46, %broadcast_in_dim3A_49, %dot_general3A_50 {dimension_numbers = #tpu.dot_dimension_numbers<[1], [0], [0], [1], [0, 0, 1, 1], [], []>, transpose_lhs_hint = false} : vector<64x512xf32>, vector<512x1xf32>, vector<64x1xf32> -> vector<64x1xf32>
    %eq3A_52 = arith.constant 0 : i32
    %eq3A_53 = arith.cmpi eq, %arg0, %eq3A_52 : i32
    %convert_element_type3A_54 = arith.extui %eq3A_53 : i1 to i32
    %cond3A = arith.constant 0 : i32
    %cond3A_55 = arith.cmpi ne, %convert_element_type3A_54, %cond3A : i32
    scf.if %cond3A_55 {
      %swap3A = arith.constant 0 : index
      %swap3A_65 = arith.constant 0 : index
      %swap3A_66 = vector.load %arg9[%swap3A, %swap3A_65] : memref<64x16xf32, #tpu.memory_space<vmem>>, vector<64x16xf32>
      tpu.vector_store %arg9[%swap3A, %swap3A_65], %dot_general3A_47 {strides = array<i32>} : memref<64x16xf32, #tpu.memory_space<vmem>>, vector<64x16xf32>,
      %swap3A_67 = arith.constant 0 : index
      %swap3A_68 = arith.constant 0 : index
      %swap3A_69 = vector.load %arg10[%swap3A_67, %swap3A_68] : memref<64x1xf32, #tpu.memory_space<vmem>>, vector<64x1xf32>
      tpu.vector_store %arg10[%swap3A_67, %swap3A_68], %dot_general3A_51 {strides = array<i32>} : memref<64x1xf32, #tpu.memory_space<vmem>>, vector<64x1xf32>,
    } else {
    }
    %gt3A = arith.constant 0 : i32
    %gt3A_56 = arith.cmpi sgt, %arg0, %gt3A : i32
    %convert_element_type3A_57 = arith.extui %gt3A_56 : i1 to i32
    %cond3A_58 = arith.constant 0 : i32
    %cond3A_59 = arith.cmpi ne, %convert_element_type3A_57, %cond3A_58 : i32
    scf.if %cond3A_59 {
      %get3A_65 = arith.constant 0 : index
      %get3A_66 = arith.constant 0 : index
      %get3A_67 = vector.load %arg9[%get3A_65, %get3A_66] : memref<64x16xf32, #tpu.memory_space<vmem>>, vector<64x16xf32>
      %add3A_68 = arith.addf %get3A_67, %dot_general3A_47 : vector<64x16xf32>
      %swap3A = arith.constant 0 : index
      %swap3A_69 = arith.constant 0 : index
      %swap3A_70 = vector.load %arg9[%swap3A, %swap3A_69] : memref<64x16xf32, #tpu.memory_space<vmem>>, vector<64x16xf32>
      tpu.vector_store %arg9[%swap3A, %swap3A_69], %add3A_68 {strides = array<i32>} : memref<64x16xf32, #tpu.memory_space<vmem>>, vector<64x16xf32>,
      %get3A_71 = arith.constant 0 : index
      %get3A_72 = arith.constant 0 : index
      %get3A_73 = vector.load %arg10[%get3A_71, %get3A_72] : memref<64x1xf32, #tpu.memory_space<vmem>>, vector<64x1xf32>
      %add3A_74 = arith.addf %get3A_73, %dot_general3A_51 : vector<64x1xf32>
      %swap3A_75 = arith.constant 0 : index
      %swap3A_76 = arith.constant 0 : index
      %swap3A_77 = vector.load %arg10[%swap3A_75, %swap3A_76] : memref<64x1xf32, #tpu.memory_space<vmem>>, vector<64x1xf32>
      tpu.vector_store %arg10[%swap3A_75, %swap3A_76], %add3A_74 {strides = array<i32>} : memref<64x1xf32, #tpu.memory_space<vmem>>, vector<64x1xf32>,
    } else {
    }
    %eq3A_60 = arith.constant 19 : i32
    %eq3A_61 = arith.cmpi eq, %arg0, %eq3A_60 : i32
    %convert_element_type3A_62 = arith.extui %eq3A_61 : i1 to i32
    %cond3A_63 = arith.constant 0 : i32
    %cond3A_64 = arith.cmpi ne, %convert_element_type3A_62, %cond3A_63 : i32
    scf.if %cond3A_64 {
      %get3A_65 = arith.constant 0 : index
      %get3A_66 = arith.constant 0 : index
      %get3A_67 = vector.load %arg9[%get3A_65, %get3A_66] : memref<64x16xf32, #tpu.memory_space<vmem>>, vector<64x16xf32>
      %get3A_68 = arith.constant 0 : index
      %get3A_69 = arith.constant 0 : index
      %get3A_70 = vector.load %arg10[%get3A_68, %get3A_69] : memref<64x1xf32, #tpu.memory_space<vmem>>, vector<64x1xf32>
      %max3A = arith.constant 1.000000e+00 : f32
      %max3A_71 = vector.broadcast %max3A : f32 to vector<64x1xf32>
      %max3A_72 = arith.maximumf %get3A_70, %max3A_71 : vector<64x1xf32>
      %div3A_73 = vector.broadcast %max3A_72 : vector<64x1xf32> to vector<64x16xf32>
      %div3A_74 = arith.divf %get3A_67, %div3A_73 : vector<64x16xf32>
      %get3A_75 = arith.constant 0 : index
      %get3A_76 = arith.constant 0 : index
      %get3A_77 = vector.load %arg6[%get3A_75, %get3A_76] : memref<16x1xf32, #tpu.memory_space<vmem>>, vector<16x1xf32>
      %dot_general3A_78 = arith.constant dense<0.000000e+00> : vector<64x1xf32>
      %dot_general3A_79 = tpu.matmul %div3A_74, %get3A_77, %dot_general3A_78 {dimension_numbers = #tpu.dot_dimension_numbers<[1], [0], [0], [1], [0, 0, 1, 1], [], []>, transpose_lhs_hint = false} : vector<64x16xf32>, vector<16x1xf32>, vector<64x1xf32> -> vector<64x1xf32>
      %get3A_80 = arith.constant 0 : index
      %get3A_81 = arith.constant 0 : index
      %get3A_82 = vector.load %arg7[%get3A_80, %get3A_81] : memref<1x1xf32, #tpu.memory_space<vmem>>, vector<1x1xf32>
      %add3A_83 = vector.broadcast %get3A_82 : vector<1x1xf32> to vector<64x1xf32>
      %add3A_84 = arith.addf %dot_general3A_79, %add3A_83 : vector<64x1xf32>
      %neg3A = arith.constant 0.000000e+00 : f32
      %neg3A_85 = vector.broadcast %neg3A : f32 to vector<64x1xf32>
      %neg3A_86 = arith.subf %neg3A_85, %add3A_84 : vector<64x1xf32>
      %exp3A_87 = math.exp %neg3A_86 : vector<64x1xf32>
      %add3A_88 = arith.constant 1.000000e+00 : f32
      %add3A_89 = vector.broadcast %add3A_88 : f32 to vector<64x1xf32>
      %add3A_90 = arith.addf %add3A_89, %exp3A_87 : vector<64x1xf32>
      %div3A_91 = arith.constant 1.000000e+00 : f32
      %div3A_92 = vector.broadcast %div3A_91 : f32 to vector<64x1xf32>
      %div3A_93 = arith.divf %div3A_92, %add3A_90 : vector<64x1xf32>
      %swap3A = arith.constant 0 : index
      %swap3A_94 = arith.constant 0 : index
      %swap3A_95 = vector.load %arg8[%swap3A, %swap3A_94] : memref<64x1xf32, #tpu.memory_space<vmem>>, vector<64x1xf32>
      tpu.vector_store %arg8[%swap3A, %swap3A_94], %div3A_93 {strides = array<i32>} : memref<64x1xf32, #tpu.memory_space<vmem>>, vector<64x1xf32>,
    } else {
    }
    return
  }
  func.func @transform_0(%arg0: i32) -> (i32, i32, i32) {
    %c0_i32 = arith.constant 0 : i32
    %c0_i32_0 = arith.constant 0 : i32
    %c0_i32_1 = arith.constant 0 : i32
    return %c0_i32, %arg0, %c0_i32_0 : i32, i32, i32
  }
  func.func @transform_1(%arg0: i32) -> (i32, i32) {
    %c0_i32 = arith.constant 0 : i32
    %c0_i32_0 = arith.constant 0 : i32
    return %arg0, %c0_i32 : i32, i32
  }
  func.func @transform_2(%arg0: i32) -> (i32, i32) {
    %c0_i32 = arith.constant 0 : i32
    %c0_i32_0 = arith.constant 0 : i32
    return %arg0, %c0_i32 : i32, i32
  }
  func.func @transform_3(%arg0: i32) -> (i32, i32) {
    %c0_i32 = arith.constant 0 : i32
    %c0_i32_0 = arith.constant 0 : i32
    %c0_i32_1 = arith.constant 0 : i32
    return %c0_i32, %c0_i32_0 : i32, i32
  }
  func.func @transform_4(%arg0: i32) -> (i32, i32, i32) {
    %c0_i32 = arith.constant 0 : i32
    %c0_i32_0 = arith.constant 0 : i32
    %c0_i32_1 = arith.constant 0 : i32
    return %arg0, %c0_i32, %c0_i32_0 : i32, i32, i32
  }
  func.func @transform_5(%arg0: i32) -> (i32, i32) {
    %c0_i32 = arith.constant 0 : i32
    %c0_i32_0 = arith.constant 0 : i32
    %c0_i32_1 = arith.constant 0 : i32
    return %c0_i32, %c0_i32_0 : i32, i32
  }
  func.func @transform_6(%arg0: i32) -> (i32, i32) {
    %c0_i32 = arith.constant 0 : i32
    %c0_i32_0 = arith.constant 0 : i32
    %c0_i32_1 = arith.constant 0 : i32
    return %c0_i32, %c0_i32_0 : i32, i32
  }
  func.func @transform_7(%arg0: i32) -> (i32, i32) {
    %c0_i32 = arith.constant 0 : i32
    %c0_i32_0 = arith.constant 0 : i32
    %c0_i32_1 = arith.constant 0 : i32
    return %c0_i32, %c0_i32_0 : i32, i32
  }
}

</mosaic_0001>

<sc_bundles>
// kernel: kernel.10.cloned.1.call-start
scs
__scs_entry_jumppad:
0x0: {  	(pc) =	sbr.rel $0x88, $3  }
0x1: {  	(tag) =	ssettag $0x0;
	lr =	simm.s32 $0x1  }
0x2: {  	[smem:$0x3F94] =	sst lr;
	_ =	strace $0xD0000000  }
0x3: {  	_ = 	snop  }
0x4: {  	_ = 	snop  }
0x5: {  	_ = 	snop  }
0x6: {  	_ = 	snop  }
0x7: {  	_ = 	snop  }
__scs_overlays_trampoline_lowered:
0x8: {  	[smem:$0x3FA3] =	sst s0  }
0x9: {  	[smem:$0x3FA4] =	sst s1  }
0xa: {  	[smem:$0x3FA5] =	sst s2  }
0xb: {  	[smem:$0x3FA6] =	sst s3  }
0xc: {  	[smem:$0x3FA7] =	sst s4  }
0xd: {  	[smem:$0x3FA8] =	sst s5  }
0xe: {  	[smem:$0x3FA9] =	sst s6  }
0xf: {  	[smem:$0x3FAA] =	sst s7  }
0x10: {  	[smem:$0x3FAB] =	sst s8  }
0x11: {  	[smem:$0x3FAC] =	sst s9;
	s0 =	simm.s32 @!p0 $0x0  }
0x12: {  	s1 =	sld [smem:$0x3F92];
	s0 =	simm.s32 @p0 $0x1  }
0x13: {  	[smem:$0x3FAD] =	sst s0;
	s0 =	simm.s32 @!p1 $0x0  }
0x14: {  	s2 =	sld [smem:$0x3F91];
	s0 =	simm.s32 @p1 $0x1  }
0x15: {  	[smem:$0x3FAE] =	sst s0;
	s0 =	simm.s32 @!p2 $0x0  }
0x16: {  	s3 =	sld [smem:$0x3FDB];
	s0 =	simm.s32 @p2 $0x1  }
0x17: {  	s4 =	simm.s32 $0x1BF5;
	[smem:$0x3FB0] =	sst s0  }
0x18: {  	s0 =	sld [smem:$0x3F93];
	_ =	swait.ge [sflag:s4], $0x0  }
0x19: {  	s7 =	sld [smem:$0x3F94]  }
0x1a: {  	s8 =	sadd.s32 $0xFFFFE003, lr  }
0x1b: {  	s9 =	sadd.s32 $0xFFFFFEF7, lr;
	s5 =	simm.s32 $0xFFFFFFFF;
	p2 =	slt.u32 s8, $0xFFFFF086  }
0x1c: {  	p1 =	slt.u32 s9, $0xF7A;
	s5 =	simm.s32 @!p2 $0x0  }
0x1d: {  	s5 =	simm.s32 @p1 $0x1;
	p0 =	seq.s32 s7, s2  }
0x1e: {  	s7 =	smul.u32 @!p0 $0xF7A, s2;
	p2 =	seq.s32 @!p0 s5, $0x0  }
0x1f: {  	s9 =	smul.u32 $0xF7A, s1;
	s8 =	simm.s32 @!p0 $0x1BF5;
	p2 =	por !p2, p0  }
0x20: {  	[sflag:s8] =	ssyncset.s32 @!p0 $0xFFFFF086;
	s6 =	sadd.s32 @!p0 s3, s7;
	s7 =	simm.s32 @!p0 $0x108  }
0x21: {  	s3 =	sadd.s32 s3, s9;
	s6 =	sadd.s32 @!p0 $0x88, s6;
	s7 =	simm.s32 @p2 $0x1082  }
0x22: {  	[simem:s7], [sflag:s8] =	dma.local @!p0 [hbm:s6], $0xF7A  }
0x23: {  	s9 =	sor.u32 $0xD0000000, s2;
	s6 =	simm.s32 $0x108;
	_ =	swait.ge @!p0 [sflag:s8], $0x0  }
0x24: {  	s3 =	sadd.s32 $0x88, s3;
	s6 =	simm.s32 @!p1 $0x1082;
	[sflag:s4] =	ssyncset.s32 $0xFFFFF086  }
0x25: {  	[simem:s6], [sflag:s4] =	dma.local [hbm:s3], $0xF7A  }
0x26: {  	[smem:$0x3F94] =	sst s1;
	(tag) =	ssettag s2;
	_ =	strace s9  }
0x27: {  	s1 =	sld [smem:$0x3FA4]  }
0x28: {  	s2 =	sld [smem:$0x3FA5]  }
0x29: {  	s4 =	sld [smem:$0x3FA7]  }
0x2a: {  	p0 =	seq.s32 s5, $0x0;
	s5 =	sld [smem:$0x3FA8]  }
0x2b: {  	s6 =	sld [smem:$0x3FA9]  }
0x2c: {  	s7 =	sld [smem:$0x3FAA]  }
0x2d: {  	s3 =	simm.s32 $0x108;
	s8 =	sld [smem:$0x3FAB]  }
0x2e: {  	s3 =	simm.s32 @!p0 $0x1082;
	s9 =	sld [smem:$0x3FAC]  }
0x2f: {  	lr =	sadd.s32 s0, s3;
	s0 =	sld [smem:$0x3FA3]  }
0x30: {  	s3 =	sld [smem:$0x3FA6]  }
0x31: {  	[smem:$0x3FAF] =	sst s10  }
0x32: {  	s10 =	sld [smem:$0x3FAD];
	_ =	sdelay $0x3  }
0x33: {  	p0 =	seq.s32 s10, $0x1;
	s10 =	sld [smem:$0x3FAF];
	_ =	sdelay $0x3  }
0x34: {  	[smem:$0x3FAF] =	sst s10  }
0x35: {  	s10 =	sld [smem:$0x3FAE];
	_ =	sdelay $0x3  }
0x36: {  	p1 =	seq.s32 s10, $0x1;
	s10 =	sld [smem:$0x3FAF];
	_ =	sdelay $0x3  }
0x37: {  	[smem:$0x3FAF] =	sst s10  }
0x38: {  	s10 =	sld [smem:$0x3FB0]  }
0x39: {  	_ = 	snop;
	(pc) =	sbr.ind lr, $3  }
0x3a: {  	_ = 	snop  }
0x3b: {  	_ = 	snop  }
0x3c: {  	p2 =	seq.s32 s10, $0x1;
	s10 =	sld [smem:$0x3FAF]  }
0x3d: {  	_ =	shalt  }
0x3e: {  	_ =	shalt  }
0x3f: {  	_ =	shalt  }
0x40: {  	_ =	shalt  }
0x41: {  	_ =	shalt  }
0x42: {  	_ =	shalt  }
0x43: {  	_ =	shalt  }
0x44: {  	_ =	shalt  }
0x45: {  	_ =	shalt  }
0x46: {  	_ =	shalt  }
0x47: {  	_ =	shalt  }
0x48: {  	_ =	shalt  }
0x49: {  	_ =	shalt  }
0x4a: {  	_ =	shalt  }
0x4b: {  	_ =	shalt  }
0x4c: {  	_ =	shalt  }
0x4d: {  	_ =	shalt  }
0x4e: {  	_ =	shalt  }
0x4f: {  	_ =	shalt  }
0x50: {  	_ =	shalt  }
0x51: {  	_ =	shalt  }
0x52: {  	_ =	shalt  }
0x53: {  	_ =	shalt  }
0x54: {  	_ =	shalt  }
0x55: {  	_ =	shalt  }
0x56: {  	_ =	shalt  }
0x57: {  	_ =	shalt  }
0x58: {  	_ =	shalt  }
0x59: {  	_ =	shalt  }
0x5a: {  	_ =	shalt  }
0x5b: {  	_ =	shalt  }
0x5c: {  	_ =	shalt  }
0x5d: {  	_ =	shalt  }
0x5e: {  	_ =	shalt  }
0x5f: {  	_ =	shalt  }
0x60: {  	_ =	shalt  }
0x61: {  	_ =	shalt  }
0x62: {  	_ =	shalt  }
0x63: {  	_ =	shalt  }
0x64: {  	_ =	shalt  }
0x65: {  	_ =	shalt  }
0x66: {  	_ =	shalt  }
0x67: {  	_ =	shalt  }
0x68: {  	_ =	shalt  }
0x69: {  	_ =	shalt  }
0x6a: {  	_ =	shalt  }
0x6b: {  	_ =	shalt  }
0x6c: {  	_ =	shalt  }
0x6d: {  	_ =	shalt  }
0x6e: {  	_ =	shalt  }
0x6f: {  	_ =	shalt  }
0x70: {  	_ =	shalt  }
0x71: {  	_ =	shalt  }
0x72: {  	_ =	shalt  }
0x73: {  	_ =	shalt  }
0x74: {  	_ =	shalt  }
0x75: {  	_ =	shalt  }
0x76: {  	_ =	shalt  }
0x77: {  	_ =	shalt  }
0x78: {  	_ =	shalt  }
0x79: {  	_ =	shalt  }
0x7a: {  	_ =	shalt  }
0x7b: {  	_ =	shalt  }
0x7c: {  	_ =	shalt  }
0x7d: {  	_ =	shalt  }
0x7e: {  	_ =	shalt  }
0x7f: {  	_ =	shalt  }
0x80: {  	_ =	shalt  }
0x81: {  	_ =	shalt  }
0x82: {  	_ =	shalt  }
0x83: {  	_ =	shalt  }
0x84: {  	_ =	shalt  }
0x85: {  	_ =	shalt  }
0x86: {  	_ =	shalt  }
0x87: {  	_ =	shalt  }
.Lfunc_end0:
.L_simem_size_0:
called_computation.1_lowered:
.L_overlay_start_0:
0x88: {  	s2 =	sld [smem:$0x3FD9]  }
0x89: {  	s3 =	sld [smem:$0x3FFE];
	_ =	sdelay $0x1  }
0x8a: {  	s1 =	srdreg.scid  }
0x8b: {  	s0 =	sand.u32 $0x1, s1  }
0x8c: {  	s16 =	sshll.u32 s0, $0xA;
	s2 =	sadd.s32 s3, s2  }
0x8d: {  	s2 =	sadd.s32 s2, s16  }
0x8e: {  	[smem:$0x3FBB] =	sst s2  }
0x8f: {  	_ = 	snop  }
0x90: {  	(tm) =	ssettm $0x1  }
0x91: {  	s17 =	sld [smem:$0x3FFB];
	_ =	sdelay $0x3  }
0x92: {  	_ =	strace s17  }
0x93: {  	s2 =	sld [smem:$0x3FFC];
	_ =	sdelay $0x3  }
0x94: {  	_ =	strace s2  }
0x95: {  	s2 =	sld [smem:$0x3FFD];
	_ =	sdelay $0x3  }
0x96: {  	_ =	strace s2  }
0x97: {  	_ =	strace $0x8FFFFFFF  }
0x98: {  	s18 =	sld [smem:$0x3FDB];
	_ =	sdelay $0x1  }
0x99: {  	s19 =	simm.s32 $_scs_section_size  }
0x9a: {  	s4 =	simm.s32 $_size__tile_overlayer_lowered;
	s5 =	simm.s32 $_tile_overlayer_lowered  }
0x9b: {  	s22 =	simm.s32 $0x1BFF;
	s21 =	sshll.u32 s5, $0x1;
	s2 =	sadd.s32 s19, s18  }
0x9c: {  	s6 =	simm.s32 $0x0;
	s20 =	sshll.u32 s4, $0x1;
	s4 =	sadd.s32 s21, s2  }
0x9d: {  	[timem:s6], [sflag:s22] =	dma.local [hbm:s4], s20  }
0x9e: {  	_ =	swait.ge [sflag:s22], s20  }
0x9f: {  	s3 =	ssub.s32 $0x0, s20;
	[sflag:s22] =	ssyncset.done $0x0  }
0xa0: {  	[sflag:s22] =	ssyncadd.s32 s3;
	_ =	sdelay $0x1  }
0xa1: {  	s23 =	simm.s32 $0x1B8B  }
0xa2: {  	_ =	swait.ge [sflag:s23], $0x1  }
0xa3: {  	[sflag:s23] =	ssyncset.done $0x0  }
0xa4: {  	s25 =	simm.s32 $0x1B8E;
	s24 =	sld [smem:$0x3FFE];
	[sflag:s23] =	ssyncadd.s32 $0xFFFFFFFF  }
0xa5: {  	s26 =	simm.s32 $execute0_lowered;
	[smem:$0x3FD2] =	sst s25  }
0xa6: {  	s4 =	sshll.u32 s26, $0x1;
	_ =	strace $0x80000049;
	[dreg:$0x1] =	wrdreg $0xFFFFFFFF  }
0xa7: {  	s28 =	simm.s32 $_size_execute0_lowered;
	s2 =	sadd.s32 s2, s4;
	[dreg:$0x0] =	wrdreg $0x0  }
0xa8: {  	s4 =	sshll.u32 s28, $0x1;
	[dreg:$0x2] =	wrdreg s2  }
0xa9: {  	[dreg:$0x3] =	wrdreg s4  }
0xaa: {  	[dreg:$0x4] =	wrdreg $0xC0  }
0xab: {  	_ =	task [dreg:s6], $0x5FFFF  }
0xac: {  	[dreg:$0x1] =	wrdreg $0xFFFFFFFF  }
0xad: {  	[dreg:$0x0] =	wrdreg $0x60  }
0xae: {  	[dreg:$0x2] =	wrdreg s24  }
0xaf: {  	[dreg:$0x3] =	wrdreg $0x94C00  }
0xb0: {  	[dreg:$0x4] =	wrdreg $0x9  }
0xb1: {  	_ =	task.clear_ibuf [dreg:s6], $0x5FFFF;
	_ =	strace $0x90000049  }
0xb2: {  	s29 =	simm.s32 $0x9;
	_ =	strace $0x8000004B  }
0xb3: {  	_ =	swait.ge [sflag:s29], $0x1  }
0xb4: {  	[sflag:s29] =	ssyncadd.s32 $0xFFFFFFFF  }
0xb5: {  	_ =	strace $0x9000004B  }
0xb6: {  	_ =	sfence  }
0xb7: {  	s30 =	sld [smem:$0x0];
	_ =	sdelay $0x2  }
0xb8: {  	s31 =	sshll.u32 s1, $0xD;
	s1 =	sshrl.u32 s1, $0x2  }
0xb9: {  	s3 =	sand.u32 $0x4000, s31;
	s1 =	sadd.s32 s1, s30  }
0xba: {  	s0 =	sor.u32 s3, s0;
	s1 =	sshll.u32 s1, $0x11  }
0xbb: {  	s0 =	sor.u32 s1, s0  }
0xbc: {  	s0 =	sadd.s32 $0x8F2B, s0  }
0xbd: {  	[sflag:s0] =	ssyncadd.remote.s32 $0x1  }
0xbe: {  	_ =	sfence.sel $0xFFFF  }
0xbf: {  	[dreg:$0x0] =	wrdreg $0xFFFFFFFF;
	(pc) =	sbr.abs _section_cstart, $3  }
0xc0: {  	[dreg:$0x1] =	wrdreg $0xFFFFFFFF  }
0xc1: {  	_ =	task.clear_ibuf [dreg:s6], $0x2FFFF;
	_ =	strace $0x9FFFFFFF  }
0xc2: {  	(tm) =	ssettm $0x7FFFFFFF  }
0xc3: {  	_ =	shalt  }
tec
execute0_lowered:
.L_overlay_start_1:
0x0: {  	(tag) =	ssettag $0x1  }
0x1: {  	s0 =	srdreg.scid;
	s3 =	rddreg [dreg:$0x0]  }
0x2: {  	s7 =	stileid.u32;
	s2 =	rddreg [dreg:$0x1]  }
0x3: {  	s4 =	simm.s32 $0x0;
	s28 =	simm.s32 $0x2;
	s29 =	simm.s32 $0x6540  }
0x4: {  	s30 =	simm.s32 $0x4E70;
	s31 =	simm.s32 $0x3;
	s0 =	sand.u32 $0x1, s0  }
0x5: {  	s5 =	smul.u32 $0x3C00, s7;
	[smem:$0x7FF] =	sst s4;
	s4 =	sadd.s32 $0x600, s3  }
0x6: {  	s8 =	sadd.s32 $0x7E00, s3;
	s1 =	sshll.u32 s0, $0x4;
	s6 =	smul.u32 $0x3C000, s0  }
0x7: {  	s0 =	ssub.s32 $0x2, s0;
	s1 =	sor.u32 s7, s1;
	s7 =	smul.u32 $0xF000, s7  }
0x8: {  	_ =	strace $0x8000004A;
	[dreg:$0x3] =	wrdreg s8;
	s16 =	sshrl.u32 s0, $0x1  }
0x9: {  	s8 =	sadd.s32 s5, s2;
	s0 =	ssub.s32 s0, s16;
	s18 =	sshrl.u32 s7, $0x2  }
0xa: {  	s1 =	smul.u32 $0x2710, s1;
	s0 =	smax.u32 s0, $0x1;
	s19 =	sadd.s32 s18, s2  }
0xb: {  	s6 =	sadd.s32 s5, s6;
	[dreg:$0xe] =	wrdreg s0;
	s20 =	sadd.s32 $0x780, s19  }
0xc: {  	s6 =	sshrl.u32 s6, $0x3;
	s21 =	sadd.s32 $0xF00, s19;
	[dreg:$0x6] =	wrdreg s20  }
0xd: {  	s1 =	sshrl.u32 s1, $0x3;
	s22 =	sadd.s32 $0x1680, s19;
	[dreg:$0x7] =	wrdreg s21  }
0xe: {  	s18 =	simm.s32 $0x5;
	s23 =	sadd.s32 $0x1E00, s19;
	[dreg:$0x8] =	wrdreg s22  }
0xf: {  	s1 =	sadd.s32 s1, s3;
	s24 =	sadd.s32 $0x2580, s19;
	[dreg:$0x9] =	wrdreg s23  }
0x10: {  	v0 =	vlaneseq.u32;
	v2 =	vimm.s32 $0x0;
	s3 =	sadd.s32 s6, s3;
	s25 =	sadd.s32 $0x2D00, s19;
	[dreg:$0xa] =	wrdreg s24  }
0x11: {  	v3 =	vimm.s32 $0x1;
	v4 =	vimm.s32 $0x2;
	v5 =	vimm.s32 $0x3;
	s17 =	sadd.s32 $0x1BE00, s1;
	s1 =	sadd.s32 $0x25A40, s1;
	[dreg:$0xb] =	wrdreg s25  }
0x12: {  	v6 =	vimm.s32 $0x4;
	v7 =	vimm.s32 $0x5;
	v8 =	vimm.s32 $0x6;
	s26 =	sadd.s32 $0x8400, s3;
	s20 =	simm.s32 $0x6CC0;
	s21 =	simm.s32 $0x5DC0  }
0x13: {  	v9 =	vimm.s32 $0x7;
	v10 =	vimm.s32 $0x8;
	v11 =	vimm.s32 $0x9;
	s22 =	simm.s32 $0x50;
	s23 =	simm.s32 $0x4EC0;
	[dreg:$0x4] =	wrdreg s17  }
0x14: {  	v12 =	vimm.s32 $0xA;
	v13 =	vimm.s32 $0xB;
	v1 =	vmul.u32 $0x18, v0;
	s24 =	simm.s32 $0x5640;
	s25 =	simm.s32 $0x1;
	[dreg:$0x5] =	wrdreg s1  }
0x15: {  	v14 =	vimm.s32 $0xC;
	v15 =	vimm.s32 $0xD;
	v16 =	vimm.s32 $0xE;
	s1 =	sadd.s32 $0x3480, s19;
	[dreg:$0xd] =	wrdreg s26;
	s26 =	simm.s32 $0x4E20  }
0x16: {  	v17 =	vimm.s32 $0xF;
	v0 =	vimm.f32 $0.0e+00;
	v1 =	vadd.s32 $0x10, v1;
	s19 =	simm.s32 $0x0;
	[dreg:$0xc] =	wrdreg s1;
	s1 =	simm.s32 $0x4  }
.LBB2_1:
0x17: {  	s0 =	simm.s32 $0x0;
	s3 =	rddreg [dreg:$0x4]  }
0x18: {  	[tilespmem:s0], [sflag:$0x5] =	stream.linear.gather [hbm4b:s3+s0], $0x2710, $0x38;
	[tilespmem:$0xD0C0] =	vst v63  }
0x19: {  	_ =	swait.ge [sflag:s18], $0x2710  }
0x1a: {  	[sflag:s18] =	ssyncset.done $0x0  }
0x1b: {  	s5 =	simm.s32 $0x2710;
	s16 =	rddreg [dreg:$0x5];
	[sflag:s18] =	ssyncadd.s32 $0xFFFFD8F0  }
0x1c: {  	[tilespmem:s5], [sflag:$0x5] =	stream.linear.gather [hbm4b:s16+s0], $0x2710, $0x38;
	[tilespmem:$0xD0C0] =	vst v63  }
0x1d: {  	_ =	swait.ge [sflag:s18], $0x2710  }
0x1e: {  	[sflag:s18] =	ssyncset.done $0x0  }
0x1f: {  	s17 =	rddreg [dreg:$0x3];
	[sflag:s18] =	ssyncadd.s32 $0xFFFFD8F0  }
0x20: {  	[tilespmem:s20], [sflag:$0x5] =	stream.linear.gather [hbm4b:s17+s0], $0x2800, $0x38;
	[tilespmem:$0xD0C0] =	vst v63  }
0x21: {  	_ =	swait.ge [sflag:s18], $0x2800  }
0x22: {  	[sflag:s18] =	ssyncset.done $0x0  }
0x23: {  	s0 =	simm.s32 $0x5DF0;
	[sflag:s18] =	ssyncadd.s32 $0xFFFFD800  }
0x24: {  	[tilespmem:s0+$0xFFFFFFD0] =	vst v0  }
0x25: {  	s3 =	simm.s32 $0x6578;
	[tilespmem:s0+$0xFFFFFFD8] =	vst v0  }
0x26: {  	[tilespmem:s3+$0xFFFFFFD0] =	vst v0  }
0x27: {  	[tilespmem:s0+$0xFFFFFFE8] =	vst v0  }
0x28: {  	[tilespmem:s0+$0xFFFFFFF0] =	vst v0  }
0x29: {  	[tilespmem:s3+$0xFFFFFFE8] =	vst v0  }
0x2a: {  	[tilespmem:s0+$0x0] =	vst v0  }
0x2b: {  	[tilespmem:s0+$0x8] =	vst v0  }
0x2c: {  	[tilespmem:s3+$0x0] =	vst v0  }
0x2d: {  	s6 =	simm.s32 $0x6578;
	s5 =	simm.s32 $0x0;
	[tilespmem:s0+$0x18] =	vst v0  }
.LBB2_2:
0x2e: {  	s5 =	sadd.s32 $0x4, s5;
	[tilespmem:s0+$0x20] =	vst v0;
	s3 =	sadd.s32 $0x60, s3;
	s0 =	sadd.s32 $0x60, s0  }
0x2f: {  	p0 =	slt.u32 s5, $0x4C;
	[tilespmem:s6+$0x18] =	vst v0;
	s6 =	smov.u32 s3  }
0x30: {  	[tilespmem:s0+$0xFFFFFFD0] =	vst v0  }
0x31: {  	[tilespmem:s0+$0xFFFFFFD8] =	vst v0  }
0x32: {  	[tilespmem:s3+$0xFFFFFFD0] =	vst v0  }
0x33: {  	[tilespmem:s0+$0xFFFFFFE8] =	vst v0  }
0x34: {  	[tilespmem:s0+$0xFFFFFFF0] =	vst v0  }
.Ltmp0:
0x35: {  	[tilespmem:s3+$0xFFFFFFE8] =	vst v0;
	(pc) =	sbr.rel @p0 .LBB2_2-.Ltmp0, $4  }
0x36: {  	[tilespmem:s0+$0x0] =	vst v0  }
0x37: {  	[tilespmem:s0+$0x8] =	vst v0  }
0x38: {  	[tilespmem:s3+$0x0] =	vst v0  }
0x39: {  	[tilespmem:s0+$0x18] =	vst v0  }
0x3a: {  	[tilespmem:s0+$0x20] =	vst v0  }
0x3b: {  	[tilespmem:s6+$0x18] =	vst v0  }
0x3c: {  	[spmem:s8] =	stream.linear.scatter [tilespmem:s21], [sflag:$0x5], $0x780, $0x38;
	[tilespmem:$0xD0C0] =	vst v63  }
0x3d: {  	_ =	swait.ge [sflag:s18], $0x780  }
0x3e: {  	[sflag:s18] =	ssyncset.done $0x0  }
0x3f: {  	s11 =	rddreg [dreg:$0x6];
	[sflag:s18] =	ssyncadd.s32 $0xFFFFF880  }
0x40: {  	[spmem:s11] =	stream.linear.scatter [tilespmem:s21], [sflag:$0x5], $0x780, $0x38;
	[tilespmem:$0xD0C0] =	vst v63  }
0x41: {  	_ =	swait.ge [sflag:s18], $0x780  }
0x42: {  	[sflag:s18] =	ssyncset.done $0x0  }
0x43: {  	s12 =	rddreg [dreg:$0x7];
	[sflag:s18] =	ssyncadd.s32 $0xFFFFF880  }
0x44: {  	[spmem:s12] =	stream.linear.scatter [tilespmem:s21], [sflag:$0x5], $0x780, $0x38;
	[tilespmem:$0xD0C0] =	vst v63  }
0x45: {  	_ =	swait.ge [sflag:s18], $0x780  }
0x46: {  	[sflag:s18] =	ssyncset.done $0x0  }
0x47: {  	s13 =	rddreg [dreg:$0x8];
	[sflag:s18] =	ssyncadd.s32 $0xFFFFF880  }
0x48: {  	[spmem:s13] =	stream.linear.scatter [tilespmem:s21], [sflag:$0x5], $0x780, $0x38;
	[tilespmem:$0xD0C0] =	vst v63  }
0x49: {  	_ =	swait.ge [sflag:s18], $0x780  }
0x4a: {  	[sflag:s18] =	ssyncset.done $0x0  }
0x4b: {  	s14 =	rddreg [dreg:$0x9];
	[sflag:s18] =	ssyncadd.s32 $0xFFFFF880  }
0x4c: {  	[spmem:s14] =	stream.linear.scatter [tilespmem:s21], [sflag:$0x5], $0x780, $0x38;
	[tilespmem:$0xD0C0] =	vst v63  }
0x4d: {  	_ =	swait.ge [sflag:s18], $0x780  }
0x4e: {  	[sflag:s18] =	ssyncset.done $0x0  }
0x4f: {  	s15 =	rddreg [dreg:$0xa];
	[sflag:s18] =	ssyncadd.s32 $0xFFFFF880  }
0x50: {  	[spmem:s15] =	stream.linear.scatter [tilespmem:s21], [sflag:$0x5], $0x780, $0x38;
	[tilespmem:$0xD0C0] =	vst v63  }
0x51: {  	_ =	swait.ge [sflag:s18], $0x780  }
0x52: {  	[sflag:s18] =	ssyncset.done $0x0  }
0x53: {  	s16 =	rddreg [dreg:$0xb];
	[sflag:s18] =	ssyncadd.s32 $0xFFFFF880  }
0x54: {  	[spmem:s16] =	stream.linear.scatter [tilespmem:s21], [sflag:$0x5], $0x780, $0x38;
	[tilespmem:$0xD0C0] =	vst v63  }
0x55: {  	_ =	swait.ge [sflag:s18], $0x780  }
0x56: {  	[sflag:s18] =	ssyncset.done $0x0  }
0x57: {  	s17 =	rddreg [dreg:$0xc];
	[sflag:s18] =	ssyncadd.s32 $0xFFFFF880  }
0x58: {  	[spmem:s17] =	stream.linear.scatter [tilespmem:s21], [sflag:$0x5], $0x780, $0x38;
	[tilespmem:$0xD0C0] =	vst v63  }
0x59: {  	_ =	swait.ge [sflag:s18], $0x780  }
0x5a: {  	[sflag:s18] =	ssyncset.done $0x0  }
0x5b: {  	s0 =	simm.s32 $0x0;
	s7 =	simm.s32 $0x0;
	[sflag:s18] =	ssyncadd.s32 $0xFFFFF880  }
0x5c: {  	s6 =	simm.s32 $0x2760;
	s16 =	simm.s32 $0x2710;
	[bflag:$0x0] =	sbarrier.arrive $0xFFFF  }
0x5d: {  	[tilespmem:s23], [sflag:$0x1] =	stream.indirect.gather [hbm4b:s4+s22], $0x18, s0, s22, $0xb8;
	[tilespmem:$0xD0C0] =	vst v63  }
.LBB2_4:
0x5e: {  	s9 =	smul.u32 $0xA0, s7;
	_ =	sdelay $0x1  }
0x5f: {  	s10 =	sadd.s32 $0x50, s9  }
0x60: {  	[tilespmem:s24], [sflag:$0x2] =	stream.indirect.gather [hbm4b:s4+s22], $0x18, s10, s22, $0xb8;
	[tilespmem:$0xD0C0] =	vst v63  }
0x61: {  	_ =	swait.ge [sflag:s25], $0x780  }
0x62: {  	p0 =	seq.s32 s7, $0x0;
	[sflag:s25] =	ssyncset.done $0x0  }
0x63: {  	s3 =	simm.s32 @!p0 $0x3;
	[sflag:s25] =	ssyncadd.s32 $0xFFFFF880  }
0x64: {  	v18 =	vmov s0;
	_ =	swait.ge @!p0 [sflag:s3], $0x780  }
0x65: {  	v18 =	vmul.u32 $0x18, v18;
	[sflag:s3] =	ssyncset.done @!p0 $0x0  }
0x66: {  	[sflag:s3] =	ssyncadd.s32 @!p0 $0xFFFFF880  }
0x67: {  	v18 =	vbroadcast v18, $0x0;
	v19 =	vld [tilespmem:s16+$0x0];
	_ =	sdelay $0x1  }
0x68: {  	v20 =	vadd.s32 v1, v18;
	_ =	sdelay $0x4  }
0x69: {  	v18 =	vld.idx.msk [tilespmem:v20+s23+$0x0], $0xffff  }
0x6a: {  	v19 =	vld.idx.msk [tilespmem:v19+s20+$0x0], $0xffff;
	_ =	sdelay $0x4  }
0x6b: {  	v18 =	vadd.f32 v19, v18;
	_ =	sdelay $0x1  }
0x6c: {  	v19 =	vmul.f32 $2.000000030e-01, v18  }
0x6d: {  	vm0 =	vge.f32 v18, $0.0e+00  }
0x6e: {  	v18 =	vsel vm0, v18, v19  }
0x6f: {  	v18 =	vmul.f32 $1.442695020e+00, v18;
	_ =	sdelay $0x1  }
0x70: {  	(erf) = vpow2.f32 v18;
	_ =	sdelay $0x8  }
0x71: {  	v18 =	vpop (erf)  }
0x72: {  	s13 =	simm.s32 $0x4F80;
	[tilespmem:v20+s21+$0x0] =	vst.idx.msk $0xffff, v18  }
0x73: {  	v24 =	vld [tilespmem:s13+$0xA8]  }
0x74: {  	v21 =	vld [tilespmem:s13+$0xFFFFFF70]  }
0x75: {  	v23 =	vld [tilespmem:s13+$0x60]  }
0x76: {  	v28 =	vperm.xlane v18, v17;
	v26 =	vld [tilespmem:s13+$0xFFFFFFA0]  }
0x77: {  	s11 =	smul.u32 $0x280, s7;
	s14 =	simm.s32 $0x5E80;
	s15 =	simm.s32 $0x10;
	v27 =	vperm.xlane v18, v6;
	v19 =	vperm.xlane v18, v12;
	v25 =	vld [tilespmem:s13+$0x18]  }
0x78: {  	s5 =	smov.u32 s16;
	s17 =	simm.s32 $0x4F80;
	s12 =	simm.s32 $0x5E80;
	v20 =	vperm.xlane v18, v8;
	v22 =	vld [tilespmem:s13+$0x78];
	v24 =	vmul.f32 v24, v28  }
.LBB2_5:
0x79: {  	v28 =	vperm.xlane v18, v15;
	v29 =	vperm.xlane v18, v16;
	v30 =	vld [tilespmem:s13+$0xFFFFFF58];
	s5 =	sadd.s32 $0x10, s5;
	s14 =	sadd.s32 $0x180, s14;
	s17 =	sadd.s32 $0x180, s17  }
0x7a: {  	p1 =	sne.s32 s15, $0x40;
	v31 =	vperm.xlane v18, v10;
	v32 =	vperm.xlane v18, v11;
	s3 =	smov.u32 s15;
	s15 =	sadd.s32 $0x10, s15;
	v33 =	vld [tilespmem:s13+$0xFFFFFFE8]  }
0x7b: {  	v34 =	vperm.xlane v18, v13;
	v35 =	vld [tilespmem:s13+$0x0];
	v26 =	vmul.f32 v26, v27  }
0x7c: {  	v27 =	vperm.xlane v18, v3;
	v36 =	vld [tilespmem:s13+$0x90];
	v25 =	vmul.f32 v25, v32  }
0x7d: {  	v37 =	vperm.xlane v18, v9;
	v32 =	vperm.xlane v18, v4;
	v38 =	vld [tilespmem:s13+$0xFFFFFFB8]  }
0x7e: {  	v39 =	vperm.xlane v18, v14;
	v40 =	vld [tilespmem:s13+$0xFFFFFFD0];
	v27 =	vmul.f32 v30, v27  }
0x7f: {  	v21 =	vmul.f32 v21, v32;
	v30 =	vld [tilespmem:s13+$0x30];
	v32 =	vmul.f32 v33, v37  }
0x80: {  	v23 =	vmul.f32 v23, v39;
	v33 =	vperm.xlane v18, v7;
	v37 =	vld [tilespmem:s13+$0x48]  }
0x81: {  	v31 =	vmul.f32 v35, v31;
	v39 =	vld [tilespmem:s13+$0xFFFFFF88];
	v29 =	vmul.f32 v36, v29  }
0x82: {  	v22 =	vmul.f32 v22, v28;
	v35 =	vld [tilespmem:s13+$0xFFFFFF40];
	v33 =	vmul.f32 v38, v33;
	s13 =	smov.u32 s17  }
0x83: {  	[tilespmem:s12+$0xA8] =	vst v24  }
0x84: {  	v20 =	vmul.f32 v40, v20;
	v19 =	vmul.f32 v30, v19;
	[tilespmem:s12+$0xFFFFFFA0] =	vst v26  }
0x85: {  	v24 =	vperm.xlane v18, v2;
	v18 =	vperm.xlane v18, v5;
	[tilespmem:s12+$0xFFFFFF58] =	vst v27  }
0x86: {  	v26 =	vmul.f32 v37, v34;
	[tilespmem:s12+$0x60] =	vst v23  }
0x87: {  	v18 =	vmul.f32 v39, v18;
	v23 =	vmul.f32 v35, v24;
	[tilespmem:s12+$0x18] =	vst v25  }
0x88: {  	[tilespmem:s12+$0xFFFFFF70] =	vst v21  }
0x89: {  	[tilespmem:s12+$0xFFFFFFE8] =	vst v32  }
0x8a: {  	[tilespmem:s12+$0x0] =	vst v31  }
0x8b: {  	[tilespmem:s12+$0x78] =	vst v22  }
0x8c: {  	[tilespmem:s12+$0xFFFFFF88] =	vst v18  }
0x8d: {  	[tilespmem:s12+$0x90] =	vst v29  }
0x8e: {  	[tilespmem:s12+$0xFFFFFF40] =	vst v23  }
0x8f: {  	[tilespmem:s12+$0x30] =	vst v19  }
0x90: {  	v18 =	vmov s3;
	[tilespmem:s12+$0x48] =	vst v26  }
0x91: {  	v18 =	vmul.u32 $0x18, v18;
	[tilespmem:s12+$0xFFFFFFB8] =	vst v33  }
0x92: {  	[tilespmem:s12+$0xFFFFFFD0] =	vst v20;
	s12 =	smov.u32 s14  }
0x93: {  	v18 =	vbroadcast v18, $0x0;
	v19 =	vld [tilespmem:s5+$0x0];
	_ =	sdelay $0x1  }
0x94: {  	v20 =	vadd.s32 v1, v18;
	_ =	sdelay $0x4  }
0x95: {  	v18 =	vld.idx.msk [tilespmem:v20+s23+$0x0], $0xffff  }
0x96: {  	v19 =	vld.idx.msk [tilespmem:v19+s20+$0x0], $0xffff;
	_ =	sdelay $0x5  }
0x97: {  	v18 =	vadd.f32 v19, v18;
	_ =	sdelay $0x1  }
0x98: {  	vm0 =	vge.f32 v18, $0.0e+00;
	v19 =	vmul.f32 $2.000000030e-01, v18;
	_ =	sdelay $0x1  }
0x99: {  	v18 =	vsel vm0, v18, v19  }
0x9a: {  	v18 =	vmul.f32 $1.442695020e+00, v18;
	_ =	sdelay $0x1  }
0x9b: {  	(erf) = vpow2.f32 v18;
	_ =	sdelay $0x8  }
0x9c: {  	v18 =	vpop (erf)  }
0x9d: {  	[tilespmem:v20+s21+$0x0] =	vst.idx.msk $0xffff, v18  }
0x9e: {  	v24 =	vld [tilespmem:s17+$0xA8]  }
.Ltmp1:
0x9f: {  	v21 =	vld [tilespmem:s17+$0xFFFFFF70];
	(pc) =	sbr.rel @p1 .LBB2_5-.Ltmp1, $4  }
0xa0: {  	v23 =	vld [tilespmem:s17+$0x60]  }
0xa1: {  	v27 =	vperm.xlane v18, v6;
	v28 =	vperm.xlane v18, v17;
	v26 =	vld [tilespmem:s17+$0xFFFFFFA0]  }
0xa2: {  	v19 =	vperm.xlane v18, v12;
	v25 =	vld [tilespmem:s17+$0x18]  }
0xa3: {  	v20 =	vperm.xlane v18, v8;
	v22 =	vld [tilespmem:s17+$0x78];
	v24 =	vmul.f32 v24, v28  }
0xa4: {  	v28 =	vld [tilespmem:s13+$0xFFFFFF58]  }
0xa5: {  	v29 =	vld [tilespmem:s13+$0xFFFFFFE8]  }
0xa6: {  	v30 =	vld [tilespmem:s13+$0x0]  }
0xa7: {  	v31 =	vld [tilespmem:s13+$0x90]  }
0xa8: {  	v32 =	vld [tilespmem:s13+$0xFFFFFFB8]  }
0xa9: {  	v33 =	vld [tilespmem:s13+$0xFFFFFFD0]  }
0xaa: {  	v34 =	vld [tilespmem:s13+$0x30]  }
0xab: {  	v35 =	vld [tilespmem:s13+$0x48]  }
0xac: {  	v37 =	vld [tilespmem:s13+$0xFFFFFF88];
	v39 =	vperm.xlane v18, v11  }
0xad: {  	v38 =	vld [tilespmem:s13+$0xFFFFFF40];
	[tilespmem:s12+$0xA8] =	vst v24;
	v24 =	vperm.xlane v18, v4;
	v26 =	vmul.f32 v26, v27  }
0xae: {  	v27 =	vperm.xlane v18, v14;
	v25 =	vmul.f32 v25, v39  }
0xaf: {  	v36 =	vperm.xlane v18, v3;
	v21 =	vmul.f32 v21, v24;
	[tilespmem:s12+$0xFFFFFFA0] =	vst v26  }
0xb0: {  	v23 =	vmul.f32 v23, v27;
	[tilespmem:s12+$0x18] =	vst v25  }
0xb1: {  	v26 =	vperm.xlane v18, v9;
	v28 =	vmul.f32 v28, v36;
	[tilespmem:s12+$0xFFFFFF70] =	vst v21  }
0xb2: {  	v27 =	vperm.xlane v18, v10;
	v19 =	vmul.f32 v34, v19;
	[tilespmem:s12+$0x60] =	vst v23  }
0xb3: {  	v21 =	vperm.xlane v18, v16;
	v24 =	vmul.f32 v29, v26;
	[tilespmem:s12+$0xFFFFFF58] =	vst v28  }
0xb4: {  	v23 =	vperm.xlane v18, v15;
	v25 =	vmul.f32 v30, v27;
	[tilespmem:s12+$0x30] =	vst v19  }
0xb5: {  	v21 =	vmul.f32 v31, v21;
	[tilespmem:s12+$0xFFFFFFE8] =	vst v24  }
0xb6: {  	v26 =	vperm.xlane v18, v5;
	v22 =	vmul.f32 v22, v23;
	[tilespmem:s12+$0x0] =	vst v25  }
0xb7: {  	v19 =	vmul.f32 v33, v20;
	v23 =	vperm.xlane v18, v2;
	[tilespmem:s12+$0x90] =	vst v21  }
0xb8: {  	v24 =	vmul.f32 v37, v26;
	[tilespmem:s12+$0x78] =	vst v22;
	v22 =	vperm.xlane v18, v13  }
0xb9: {  	[tilespmem:s12+$0xFFFFFFD0] =	vst v19;
	v23 =	vmul.f32 v38, v23;
	v18 =	vperm.xlane v18, v7  }
0xba: {  	[tilespmem:s12+$0xFFFFFF88] =	vst v24;
	v21 =	vmul.f32 v35, v22  }
0xbb: {  	[tilespmem:s12+$0xFFFFFF40] =	vst v23;
	v18 =	vmul.f32 v32, v18  }
0xbc: {  	[tilespmem:s12+$0x48] =	vst v21  }
0xbd: {  	[tilespmem:s12+$0xFFFFFFB8] =	vst v18  }
0xbe: {  	v18 =	vld [tilespmem:s9+$0x2710];
	_ =	sdelay $0x4  }
0xbf: {  	[tilespmem:$0x4E20] =	vst v18  }
0xc0: {  	v18 =	vld [tilespmem:s9+$0x2720];
	_ =	sdelay $0x4  }
0xc1: {  	[tilespmem:$0x4E30] =	vst v18  }
0xc2: {  	v18 =	vld [tilespmem:s9+$0x2730];
	_ =	sdelay $0x4  }
0xc3: {  	[tilespmem:$0x4E40] =	vst v18  }
0xc4: {  	v18 =	vld [tilespmem:s9+$0x2740];
	_ =	sdelay $0x4  }
0xc5: {  	[tilespmem:$0x4E50] =	vst v18  }
0xc6: {  	v18 =	vld [tilespmem:s9+$0x2750];
	_ =	sdelay $0x4  }
0xc7: {  	s3 =	sshra.s32 s11, $0x2;
	[tilespmem:$0x4E60] =	vst v18  }
0xc8: {  	[spmem:s2] =	stream.indirect.scatter.add.f32 [tilespmem:s21], [sflag:$0x3], $0x18, s26, s22, $0xb8;
	[tilespmem:$0xD0C0] =	vst v63  }
0xc9: {  	s3 =	sadd.s32 $0xA0, s3  }
0xca: {  	[tilespmem:s23], [sflag:$0x1] =	stream.indirect.gather [hbm4b:s4+s22], $0x18, s3, s22, $0xb8;
	[tilespmem:$0xD0C0] =	vst v63  }
0xcb: {  	_ =	swait.ge [sflag:s28], $0x780  }
0xcc: {  	[sflag:s28] =	ssyncset.done $0x0  }
0xcd: {  	s5 =	simm.s32 $0x0;
	s3 =	simm.s32 @!p0 $0x4;
	[sflag:s28] =	ssyncadd.s32 $0xFFFFF880  }
0xce: {  	v18 =	vmov s5;
	_ =	swait.ge @!p0 [sflag:s3], $0x780  }
0xcf: {  	v18 =	vmul.u32 $0x18, v18;
	[sflag:s3] =	ssyncset.done @!p0 $0x0  }
0xd0: {  	[sflag:s3] =	ssyncadd.s32 @!p0 $0xFFFFF880  }
0xd1: {  	v18 =	vbroadcast v18, $0x0;
	v19 =	vld [tilespmem:s6+$0x0];
	_ =	sdelay $0x1  }
0xd2: {  	v20 =	vadd.s32 v1, v18;
	_ =	sdelay $0x4  }
0xd3: {  	v18 =	vld.idx.msk [tilespmem:v20+s24+$0x0], $0xffff  }
0xd4: {  	v19 =	vld.idx.msk [tilespmem:v19+s20+$0x0], $0xffff;
	_ =	sdelay $0x4  }
0xd5: {  	v18 =	vadd.f32 v19, v18;
	_ =	sdelay $0x1  }
0xd6: {  	v19 =	vmul.f32 $2.000000030e-01, v18  }
0xd7: {  	vm0 =	vge.f32 v18, $0.0e+00  }
0xd8: {  	v18 =	vsel vm0, v18, v19  }
0xd9: {  	v18 =	vmul.f32 $1.442695020e+00, v18;
	_ =	sdelay $0x1  }
0xda: {  	(erf) = vpow2.f32 v18;
	_ =	sdelay $0x8  }
0xdb: {  	v18 =	vpop (erf)  }
0xdc: {  	s12 =	simm.s32 $0x5700;
	[tilespmem:v20+s29+$0x0] =	vst.idx.msk $0xffff, v18  }
0xdd: {  	v24 =	vld [tilespmem:s12+$0xA8]  }
0xde: {  	v21 =	vld [tilespmem:s12+$0xFFFFFF70]  }
0xdf: {  	v23 =	vld [tilespmem:s12+$0x60]  }
0xe0: {  	v28 =	vperm.xlane v18, v17;
	v27 =	vld [tilespmem:s12+$0xFFFFFFA0]  }
0xe1: {  	s13 =	simm.s32 $0x6600;
	s14 =	simm.s32 $0x10;
	v26 =	vperm.xlane v18, v6;
	v19 =	vperm.xlane v18, v12;
	v25 =	vld [tilespmem:s12+$0x18]  }
0xe2: {  	s15 =	simm.s32 $0x5700;
	s11 =	simm.s32 $0x6600;
	s5 =	smov.u32 s6;
	v20 =	vperm.xlane v18, v8;
	v22 =	vld [tilespmem:s12+$0x78];
	v24 =	vmul.f32 v24, v28  }
.LBB2_7:
0xe3: {  	v28 =	vperm.xlane v18, v15;
	v29 =	vperm.xlane v18, v16;
	v30 =	vld [tilespmem:s12+$0xFFFFFF58];
	s5 =	sadd.s32 $0x10, s5;
	s13 =	sadd.s32 $0x180, s13;
	s15 =	sadd.s32 $0x180, s15  }
0xe4: {  	p0 =	sne.s32 s14, $0x40;
	v31 =	vperm.xlane v18, v10;
	v32 =	vperm.xlane v18, v11;
	s3 =	smov.u32 s14;
	s14 =	sadd.s32 $0x10, s14;
	v33 =	vld [tilespmem:s12+$0xFFFFFFE8]  }
0xe5: {  	v34 =	vperm.xlane v18, v13;
	v35 =	vld [tilespmem:s12+$0x0];
	v26 =	vmul.f32 v27, v26  }
0xe6: {  	v27 =	vperm.xlane v18, v3;
	v36 =	vld [tilespmem:s12+$0x90];
	v25 =	vmul.f32 v25, v32  }
0xe7: {  	v37 =	vperm.xlane v18, v9;
	v32 =	vperm.xlane v18, v4;
	v38 =	vld [tilespmem:s12+$0xFFFFFFB8]  }
0xe8: {  	v39 =	vperm.xlane v18, v14;
	v40 =	vld [tilespmem:s12+$0xFFFFFFD0];
	v27 =	vmul.f32 v30, v27  }
0xe9: {  	v21 =	vmul.f32 v21, v32;
	v30 =	vld [tilespmem:s12+$0x30];
	v32 =	vmul.f32 v33, v37  }
0xea: {  	v23 =	vmul.f32 v23, v39;
	v33 =	vperm.xlane v18, v7;
	v37 =	vld [tilespmem:s12+$0x48]  }
0xeb: {  	v31 =	vmul.f32 v35, v31;
	v39 =	vld [tilespmem:s12+$0xFFFFFF88];
	v29 =	vmul.f32 v36, v29  }
0xec: {  	v22 =	vmul.f32 v22, v28;
	v35 =	vld [tilespmem:s12+$0xFFFFFF40];
	v33 =	vmul.f32 v38, v33;
	s12 =	smov.u32 s15  }
0xed: {  	[tilespmem:s11+$0xA8] =	vst v24  }
0xee: {  	v20 =	vmul.f32 v40, v20;
	v19 =	vmul.f32 v30, v19;
	[tilespmem:s11+$0xFFFFFFA0] =	vst v26  }
0xef: {  	v24 =	vperm.xlane v18, v2;
	v18 =	vperm.xlane v18, v5;
	[tilespmem:s11+$0xFFFFFF58] =	vst v27  }
0xf0: {  	v26 =	vmul.f32 v37, v34;
	[tilespmem:s11+$0x60] =	vst v23  }
0xf1: {  	v18 =	vmul.f32 v39, v18;
	v23 =	vmul.f32 v35, v24;
	[tilespmem:s11+$0x18] =	vst v25  }
0xf2: {  	[tilespmem:s11+$0xFFFFFF70] =	vst v21  }
0xf3: {  	[tilespmem:s11+$0xFFFFFFE8] =	vst v32  }
0xf4: {  	[tilespmem:s11+$0x0] =	vst v31  }
0xf5: {  	[tilespmem:s11+$0x78] =	vst v22  }
0xf6: {  	[tilespmem:s11+$0xFFFFFF88] =	vst v18  }
0xf7: {  	[tilespmem:s11+$0x90] =	vst v29  }
0xf8: {  	[tilespmem:s11+$0xFFFFFF40] =	vst v23  }
0xf9: {  	[tilespmem:s11+$0x30] =	vst v19  }
0xfa: {  	v18 =	vmov s3;
	[tilespmem:s11+$0x48] =	vst v26  }
0xfb: {  	v18 =	vmul.u32 $0x18, v18;
	[tilespmem:s11+$0xFFFFFFB8] =	vst v33  }
0xfc: {  	[tilespmem:s11+$0xFFFFFFD0] =	vst v20;
	s11 =	smov.u32 s13  }
0xfd: {  	v18 =	vbroadcast v18, $0x0;
	v19 =	vld [tilespmem:s5+$0x0];
	_ =	sdelay $0x1  }
0xfe: {  	v20 =	vadd.s32 v1, v18;
	_ =	sdelay $0x4  }
0xff: {  	v18 =	vld.idx.msk [tilespmem:v20+s24+$0x0], $0xffff  }
0x100: {  	v19 =	vld.idx.msk [tilespmem:v19+s20+$0x0], $0xffff;
	_ =	sdelay $0x5  }
0x101: {  	v18 =	vadd.f32 v19, v18;
	_ =	sdelay $0x1  }
0x102: {  	vm0 =	vge.f32 v18, $0.0e+00;
	v19 =	vmul.f32 $2.000000030e-01, v18;
	_ =	sdelay $0x1  }
0x103: {  	v18 =	vsel vm0, v18, v19  }
0x104: {  	v18 =	vmul.f32 $1.442695020e+00, v18;
	_ =	sdelay $0x1  }
0x105: {  	(erf) = vpow2.f32 v18;
	_ =	sdelay $0x8  }
0x106: {  	v18 =	vpop (erf)  }
0x107: {  	[tilespmem:v20+s29+$0x0] =	vst.idx.msk $0xffff, v18  }
0x108: {  	v24 =	vld [tilespmem:s15+$0xA8]  }
.Ltmp2:
0x109: {  	v21 =	vld [tilespmem:s15+$0xFFFFFF70];
	(pc) =	sbr.rel @p0 .LBB2_7-.Ltmp2, $4  }
0x10a: {  	v23 =	vld [tilespmem:s15+$0x60]  }
0x10b: {  	v26 =	vperm.xlane v18, v6;
	v28 =	vperm.xlane v18, v17;
	v27 =	vld [tilespmem:s15+$0xFFFFFFA0]  }
0x10c: {  	v19 =	vperm.xlane v18, v12;
	v25 =	vld [tilespmem:s15+$0x18]  }
0x10d: {  	v20 =	vperm.xlane v18, v8;
	v22 =	vld [tilespmem:s15+$0x78];
	v24 =	vmul.f32 v24, v28  }
0x10e: {  	v28 =	vld [tilespmem:s12+$0xFFFFFF58]  }
0x10f: {  	v29 =	vld [tilespmem:s12+$0xFFFFFFE8]  }
0x110: {  	v30 =	vld [tilespmem:s12+$0x0]  }
0x111: {  	v31 =	vld [tilespmem:s12+$0x90]  }
0x112: {  	v32 =	vld [tilespmem:s12+$0xFFFFFFB8]  }
0x113: {  	v33 =	vld [tilespmem:s12+$0xFFFFFFD0]  }
0x114: {  	v34 =	vld [tilespmem:s12+$0x30]  }
0x115: {  	v35 =	vld [tilespmem:s12+$0x48];
	v51 =	vperm.xlane v18, v14  }
0x116: {  	v37 =	vld [tilespmem:s12+$0xFFFFFF88];
	v52 =	vperm.xlane v18, v4;
	v26 =	vmul.f32 v27, v26  }
0x117: {  	v38 =	vld [tilespmem:s12+$0xFFFFFF40];
	v39 =	vperm.xlane v18, v11;
	[tilespmem:s11+$0xA8] =	vst v24;
	v23 =	vmul.f32 v23, v51  }
0x118: {  	v55 =	vperm.xlane v18, v15;
	v21 =	vmul.f32 v21, v52;
	[tilespmem:s11+$0xFFFFFFA0] =	vst v26  }
0x119: {  	v36 =	vperm.xlane v18, v3;
	v25 =	vmul.f32 v25, v39;
	[tilespmem:s11+$0x60] =	vst v23  }
0x11a: {  	v53 =	vperm.xlane v18, v9;
	[tilespmem:s11+$0xFFFFFF70] =	vst v21;
	v22 =	vmul.f32 v22, v55  }
0x11b: {  	v54 =	vperm.xlane v18, v10;
	v28 =	vmul.f32 v28, v36;
	[tilespmem:s11+$0x18] =	vst v25  }
0x11c: {  	v58 =	vperm.xlane v18, v5;
	v56 =	vmul.f32 v29, v53;
	[tilespmem:s11+$0x78] =	vst v22  }
0x11d: {  	v59 =	vperm.xlane v18, v16;
	v57 =	vmul.f32 v30, v54;
	[tilespmem:s11+$0xFFFFFF58] =	vst v28  }
0x11e: {  	v60 =	vperm.xlane v18, v2;
	v61 =	vmul.f32 v37, v58;
	[tilespmem:s11+$0xFFFFFFE8] =	vst v56  }
0x11f: {  	v21 =	vmul.f32 v31, v59;
	[tilespmem:s11+$0x0] =	vst v57  }
0x120: {  	v62 =	vperm.xlane v18, v13;
	v23 =	vmul.f32 v38, v60;
	[tilespmem:s11+$0xFFFFFF88] =	vst v61  }
0x121: {  	v18 =	vperm.xlane v18, v7;
	v19 =	vmul.f32 v34, v19;
	[tilespmem:s11+$0x90] =	vst v21  }
0x122: {  	v63 =	vmul.f32 v35, v62;
	[tilespmem:s11+$0xFFFFFF40] =	vst v23  }
0x123: {  	v18 =	vmul.f32 v32, v18;
	[tilespmem:s11+$0x30] =	vst v19  }
0x124: {  	v19 =	vmul.f32 v33, v20;
	[tilespmem:s11+$0x48] =	vst v63  }
0x125: {  	[tilespmem:s11+$0xFFFFFFB8] =	vst v18  }
0x126: {  	[tilespmem:s11+$0xFFFFFFD0] =	vst v19  }
0x127: {  	v18 =	vld [tilespmem:s10+$0x2710];
	_ =	sdelay $0x4  }
0x128: {  	[tilespmem:$0x4E70] =	vst v18  }
0x129: {  	v18 =	vld [tilespmem:s9+$0x2770];
	_ =	sdelay $0x4  }
0x12a: {  	[tilespmem:$0x4E80] =	vst v18  }
0x12b: {  	v18 =	vld [tilespmem:s9+$0x2780];
	_ =	sdelay $0x4  }
0x12c: {  	[tilespmem:$0x4E90] =	vst v18  }
0x12d: {  	v18 =	vld [tilespmem:s9+$0x2790];
	_ =	sdelay $0x4  }
0x12e: {  	[tilespmem:$0x4EA0] =	vst v18  }
0x12f: {  	s7 =	sadd.s32 $0x1, s7;
	v18 =	vld [tilespmem:s9+$0x27A0]  }
0x130: {  	p0 =	sne.s32 s7, $0x3E  }
.Ltmp3:
0x131: {  	_ = 	snop;
	(pc) =	sbr.rel @p0 .LBB2_4-.Ltmp3, $3  }
0x132: {  	_ =	sdelay $0x1  }
0x133: {  	s16 =	sadd.s32 $0xA0, s16;
	s6 =	sadd.s32 $0xA0, s6;
	[tilespmem:$0x4EB0] =	vst v18  }
0x134: {  	[spmem:s2] =	stream.indirect.scatter.add.f32 [tilespmem:s29], [sflag:$0x4], $0x18, s30, s22, $0xb8;
	[tilespmem:$0xD0C0] =	vst v63  }
0x135: {  	_ =	swait.ge [sflag:s25], $0x780  }
0x136: {  	[sflag:s25] =	ssyncset.done $0x0  }
0x137: {  	s0 =	simm.s32 $0x0;
	[sflag:s25] =	ssyncadd.s32 $0xFFFFF880  }
0x138: {  	v18 =	vmov s0;
	_ =	swait.ge [sflag:s31], $0x780  }
0x139: {  	v18 =	vmul.u32 $0x18, v18;
	[sflag:s31] =	ssyncset.done $0x0  }
0x13a: {  	s5 =	simm.s32 $0x4DD0;
	[sflag:s31] =	ssyncadd.s32 $0xFFFFF880  }
0x13b: {  	v18 =	vbroadcast v18, $0x0;
	v19 =	vld [tilespmem:s5+$0x0];
	_ =	sdelay $0x1  }
0x13c: {  	v20 =	vadd.s32 v1, v18;
	_ =	sdelay $0x4  }
0x13d: {  	v18 =	vld.idx.msk [tilespmem:v20+s23+$0x0], $0xffff  }
0x13e: {  	v19 =	vld.idx.msk [tilespmem:v19+s20+$0x0], $0xffff;
	_ =	sdelay $0x4  }
0x13f: {  	v18 =	vadd.f32 v19, v18;
	_ =	sdelay $0x1  }
0x140: {  	v19 =	vmul.f32 $2.000000030e-01, v18  }
0x141: {  	vm0 =	vge.f32 v18, $0.0e+00  }
0x142: {  	v18 =	vsel vm0, v18, v19  }
0x143: {  	v18 =	vmul.f32 $1.442695020e+00, v18;
	_ =	sdelay $0x1  }
0x144: {  	(erf) = vpow2.f32 v18;
	_ =	sdelay $0x8  }
0x145: {  	v18 =	vpop (erf)  }
0x146: {  	s6 =	simm.s32 $0x4F80;
	[tilespmem:v20+s21+$0x0] =	vst.idx.msk $0xffff, v18  }
0x147: {  	v24 =	vld [tilespmem:s6+$0xA8]  }
0x148: {  	v21 =	vld [tilespmem:s6+$0xFFFFFF70]  }
0x149: {  	v23 =	vld [tilespmem:s6+$0x60]  }
0x14a: {  	v28 =	vperm.xlane v18, v17;
	v27 =	vld [tilespmem:s6+$0xFFFFFFA0]  }
0x14b: {  	s7 =	simm.s32 $0x5E80;
	v26 =	vperm.xlane v18, v6;
	v19 =	vperm.xlane v18, v12;
	v25 =	vld [tilespmem:s6+$0x18]  }
0x14c: {  	s9 =	simm.s32 $0x10;
	s10 =	simm.s32 $0x4F80;
	s0 =	simm.s32 $0x5E80;
	v20 =	vperm.xlane v18, v8;
	v22 =	vld [tilespmem:s6+$0x78];
	v24 =	vmul.f32 v24, v28  }
.LBB2_10:
0x14d: {  	v28 =	vperm.xlane v18, v15;
	v29 =	vperm.xlane v18, v16;
	v30 =	vld [tilespmem:s6+$0xFFFFFF58];
	s5 =	sadd.s32 $0x10, s5;
	s7 =	sadd.s32 $0x180, s7;
	s10 =	sadd.s32 $0x180, s10  }
0x14e: {  	p0 =	sne.s32 s9, $0x40;
	v31 =	vperm.xlane v18, v10;
	v32 =	vperm.xlane v18, v11;
	s3 =	smov.u32 s9;
	s9 =	sadd.s32 $0x10, s9;
	v33 =	vld [tilespmem:s6+$0xFFFFFFE8]  }
0x14f: {  	v34 =	vperm.xlane v18, v13;
	v35 =	vld [tilespmem:s6+$0x0];
	v26 =	vmul.f32 v27, v26  }
0x150: {  	v27 =	vperm.xlane v18, v3;
	v36 =	vld [tilespmem:s6+$0x90];
	v25 =	vmul.f32 v25, v32  }
0x151: {  	v37 =	vperm.xlane v18, v9;
	v32 =	vperm.xlane v18, v4;
	v38 =	vld [tilespmem:s6+$0xFFFFFFB8]  }
0x152: {  	v39 =	vperm.xlane v18, v14;
	v40 =	vld [tilespmem:s6+$0xFFFFFFD0];
	v27 =	vmul.f32 v30, v27  }
0x153: {  	v21 =	vmul.f32 v21, v32;
	v30 =	vld [tilespmem:s6+$0x30];
	v32 =	vmul.f32 v33, v37  }
0x154: {  	v23 =	vmul.f32 v23, v39;
	v33 =	vperm.xlane v18, v7;
	v37 =	vld [tilespmem:s6+$0x48]  }
0x155: {  	v31 =	vmul.f32 v35, v31;
	v39 =	vld [tilespmem:s6+$0xFFFFFF88];
	v29 =	vmul.f32 v36, v29  }
0x156: {  	v22 =	vmul.f32 v22, v28;
	v35 =	vld [tilespmem:s6+$0xFFFFFF40];
	v33 =	vmul.f32 v38, v33;
	s6 =	smov.u32 s10  }
0x157: {  	[tilespmem:s0+$0xA8] =	vst v24  }
0x158: {  	v20 =	vmul.f32 v40, v20;
	v19 =	vmul.f32 v30, v19;
	[tilespmem:s0+$0xFFFFFFA0] =	vst v26  }
0x159: {  	v24 =	vperm.xlane v18, v2;
	v18 =	vperm.xlane v18, v5;
	[tilespmem:s0+$0xFFFFFF58] =	vst v27  }
0x15a: {  	v26 =	vmul.f32 v37, v34;
	[tilespmem:s0+$0x60] =	vst v23  }
0x15b: {  	v18 =	vmul.f32 v39, v18;
	v23 =	vmul.f32 v35, v24;
	[tilespmem:s0+$0x18] =	vst v25  }
0x15c: {  	[tilespmem:s0+$0xFFFFFF70] =	vst v21  }
0x15d: {  	[tilespmem:s0+$0xFFFFFFE8] =	vst v32  }
0x15e: {  	[tilespmem:s0+$0x0] =	vst v31  }
0x15f: {  	[tilespmem:s0+$0x78] =	vst v22  }
0x160: {  	[tilespmem:s0+$0xFFFFFF88] =	vst v18  }
0x161: {  	[tilespmem:s0+$0x90] =	vst v29  }
0x162: {  	[tilespmem:s0+$0xFFFFFF40] =	vst v23  }
0x163: {  	[tilespmem:s0+$0x30] =	vst v19  }
0x164: {  	v18 =	vmov s3;
	[tilespmem:s0+$0x48] =	vst v26  }
0x165: {  	v18 =	vmul.u32 $0x18, v18;
	[tilespmem:s0+$0xFFFFFFB8] =	vst v33  }
0x166: {  	[tilespmem:s0+$0xFFFFFFD0] =	vst v20;
	s0 =	smov.u32 s7  }
0x167: {  	v18 =	vbroadcast v18, $0x0;
	v19 =	vld [tilespmem:s5+$0x0];
	_ =	sdelay $0x1  }
0x168: {  	v20 =	vadd.s32 v1, v18;
	_ =	sdelay $0x4  }
0x169: {  	v18 =	vld.idx.msk [tilespmem:v20+s23+$0x0], $0xffff  }
0x16a: {  	v19 =	vld.idx.msk [tilespmem:v19+s20+$0x0], $0xffff;
	_ =	sdelay $0x5  }
0x16b: {  	v18 =	vadd.f32 v19, v18;
	_ =	sdelay $0x1  }
0x16c: {  	vm0 =	vge.f32 v18, $0.0e+00;
	v19 =	vmul.f32 $2.000000030e-01, v18;
	_ =	sdelay $0x1  }
0x16d: {  	v18 =	vsel vm0, v18, v19  }
0x16e: {  	v18 =	vmul.f32 $1.442695020e+00, v18;
	_ =	sdelay $0x1  }
0x16f: {  	(erf) = vpow2.f32 v18;
	_ =	sdelay $0x8  }
0x170: {  	v18 =	vpop (erf)  }
0x171: {  	[tilespmem:v20+s21+$0x0] =	vst.idx.msk $0xffff, v18  }
0x172: {  	v24 =	vld [tilespmem:s10+$0xA8]  }
.Ltmp4:
0x173: {  	v21 =	vld [tilespmem:s10+$0xFFFFFF70];
	(pc) =	sbr.rel @p0 .LBB2_10-.Ltmp4, $4  }
0x174: {  	v23 =	vld [tilespmem:s10+$0x60]  }
0x175: {  	v26 =	vperm.xlane v18, v6;
	v28 =	vperm.xlane v18, v17;
	v27 =	vld [tilespmem:s10+$0xFFFFFFA0]  }
0x176: {  	v19 =	vperm.xlane v18, v12;
	v25 =	vld [tilespmem:s10+$0x18]  }
0x177: {  	v20 =	vperm.xlane v18, v8;
	v22 =	vld [tilespmem:s10+$0x78];
	v24 =	vmul.f32 v24, v28  }
0x178: {  	v28 =	vld [tilespmem:s6+$0xFFFFFF58]  }
0x179: {  	v29 =	vld [tilespmem:s6+$0xFFFFFFE8]  }
0x17a: {  	v30 =	vld [tilespmem:s6+$0x0]  }
0x17b: {  	v31 =	vld [tilespmem:s6+$0x90]  }
0x17c: {  	v32 =	vld [tilespmem:s6+$0xFFFFFFB8]  }
0x17d: {  	v33 =	vld [tilespmem:s6+$0xFFFFFFD0]  }
0x17e: {  	v34 =	vld [tilespmem:s6+$0x30]  }
0x17f: {  	v35 =	vld [tilespmem:s6+$0x48];
	v49 =	vperm.xlane v18, v14  }
0x180: {  	v37 =	vld [tilespmem:s6+$0xFFFFFF88];
	v50 =	vperm.xlane v18, v4;
	v26 =	vmul.f32 v27, v26  }
0x181: {  	v38 =	vld [tilespmem:s6+$0xFFFFFF40];
	v39 =	vperm.xlane v18, v11;
	[tilespmem:s0+$0xA8] =	vst v24;
	v23 =	vmul.f32 v23, v49  }
0x182: {  	v53 =	vperm.xlane v18, v15;
	v21 =	vmul.f32 v21, v50;
	[tilespmem:s0+$0xFFFFFFA0] =	vst v26  }
0x183: {  	v36 =	vperm.xlane v18, v3;
	v25 =	vmul.f32 v25, v39;
	[tilespmem:s0+$0x60] =	vst v23  }
0x184: {  	v51 =	vperm.xlane v18, v9;
	[tilespmem:s0+$0xFFFFFF70] =	vst v21;
	v22 =	vmul.f32 v22, v53  }
0x185: {  	v52 =	vperm.xlane v18, v10;
	v28 =	vmul.f32 v28, v36;
	[tilespmem:s0+$0x18] =	vst v25  }
0x186: {  	v56 =	vperm.xlane v18, v5;
	v54 =	vmul.f32 v29, v51;
	[tilespmem:s0+$0x78] =	vst v22  }
0x187: {  	v57 =	vperm.xlane v18, v16;
	v55 =	vmul.f32 v30, v52;
	[tilespmem:s0+$0xFFFFFF58] =	vst v28  }
0x188: {  	v58 =	vperm.xlane v18, v2;
	v59 =	vmul.f32 v37, v56;
	[tilespmem:s0+$0xFFFFFFE8] =	vst v54  }
0x189: {  	v21 =	vmul.f32 v31, v57;
	[tilespmem:s0+$0x0] =	vst v55  }
0x18a: {  	v60 =	vperm.xlane v18, v13;
	v23 =	vmul.f32 v38, v58;
	[tilespmem:s0+$0xFFFFFF88] =	vst v59  }
0x18b: {  	v18 =	vperm.xlane v18, v7;
	v19 =	vmul.f32 v34, v19;
	[tilespmem:s0+$0x90] =	vst v21  }
0x18c: {  	v61 =	vmul.f32 v35, v60;
	[tilespmem:s0+$0xFFFFFF40] =	vst v23  }
0x18d: {  	v18 =	vmul.f32 v32, v18;
	[tilespmem:s0+$0x30] =	vst v19  }
0x18e: {  	v19 =	vmul.f32 v33, v20;
	[tilespmem:s0+$0x48] =	vst v61  }
0x18f: {  	[tilespmem:s0+$0xFFFFFFB8] =	vst v18  }
0x190: {  	[tilespmem:s0+$0xFFFFFFD0] =	vst v19  }
0x191: {  	v18 =	vld [tilespmem:$0x4DD0]  }
0x192: {  	v19 =	vld [tilespmem:$0x4DE0]  }
0x193: {  	v62 =	vld [tilespmem:$0x4DF0]  }
0x194: {  	v21 =	vld [tilespmem:$0x4E00]  }
0x195: {  	v63 =	vld [tilespmem:$0x4E10]  }
0x196: {  	[tilespmem:$0x4E20] =	vst v18  }
0x197: {  	[tilespmem:$0x4E30] =	vst v19  }
0x198: {  	[tilespmem:$0x4E40] =	vst v62  }
0x199: {  	[tilespmem:$0x4E50] =	vst v21  }
0x19a: {  	[tilespmem:$0x4E60] =	vst v63  }
0x19b: {  	[spmem:s2] =	stream.indirect.scatter.add.f32 [tilespmem:s21], [sflag:$0x3], $0x18, s26, s22, $0xb8;
	[tilespmem:$0xD0C0] =	vst v63  }
0x19c: {  	_ =	swait.ge [sflag:s1], $0x780  }
0x19d: {  	[sflag:s1] =	ssyncset.done $0x0  }
0x19e: {  	[sflag:s1] =	ssyncadd.s32 $0xFFFFF880  }
0x19f: {  	_ =	swait.ge [sflag:s31], $0x780  }
0x1a0: {  	[sflag:s31] =	ssyncset.done $0x0  }
0x1a1: {  	s16 =	stileid.u32;
	[sflag:s31] =	ssyncadd.s32 $0xFFFFF880  }
0x1a2: {  	s0 =	sshll.u32 s16, $0x6;
	[bflag:$0x0] =	sbarrier.arrive $0xFFFF  }
0x1a3: {  	s3 =	sshrl.u32 s8, $0x3;
	s0 =	sor.u32 $0x1C05, s0;
	s5 =	rddreg [dreg:$0xd]  }
0x1a4: {  	[hbm:s5], [sflag:s0] =	dma.local [spmem:s3], $0x780  }
0x1a5: {  	_ =	swait.ge [sflag:s18], $0x780  }
0x1a6: {  	s19 =	sadd.s32 $0x1, s19;
	s17 =	rddreg [dreg:$0xe]  }
0x1a7: {  	p0 =	sne.s32 s19, s17  }
.Ltmp5:
0x1a8: {  	_ = 	snop;
	(pc) =	sbr.rel @p0 .LBB2_1-.Ltmp5, $3  }
0x1a9: {  	_ =	sdelay $0x1  }
0x1aa: {  	[sflag:s18] =	ssyncset.done $0x0  }
0x1ab: {  	[sflag:s18] =	ssyncadd.s32 $0xFFFFF880  }
0x1ac: {  	_ =	sfence.sel $0x180000  }
0x1ad: {  	[bflag:$0x0] =	sbarrier.arrive $0xFFFF  }
0x1ae: {  	_ =	strace $0x9000004A  }
0x1af: {  	s0 =	stileid.u32;
	[bflag:$0x2] =	sbarrier.arrive $0xFFFF  }
0x1b0: {  	p0 =	sne.s32 s0, $0x0;
	s0 =	rddreg [dreg:$0x2]  }
0x1b1: {  	s0 =	sadd.s32 @!p0 $0x100000, s0  }
0x1b2: {  	[sflag:s0] =	ssyncadd.tile.s32 @!p0 $0x1;
	_ =	shalt  }
.Lfunc_end2:
_tile_overlayer_lowered:
.L_overlay_start_2:
0x1b3: {  	(tag) =	ssettag $0x2  }
0x1b4: {  	s0 =	rddreg [dreg:$0x0];
	s2 =	stileid.u32  }
0x1b5: {  	s1 =	rddreg [dreg:$0x1];
	p0 =	sne.s32 s2, $0x0  }
0x1b6: {  	s3 =	rddreg [dreg:$0x2];
	[bflag:$0x3] =	sbarrier.arrive $0xFFFF;
	s2 =	simm.s32 @!p0 $0x1C05  }
0x1b7: {  	[timem:s3], [sflag:s2] =	dma.local @!p0 [hbm:s0], s1  }
0x1b8: {  	s0 =	simm.s32 @!p0 $0x5  }
0x1b9: {  	_ =	swait.ge @!p0 [sflag:s0], s1  }
0x1ba: {  	s1 =	ssub.s32 @!p0 $0x0, s1;
	[sflag:s0] =	ssyncset.done @!p0 $0x0  }
0x1bb: {  	[sflag:s0] =	ssyncadd.s32 @!p0 s1  }
0x1bc: {  	[bflag:$0x3] =	sbarrier.arrive $0xFFFF  }
0x1bd: {  	_ =	shalt  }

// kernel: kernel.7.cloned.1.call-start
scs
__scs_entry_jumppad:
0x0: {  	(pc) =	sbr.rel $0x88, $3  }
0x1: {  	(tag) =	ssettag $0x0;
	lr =	simm.s32 $0x1  }
0x2: {  	[smem:$0x3F94] =	sst lr;
	_ =	strace $0xD0000000  }
0x3: {  	_ = 	snop  }
0x4: {  	_ = 	snop  }
0x5: {  	_ = 	snop  }
0x6: {  	_ = 	snop  }
0x7: {  	_ = 	snop  }
__scs_overlays_trampoline_lowered:
0x8: {  	[smem:$0x3FA3] =	sst s0  }
0x9: {  	[smem:$0x3FA4] =	sst s1  }
0xa: {  	[smem:$0x3FA5] =	sst s2  }
0xb: {  	[smem:$0x3FA6] =	sst s3  }
0xc: {  	[smem:$0x3FA7] =	sst s4  }
0xd: {  	[smem:$0x3FA8] =	sst s5  }
0xe: {  	[smem:$0x3FA9] =	sst s6  }
0xf: {  	[smem:$0x3FAA] =	sst s7  }
0x10: {  	[smem:$0x3FAB] =	sst s8  }
0x11: {  	[smem:$0x3FAC] =	sst s9;
	s0 =	simm.s32 @!p0 $0x0  }
0x12: {  	s1 =	sld [smem:$0x3F92];
	s0 =	simm.s32 @p0 $0x1  }
0x13: {  	[smem:$0x3FAD] =	sst s0;
	s0 =	simm.s32 @!p1 $0x0  }
0x14: {  	s2 =	sld [smem:$0x3F91];
	s0 =	simm.s32 @p1 $0x1  }
0x15: {  	[smem:$0x3FAE] =	sst s0;
	s0 =	simm.s32 @!p2 $0x0  }
0x16: {  	s3 =	sld [smem:$0x3FDB];
	s0 =	simm.s32 @p2 $0x1  }
0x17: {  	s4 =	simm.s32 $0x1BF5;
	[smem:$0x3FB0] =	sst s0  }
0x18: {  	s0 =	sld [smem:$0x3F93];
	_ =	swait.ge [sflag:s4], $0x0  }
0x19: {  	s7 =	sld [smem:$0x3F94]  }
0x1a: {  	s8 =	sadd.s32 $0xFFFFE003, lr  }
0x1b: {  	s9 =	sadd.s32 $0xFFFFFEF7, lr;
	s5 =	simm.s32 $0xFFFFFFFF;
	p2 =	slt.u32 s8, $0xFFFFF086  }
0x1c: {  	p1 =	slt.u32 s9, $0xF7A;
	s5 =	simm.s32 @!p2 $0x0  }
0x1d: {  	s5 =	simm.s32 @p1 $0x1;
	p0 =	seq.s32 s7, s2  }
0x1e: {  	s7 =	smul.u32 @!p0 $0xF7A, s2;
	p2 =	seq.s32 @!p0 s5, $0x0  }
0x1f: {  	s9 =	smul.u32 $0xF7A, s1;
	s8 =	simm.s32 @!p0 $0x1BF5;
	p2 =	por !p2, p0  }
0x20: {  	[sflag:s8] =	ssyncset.s32 @!p0 $0xFFFFF086;
	s6 =	sadd.s32 @!p0 s3, s7;
	s7 =	simm.s32 @!p0 $0x108  }
0x21: {  	s3 =	sadd.s32 s3, s9;
	s6 =	sadd.s32 @!p0 $0x88, s6;
	s7 =	simm.s32 @p2 $0x1082  }
0x22: {  	[simem:s7], [sflag:s8] =	dma.local @!p0 [hbm:s6], $0xF7A  }
0x23: {  	s9 =	sor.u32 $0xD0000000, s2;
	s6 =	simm.s32 $0x108;
	_ =	swait.ge @!p0 [sflag:s8], $0x0  }
0x24: {  	s3 =	sadd.s32 $0x88, s3;
	s6 =	simm.s32 @!p1 $0x1082;
	[sflag:s4] =	ssyncset.s32 $0xFFFFF086  }
0x25: {  	[simem:s6], [sflag:s4] =	dma.local [hbm:s3], $0xF7A  }
0x26: {  	[smem:$0x3F94] =	sst s1;
	(tag) =	ssettag s2;
	_ =	strace s9  }
0x27: {  	s1 =	sld [smem:$0x3FA4]  }
0x28: {  	s2 =	sld [smem:$0x3FA5]  }
0x29: {  	s4 =	sld [smem:$0x3FA7]  }
0x2a: {  	p0 =	seq.s32 s5, $0x0;
	s5 =	sld [smem:$0x3FA8]  }
0x2b: {  	s6 =	sld [smem:$0x3FA9]  }
0x2c: {  	s7 =	sld [smem:$0x3FAA]  }
0x2d: {  	s3 =	simm.s32 $0x108;
	s8 =	sld [smem:$0x3FAB]  }
0x2e: {  	s3 =	simm.s32 @!p0 $0x1082;
	s9 =	sld [smem:$0x3FAC]  }
0x2f: {  	lr =	sadd.s32 s0, s3;
	s0 =	sld [smem:$0x3FA3]  }
0x30: {  	s3 =	sld [smem:$0x3FA6]  }
0x31: {  	[smem:$0x3FAF] =	sst s10  }
0x32: {  	s10 =	sld [smem:$0x3FAD];
	_ =	sdelay $0x3  }
0x33: {  	p0 =	seq.s32 s10, $0x1;
	s10 =	sld [smem:$0x3FAF];
	_ =	sdelay $0x3  }
0x34: {  	[smem:$0x3FAF] =	sst s10  }
0x35: {  	s10 =	sld [smem:$0x3FAE];
	_ =	sdelay $0x3  }
0x36: {  	p1 =	seq.s32 s10, $0x1;
	s10 =	sld [smem:$0x3FAF];
	_ =	sdelay $0x3  }
0x37: {  	[smem:$0x3FAF] =	sst s10  }
0x38: {  	s10 =	sld [smem:$0x3FB0]  }
0x39: {  	_ = 	snop;
	(pc) =	sbr.ind lr, $3  }
0x3a: {  	_ = 	snop  }
0x3b: {  	_ = 	snop  }
0x3c: {  	p2 =	seq.s32 s10, $0x1;
	s10 =	sld [smem:$0x3FAF]  }
0x3d: {  	_ =	shalt  }
0x3e: {  	_ =	shalt  }
0x3f: {  	_ =	shalt  }
0x40: {  	_ =	shalt  }
0x41: {  	_ =	shalt  }
0x42: {  	_ =	shalt  }
0x43: {  	_ =	shalt  }
0x44: {  	_ =	shalt  }
0x45: {  	_ =	shalt  }
0x46: {  	_ =	shalt  }
0x47: {  	_ =	shalt  }
0x48: {  	_ =	shalt  }
0x49: {  	_ =	shalt  }
0x4a: {  	_ =	shalt  }
0x4b: {  	_ =	shalt  }
0x4c: {  	_ =	shalt  }
0x4d: {  	_ =	shalt  }
0x4e: {  	_ =	shalt  }
0x4f: {  	_ =	shalt  }
0x50: {  	_ =	shalt  }
0x51: {  	_ =	shalt  }
0x52: {  	_ =	shalt  }
0x53: {  	_ =	shalt  }
0x54: {  	_ =	shalt  }
0x55: {  	_ =	shalt  }
0x56: {  	_ =	shalt  }
0x57: {  	_ =	shalt  }
0x58: {  	_ =	shalt  }
0x59: {  	_ =	shalt  }
0x5a: {  	_ =	shalt  }
0x5b: {  	_ =	shalt  }
0x5c: {  	_ =	shalt  }
0x5d: {  	_ =	shalt  }
0x5e: {  	_ =	shalt  }
0x5f: {  	_ =	shalt  }
0x60: {  	_ =	shalt  }
0x61: {  	_ =	shalt  }
0x62: {  	_ =	shalt  }
0x63: {  	_ =	shalt  }
0x64: {  	_ =	shalt  }
0x65: {  	_ =	shalt  }
0x66: {  	_ =	shalt  }
0x67: {  	_ =	shalt  }
0x68: {  	_ =	shalt  }
0x69: {  	_ =	shalt  }
0x6a: {  	_ =	shalt  }
0x6b: {  	_ =	shalt  }
0x6c: {  	_ =	shalt  }
0x6d: {  	_ =	shalt  }
0x6e: {  	_ =	shalt  }
0x6f: {  	_ =	shalt  }
0x70: {  	_ =	shalt  }
0x71: {  	_ =	shalt  }
0x72: {  	_ =	shalt  }
0x73: {  	_ =	shalt  }
0x74: {  	_ =	shalt  }
0x75: {  	_ =	shalt  }
0x76: {  	_ =	shalt  }
0x77: {  	_ =	shalt  }
0x78: {  	_ =	shalt  }
0x79: {  	_ =	shalt  }
0x7a: {  	_ =	shalt  }
0x7b: {  	_ =	shalt  }
0x7c: {  	_ =	shalt  }
0x7d: {  	_ =	shalt  }
0x7e: {  	_ =	shalt  }
0x7f: {  	_ =	shalt  }
0x80: {  	_ =	shalt  }
0x81: {  	_ =	shalt  }
0x82: {  	_ =	shalt  }
0x83: {  	_ =	shalt  }
0x84: {  	_ =	shalt  }
0x85: {  	_ =	shalt  }
0x86: {  	_ =	shalt  }
0x87: {  	_ =	shalt  }
.Lfunc_end0:
.L_simem_size_0:
called_computation_lowered:
.L_overlay_start_0:
0x88: {  	s2 =	sld [smem:$0x3FD9]  }
0x89: {  	s3 =	sld [smem:$0x3FFE];
	_ =	sdelay $0x1  }
0x8a: {  	s1 =	srdreg.scid  }
0x8b: {  	s0 =	sand.u32 $0x1, s1  }
0x8c: {  	s16 =	sshll.u32 s0, $0xA;
	s2 =	sadd.s32 s3, s2  }
0x8d: {  	s2 =	sadd.s32 s2, s16  }
0x8e: {  	[smem:$0x3FBB] =	sst s2  }
0x8f: {  	_ = 	snop  }
0x90: {  	(tm) =	ssettm $0x1  }
0x91: {  	s17 =	sld [smem:$0x3FFB];
	_ =	sdelay $0x3  }
0x92: {  	_ =	strace s17  }
0x93: {  	s2 =	sld [smem:$0x3FFC];
	_ =	sdelay $0x3  }
0x94: {  	_ =	strace s2  }
0x95: {  	s2 =	sld [smem:$0x3FFD];
	_ =	sdelay $0x3  }
0x96: {  	_ =	strace s2  }
0x97: {  	_ =	strace $0x8FFFFFFF  }
0x98: {  	s18 =	sld [smem:$0x3FDB];
	_ =	sdelay $0x1  }
0x99: {  	s19 =	simm.s32 $_scs_section_size  }
0x9a: {  	s4 =	simm.s32 $_size__tile_overlayer_lowered;
	s5 =	simm.s32 $_tile_overlayer_lowered  }
0x9b: {  	s22 =	simm.s32 $0x1BFF;
	s21 =	sshll.u32 s5, $0x1;
	s2 =	sadd.s32 s19, s18  }
0x9c: {  	s6 =	simm.s32 $0x0;
	s20 =	sshll.u32 s4, $0x1;
	s4 =	sadd.s32 s21, s2  }
0x9d: {  	[timem:s6], [sflag:s22] =	dma.local [hbm:s4], s20  }
0x9e: {  	_ =	swait.ge [sflag:s22], s20  }
0x9f: {  	s3 =	ssub.s32 $0x0, s20;
	[sflag:s22] =	ssyncset.done $0x0  }
0xa0: {  	[sflag:s22] =	ssyncadd.s32 s3;
	_ =	sdelay $0x1  }
0xa1: {  	s23 =	simm.s32 $0x1B8B  }
0xa2: {  	_ =	swait.ge [sflag:s23], $0x1  }
0xa3: {  	[sflag:s23] =	ssyncset.done $0x0  }
0xa4: {  	s25 =	simm.s32 $0x1B8E;
	s24 =	sld [smem:$0x3FFE];
	[sflag:s23] =	ssyncadd.s32 $0xFFFFFFFF  }
0xa5: {  	s26 =	simm.s32 $execute0_lowered;
	[smem:$0x3FD2] =	sst s25  }
0xa6: {  	s4 =	sshll.u32 s26, $0x1;
	_ =	strace $0x80000046;
	[dreg:$0x1] =	wrdreg $0xFFFFFFFF  }
0xa7: {  	s28 =	simm.s32 $_size_execute0_lowered;
	s2 =	sadd.s32 s2, s4;
	[dreg:$0x0] =	wrdreg $0x0  }
0xa8: {  	s4 =	sshll.u32 s28, $0x1;
	[dreg:$0x2] =	wrdreg s2  }
0xa9: {  	[dreg:$0x3] =	wrdreg s4  }
0xaa: {  	[dreg:$0x4] =	wrdreg $0xC0  }
0xab: {  	_ =	task [dreg:s6], $0x5FFFF  }
0xac: {  	[dreg:$0x1] =	wrdreg $0xFFFFFFFF  }
0xad: {  	[dreg:$0x0] =	wrdreg $0x60  }
0xae: {  	[dreg:$0x2] =	wrdreg s24  }
0xaf: {  	[dreg:$0x3] =	wrdreg $0xB2C00  }
0xb0: {  	[dreg:$0x4] =	wrdreg $0x9  }
0xb1: {  	_ =	task.clear_ibuf [dreg:s6], $0x5FFFF;
	_ =	strace $0x90000046  }
0xb2: {  	s29 =	simm.s32 $0x9;
	_ =	strace $0x80000048  }
0xb3: {  	_ =	swait.ge [sflag:s29], $0x1  }
0xb4: {  	[sflag:s29] =	ssyncadd.s32 $0xFFFFFFFF  }
0xb5: {  	_ =	strace $0x90000048  }
0xb6: {  	_ =	sfence  }
0xb7: {  	s30 =	sld [smem:$0x0];
	_ =	sdelay $0x2  }
0xb8: {  	s31 =	sshll.u32 s1, $0xD;
	s1 =	sshrl.u32 s1, $0x2  }
0xb9: {  	s3 =	sand.u32 $0x4000, s31;
	s1 =	sadd.s32 s1, s30  }
0xba: {  	s0 =	sor.u32 s3, s0;
	s1 =	sshll.u32 s1, $0x11  }
0xbb: {  	s0 =	sor.u32 s1, s0  }
0xbc: {  	s0 =	sadd.s32 $0x8F2B, s0  }
0xbd: {  	[sflag:s0] =	ssyncadd.remote.s32 $0x1  }
0xbe: {  	_ =	sfence.sel $0xFFFF  }
0xbf: {  	[dreg:$0x0] =	wrdreg $0xFFFFFFFF;
	(pc) =	sbr.abs _section_cstart, $3  }
0xc0: {  	[dreg:$0x1] =	wrdreg $0xFFFFFFFF  }
0xc1: {  	_ =	task.clear_ibuf [dreg:s6], $0x2FFFF;
	_ =	strace $0x9FFFFFFF  }
0xc2: {  	(tm) =	ssettm $0x7FFFFFFF  }
0xc3: {  	_ =	shalt  }
tec
execute0_lowered:
.L_overlay_start_1:
0x0: {  	(tag) =	ssettag $0x1  }
0x1: {  	s0 =	srdreg.scid;
	s3 =	rddreg [dreg:$0x0]  }
0x2: {  	s8 =	stileid.u32;
	s2 =	rddreg [dreg:$0x1]  }
0x3: {  	s4 =	simm.s32 $0x0;
	s10 =	simm.s32 $0x2710;
	s28 =	simm.s32 $0x3  }
0x4: {  	s29 =	simm.s32 $0x4E20;
	s30 =	simm.s32 $0x2;
	s31 =	simm.s32 $0x4  }
0x5: {  	s0 =	sand.u32 $0x1, s0;
	s6 =	smul.u32 $0xB400, s8;
	[smem:$0x7FF] =	sst s4  }
0x6: {  	s4 =	sadd.s32 $0x600, s3;
	s1 =	sshll.u32 s0, $0x4;
	s5 =	smul.u32 $0xB4000, s0  }
0x7: {  	_ =	strace $0x80000047;
	s0 =	ssub.s32 $0x2, s0;
	s1 =	sor.u32 s8, s1  }
0x8: {  	s8 =	smul.u32 $0x2D000, s8;
	s16 =	sshrl.u32 s0, $0x1;
	s5 =	sadd.s32 s6, s5  }
0x9: {  	s1 =	smul.u32 $0x2710, s1;
	s0 =	ssub.s32 s0, s16;
	s7 =	sshrl.u32 s5, $0x3  }
0xa: {  	s5 =	sadd.s32 $0x16E00, s3;
	s18 =	sshrl.u32 s8, $0x2;
	s8 =	sadd.s32 s6, s2  }
0xb: {  	s0 =	smax.u32 s0, $0x1;
	s6 =	simm.s32 $0x0;
	s19 =	sadd.s32 s18, s2  }
0xc: {  	s1 =	sshrl.u32 s1, $0x3;
	[dreg:$0xd] =	wrdreg s0;
	s20 =	sadd.s32 $0x1680, s19  }
0xd: {  	s18 =	simm.s32 $0x7;
	s21 =	sadd.s32 $0x2D00, s19;
	[dreg:$0x5] =	wrdreg s20  }
0xe: {  	s0 =	simm.s32 $0x4E70;
	s22 =	sadd.s32 $0x4380, s19;
	[dreg:$0x6] =	wrdreg s21  }
0xf: {  	s1 =	sadd.s32 s1, s3;
	s23 =	sadd.s32 $0x5A00, s19;
	[dreg:$0x7] =	wrdreg s22  }
0x10: {  	s3 =	sadd.s32 s7, s3;
	s24 =	sadd.s32 $0x7080, s19;
	[dreg:$0x8] =	wrdreg s23  }
0x11: {  	s25 =	sadd.s32 $0x8700, s19;
	s17 =	sadd.s32 $0x1BE00, s1;
	[dreg:$0x9] =	wrdreg s24  }
0x12: {  	s1 =	sadd.s32 $0x25A40, s1;
	[dreg:$0xa] =	wrdreg s25;
	s26 =	sadd.s32 $0x2F800, s3  }
0x13: {  	s20 =	simm.s32 $0x85C0;
	s21 =	simm.s32 $0x50;
	s22 =	simm.s32 $0x4EC0  }
0x14: {  	s23 =	simm.s32 $0x7BC0;
	s24 =	simm.s32 $0x6540;
	[dreg:$0x3] =	wrdreg s17  }
0x15: {  	v5 =	vlaneseq.u32;
	s25 =	simm.s32 $0x80C0;
	s3 =	simm.s32 $0x5;
	[dreg:$0x4] =	wrdreg s1  }
0x16: {  	v0 =	vimm.f32 $0.0e+00;
	v1 =	vshrl.u32 v5, $0x3;
	v2 =	vand.u32 $0x7, v5;
	s1 =	sadd.s32 $0x9D80, s19;
	[dreg:$0xc] =	wrdreg s26;
	s26 =	simm.s32 $0x1  }
0x17: {  	v5 =	vor.u32 $0x8, v5;
	v3 =	vor.u32 $0x2, v1;
	v4 =	vor.u32 $0x40, v2;
	s19 =	simm.s32 $0x6;
	[dreg:$0xb] =	wrdreg s1;
	s1 =	simm.s32 $0x9C40  }
.LBB2_1:
0x18: {  	s7 =	simm.s32 $0x0;
	s9 =	rddreg [dreg:$0x3]  }
0x19: {  	[tilespmem:s7], [sflag:$0x7] =	stream.linear.gather [hbm4b:s9+s7], $0x2710, $0x38;
	[tilespmem:$0x166C0] =	vst v63  }
0x1a: {  	_ =	swait.ge [sflag:s18], $0x2710  }
0x1b: {  	[sflag:s18] =	ssyncset.done $0x0  }
0x1c: {  	s17 =	rddreg [dreg:$0x4];
	[sflag:s18] =	ssyncadd.s32 $0xFFFFD8F0  }
0x1d: {  	[tilespmem:s10], [sflag:$0x7] =	stream.linear.gather [hbm4b:s17+s7], $0x2710, $0x38;
	[tilespmem:$0x166C0] =	vst v63  }
0x1e: {  	_ =	swait.ge [sflag:s18], $0x2710  }
0x1f: {  	[sflag:s18] =	ssyncset.done $0x0  }
0x20: {  	s7 =	simm.s32 $0x8650;
	[sflag:s18] =	ssyncadd.s32 $0xFFFFD8F0  }
0x21: {  	[tilespmem:s7+$0xFFFFFF70] =	vst v0  }
0x22: {  	[tilespmem:s7+$0x68] =	vst v0  }
0x23: {  	[tilespmem:s7+$0x58] =	vst v0  }
0x24: {  	[tilespmem:s7+$0x48] =	vst v0  }
0x25: {  	[tilespmem:s7+$0x20] =	vst v0  }
0x26: {  	[tilespmem:s7+$0x10] =	vst v0  }
0x27: {  	[tilespmem:s7+$0x0] =	vst v0  }
0x28: {  	[tilespmem:s7+$0xFFFFFFF0] =	vst v0  }
0x29: {  	[tilespmem:s7+$0xFFFFFFE8] =	vst v0  }
0x2a: {  	[tilespmem:s7+$0xFFFFFFD8] =	vst v0  }
0x2b: {  	[tilespmem:s7+$0xFFFFFFC8] =	vst v0  }
0x2c: {  	[tilespmem:s7+$0xFFFFFFB8] =	vst v0  }
0x2d: {  	[tilespmem:s7+$0xFFFFFF90] =	vst v0  }
0x2e: {  	[tilespmem:s7+$0xFFFFFF80] =	vst v0  }
0x2f: {  	[tilespmem:s7+$0xFFFFFFA0] =	vst v0  }
0x30: {  	[tilespmem:s7+$0x30] =	vst v0  }
0x31: {  	[tilespmem:s7+$0x78] =	vst v0  }
0x32: {  	[tilespmem:s7+$0x80] =	vst v0  }
0x33: {  	s9 =	simm.s32 $0x0;
	[tilespmem:s7+$0x38] =	vst v0  }
.LBB2_2:
0x34: {  	s9 =	sadd.s32 $0x4, s9;
	[tilespmem:s7+$0xFFFFFFA8] =	vst v0;
	s7 =	sadd.s32 $0x120, s7  }
0x35: {  	[tilespmem:s7+$0xFFFFFF70] =	vst v0;
	p0 =	slt.u32 s9, $0x4C  }
0x36: {  	[tilespmem:s7+$0x68] =	vst v0  }
0x37: {  	[tilespmem:s7+$0x58] =	vst v0  }
0x38: {  	[tilespmem:s7+$0x48] =	vst v0  }
0x39: {  	[tilespmem:s7+$0x20] =	vst v0  }
0x3a: {  	[tilespmem:s7+$0x10] =	vst v0  }
0x3b: {  	[tilespmem:s7+$0x0] =	vst v0  }
0x3c: {  	[tilespmem:s7+$0xFFFFFFF0] =	vst v0  }
0x3d: {  	[tilespmem:s7+$0xFFFFFFE8] =	vst v0  }
0x3e: {  	[tilespmem:s7+$0xFFFFFFD8] =	vst v0  }
0x3f: {  	[tilespmem:s7+$0xFFFFFFC8] =	vst v0  }
0x40: {  	[tilespmem:s7+$0xFFFFFFB8] =	vst v0  }
0x41: {  	[tilespmem:s7+$0xFFFFFF90] =	vst v0  }
0x42: {  	[tilespmem:s7+$0xFFFFFF80] =	vst v0  }
.Ltmp0:
0x43: {  	[tilespmem:s7+$0xFFFFFFA0] =	vst v0;
	(pc) =	sbr.rel @p0 .LBB2_2-.Ltmp0, $4  }
0x44: {  	[tilespmem:s7+$0x30] =	vst v0  }
0x45: {  	[tilespmem:s7+$0x78] =	vst v0  }
0x46: {  	[tilespmem:s7+$0x80] =	vst v0  }
0x47: {  	[tilespmem:s7+$0x38] =	vst v0  }
0x48: {  	[tilespmem:s7+$0xFFFFFFA8] =	vst v0  }
0x49: {  	[spmem:s8] =	stream.linear.scatter [tilespmem:s20], [sflag:$0x7], $0x1680, $0x38;
	[tilespmem:$0x166C0] =	vst v63  }
0x4a: {  	_ =	swait.ge [sflag:s18], $0x1680  }
0x4b: {  	[sflag:s18] =	ssyncset.done $0x0  }
0x4c: {  	s11 =	rddreg [dreg:$0x5];
	[sflag:s18] =	ssyncadd.s32 $0xFFFFE980  }
0x4d: {  	[spmem:s11] =	stream.linear.scatter [tilespmem:s20], [sflag:$0x7], $0x1680, $0x38;
	[tilespmem:$0x166C0] =	vst v63  }
0x4e: {  	_ =	swait.ge [sflag:s18], $0x1680  }
0x4f: {  	[sflag:s18] =	ssyncset.done $0x0  }
0x50: {  	s12 =	rddreg [dreg:$0x6];
	[sflag:s18] =	ssyncadd.s32 $0xFFFFE980  }
0x51: {  	[spmem:s12] =	stream.linear.scatter [tilespmem:s20], [sflag:$0x7], $0x1680, $0x38;
	[tilespmem:$0x166C0] =	vst v63  }
0x52: {  	_ =	swait.ge [sflag:s18], $0x1680  }
0x53: {  	[sflag:s18] =	ssyncset.done $0x0  }
0x54: {  	s13 =	rddreg [dreg:$0x7];
	[sflag:s18] =	ssyncadd.s32 $0xFFFFE980  }
0x55: {  	[spmem:s13] =	stream.linear.scatter [tilespmem:s20], [sflag:$0x7], $0x1680, $0x38;
	[tilespmem:$0x166C0] =	vst v63  }
0x56: {  	_ =	swait.ge [sflag:s18], $0x1680  }
0x57: {  	[sflag:s18] =	ssyncset.done $0x0  }
0x58: {  	s14 =	rddreg [dreg:$0x8];
	[sflag:s18] =	ssyncadd.s32 $0xFFFFE980  }
0x59: {  	[spmem:s14] =	stream.linear.scatter [tilespmem:s20], [sflag:$0x7], $0x1680, $0x38;
	[tilespmem:$0x166C0] =	vst v63  }
0x5a: {  	_ =	swait.ge [sflag:s18], $0x1680  }
0x5b: {  	[sflag:s18] =	ssyncset.done $0x0  }
0x5c: {  	s15 =	rddreg [dreg:$0x9];
	[sflag:s18] =	ssyncadd.s32 $0xFFFFE980  }
0x5d: {  	[spmem:s15] =	stream.linear.scatter [tilespmem:s20], [sflag:$0x7], $0x1680, $0x38;
	[tilespmem:$0x166C0] =	vst v63  }
0x5e: {  	_ =	swait.ge [sflag:s18], $0x1680  }
0x5f: {  	[sflag:s18] =	ssyncset.done $0x0  }
0x60: {  	s16 =	rddreg [dreg:$0xa];
	[sflag:s18] =	ssyncadd.s32 $0xFFFFE980  }
0x61: {  	[spmem:s16] =	stream.linear.scatter [tilespmem:s20], [sflag:$0x7], $0x1680, $0x38;
	[tilespmem:$0x166C0] =	vst v63  }
0x62: {  	_ =	swait.ge [sflag:s18], $0x1680  }
0x63: {  	[sflag:s18] =	ssyncset.done $0x0  }
0x64: {  	s17 =	rddreg [dreg:$0xb];
	[sflag:s18] =	ssyncadd.s32 $0xFFFFE980  }
0x65: {  	[spmem:s17] =	stream.linear.scatter [tilespmem:s20], [sflag:$0x7], $0x1680, $0x38;
	[tilespmem:$0x166C0] =	vst v63  }
0x66: {  	_ =	swait.ge [sflag:s18], $0x1680  }
0x67: {  	[sflag:s18] =	ssyncset.done $0x0  }
0x68: {  	[sflag:s18] =	ssyncadd.s32 $0xFFFFE980  }
0x69: {  	s7 =	simm.s32 $0x0;
	[bflag:$0x0] =	sbarrier.arrive $0xFFFF  }
0x6a: {  	[tilespmem:s22], [sflag:$0x1] =	stream.indirect.gather [hbm4b:s4+s21], $0x48, s7, s21, $0xb8;
	[tilespmem:$0x166C0] =	vst v63  }
0x6b: {  	s9 =	simm.s32 $0x0  }
0x6c: {  	[tilespmem:s23], [sflag:$0x3] =	stream.indirect.gather [hbm4b:s5+s21], $0x10, s10, s21, $0xb8;
	[tilespmem:$0x166C0] =	vst v63  }
.LBB2_4:
0x6d: {  	s10 =	smul.u32 $0xA0, s9;
	_ =	sdelay $0x1  }
0x6e: {  	s11 =	sadd.s32 $0x50, s10  }
0x6f: {  	[tilespmem:s24], [sflag:$0x2] =	stream.indirect.gather [hbm4b:s4+s21], $0x48, s11, s21, $0xb8;
	[tilespmem:$0x166C0] =	vst v63  }
0x70: {  	s12 =	sadd.s32 $0x2760, s10  }
0x71: {  	[tilespmem:s25], [sflag:$0x4] =	stream.indirect.gather [hbm4b:s5+s21], $0x10, s12, s21, $0xb8;
	[tilespmem:$0x166C0] =	vst v63  }
0x72: {  	_ =	swait.ge [sflag:s26], $0x1680  }
0x73: {  	[sflag:s26] =	ssyncset.done $0x0  }
0x74: {  	v6 =	vor.u32 s7, v3;
	[sflag:s26] =	ssyncadd.s32 $0xFFFFE980  }
0x75: {  	v7 =	vor.u32 s7, v1;
	v8 =	vshll.u32 v6, $0x4;
	_ =	swait.ge [sflag:s28], $0x500  }
0x76: {  	p0 =	seq.s32 s9, $0x0;
	v9 =	vmul.u32 $0x48, v7;
	v7 =	vshll.u32 v7, $0x4;
	v8 =	vor.u32 v2, v8;
	[sflag:s28] =	ssyncset.done $0x0  }
0x77: {  	v6 =	vmul.u32 $0x48, v6;
	v7 =	vor.u32 v2, v7;
	s12 =	simm.s32 @!p0 $0x5;
	[sflag:s28] =	ssyncadd.s32 $0xFFFFFB00  }
0x78: {  	v9 =	vadd.s32 v4, v9;
	_ =	swait.ge @!p0 [sflag:s12], $0x1680  }
0x79: {  	v6 =	vadd.s32 v4, v6;
	[sflag:s12] =	ssyncset.done @!p0 $0x0  }
0x7a: {  	[sflag:s12] =	ssyncadd.s32 @!p0 $0xFFFFE980  }
0x7b: {  	v8 =	vld.idx.msk [tilespmem:v8+s23+$0x0], $0xffff  }
0x7c: {  	v7 =	vld.idx.msk [tilespmem:v7+s23+$0x0], $0xffff  }
0x7d: {  	v10 =	vld.idx.msk [tilespmem:v9+s22+$0x0], $0xffff  }
0x7e: {  	v11 =	vld.idx.msk [tilespmem:v6+s22+$0x0], $0xffff;
	_ =	sdelay $0x3  }
0x7f: {  	v7 =	vadd.f32 v7, v10  }
0x80: {  	v8 =	vadd.f32 v8, v11  }
0x81: {  	v10 =	vmul.f32 $2.000000030e-01, v7  }
0x82: {  	vm0 =	vge.f32 v7, $0.0e+00;
	v11 =	vmul.f32 $2.000000030e-01, v8  }
0x83: {  	vm15 =	vge.f32 v8, $0.0e+00;
	v7 =	vsel vm0, v7, v10  }
0x84: {  	v8 =	vsel vm15, v8, v11;
	v7 =	vmul.f32 $1.442695020e+00, v7  }
0x85: {  	v8 =	vmul.f32 $1.442695020e+00, v8  }
0x86: {  	(erf) = vpow2.f32 v7  }
0x87: {  	(erf) = vpow2.f32 v8;
	_ =	sdelay $0x7  }
0x88: {  	v10 =	vpop (erf)  }
0x89: {  	[tilespmem:v9+s20+$0x0] =	vst.idx.msk $0xffff, v10;
	v8 =	vpop (erf)  }
0x8a: {  	s13 =	simm.s32 $0x4F50;
	[tilespmem:v6+s20+$0x0] =	vst.idx.msk $0xffff, v8  }
0x8b: {  	v9 =	vld [tilespmem:s13+$0x78]  }
0x8c: {  	v17 =	vld [tilespmem:s13+$0x0]  }
0x8d: {  	v13 =	vld [tilespmem:s13+$0x48]  }
0x8e: {  	v7 =	vperm.xlane v8, v5;
	v12 =	vld [tilespmem:s13+$0xFFFFFFE8]  }
0x8f: {  	v8 =	vperm.xlane v8, v2;
	v15 =	vld [tilespmem:s13+$0xFFFFFF90]  }
0x90: {  	s14 =	simm.s32 $0x8650;
	v6 =	vperm.xlane v10, v5;
	v14 =	vld [tilespmem:s13+$0xFFFFFFC8];
	v11 =	vmul.f32 v9, v7  }
0x91: {  	s15 =	simm.s32 $0x4;
	s16 =	simm.s32 $0x4F50;
	s12 =	simm.s32 $0x8650;
	v16 =	vld [tilespmem:s13+$0x10];
	v9 =	vperm.xlane v10, v2;
	v10 =	vmul.f32 v17, v8  }
.LBB2_5:
0x92: {  	p1 =	sne.s32 s15, $0x4C;
	v17 =	vld [tilespmem:s13+$0xFFFFFFA0];
	v13 =	vmul.f32 v13, v7;
	s16 =	sadd.s32 $0x120, s16;
	s14 =	sadd.s32 $0x120, s14  }
0x93: {  	s17 =	smov.u32 s15;
	s15 =	sadd.s32 $0x4, s15;
	v18 =	vld [tilespmem:s13+$0x68];
	v12 =	vmul.f32 v12, v6  }
0x94: {  	v19 =	vld [tilespmem:s13+$0x20];
	v15 =	vmul.f32 v15, v9  }
0x95: {  	v20 =	vld [tilespmem:s13+$0x30];
	v14 =	vmul.f32 v14, v6  }
0x96: {  	v21 =	vld [tilespmem:s13+$0xFFFFFFD8];
	v16 =	vmul.f32 v16, v8  }
0x97: {  	v22 =	vld [tilespmem:s13+$0xFFFFFFB8];
	v17 =	vmul.f32 v17, v9  }
0x98: {  	v23 =	vld [tilespmem:s13+$0xFFFFFF80];
	v18 =	vmul.f32 v18, v7  }
0x99: {  	v24 =	vld [tilespmem:s13+$0x58];
	v19 =	vmul.f32 v19, v8  }
0x9a: {  	v25 =	vld [tilespmem:s13+$0xFFFFFF70];
	s13 =	smov.u32 s16  }
0x9b: {  	v21 =	vmul.f32 v21, v6;
	[tilespmem:s12+$0xFFFFFF90] =	vst v15  }
0x9c: {  	v8 =	vmul.f32 v20, v8;
	[tilespmem:s12+$0x78] =	vst v11  }
0x9d: {  	v6 =	vmul.f32 v22, v6;
	[tilespmem:s12+$0xFFFFFFC8] =	vst v14  }
0x9e: {  	v11 =	vmul.f32 v23, v9;
	v7 =	vmul.f32 v24, v7;
	[tilespmem:s12+$0x48] =	vst v13  }
0x9f: {  	v9 =	vmul.f32 v25, v9;
	[tilespmem:s12+$0x10] =	vst v16  }
0xa0: {  	[tilespmem:s12+$0xFFFFFFE8] =	vst v12  }
0xa1: {  	[tilespmem:s12+$0xFFFFFFA0] =	vst v17  }
0xa2: {  	[tilespmem:s12+$0x0] =	vst v10  }
0xa3: {  	[tilespmem:s12+$0x68] =	vst v18  }
0xa4: {  	v10 =	vor.u32 s17, v3;
	[tilespmem:s12+$0xFFFFFFD8] =	vst v21  }
0xa5: {  	v12 =	vor.u32 s17, v1;
	v13 =	vmul.u32 $0x48, v10;
	v10 =	vshll.u32 v10, $0x4;
	[tilespmem:s12+$0xFFFFFF80] =	vst v11  }
0xa6: {  	v10 =	vor.u32 v2, v10;
	v11 =	vmul.u32 $0x48, v12;
	v12 =	vshll.u32 v12, $0x4;
	[tilespmem:s12+$0xFFFFFF70] =	vst v9  }
0xa7: {  	v9 =	vor.u32 v2, v12;
	[tilespmem:s12+$0x20] =	vst v19  }
0xa8: {  	v11 =	vadd.s32 v4, v11;
	[tilespmem:s12+$0x58] =	vst v7  }
0xa9: {  	v7 =	vadd.s32 v4, v13;
	[tilespmem:s12+$0xFFFFFFB8] =	vst v6  }
0xaa: {  	[tilespmem:s12+$0x30] =	vst v8;
	s12 =	smov.u32 s14  }
0xab: {  	v6 =	vld.idx.msk [tilespmem:v10+s23+$0x0], $0xffff  }
0xac: {  	v8 =	vld.idx.msk [tilespmem:v9+s23+$0x0], $0xffff  }
0xad: {  	v9 =	vld.idx.msk [tilespmem:v11+s22+$0x0], $0xffff  }
0xae: {  	v10 =	vld.idx.msk [tilespmem:v7+s22+$0x0], $0xffff;
	_ =	sdelay $0x4  }
0xaf: {  	v8 =	vadd.f32 v8, v9  }
0xb0: {  	v6 =	vadd.f32 v6, v10  }
0xb1: {  	v9 =	vmul.f32 $2.000000030e-01, v8  }
0xb2: {  	vm0 =	vge.f32 v8, $0.0e+00;
	v10 =	vmul.f32 $2.000000030e-01, v6  }
0xb3: {  	v8 =	vsel vm0, v8, v9;
	vm0 =	vge.f32 v6, $0.0e+00  }
0xb4: {  	v8 =	vmul.f32 $1.442695020e+00, v8;
	v6 =	vsel vm0, v6, v10  }
0xb5: {  	v6 =	vmul.f32 $1.442695020e+00, v6  }
0xb6: {  	(erf) = vpow2.f32 v8  }
0xb7: {  	(erf) = vpow2.f32 v6;
	_ =	sdelay $0x7  }
0xb8: {  	v9 =	vpop (erf)  }
0xb9: {  	[tilespmem:v11+s20+$0x0] =	vst.idx.msk $0xffff, v9;
	v6 =	vperm.xlane v9, v5;
	v8 =	vpop (erf)  }
0xba: {  	[tilespmem:v7+s20+$0x0] =	vst.idx.msk $0xffff, v8  }
0xbb: {  	v10 =	vld [tilespmem:s16+$0x78]  }
0xbc: {  	v17 =	vld [tilespmem:s16+$0x0]  }
.Ltmp1:
0xbd: {  	v13 =	vld [tilespmem:s16+$0x48];
	(pc) =	sbr.rel @p1 .LBB2_5-.Ltmp1, $4  }
0xbe: {  	v7 =	vperm.xlane v8, v5;
	v12 =	vld [tilespmem:s16+$0xFFFFFFE8]  }
0xbf: {  	v8 =	vperm.xlane v8, v2;
	v15 =	vld [tilespmem:s16+$0xFFFFFF90]  }
0xc0: {  	v14 =	vld [tilespmem:s16+$0xFFFFFFC8];
	v11 =	vmul.f32 v10, v7  }
0xc1: {  	v9 =	vperm.xlane v9, v2;
	v16 =	vld [tilespmem:s16+$0x10];
	v10 =	vmul.f32 v17, v8  }
0xc2: {  	v17 =	vld [tilespmem:s13+$0xFFFFFFA0]  }
0xc3: {  	v18 =	vld [tilespmem:s13+$0x68]  }
0xc4: {  	v19 =	vld [tilespmem:s13+$0x20]  }
0xc5: {  	v20 =	vld [tilespmem:s13+$0x30]  }
0xc6: {  	v21 =	vld [tilespmem:s13+$0xFFFFFFD8]  }
0xc7: {  	v22 =	vld [tilespmem:s13+$0xFFFFFFB8]  }
0xc8: {  	v23 =	vld [tilespmem:s13+$0xFFFFFF80]  }
0xc9: {  	v24 =	vld [tilespmem:s13+$0x58]  }
0xca: {  	v25 =	vld [tilespmem:s13+$0xFFFFFF70];
	v13 =	vmul.f32 v13, v7;
	[tilespmem:s12+$0x78] =	vst v11  }
0xcb: {  	v12 =	vmul.f32 v12, v6;
	[tilespmem:s12+$0x0] =	vst v10  }
0xcc: {  	v15 =	vmul.f32 v15, v9;
	[tilespmem:s12+$0x48] =	vst v13  }
0xcd: {  	v14 =	vmul.f32 v14, v6;
	[tilespmem:s12+$0xFFFFFFE8] =	vst v12  }
0xce: {  	[tilespmem:s12+$0xFFFFFF90] =	vst v15;
	v11 =	vmul.f32 v16, v8  }
0xcf: {  	[tilespmem:s12+$0xFFFFFFC8] =	vst v14;
	v13 =	vmul.f32 v17, v9  }
0xd0: {  	v12 =	vmul.f32 v21, v6;
	[tilespmem:s12+$0x10] =	vst v11  }
0xd1: {  	v10 =	vmul.f32 v23, v9;
	[tilespmem:s12+$0xFFFFFFA0] =	vst v13  }
0xd2: {  	v9 =	vmul.f32 v25, v9;
	[tilespmem:s12+$0xFFFFFFD8] =	vst v12  }
0xd3: {  	v6 =	vmul.f32 v22, v6;
	[tilespmem:s12+$0xFFFFFF80] =	vst v10  }
0xd4: {  	v11 =	vmul.f32 v18, v7;
	[tilespmem:s12+$0xFFFFFF70] =	vst v9  }
0xd5: {  	v7 =	vmul.f32 v24, v7;
	[tilespmem:s12+$0xFFFFFFB8] =	vst v6  }
0xd6: {  	[tilespmem:s12+$0x68] =	vst v11;
	v11 =	vmul.f32 v19, v8  }
0xd7: {  	v8 =	vmul.f32 v20, v8;
	[tilespmem:s12+$0x58] =	vst v7  }
0xd8: {  	[tilespmem:s12+$0x20] =	vst v11  }
0xd9: {  	[tilespmem:s12+$0x30] =	vst v8  }
0xda: {  	v6 =	vld [tilespmem:s10+$0x2710];
	_ =	sdelay $0x4  }
0xdb: {  	[tilespmem:$0x4E20] =	vst v6  }
0xdc: {  	v6 =	vld [tilespmem:s10+$0x2720];
	_ =	sdelay $0x4  }
0xdd: {  	[tilespmem:$0x4E30] =	vst v6  }
0xde: {  	v6 =	vld [tilespmem:s10+$0x2730];
	_ =	sdelay $0x4  }
0xdf: {  	[tilespmem:$0x4E40] =	vst v6  }
0xe0: {  	v6 =	vld [tilespmem:s10+$0x2740];
	_ =	sdelay $0x4  }
0xe1: {  	[tilespmem:$0x4E50] =	vst v6  }
0xe2: {  	v6 =	vld [tilespmem:s10+$0x2750];
	_ =	sdelay $0x4  }
0xe3: {  	[tilespmem:$0x4E60] =	vst v6  }
0xe4: {  	[spmem:s2] =	stream.indirect.scatter.add.f32 [tilespmem:s20], [sflag:$0x5], $0x48, s29, s21, $0xb8;
	[tilespmem:$0x166C0] =	vst v63  }
0xe5: {  	s15 =	sadd.s32 $0xA0, s10  }
0xe6: {  	[tilespmem:s22], [sflag:$0x1] =	stream.indirect.gather [hbm4b:s4+s21], $0x48, s15, s21, $0xb8;
	[tilespmem:$0x166C0] =	vst v63  }
0xe7: {  	s16 =	sadd.s32 $0x27B0, s10  }
0xe8: {  	[tilespmem:s23], [sflag:$0x3] =	stream.indirect.gather [hbm4b:s5+s21], $0x10, s16, s21, $0xb8;
	[tilespmem:$0x166C0] =	vst v63  }
0xe9: {  	_ =	swait.ge [sflag:s30], $0x1680  }
0xea: {  	s17 =	simm.s32 $0x0;
	[sflag:s30] =	ssyncset.done $0x0  }
0xeb: {  	v6 =	vor.u32 s17, v3;
	[sflag:s30] =	ssyncadd.s32 $0xFFFFE980  }
0xec: {  	v7 =	vor.u32 s17, v1;
	v8 =	vshll.u32 v6, $0x4;
	_ =	swait.ge [sflag:s31], $0x500  }
0xed: {  	v9 =	vmul.u32 $0x48, v7;
	v7 =	vshll.u32 v7, $0x4;
	v8 =	vor.u32 v2, v8;
	[sflag:s31] =	ssyncset.done $0x0  }
0xee: {  	s12 =	simm.s32 @!p0 $0x6;
	v7 =	vor.u32 v2, v7;
	v6 =	vmul.u32 $0x48, v6;
	[sflag:s31] =	ssyncadd.s32 $0xFFFFFB00  }
0xef: {  	v9 =	vadd.s32 v4, v9;
	_ =	swait.ge @!p0 [sflag:s12], $0x1680  }
0xf0: {  	v6 =	vadd.s32 v4, v6;
	[sflag:s12] =	ssyncset.done @!p0 $0x0  }
0xf1: {  	[sflag:s12] =	ssyncadd.s32 @!p0 $0xFFFFE980  }
0xf2: {  	v8 =	vld.idx.msk [tilespmem:v8+s25+$0x0], $0xffff  }
0xf3: {  	v7 =	vld.idx.msk [tilespmem:v7+s25+$0x0], $0xffff  }
0xf4: {  	v10 =	vld.idx.msk [tilespmem:v9+s24+$0x0], $0xffff  }
0xf5: {  	v11 =	vld.idx.msk [tilespmem:v6+s24+$0x0], $0xffff;
	_ =	sdelay $0x3  }
0xf6: {  	v7 =	vadd.f32 v7, v10  }
0xf7: {  	v8 =	vadd.f32 v8, v11  }
0xf8: {  	v10 =	vmul.f32 $2.000000030e-01, v7  }
0xf9: {  	vm0 =	vge.f32 v7, $0.0e+00;
	v11 =	vmul.f32 $2.000000030e-01, v8  }
0xfa: {  	vm15 =	vge.f32 v8, $0.0e+00;
	v7 =	vsel vm0, v7, v10  }
0xfb: {  	v8 =	vsel vm15, v8, v11;
	v7 =	vmul.f32 $1.442695020e+00, v7  }
0xfc: {  	v8 =	vmul.f32 $1.442695020e+00, v8  }
0xfd: {  	(erf) = vpow2.f32 v7  }
0xfe: {  	(erf) = vpow2.f32 v8;
	_ =	sdelay $0x7  }
0xff: {  	v10 =	vpop (erf)  }
0x100: {  	[tilespmem:v9+s1+$0x0] =	vst.idx.msk $0xffff, v10;
	v8 =	vpop (erf)  }
0x101: {  	s13 =	simm.s32 $0x65D0;
	[tilespmem:v6+s1+$0x0] =	vst.idx.msk $0xffff, v8  }
0x102: {  	v9 =	vld [tilespmem:s13+$0x78]  }
0x103: {  	v17 =	vld [tilespmem:s13+$0x0]  }
0x104: {  	v13 =	vld [tilespmem:s13+$0x48]  }
0x105: {  	v7 =	vperm.xlane v8, v5;
	v12 =	vld [tilespmem:s13+$0xFFFFFFE8]  }
0x106: {  	v8 =	vperm.xlane v8, v2;
	v15 =	vld [tilespmem:s13+$0xFFFFFF90]  }
0x107: {  	s14 =	simm.s32 $0x9CD0;
	v6 =	vperm.xlane v10, v5;
	v14 =	vld [tilespmem:s13+$0xFFFFFFC8];
	v11 =	vmul.f32 v9, v7  }
0x108: {  	s15 =	simm.s32 $0x4;
	s16 =	simm.s32 $0x65D0;
	s12 =	simm.s32 $0x9CD0;
	v16 =	vld [tilespmem:s13+$0x10];
	v9 =	vperm.xlane v10, v2;
	v10 =	vmul.f32 v17, v8  }
.LBB2_7:
0x109: {  	p0 =	sne.s32 s15, $0x4C;
	v17 =	vld [tilespmem:s13+$0xFFFFFFA0];
	v13 =	vmul.f32 v13, v7;
	s16 =	sadd.s32 $0x120, s16;
	s14 =	sadd.s32 $0x120, s14  }
0x10a: {  	s17 =	smov.u32 s15;
	s15 =	sadd.s32 $0x4, s15;
	v18 =	vld [tilespmem:s13+$0x68];
	v12 =	vmul.f32 v12, v6  }
0x10b: {  	v19 =	vld [tilespmem:s13+$0x20];
	v15 =	vmul.f32 v15, v9  }
0x10c: {  	v20 =	vld [tilespmem:s13+$0x30];
	v14 =	vmul.f32 v14, v6  }
0x10d: {  	v21 =	vld [tilespmem:s13+$0xFFFFFFD8];
	v16 =	vmul.f32 v16, v8  }
0x10e: {  	v22 =	vld [tilespmem:s13+$0xFFFFFFB8];
	v17 =	vmul.f32 v17, v9  }
0x10f: {  	v23 =	vld [tilespmem:s13+$0xFFFFFF80];
	v18 =	vmul.f32 v18, v7  }
0x110: {  	v24 =	vld [tilespmem:s13+$0x58];
	v19 =	vmul.f32 v19, v8  }
0x111: {  	v25 =	vld [tilespmem:s13+$0xFFFFFF70];
	s13 =	smov.u32 s16  }
0x112: {  	v21 =	vmul.f32 v21, v6;
	[tilespmem:s12+$0xFFFFFF90] =	vst v15  }
0x113: {  	v8 =	vmul.f32 v20, v8;
	[tilespmem:s12+$0x78] =	vst v11  }
0x114: {  	v6 =	vmul.f32 v22, v6;
	[tilespmem:s12+$0xFFFFFFC8] =	vst v14  }
0x115: {  	v11 =	vmul.f32 v23, v9;
	v7 =	vmul.f32 v24, v7;
	[tilespmem:s12+$0x48] =	vst v13  }
0x116: {  	v9 =	vmul.f32 v25, v9;
	[tilespmem:s12+$0x10] =	vst v16  }
0x117: {  	[tilespmem:s12+$0xFFFFFFE8] =	vst v12  }
0x118: {  	[tilespmem:s12+$0xFFFFFFA0] =	vst v17  }
0x119: {  	[tilespmem:s12+$0x0] =	vst v10  }
0x11a: {  	[tilespmem:s12+$0x68] =	vst v18  }
0x11b: {  	v10 =	vor.u32 s17, v3;
	[tilespmem:s12+$0xFFFFFFD8] =	vst v21  }
0x11c: {  	v12 =	vor.u32 s17, v1;
	v13 =	vmul.u32 $0x48, v10;
	v10 =	vshll.u32 v10, $0x4;
	[tilespmem:s12+$0xFFFFFF80] =	vst v11  }
0x11d: {  	v10 =	vor.u32 v2, v10;
	v11 =	vmul.u32 $0x48, v12;
	v12 =	vshll.u32 v12, $0x4;
	[tilespmem:s12+$0xFFFFFF70] =	vst v9  }
0x11e: {  	v9 =	vor.u32 v2, v12;
	[tilespmem:s12+$0x20] =	vst v19  }
0x11f: {  	v11 =	vadd.s32 v4, v11;
	[tilespmem:s12+$0x58] =	vst v7  }
0x120: {  	v7 =	vadd.s32 v4, v13;
	[tilespmem:s12+$0xFFFFFFB8] =	vst v6  }
0x121: {  	[tilespmem:s12+$0x30] =	vst v8;
	s12 =	smov.u32 s14  }
0x122: {  	v6 =	vld.idx.msk [tilespmem:v10+s25+$0x0], $0xffff  }
0x123: {  	v8 =	vld.idx.msk [tilespmem:v9+s25+$0x0], $0xffff  }
0x124: {  	v9 =	vld.idx.msk [tilespmem:v11+s24+$0x0], $0xffff  }
0x125: {  	v10 =	vld.idx.msk [tilespmem:v7+s24+$0x0], $0xffff;
	_ =	sdelay $0x4  }
0x126: {  	v8 =	vadd.f32 v8, v9  }
0x127: {  	v6 =	vadd.f32 v6, v10  }
0x128: {  	v9 =	vmul.f32 $2.000000030e-01, v8  }
0x129: {  	vm0 =	vge.f32 v8, $0.0e+00;
	v10 =	vmul.f32 $2.000000030e-01, v6  }
0x12a: {  	v8 =	vsel vm0, v8, v9;
	vm0 =	vge.f32 v6, $0.0e+00  }
0x12b: {  	v8 =	vmul.f32 $1.442695020e+00, v8;
	v6 =	vsel vm0, v6, v10  }
0x12c: {  	v6 =	vmul.f32 $1.442695020e+00, v6  }
0x12d: {  	(erf) = vpow2.f32 v8  }
0x12e: {  	(erf) = vpow2.f32 v6;
	_ =	sdelay $0x7  }
0x12f: {  	v9 =	vpop (erf)  }
0x130: {  	[tilespmem:v11+s1+$0x0] =	vst.idx.msk $0xffff, v9;
	v6 =	vperm.xlane v9, v5;
	v8 =	vpop (erf)  }
0x131: {  	[tilespmem:v7+s1+$0x0] =	vst.idx.msk $0xffff, v8  }
0x132: {  	v10 =	vld [tilespmem:s16+$0x78]  }
0x133: {  	v17 =	vld [tilespmem:s16+$0x0]  }
.Ltmp2:
0x134: {  	v13 =	vld [tilespmem:s16+$0x48];
	(pc) =	sbr.rel @p0 .LBB2_7-.Ltmp2, $4  }
0x135: {  	v7 =	vperm.xlane v8, v5;
	v12 =	vld [tilespmem:s16+$0xFFFFFFE8]  }
0x136: {  	v8 =	vperm.xlane v8, v2;
	v15 =	vld [tilespmem:s16+$0xFFFFFF90]  }
0x137: {  	v14 =	vld [tilespmem:s16+$0xFFFFFFC8];
	v11 =	vmul.f32 v10, v7  }
0x138: {  	v9 =	vperm.xlane v9, v2;
	v16 =	vld [tilespmem:s16+$0x10];
	v10 =	vmul.f32 v17, v8  }
0x139: {  	v17 =	vld [tilespmem:s13+$0xFFFFFFA0]  }
0x13a: {  	v18 =	vld [tilespmem:s13+$0x68]  }
0x13b: {  	v19 =	vld [tilespmem:s13+$0x20]  }
0x13c: {  	v20 =	vld [tilespmem:s13+$0x30]  }
0x13d: {  	v21 =	vld [tilespmem:s13+$0xFFFFFFD8]  }
0x13e: {  	v22 =	vld [tilespmem:s13+$0xFFFFFFB8]  }
0x13f: {  	v23 =	vld [tilespmem:s13+$0xFFFFFF80]  }
0x140: {  	v24 =	vld [tilespmem:s13+$0x58]  }
0x141: {  	v25 =	vld [tilespmem:s13+$0xFFFFFF70];
	v13 =	vmul.f32 v13, v7;
	[tilespmem:s12+$0x78] =	vst v11  }
0x142: {  	v12 =	vmul.f32 v12, v6;
	[tilespmem:s12+$0x0] =	vst v10  }
0x143: {  	v15 =	vmul.f32 v15, v9;
	[tilespmem:s12+$0x48] =	vst v13  }
0x144: {  	v14 =	vmul.f32 v14, v6;
	[tilespmem:s12+$0xFFFFFFE8] =	vst v12  }
0x145: {  	[tilespmem:s12+$0xFFFFFF90] =	vst v15;
	v56 =	vmul.f32 v16, v8  }
0x146: {  	[tilespmem:s12+$0xFFFFFFC8] =	vst v14;
	v57 =	vmul.f32 v17, v9  }
0x147: {  	v58 =	vmul.f32 v18, v7;
	[tilespmem:s12+$0x10] =	vst v56  }
0x148: {  	v59 =	vmul.f32 v21, v6;
	[tilespmem:s12+$0xFFFFFFA0] =	vst v57  }
0x149: {  	v60 =	vmul.f32 v23, v9;
	[tilespmem:s12+$0x68] =	vst v58  }
0x14a: {  	v61 =	vmul.f32 v25, v9;
	[tilespmem:s12+$0xFFFFFFD8] =	vst v59  }
0x14b: {  	v62 =	vmul.f32 v19, v8;
	[tilespmem:s12+$0xFFFFFF80] =	vst v60  }
0x14c: {  	v7 =	vmul.f32 v24, v7;
	[tilespmem:s12+$0xFFFFFF70] =	vst v61  }
0x14d: {  	v6 =	vmul.f32 v22, v6;
	[tilespmem:s12+$0x20] =	vst v62  }
0x14e: {  	v63 =	vmul.f32 v20, v8;
	[tilespmem:s12+$0x58] =	vst v7  }
0x14f: {  	[tilespmem:s12+$0xFFFFFFB8] =	vst v6  }
0x150: {  	[tilespmem:s12+$0x30] =	vst v63  }
0x151: {  	v6 =	vld [tilespmem:s11+$0x2710];
	_ =	sdelay $0x4  }
0x152: {  	[tilespmem:$0x4E70] =	vst v6  }
0x153: {  	v6 =	vld [tilespmem:s10+$0x2770];
	_ =	sdelay $0x4  }
0x154: {  	[tilespmem:$0x4E80] =	vst v6  }
0x155: {  	v6 =	vld [tilespmem:s10+$0x2780];
	_ =	sdelay $0x4  }
0x156: {  	[tilespmem:$0x4E90] =	vst v6  }
0x157: {  	v6 =	vld [tilespmem:s10+$0x2790];
	_ =	sdelay $0x4  }
0x158: {  	[tilespmem:$0x4EA0] =	vst v6  }
0x159: {  	s9 =	sadd.s32 $0x1, s9;
	v6 =	vld [tilespmem:s10+$0x27A0]  }
0x15a: {  	p0 =	sne.s32 s9, $0x3E  }
.Ltmp3:
0x15b: {  	_ = 	snop;
	(pc) =	sbr.rel @p0 .LBB2_4-.Ltmp3, $3  }
0x15c: {  	_ =	sdelay $0x1  }
0x15d: {  	[tilespmem:$0x4EB0] =	vst v6  }
0x15e: {  	[spmem:s2] =	stream.indirect.scatter.add.f32 [tilespmem:s1], [sflag:$0x6], $0x48, s0, s21, $0xb8;
	[tilespmem:$0x166C0] =	vst v63  }
0x15f: {  	_ =	swait.ge [sflag:s26], $0x1680  }
0x160: {  	s7 =	simm.s32 $0x0;
	[sflag:s26] =	ssyncset.done $0x0  }
0x161: {  	v6 =	vor.u32 s7, v3;
	[sflag:s26] =	ssyncadd.s32 $0xFFFFE980  }
0x162: {  	v7 =	vor.u32 s7, v1;
	v8 =	vshll.u32 v6, $0x4;
	_ =	swait.ge [sflag:s28], $0x500  }
0x163: {  	v9 =	vmul.u32 $0x48, v7;
	v7 =	vshll.u32 v7, $0x4;
	v8 =	vor.u32 v2, v8;
	[sflag:s28] =	ssyncset.done $0x0  }
0x164: {  	v6 =	vmul.u32 $0x48, v6;
	v7 =	vor.u32 v2, v7;
	[sflag:s28] =	ssyncadd.s32 $0xFFFFFB00  }
0x165: {  	v9 =	vadd.s32 v4, v9;
	_ =	swait.ge [sflag:s3], $0x1680  }
0x166: {  	v6 =	vadd.s32 v4, v6;
	[sflag:s3] =	ssyncset.done $0x0  }
0x167: {  	[sflag:s3] =	ssyncadd.s32 $0xFFFFE980  }
0x168: {  	v8 =	vld.idx.msk [tilespmem:v8+s23+$0x0], $0xffff  }
0x169: {  	v7 =	vld.idx.msk [tilespmem:v7+s23+$0x0], $0xffff  }
0x16a: {  	v10 =	vld.idx.msk [tilespmem:v9+s22+$0x0], $0xffff  }
0x16b: {  	v11 =	vld.idx.msk [tilespmem:v6+s22+$0x0], $0xffff;
	_ =	sdelay $0x3  }
0x16c: {  	v7 =	vadd.f32 v7, v10  }
0x16d: {  	v8 =	vadd.f32 v8, v11  }
0x16e: {  	v10 =	vmul.f32 $2.000000030e-01, v7  }
0x16f: {  	vm0 =	vge.f32 v7, $0.0e+00;
	v11 =	vmul.f32 $2.000000030e-01, v8  }
0x170: {  	vm15 =	vge.f32 v8, $0.0e+00;
	v7 =	vsel vm0, v7, v10  }
0x171: {  	v8 =	vsel vm15, v8, v11;
	v7 =	vmul.f32 $1.442695020e+00, v7  }
0x172: {  	v8 =	vmul.f32 $1.442695020e+00, v8  }
0x173: {  	(erf) = vpow2.f32 v7  }
0x174: {  	(erf) = vpow2.f32 v8;
	_ =	sdelay $0x7  }
0x175: {  	v10 =	vpop (erf)  }
0x176: {  	[tilespmem:v9+s20+$0x0] =	vst.idx.msk $0xffff, v10;
	v8 =	vpop (erf)  }
0x177: {  	s9 =	simm.s32 $0x4F50;
	[tilespmem:v6+s20+$0x0] =	vst.idx.msk $0xffff, v8  }
0x178: {  	v9 =	vld [tilespmem:s9+$0x78]  }
0x179: {  	v17 =	vld [tilespmem:s9+$0x0]  }
0x17a: {  	v13 =	vld [tilespmem:s9+$0x48]  }
0x17b: {  	v7 =	vperm.xlane v8, v5;
	v12 =	vld [tilespmem:s9+$0xFFFFFFE8]  }
0x17c: {  	v8 =	vperm.xlane v8, v2;
	v15 =	vld [tilespmem:s9+$0xFFFFFF90]  }
0x17d: {  	s10 =	simm.s32 $0x8650;
	v6 =	vperm.xlane v10, v5;
	v14 =	vld [tilespmem:s9+$0xFFFFFFC8];
	v11 =	vmul.f32 v9, v7  }
0x17e: {  	s11 =	simm.s32 $0x4;
	s12 =	simm.s32 $0x4F50;
	s7 =	simm.s32 $0x8650;
	v16 =	vld [tilespmem:s9+$0x10];
	v9 =	vperm.xlane v10, v2;
	v10 =	vmul.f32 v17, v8  }
.LBB2_10:
0x17f: {  	p0 =	sne.s32 s11, $0x4C;
	v17 =	vld [tilespmem:s9+$0xFFFFFFA0];
	v13 =	vmul.f32 v13, v7;
	s12 =	sadd.s32 $0x120, s12;
	s10 =	sadd.s32 $0x120, s10  }
0x180: {  	s13 =	smov.u32 s11;
	s11 =	sadd.s32 $0x4, s11;
	v18 =	vld [tilespmem:s9+$0x68];
	v12 =	vmul.f32 v12, v6  }
0x181: {  	v19 =	vld [tilespmem:s9+$0x20];
	v15 =	vmul.f32 v15, v9  }
0x182: {  	v20 =	vld [tilespmem:s9+$0x30];
	v14 =	vmul.f32 v14, v6  }
0x183: {  	v21 =	vld [tilespmem:s9+$0xFFFFFFD8];
	v16 =	vmul.f32 v16, v8  }
0x184: {  	v22 =	vld [tilespmem:s9+$0xFFFFFFB8];
	v17 =	vmul.f32 v17, v9  }
0x185: {  	v23 =	vld [tilespmem:s9+$0xFFFFFF80];
	v18 =	vmul.f32 v18, v7  }
0x186: {  	v24 =	vld [tilespmem:s9+$0x58];
	v19 =	vmul.f32 v19, v8  }
0x187: {  	v25 =	vld [tilespmem:s9+$0xFFFFFF70];
	s9 =	smov.u32 s12  }
0x188: {  	v21 =	vmul.f32 v21, v6;
	[tilespmem:s7+$0xFFFFFF90] =	vst v15  }
0x189: {  	v8 =	vmul.f32 v20, v8;
	[tilespmem:s7+$0x78] =	vst v11  }
0x18a: {  	v6 =	vmul.f32 v22, v6;
	[tilespmem:s7+$0xFFFFFFC8] =	vst v14  }
0x18b: {  	v11 =	vmul.f32 v23, v9;
	v7 =	vmul.f32 v24, v7;
	[tilespmem:s7+$0x48] =	vst v13  }
0x18c: {  	v9 =	vmul.f32 v25, v9;
	[tilespmem:s7+$0x10] =	vst v16  }
0x18d: {  	[tilespmem:s7+$0xFFFFFFE8] =	vst v12  }
0x18e: {  	[tilespmem:s7+$0xFFFFFFA0] =	vst v17  }
0x18f: {  	[tilespmem:s7+$0x0] =	vst v10  }
0x190: {  	[tilespmem:s7+$0x68] =	vst v18  }
0x191: {  	v10 =	vor.u32 s13, v3;
	[tilespmem:s7+$0xFFFFFFD8] =	vst v21  }
0x192: {  	v12 =	vor.u32 s13, v1;
	v13 =	vmul.u32 $0x48, v10;
	v10 =	vshll.u32 v10, $0x4;
	[tilespmem:s7+$0xFFFFFF80] =	vst v11  }
0x193: {  	v10 =	vor.u32 v2, v10;
	v11 =	vmul.u32 $0x48, v12;
	v12 =	vshll.u32 v12, $0x4;
	[tilespmem:s7+$0xFFFFFF70] =	vst v9  }
0x194: {  	v9 =	vor.u32 v2, v12;
	[tilespmem:s7+$0x20] =	vst v19  }
0x195: {  	v11 =	vadd.s32 v4, v11;
	[tilespmem:s7+$0x58] =	vst v7  }
0x196: {  	v7 =	vadd.s32 v4, v13;
	[tilespmem:s7+$0xFFFFFFB8] =	vst v6  }
0x197: {  	[tilespmem:s7+$0x30] =	vst v8;
	s7 =	smov.u32 s10  }
0x198: {  	v6 =	vld.idx.msk [tilespmem:v10+s23+$0x0], $0xffff  }
0x199: {  	v8 =	vld.idx.msk [tilespmem:v9+s23+$0x0], $0xffff  }
0x19a: {  	v9 =	vld.idx.msk [tilespmem:v11+s22+$0x0], $0xffff  }
0x19b: {  	v10 =	vld.idx.msk [tilespmem:v7+s22+$0x0], $0xffff;
	_ =	sdelay $0x4  }
0x19c: {  	v8 =	vadd.f32 v8, v9  }
0x19d: {  	v6 =	vadd.f32 v6, v10  }
0x19e: {  	v9 =	vmul.f32 $2.000000030e-01, v8  }
0x19f: {  	vm0 =	vge.f32 v8, $0.0e+00;
	v10 =	vmul.f32 $2.000000030e-01, v6  }
0x1a0: {  	v8 =	vsel vm0, v8, v9;
	vm0 =	vge.f32 v6, $0.0e+00  }
0x1a1: {  	v8 =	vmul.f32 $1.442695020e+00, v8;
	v6 =	vsel vm0, v6, v10  }
0x1a2: {  	v6 =	vmul.f32 $1.442695020e+00, v6  }
0x1a3: {  	(erf) = vpow2.f32 v8  }
0x1a4: {  	(erf) = vpow2.f32 v6;
	_ =	sdelay $0x7  }
0x1a5: {  	v9 =	vpop (erf)  }
0x1a6: {  	[tilespmem:v11+s20+$0x0] =	vst.idx.msk $0xffff, v9;
	v6 =	vperm.xlane v9, v5;
	v8 =	vpop (erf)  }
0x1a7: {  	[tilespmem:v7+s20+$0x0] =	vst.idx.msk $0xffff, v8  }
0x1a8: {  	v10 =	vld [tilespmem:s12+$0x78]  }
0x1a9: {  	v17 =	vld [tilespmem:s12+$0x0]  }
.Ltmp4:
0x1aa: {  	v13 =	vld [tilespmem:s12+$0x48];
	(pc) =	sbr.rel @p0 .LBB2_10-.Ltmp4, $4  }
0x1ab: {  	v7 =	vperm.xlane v8, v5;
	v12 =	vld [tilespmem:s12+$0xFFFFFFE8]  }
0x1ac: {  	v8 =	vperm.xlane v8, v2;
	v15 =	vld [tilespmem:s12+$0xFFFFFF90]  }
0x1ad: {  	v14 =	vld [tilespmem:s12+$0xFFFFFFC8];
	v11 =	vmul.f32 v10, v7  }
0x1ae: {  	v9 =	vperm.xlane v9, v2;
	v16 =	vld [tilespmem:s12+$0x10];
	v10 =	vmul.f32 v17, v8  }
0x1af: {  	v17 =	vld [tilespmem:s9+$0xFFFFFFA0]  }
0x1b0: {  	v18 =	vld [tilespmem:s9+$0x68]  }
0x1b1: {  	v19 =	vld [tilespmem:s9+$0x20]  }
0x1b2: {  	v20 =	vld [tilespmem:s9+$0x30]  }
0x1b3: {  	v21 =	vld [tilespmem:s9+$0xFFFFFFD8]  }
0x1b4: {  	v22 =	vld [tilespmem:s9+$0xFFFFFFB8]  }
0x1b5: {  	v23 =	vld [tilespmem:s9+$0xFFFFFF80]  }
0x1b6: {  	v24 =	vld [tilespmem:s9+$0x58]  }
0x1b7: {  	v25 =	vld [tilespmem:s9+$0xFFFFFF70];
	v13 =	vmul.f32 v13, v7;
	[tilespmem:s7+$0x78] =	vst v11  }
0x1b8: {  	v12 =	vmul.f32 v12, v6;
	[tilespmem:s7+$0x0] =	vst v10  }
0x1b9: {  	v15 =	vmul.f32 v15, v9;
	[tilespmem:s7+$0x48] =	vst v13  }
0x1ba: {  	v14 =	vmul.f32 v14, v6;
	[tilespmem:s7+$0xFFFFFFE8] =	vst v12  }
0x1bb: {  	[tilespmem:s7+$0xFFFFFF90] =	vst v15;
	v56 =	vmul.f32 v16, v8  }
0x1bc: {  	[tilespmem:s7+$0xFFFFFFC8] =	vst v14;
	v57 =	vmul.f32 v17, v9  }
0x1bd: {  	v58 =	vmul.f32 v18, v7;
	[tilespmem:s7+$0x10] =	vst v56  }
0x1be: {  	v59 =	vmul.f32 v21, v6;
	[tilespmem:s7+$0xFFFFFFA0] =	vst v57  }
0x1bf: {  	v60 =	vmul.f32 v23, v9;
	[tilespmem:s7+$0x68] =	vst v58  }
0x1c0: {  	v61 =	vmul.f32 v25, v9;
	[tilespmem:s7+$0xFFFFFFD8] =	vst v59  }
0x1c1: {  	v62 =	vmul.f32 v19, v8;
	[tilespmem:s7+$0xFFFFFF80] =	vst v60  }
0x1c2: {  	v7 =	vmul.f32 v24, v7;
	[tilespmem:s7+$0xFFFFFF70] =	vst v61  }
0x1c3: {  	v6 =	vmul.f32 v22, v6;
	[tilespmem:s7+$0x20] =	vst v62  }
0x1c4: {  	v63 =	vmul.f32 v20, v8;
	[tilespmem:s7+$0x58] =	vst v7  }
0x1c5: {  	[tilespmem:s7+$0xFFFFFFB8] =	vst v6  }
0x1c6: {  	[tilespmem:s7+$0x30] =	vst v63  }
0x1c7: {  	v6 =	vld [tilespmem:$0x4DD0]  }
0x1c8: {  	v7 =	vld [tilespmem:$0x4DE0]  }
0x1c9: {  	v8 =	vld [tilespmem:$0x4DF0]  }
0x1ca: {  	v9 =	vld [tilespmem:$0x4E00]  }
0x1cb: {  	v10 =	vld [tilespmem:$0x4E10]  }
0x1cc: {  	[tilespmem:$0x4E20] =	vst v6  }
0x1cd: {  	[tilespmem:$0x4E30] =	vst v7  }
0x1ce: {  	[tilespmem:$0x4E40] =	vst v8  }
0x1cf: {  	[tilespmem:$0x4E50] =	vst v9  }
0x1d0: {  	[tilespmem:$0x4E60] =	vst v10  }
0x1d1: {  	[spmem:s2] =	stream.indirect.scatter.add.f32 [tilespmem:s20], [sflag:$0x5], $0x48, s29, s21, $0xb8;
	[tilespmem:$0x166C0] =	vst v63  }
0x1d2: {  	_ =	swait.ge [sflag:s19], $0x1680  }
0x1d3: {  	[sflag:s19] =	ssyncset.done $0x0  }
0x1d4: {  	[sflag:s19] =	ssyncadd.s32 $0xFFFFE980  }
0x1d5: {  	_ =	swait.ge [sflag:s3], $0x1680  }
0x1d6: {  	[sflag:s3] =	ssyncset.done $0x0  }
0x1d7: {  	s15 =	stileid.u32;
	[sflag:s3] =	ssyncadd.s32 $0xFFFFE980  }
0x1d8: {  	s7 =	sshll.u32 s15, $0x6;
	[bflag:$0x0] =	sbarrier.arrive $0xFFFF  }
0x1d9: {  	s16 =	sshrl.u32 s8, $0x3;
	s7 =	sor.u32 $0x1C07, s7;
	s10 =	rddreg [dreg:$0xc]  }
0x1da: {  	[hbm:s10], [sflag:s7] =	dma.local [spmem:s16], $0x1680  }
0x1db: {  	_ =	swait.ge [sflag:s18], $0x1680  }
0x1dc: {  	s6 =	sadd.s32 $0x1, s6;
	s17 =	rddreg [dreg:$0xd]  }
0x1dd: {  	p0 =	sne.s32 s6, s17  }
.Ltmp5:
0x1de: {  	_ = 	snop;
	(pc) =	sbr.rel @p0 .LBB2_1-.Ltmp5, $3  }
0x1df: {  	_ =	sdelay $0x1  }
0x1e0: {  	[sflag:s18] =	ssyncset.done $0x0  }
0x1e1: {  	s10 =	simm.s32 $0x2710;
	[sflag:s18] =	ssyncadd.s32 $0xFFFFE980  }
0x1e2: {  	_ =	sfence.sel $0x180000  }
0x1e3: {  	[bflag:$0x0] =	sbarrier.arrive $0xFFFF  }
0x1e4: {  	_ =	strace $0x90000047  }
0x1e5: {  	s0 =	stileid.u32;
	[bflag:$0x2] =	sbarrier.arrive $0xFFFF  }
0x1e6: {  	p0 =	sne.s32 s0, $0x0;
	s0 =	rddreg [dreg:$0x2]  }
0x1e7: {  	s0 =	sadd.s32 @!p0 $0x100000, s0  }
0x1e8: {  	[sflag:s0] =	ssyncadd.tile.s32 @!p0 $0x1;
	_ =	shalt  }
.Lfunc_end2:
_tile_overlayer_lowered:
.L_overlay_start_2:
0x1e9: {  	(tag) =	ssettag $0x2  }
0x1ea: {  	s0 =	rddreg [dreg:$0x0];
	s2 =	stileid.u32  }
0x1eb: {  	s1 =	rddreg [dreg:$0x1];
	p0 =	sne.s32 s2, $0x0  }
0x1ec: {  	s3 =	rddreg [dreg:$0x2];
	[bflag:$0x3] =	sbarrier.arrive $0xFFFF;
	s2 =	simm.s32 @!p0 $0x1C07  }
0x1ed: {  	[timem:s3], [sflag:s2] =	dma.local @!p0 [hbm:s0], s1  }
0x1ee: {  	s0 =	simm.s32 @!p0 $0x7  }
0x1ef: {  	_ =	swait.ge @!p0 [sflag:s0], s1  }
0x1f0: {  	s1 =	ssub.s32 @!p0 $0x0, s1;
	[sflag:s0] =	ssyncset.done @!p0 $0x0  }
0x1f1: {  	[sflag:s0] =	ssyncadd.s32 @!p0 s1  }
0x1f2: {  	[bflag:$0x3] =	sbarrier.arrive $0xFFFF  }
0x1f3: {  	_ =	shalt  }

</sc_bundles>
